<compile_context>
chip_gen: v7x
topology: tpu7x:2x2x1
jax: 0.10.2.dev20260603
libtpu: 0.0.44.dev20260713+nightly
codegen_flags: <defaults>
</compile_context>

<pallas_src>
import functools
import math

import jax
import jax.numpy as jnp
from jax import lax
from jax.experimental import pallas as pl
from jax.experimental.pallas import tpu as pltpu
from jax.experimental.pallas import tpu_sc as plsc

_N = 10000
_E = 320000
_D = 128
_H = 128
_R = 2
_RN = _R * _N
_NC = 2
_NS = 16
_ZR = _RN // _NS
_CHUNK = 80
_NCH = _E // _CHUNK
_TCH = _NCH // (_NC * _NS)
_SCH = _NCH // _NS

_mesh = plsc.VectorSubcoreMesh(core_axis_name="c", subcore_axis_name="s")
_sc_params = pltpu.CompilerParams(use_tc_tiling_on_sc=False)


_G = 50


def _segsum_common(with_deg, htab_hbm, src_hbm, dst_hbm, typ_hbm, zeros_hbm,
                   zeros16_hbm, ones_hbm, agg_hbm, deg_hbm,
                   idxs, idxd, typv, rows0, rows1, onesv, accum, degacc,
                   sem0, sem1):
    c = lax.axis_index("c")
    s = lax.axis_index("s")
    rows = (rows0, rows1)
    sems = (sem0, sem1)
    pltpu.sync_copy(zeros_hbm.at[pl.ds(s * _ZR, _ZR)],
                    accum.at[pl.ds(s * _ZR, _ZR)])
    if with_deg:
        pltpu.sync_copy(zeros16_hbm.at[pl.ds(s * _ZR, _ZR)],
                        degacc.at[pl.ds(s * _ZR, _ZR)])
        pltpu.sync_copy(ones_hbm, onesv)
    cb = s * _SCH
    coff = c
    plsc.subcore_barrier()

    def gath(j, b):
        pltpu.async_copy(htab_hbm.at[idxs.at[j]], rows[b], sems[b])

    def wt(b):
        pltpu.make_async_copy(htab_hbm.at[idxs.at[0]], rows[b],
                              sems[b]).wait()

    @pl.loop(0, _SCH // _G)
    def _(g):
        gb = cb + g * _G
        pltpu.sync_copy(src_hbm.at[pl.ds(gb, _G)], idxs)
        pltpu.sync_copy(dst_hbm.at[pl.ds(gb, _G)], idxd)
        pltpu.sync_copy(typ_hbm.at[pl.ds(gb, _G)], typv)

        @pl.loop(0, _G)
        def _(i):
            for j in range(_CHUNK // 16):
                sl = pl.ds(j * 16, 16)
                idxs[i, sl] = idxs[i, sl] + idxs[i, sl] + coff
                idxd[i, sl] = idxd[i, sl] + typv[i, sl] * _N

        gath(0, 0)
        gath(1, 1)

        @pl.loop(0, _G // 2)
        def _(t):
            for b in range(2):
                jj = t * 2 + b
                wt(b)
                pltpu.sync_copy(rows[b], accum.at[idxd.at[jj]], add=True)
                if with_deg:
                    gchunk = g * _G + jj

                    @pl.when((gchunk < _SCH // 2) == (c == 0))
                    def _():
                        pltpu.sync_copy(onesv, degacc.at[idxd.at[jj]],
                                        add=True)

                @pl.when(jj + 2 < _G)
                def _():
                    gath(jj + 2, b)

    plsc.subcore_barrier()
    pltpu.sync_copy(accum.at[pl.ds(s * _ZR, _ZR)],
                    agg_hbm.at[pl.ds(s * _ZR, _ZR), pl.ds(c * 64, 64)])
    if with_deg:
        pltpu.sync_copy(degacc.at[pl.ds(s * _ZR, _ZR)],
                        deg_hbm.at[pl.ds(s * _ZR, _ZR), pl.ds(c * 16, 16)])


def _segsum_deg_body(htab, src2, dst2, typ2, z64, z16, ones, agg, deg,
                     idxs, idxd, typv, rows0, rows1, onesv, accum, degacc,
                     sem0, sem1):
    _segsum_common(True, htab, src2, dst2, typ2, z64, z16, ones, agg, deg,
                   idxs, idxd, typv, rows0, rows1, onesv, accum, degacc,
                   sem0, sem1)


_segsum_deg_kernel = functools.partial(
    pl.kernel,
    out_type=(jax.ShapeDtypeStruct((_RN, _NC * 64), jnp.float32),
              jax.ShapeDtypeStruct((_RN, _NC * 16), jnp.float32)),
    mesh=_mesh,
    compiler_params=_sc_params,
    scratch_types=[
        pltpu.VMEM((_G, _CHUNK), jnp.int32),
        pltpu.VMEM((_G, _CHUNK), jnp.int32),
        pltpu.VMEM((_G, _CHUNK), jnp.int32),
        pltpu.VMEM((_CHUNK, 64), jnp.float32),
        pltpu.VMEM((_CHUNK, 64), jnp.float32),
        pltpu.VMEM((_CHUNK, 16), jnp.float32),
        pltpu.VMEM_SHARED((_RN, 64), jnp.float32),
        pltpu.VMEM_SHARED((_RN, 16), jnp.float32),
        pltpu.SemaphoreType.DMA,
        pltpu.SemaphoreType.DMA,
    ],
)(_segsum_deg_body)

def _segsum_body(htab, src2, dst2, typ2, z64, agg,
                 idxs, idxd, typv, rows0, rows1, accum, sem0, sem1):
    _segsum_common(False, htab, src2, dst2, typ2, z64, None, None, agg, None,
                   idxs, idxd, typv, rows0, rows1, None, accum, None,
                   sem0, sem1)


_segsum_kernel = functools.partial(
    pl.kernel,
    out_type=jax.ShapeDtypeStruct((_RN, _NC * 64), jnp.float32),
    mesh=_mesh,
    compiler_params=_sc_params,
    scratch_types=[
        pltpu.VMEM((_G, _CHUNK), jnp.int32),
        pltpu.VMEM((_G, _CHUNK), jnp.int32),
        pltpu.VMEM((_G, _CHUNK), jnp.int32),
        pltpu.VMEM((_CHUNK, 64), jnp.float32),
        pltpu.VMEM((_CHUNK, 64), jnp.float32),
        pltpu.VMEM_SHARED((_RN, 64), jnp.float32),
        pltpu.SemaphoreType.DMA,
        pltpu.SemaphoreType.DMA,
    ],
)(_segsum_body)


def _make_dgather(tch, base):
    def body(a_hbm, b_hbm, src_hbm, dst_hbm, out_hbm,
             idxs, idxd, ra0, ra1, rb0, rb1, sa0, sa1, sb0, sb1):
        c = lax.axis_index("c")
        s = lax.axis_index("s")
        wid = s * _NC + c
        ra = (ra0, ra1)
        rb = (rb0, rb1)
        sa = (sa0, sa1)
        sb = (sb0, sb1)
        cb = base + wid * tch
        pltpu.sync_copy(src_hbm.at[pl.ds(cb, tch)], idxs)
        pltpu.sync_copy(dst_hbm.at[pl.ds(cb, tch)], idxd)

        def gath(j, b):
            pltpu.async_copy(a_hbm.at[idxs.at[j]], ra[b], sa[b])
            pltpu.async_copy(b_hbm.at[idxd.at[j]], rb[b], sb[b])

        def wt(b):
            pltpu.make_async_copy(a_hbm.at[idxs.at[0]], ra[b], sa[b]).wait()
            pltpu.make_async_copy(b_hbm.at[idxd.at[0]], rb[b], sb[b]).wait()

        gath(0, 0)
        gath(1, 1)
        ebase = (wid * tch) * _CHUNK

        @pl.loop(0, (tch + 1) // 2)
        def _(t):
            for b in range(2):
                jj = t * 2 + b

                @pl.when(jj < tch)
                def _():
                    wt(b)

                    @pl.loop(0, _CHUNK)
                    def _(i):
                        for j in range(_H // 16):
                            sl = pl.ds(j * 16, 16)
                            ra[b][i, sl] = ra[b][i, sl] + rb[b][i, sl]

                    pltpu.async_copy(
                        ra[b],
                        out_hbm.at[pl.ds(ebase + jj * _CHUNK, _CHUNK)],
                        sa[b]).wait()

                    @pl.when(jj + 2 < tch)
                    def _():
                        gath(jj + 2, b)

    return functools.partial(
        pl.kernel,
        out_type=jax.ShapeDtypeStruct((tch * _NC * _NS * _CHUNK, _H),
                                      jnp.float32),
        mesh=_mesh,
        compiler_params=_sc_params,
        scratch_types=[
            pltpu.VMEM((tch, _CHUNK), jnp.int32),
            pltpu.VMEM((tch, _CHUNK), jnp.int32),
            pltpu.VMEM((_CHUNK, _H), jnp.float32),
            pltpu.VMEM((_CHUNK, _H), jnp.float32),
            pltpu.VMEM((_CHUNK, _H), jnp.float32),
            pltpu.VMEM((_CHUNK, _H), jnp.float32),
            pltpu.SemaphoreType.DMA,
            pltpu.SemaphoreType.DMA,
            pltpu.SemaphoreType.DMA,
            pltpu.SemaphoreType.DMA,
        ],
    )(body)


_TCHS = (32, 32, 31, 30)
_dgathers = []
_base = 0
for _tch in _TCHS:
    _dgathers.append(_make_dgather(_tch, _base))
    _base += _tch * _NC * _NS

_BN = 2000
_NBLK = _N // _BN
_BNSCALE = 1.0 / math.sqrt(1.0 + 1e-5)


def _dense_common(ht, a0, a1, d0, d1, wroot, b, wrel, g, be, out_ht,
                  wp1, bp1, outa, outb):
    h = ht[...].reshape(_BN, _D)
    acc = jnp.dot(h, wroot[...], preferred_element_type=jnp.float32)
    acc = acc + b[0][None, :]
    for r, (ab, db) in enumerate(((a0, d0), (a1, d1))):
        dv = db[...]
        d = dv[:, 0] + dv[:, 16]
        inv = 1.0 / jnp.maximum(d, 1.0)
        acc = acc + jnp.dot(ab[...] * inv[:, None], wrel[r],
                            preferred_element_type=jnp.float32)
    hn = jnp.maximum(acc * _BNSCALE * g[0][None, :] + be[0][None, :], 0.0)
    out_ht[...] = hn.reshape(_BN, _NC, 64)
    if outa is not None:
        outa[...] = (jnp.dot(hn, wp1[:_H], preferred_element_type=jnp.float32)
                     + bp1[0][None, :])
        outb[...] = jnp.dot(hn, wp1[_H:], preferred_element_type=jnp.float32)


def _dense_body_noab(ht, a0, a1, d0, d1, wroot, b, wrel, g, be, out_ht):
    _dense_common(ht, a0, a1, d0, d1, wroot, b, wrel, g, be, out_ht,
                  None, None, None, None)


def _dense_body_ab(ht, a0, a1, d0, d1, wroot, b, wrel, g, be, wp1, bp1,
                   out_ht, outa, outb):
    _dense_common(ht, a0, a1, d0, d1, wroot, b, wrel, g, be, out_ht, wp1,
                  bp1, outa, outb)


def _make_dense(with_ab):
    nb = _N // _BN
    in_specs = [
        pl.BlockSpec((_BN, _NC, 64), lambda i: (i, 0, 0)),
        pl.BlockSpec((_BN, _D), lambda i: (i, 0)),
        pl.BlockSpec((_BN, _D), lambda i, nb=nb: (nb + i, 0)),
        pl.BlockSpec((_BN, 32), lambda i: (i, 0)),
        pl.BlockSpec((_BN, 32), lambda i, nb=nb: (nb + i, 0)),
        pl.BlockSpec((_D, _H), lambda i: (0, 0)),
        pl.BlockSpec((1, _H), lambda i: (0, 0)),
        pl.BlockSpec((_R, _D, _H), lambda i: (0, 0, 0)),
        pl.BlockSpec((1, _H), lambda i: (0, 0)),
        pl.BlockSpec((1, _H), lambda i: (0, 0)),
    ]
    out_shape = [jax.ShapeDtypeStruct((_N, _NC, 64), jnp.float32)]
    out_specs = [pl.BlockSpec((_BN, _NC, 64), lambda i: (i, 0, 0))]
    if with_ab:
        in_specs += [
            pl.BlockSpec((2 * _H, _H), lambda i: (0, 0)),
            pl.BlockSpec((1, _H), lambda i: (0, 0)),
        ]
        out_shape += [jax.ShapeDtypeStruct((_N, _H), jnp.float32),
                      jax.ShapeDtypeStruct((_N, _H), jnp.float32)]
        out_specs += [pl.BlockSpec((_BN, _H), lambda i: (i, 0)),
                      pl.BlockSpec((_BN, _H), lambda i: (i, 0))]
    return pl.pallas_call(
        _dense_body_ab if with_ab else _dense_body_noab,
        grid=(nb,),
        in_specs=in_specs,
        out_specs=out_specs,
        out_shape=out_shape,
    )


_dense_kernel = _make_dense(False)
_dense_ab_kernel = _make_dense(True)


_BE = 2560
_EBLK = _E // _BE


def _dec_body(ef, wp2, bp2, wp3, bp3, out):
    t1 = jnp.maximum(ef[...], 0.0)
    t2 = jnp.dot(t1, wp2[...], preferred_element_type=jnp.float32)
    t2 = jnp.maximum(t2 + bp2[0][None, :], 0.0)
    t3 = jnp.dot(t2, wp3[...], preferred_element_type=jnp.float32)
    out[0] = t3.reshape(1, _BE) + bp3[0, 0]


def _make_dec(nedges):
    nblk = nedges // _BE
    return pl.pallas_call(
        _dec_body,
        grid=(nblk,),
        in_specs=[
            pl.BlockSpec((_BE, _H), lambda i: (i, 0)),
            pl.BlockSpec((_H, _H // 2), lambda i: (0, 0)),
            pl.BlockSpec((1, _H // 2), lambda i: (0, 0)),
            pl.BlockSpec((_H // 2, 1), lambda i: (0, 0)),
            pl.BlockSpec((1, 1), lambda i: (0, 0)),
        ],
        out_specs=pl.BlockSpec((1, 1, _BE), lambda i: (i, 0, 0)),
        out_shape=jax.ShapeDtypeStruct((nblk, 1, _BE), jnp.float32),
    )


_decs = [_make_dec(_tch * _NC * _NS * _CHUNK) for _tch in _TCHS]


def kernel(x, edge_index, edge_type, node_emb, Wrel0, Wroot0, b0, g0, be0,
           Wrel1, Wroot1, b1, g1, be1, Wp1, bp1, Wp2, bp2, Wp3, bp3):
    del x
    src = edge_index[0].reshape(_NCH, _CHUNK)
    dst = edge_index[1].reshape(_NCH, _CHUNK)
    typ = edge_type.reshape(_NCH, _CHUNK)

    zeros16 = jnp.zeros((_RN, 16), jnp.float32)
    zeros64 = jnp.zeros((_RN, 64), jnp.float32)
    ones = jnp.ones((_CHUNK, 16), jnp.float32)

    ht = node_emb.reshape(_NC * _N, 64)

    agg, deg = _segsum_deg_kernel(ht, src, dst, typ, zeros64, zeros16, ones)
    (ht,) = _dense_kernel(ht.reshape(_N, _NC, 64), agg, agg, deg, deg,
                          Wroot0, b0.reshape(1, -1), Wrel0,
                          g0.reshape(1, -1), be0.reshape(1, -1))

    agg = _segsum_kernel(ht.reshape(_NC * _N, 64), src, dst, typ, zeros64)
    ht, a_tab, b_tab = _dense_ab_kernel(
        ht, agg, agg, deg, deg, Wroot1, b1.reshape(1, -1), Wrel1,
        g1.reshape(1, -1), be1.reshape(1, -1), Wp1, bp1.reshape(1, -1))

    wp2b = bp2.reshape(1, -1)
    bp3b = bp3.reshape(1, 1)
    efs = [dg(a_tab, b_tab, src, dst) for dg in _dgathers]
    outs = [dec(ef, Wp2, wp2b, Wp3, bp3b).reshape(-1)
            for dec, ef in zip(_decs, efs)]
    return jnp.concatenate(outs)

# --- scband reference (transcript-rebuilt; emitter-appended) ---
"""Pipeline reference for scband-rgcn-8778913153226 (READ-ONLY COPY).

The authoritative reference and input builder live on the scoring server;
editing this copy changes nothing except your own understanding.
"""

import jax, jax.numpy as jnp
import numpy as np

N = 10000
E = 320000
D = 128
H = 128
R = 2

def setup_inputs(seed: int = 0):
    key = jax.random.key(seed)
    ks = jax.random.split(key, 12)
    s = 0.05
    inp = {}
    inp["x"] = jax.random.normal(ks[0], (N, D), dtype=jnp.float32)
    inp["edge_index"] = jax.random.randint(ks[1], (2, E), 0, N, dtype=jnp.int32)
    inp["edge_type"] = jax.random.randint(ks[2], (E,), 0, R, dtype=jnp.int32)
    inp["node_emb"] = jax.random.normal(ks[3], (N, D), dtype=jnp.float32)
    inp["Wrel0"] = jax.random.normal(ks[4], (R, D, H), dtype=jnp.float32) * s
    inp["Wroot0"] = jax.random.normal(ks[5], (D, H), dtype=jnp.float32) * s
    inp["b0"] = jnp.zeros((H,), dtype=jnp.float32)
    inp["g0"] = jnp.ones((H,), dtype=jnp.float32)
    inp["be0"] = jnp.zeros((H,), dtype=jnp.float32)
    inp["Wrel1"] = jax.random.normal(ks[6], (R, H, H), dtype=jnp.float32) * s
    inp["Wroot1"] = jax.random.normal(ks[7], (H, H), dtype=jnp.float32) * s
    inp["b1"] = jnp.zeros((H,), dtype=jnp.float32)
    inp["g1"] = jnp.ones((H,), dtype=jnp.float32)
    inp["be1"] = jnp.zeros((H,), dtype=jnp.float32)
    inp["Wp1"] = jax.random.normal(ks[8], (2 * H, H), dtype=jnp.float32) * s
    inp["bp1"] = jnp.zeros((H,), dtype=jnp.float32)
    inp["Wp2"] = jax.random.normal(ks[9], (H, H // 2), dtype=jnp.float32) * s
    inp["bp2"] = jnp.zeros((H // 2,), dtype=jnp.float32)
    inp["Wp3"] = jax.random.normal(ks[10], (H // 2, 1), dtype=jnp.float32) * s
    inp["bp3"] = jnp.zeros((1,), dtype=jnp.float32)
    return inp

def reference(x, edge_index, edge_type, node_emb, Wrel0, Wroot0, b0, g0, be0, Wrel1, Wroot1, b1, g1, be1, Wp1, bp1, Wp2, bp2, Wp3, bp3):
    # use_node_features=False -> h comes from the node embedding table; x is ignored.
    src = edge_index[0]
    dst = edge_index[1]
    eps = 1e-5

    def conv(h, Wrel, Wroot, b):
        # PyG RGCNConv: out_i = W_root h_i + b + sum_r mean_{j in N_r(i)} W_r h_j
        msgs = h[src]
        out = h @ Wroot + b
        for r in range(R):
            mask = (edge_type == r).astype(jnp.float32)
            m = (msgs @ Wrel[r]) * mask[:, None]
            agg = jax.ops.segment_sum(m, dst, num_segments=N)
            deg = jax.ops.segment_sum(mask, dst, num_segments=N)
            out = out + agg / jnp.clip(deg, 1.0, None)[:, None]
        return out

    def bn_eval(h, g, be):
        # BatchNorm1d in eval mode with fresh running stats (mean=0, var=1)
        return h / jnp.sqrt(1.0 + eps) * g + be

    h = node_emb
    h = jax.nn.relu(bn_eval(conv(h, Wrel0, Wroot0, b0), g0, be0))
    h = jax.nn.relu(bn_eval(conv(h, Wrel1, Wroot1, b1), g1, be1))
    # decode: target_edges defaults to edge_index
    ef = jnp.concatenate([h[src], h[dst]], axis=-1)
    t = jax.nn.relu(ef @ Wp1 + bp1)
    t = jax.nn.relu(t @ Wp2 + bp2)
    t = (t @ Wp3 + bp3)[:, 0]
    return t

if __name__ == "__main__":
    import jax
    _d = setup_inputs()
    print(jax.jit(kernel)(*tuple(_d.values())))

</pallas_src>

<mosaic_0001>
#map = affine_map<(d0, d1) -> (0, 0)>
module attributes {stable_mosaic.version = 14 : i64} {
  func.func @body(%arg0: i32, %arg1: i32, %arg2: memref<10000x128xf32, #tpu.memory_space<hbm>>, %arg3: memref<10000x128xf32, #tpu.memory_space<hbm>>, %arg4: memref<4000x80xi32, #tpu.memory_space<hbm>>, %arg5: memref<4000x80xi32, #tpu.memory_space<hbm>>, %arg6: memref<79360x128xf32, #tpu.memory_space<hbm>>, %arg7: memref<31x80xi32, #tpu.memory_space<vmem>>, %arg8: memref<31x80xi32, #tpu.memory_space<vmem>>, %arg9: memref<80x128xf32, #tpu.memory_space<vmem>>, %arg10: memref<80x128xf32, #tpu.memory_space<vmem>>, %arg11: memref<80x128xf32, #tpu.memory_space<vmem>>, %arg12: memref<80x128xf32, #tpu.memory_space<vmem>>, %arg13: memref<!tpu.dma_semaphore, #tpu.memory_space<semaphore_mem>>, %arg14: memref<!tpu.dma_semaphore, #tpu.memory_space<semaphore_mem>>, %arg15: memref<!tpu.dma_semaphore, #tpu.memory_space<semaphore_mem>>, %arg16: memref<!tpu.dma_semaphore, #tpu.memory_space<semaphore_mem>>) attributes {dimension_semantics = [#tpu.dimension_semantics<core_parallel>, #tpu.dimension_semantics<subcore_parallel>], iteration_bounds = array<i64: 2, 16>, scalar_prefetch = 0 : i64, scratch_operands = 10 : i64, tpu.core_type = #tpu.core_type<sc_vector_subcore>, window_params = [{transform_indices = #map}, {transform_indices = #map}, {transform_indices = #map}, {transform_indices = #map}, {transform_indices = #map}]} {
    %mul3A = arith.constant 2 : i32
    %mul3A_0 = arith.muli %arg1, %mul3A : i32
    %add3A = arith.addi %mul3A_0, %arg0 : i32
    %mul3A_1 = arith.constant 31 : i32
    %mul3A_2 = arith.muli %add3A, %mul3A_1 : i32
    %add3A_3 = arith.constant 2048 : i32
    %add3A_4 = arith.addi %add3A_3, %mul3A_2 : i32
    "tpu.region"() ({
      %run_scoped3A = tpu.sem_alloc : memref<!tpu.dma_semaphore, #tpu.memory_space<semaphore_mem>>
      %dma_start3A_40 = arith.constant 0 : i32
      %dma_start3A_41 = tpu.memref_slice %arg4[%add3A_4, %dma_start3A_40] : memref<4000x80xi32, #tpu.memory_space<hbm>> -> memref<31x80xi32, #tpu.memory_space<hbm>>
      %dma_start3A_42 = arith.constant 0 : i32
      %dma_start3A_43 = tpu.memref_slice %arg4[%add3A_4, %dma_start3A_42] : memref<4000x80xi32, #tpu.memory_space<hbm>> -> memref<31x80xi32, #tpu.memory_space<hbm>>
      tpu.enqueue_dma source(%dma_start3A_43 : memref<31x80xi32, #tpu.memory_space<hbm>>) target(%arg7 : memref<31x80xi32, #tpu.memory_space<vmem>>) target_semaphore(%run_scoped3A : memref<!tpu.dma_semaphore, #tpu.memory_space<semaphore_mem>>)
      %dma_wait3A = arith.constant 0 : i32
      %dma_wait3A_44 = tpu.memref_slice %arg4[%add3A_4, %dma_wait3A] : memref<4000x80xi32, #tpu.memory_space<hbm>> -> memref<31x80xi32, #tpu.memory_space<hbm>>
      %dma_wait3A_45 = arith.constant 0 : i32
      %dma_wait3A_46 = tpu.memref_slice %arg4[%add3A_4, %dma_wait3A_45] : memref<4000x80xi32, #tpu.memory_space<hbm>> -> memref<31x80xi32, #tpu.memory_space<hbm>>
      tpu.wait_dma2 semaphore(%run_scoped3A : memref<!tpu.dma_semaphore, #tpu.memory_space<semaphore_mem>>) src(%dma_wait3A_46 : memref<31x80xi32, #tpu.memory_space<hbm>>) dst(%arg7 : memref<31x80xi32, #tpu.memory_space<vmem>>)
      tpu.yield
    }) : () -> ()
    "tpu.region"() ({
      %run_scoped3A = tpu.sem_alloc : memref<!tpu.dma_semaphore, #tpu.memory_space<semaphore_mem>>
      %dma_start3A_40 = arith.constant 0 : i32
      %dma_start3A_41 = tpu.memref_slice %arg5[%add3A_4, %dma_start3A_40] : memref<4000x80xi32, #tpu.memory_space<hbm>> -> memref<31x80xi32, #tpu.memory_space<hbm>>
      %dma_start3A_42 = arith.constant 0 : i32
      %dma_start3A_43 = tpu.memref_slice %arg5[%add3A_4, %dma_start3A_42] : memref<4000x80xi32, #tpu.memory_space<hbm>> -> memref<31x80xi32, #tpu.memory_space<hbm>>
      tpu.enqueue_dma source(%dma_start3A_43 : memref<31x80xi32, #tpu.memory_space<hbm>>) target(%arg8 : memref<31x80xi32, #tpu.memory_space<vmem>>) target_semaphore(%run_scoped3A : memref<!tpu.dma_semaphore, #tpu.memory_space<semaphore_mem>>)
      %dma_wait3A = arith.constant 0 : i32
      %dma_wait3A_44 = tpu.memref_slice %arg5[%add3A_4, %dma_wait3A] : memref<4000x80xi32, #tpu.memory_space<hbm>> -> memref<31x80xi32, #tpu.memory_space<hbm>>
      %dma_wait3A_45 = arith.constant 0 : i32
      %dma_wait3A_46 = tpu.memref_slice %arg5[%add3A_4, %dma_wait3A_45] : memref<4000x80xi32, #tpu.memory_space<hbm>> -> memref<31x80xi32, #tpu.memory_space<hbm>>
      tpu.wait_dma2 semaphore(%run_scoped3A : memref<!tpu.dma_semaphore, #tpu.memory_space<semaphore_mem>>) src(%dma_wait3A_46 : memref<31x80xi32, #tpu.memory_space<hbm>>) dst(%arg8 : memref<31x80xi32, #tpu.memory_space<vmem>>)
      tpu.yield
    }) : () -> ()
    %dma_start3A = arith.constant 0 : i32
    %dma_start3A_5 = arith.constant 0 : i32
    %dma_start3A_6 = tpu.memref_slice %arg7[%dma_start3A, %dma_start3A_5] : memref<31x80xi32, #tpu.memory_space<vmem>> -> memref<1x80xi32, #tpu.memory_space<vmem>>
    %dma_start3A_7 = tpu.memref_squeeze %dma_start3A_6 : memref<1x80xi32, #tpu.memory_space<vmem>> -> memref<80xi32, #tpu.memory_space<vmem>>
    %dma_start3A_8 = arith.constant 0 : i32
    %dma_start3A_9 = arith.constant 0 : i32
    %dma_start3A_10 = tpu.memref_slice %arg2[%dma_start3A_8, %dma_start3A_9] : memref<10000x128xf32, #tpu.memory_space<hbm>> -> memref<10000x128xf32, #tpu.memory_space<hbm>>
    tpu.enqueue_indirect_dma source(%dma_start3A_10 : memref<10000x128xf32, #tpu.memory_space<hbm>>) target(%arg9 : memref<80x128xf32, #tpu.memory_space<vmem>>) offsets(%dma_start3A_7 : memref<80xi32, #tpu.memory_space<vmem>>) semaphore(%arg13 : memref<!tpu.dma_semaphore, #tpu.memory_space<semaphore_mem>>)
    %dma_start3A_11 = arith.constant 0 : i32
    %dma_start3A_12 = arith.constant 0 : i32
    %dma_start3A_13 = tpu.memref_slice %arg8[%dma_start3A_11, %dma_start3A_12] : memref<31x80xi32, #tpu.memory_space<vmem>> -> memref<1x80xi32, #tpu.memory_space<vmem>>
    %dma_start3A_14 = tpu.memref_squeeze %dma_start3A_13 : memref<1x80xi32, #tpu.memory_space<vmem>> -> memref<80xi32, #tpu.memory_space<vmem>>
    %dma_start3A_15 = arith.constant 0 : i32
    %dma_start3A_16 = arith.constant 0 : i32
    %dma_start3A_17 = tpu.memref_slice %arg3[%dma_start3A_15, %dma_start3A_16] : memref<10000x128xf32, #tpu.memory_space<hbm>> -> memref<10000x128xf32, #tpu.memory_space<hbm>>
    tpu.enqueue_indirect_dma source(%dma_start3A_17 : memref<10000x128xf32, #tpu.memory_space<hbm>>) target(%arg11 : memref<80x128xf32, #tpu.memory_space<vmem>>) offsets(%dma_start3A_14 : memref<80xi32, #tpu.memory_space<vmem>>) semaphore(%arg15 : memref<!tpu.dma_semaphore, #tpu.memory_space<semaphore_mem>>)
    %dma_start3A_18 = arith.constant 1 : i32
    %dma_start3A_19 = arith.constant 0 : i32
    %dma_start3A_20 = tpu.memref_slice %arg7[%dma_start3A_18, %dma_start3A_19] : memref<31x80xi32, #tpu.memory_space<vmem>> -> memref<1x80xi32, #tpu.memory_space<vmem>>
    %dma_start3A_21 = tpu.memref_squeeze %dma_start3A_20 : memref<1x80xi32, #tpu.memory_space<vmem>> -> memref<80xi32, #tpu.memory_space<vmem>>
    %dma_start3A_22 = arith.constant 0 : i32
    %dma_start3A_23 = arith.constant 0 : i32
    %dma_start3A_24 = tpu.memref_slice %arg2[%dma_start3A_22, %dma_start3A_23] : memref<10000x128xf32, #tpu.memory_space<hbm>> -> memref<10000x128xf32, #tpu.memory_space<hbm>>
    tpu.enqueue_indirect_dma source(%dma_start3A_24 : memref<10000x128xf32, #tpu.memory_space<hbm>>) target(%arg10 : memref<80x128xf32, #tpu.memory_space<vmem>>) offsets(%dma_start3A_21 : memref<80xi32, #tpu.memory_space<vmem>>) semaphore(%arg14 : memref<!tpu.dma_semaphore, #tpu.memory_space<semaphore_mem>>)
    %dma_start3A_25 = arith.constant 1 : i32
    %dma_start3A_26 = arith.constant 0 : i32
    %dma_start3A_27 = tpu.memref_slice %arg8[%dma_start3A_25, %dma_start3A_26] : memref<31x80xi32, #tpu.memory_space<vmem>> -> memref<1x80xi32, #tpu.memory_space<vmem>>
    %dma_start3A_28 = tpu.memref_squeeze %dma_start3A_27 : memref<1x80xi32, #tpu.memory_space<vmem>> -> memref<80xi32, #tpu.memory_space<vmem>>
    %dma_start3A_29 = arith.constant 0 : i32
    %dma_start3A_30 = arith.constant 0 : i32
    %dma_start3A_31 = tpu.memref_slice %arg3[%dma_start3A_29, %dma_start3A_30] : memref<10000x128xf32, #tpu.memory_space<hbm>> -> memref<10000x128xf32, #tpu.memory_space<hbm>>
    tpu.enqueue_indirect_dma source(%dma_start3A_31 : memref<10000x128xf32, #tpu.memory_space<hbm>>) target(%arg12 : memref<80x128xf32, #tpu.memory_space<vmem>>) offsets(%dma_start3A_28 : memref<80xi32, #tpu.memory_space<vmem>>) semaphore(%arg16 : memref<!tpu.dma_semaphore, #tpu.memory_space<semaphore_mem>>)
    %mul3A_32 = arith.constant 31 : i32
    %mul3A_33 = arith.muli %add3A, %mul3A_32 : i32
    %mul3A_34 = arith.constant 80 : i32
    %mul3A_35 = arith.muli %mul3A_33, %mul3A_34 : i32
    %scan3A = arith.constant 0 : i32
    %scan3A_36 = arith.constant 16 : i32
    %scan3A_37 = arith.addi %scan3A, %scan3A_36 : i32
    %scan3A_38 = arith.constant 1 : i32
    scf.for %scan3A_40 = %scan3A to %scan3A_37 step %scan3A_38  : i32 {
      %mul3A_41 = arith.constant 1 : i32
      %mul3A_42 = arith.muli %scan3A_40, %mul3A_41 : i32
      %add3A_43 = arith.constant 0 : i32
      %add3A_44 = arith.addi %add3A_43, %mul3A_42 : i32
      %mul3A_45 = arith.constant 2 : i32
      %mul3A_46 = arith.muli %add3A_44, %mul3A_45 : i32
      %add3A_47 = arith.constant 0 : i32
      %add3A_48 = arith.addi %mul3A_46, %add3A_47 : i32
      %lt3A = arith.constant 31 : i32
      %lt3A_49 = arith.cmpi slt, %add3A_48, %lt3A : i32
      %convert_element_type3A = arith.extui %lt3A_49 : i1 to i32
      %cond3A = arith.constant 0 : i32
      %cond3A_50 = arith.cmpi ne, %convert_element_type3A, %cond3A : i32
      scf.if %cond3A_50 {
        %dma_wait3A = arith.constant 0 : i32
        %dma_wait3A_60 = arith.constant 0 : i32
        %dma_wait3A_61 = tpu.memref_slice %arg7[%dma_wait3A, %dma_wait3A_60] : memref<31x80xi32, #tpu.memory_space<vmem>> -> memref<1x80xi32, #tpu.memory_space<vmem>>
        %dma_wait3A_62 = tpu.memref_squeeze %dma_wait3A_61 : memref<1x80xi32, #tpu.memory_space<vmem>> -> memref<80xi32, #tpu.memory_space<vmem>>
        %dma_wait3A_63 = arith.constant 0 : i32
        %dma_wait3A_64 = arith.constant 0 : i32
        %dma_wait3A_65 = tpu.memref_slice %arg2[%dma_wait3A_63, %dma_wait3A_64] : memref<10000x128xf32, #tpu.memory_space<hbm>> -> memref<10000x128xf32, #tpu.memory_space<hbm>>
        tpu.wait_indirect_dma semaphore(%arg13 : memref<!tpu.dma_semaphore, #tpu.memory_space<semaphore_mem>>) src(%dma_wait3A_65 : memref<10000x128xf32, #tpu.memory_space<hbm>>) dst(%arg9 : memref<80x128xf32, #tpu.memory_space<vmem>>)
        %dma_wait3A_66 = arith.constant 0 : i32
        %dma_wait3A_67 = arith.constant 0 : i32
        %dma_wait3A_68 = tpu.memref_slice %arg8[%dma_wait3A_66, %dma_wait3A_67] : memref<31x80xi32, #tpu.memory_space<vmem>> -> memref<1x80xi32, #tpu.memory_space<vmem>>
        %dma_wait3A_69 = tpu.memref_squeeze %dma_wait3A_68 : memref<1x80xi32, #tpu.memory_space<vmem>> -> memref<80xi32, #tpu.memory_space<vmem>>
        %dma_wait3A_70 = arith.constant 0 : i32
        %dma_wait3A_71 = arith.constant 0 : i32
        %dma_wait3A_72 = tpu.memref_slice %arg3[%dma_wait3A_70, %dma_wait3A_71] : memref<10000x128xf32, #tpu.memory_space<hbm>> -> memref<10000x128xf32, #tpu.memory_space<hbm>>
        tpu.wait_indirect_dma semaphore(%arg15 : memref<!tpu.dma_semaphore, #tpu.memory_space<semaphore_mem>>) src(%dma_wait3A_72 : memref<10000x128xf32, #tpu.memory_space<hbm>>) dst(%arg11 : memref<80x128xf32, #tpu.memory_space<vmem>>)
        %scan3A_73 = arith.constant 0 : i32
        %scan3A_74 = arith.constant 80 : i32
        %scan3A_75 = arith.addi %scan3A_73, %scan3A_74 : i32
        %scan3A_76 = arith.constant 1 : i32
        scf.for %scan3A_96 = %scan3A_73 to %scan3A_75 step %scan3A_76  : i32 {
          %mul3A_97 = arith.constant 1 : i32
          %mul3A_98 = arith.muli %scan3A_96, %mul3A_97 : i32
          %add3A_99 = arith.constant 0 : i32
          %add3A_100 = arith.addi %add3A_99, %mul3A_98 : i32
          %get3A = arith.index_cast %add3A_100 : i32 to index
          %get3A_101 = arith.constant 0 : index
          %get3A_102 = tpu.vector_load %arg9[%get3A, %get3A_101] {strides = array<i32>} : memref<80x128xf32, #tpu.memory_space<vmem>>, vector<1x16xf32>,
          %get3A_103 = vector.shape_cast %get3A_102 : vector<1x16xf32> to vector<16xf32>
          %get3A_104 = arith.index_cast %add3A_100 : i32 to index
          %get3A_105 = arith.constant 0 : index
          %get3A_106 = tpu.vector_load %arg11[%get3A_104, %get3A_105] {strides = array<i32>} : memref<80x128xf32, #tpu.memory_space<vmem>>, vector<1x16xf32>,
          %get3A_107 = vector.shape_cast %get3A_106 : vector<1x16xf32> to vector<16xf32>
          %add3A_108 = arith.addf %get3A_103, %get3A_107 : vector<16xf32>
          %swap3A = arith.index_cast %add3A_100 : i32 to index
          %swap3A_109 = arith.constant 0 : index
          %swap3A_110 = tpu.vector_load %arg9[%swap3A, %swap3A_109] {strides = array<i32>} : memref<80x128xf32, #tpu.memory_space<vmem>>, vector<1x16xf32>,
          %swap3A_111 = vector.shape_cast %swap3A_110 : vector<1x16xf32> to vector<16xf32>
          %swap3A_112 = vector.shape_cast %add3A_108 : vector<16xf32> to vector<1x16xf32>
          tpu.vector_store %arg9[%swap3A, %swap3A_109], %swap3A_112 {strides = array<i32>} : memref<80x128xf32, #tpu.memory_space<vmem>>, vector<1x16xf32>,
          %get3A_113 = arith.index_cast %add3A_100 : i32 to index
          %get3A_114 = arith.constant 16 : index
          %get3A_115 = tpu.vector_load %arg9[%get3A_113, %get3A_114] {strides = array<i32>} : memref<80x128xf32, #tpu.memory_space<vmem>>, vector<1x16xf32>,
          %get3A_116 = vector.shape_cast %get3A_115 : vector<1x16xf32> to vector<16xf32>
          %get3A_117 = arith.index_cast %add3A_100 : i32 to index
          %get3A_118 = arith.constant 16 : index
          %get3A_119 = tpu.vector_load %arg11[%get3A_117, %get3A_118] {strides = array<i32>} : memref<80x128xf32, #tpu.memory_space<vmem>>, vector<1x16xf32>,
          %get3A_120 = vector.shape_cast %get3A_119 : vector<1x16xf32> to vector<16xf32>
          %add3A_121 = arith.addf %get3A_116, %get3A_120 : vector<16xf32>
          %swap3A_122 = arith.index_cast %add3A_100 : i32 to index
          %swap3A_123 = arith.constant 16 : index
          %swap3A_124 = tpu.vector_load %arg9[%swap3A_122, %swap3A_123] {strides = array<i32>} : memref<80x128xf32, #tpu.memory_space<vmem>>, vector<1x16xf32>,
          %swap3A_125 = vector.shape_cast %swap3A_124 : vector<1x16xf32> to vector<16xf32>
          %swap3A_126 = vector.shape_cast %add3A_121 : vector<16xf32> to vector<1x16xf32>
          tpu.vector_store %arg9[%swap3A_122, %swap3A_123], %swap3A_126 {strides = array<i32>} : memref<80x128xf32, #tpu.memory_space<vmem>>, vector<1x16xf32>,
          %get3A_127 = arith.index_cast %add3A_100 : i32 to index
          %get3A_128 = arith.constant 32 : index
          %get3A_129 = tpu.vector_load %arg9[%get3A_127, %get3A_128] {strides = array<i32>} : memref<80x128xf32, #tpu.memory_space<vmem>>, vector<1x16xf32>,
          %get3A_130 = vector.shape_cast %get3A_129 : vector<1x16xf32> to vector<16xf32>
          %get3A_131 = arith.index_cast %add3A_100 : i32 to index
          %get3A_132 = arith.constant 32 : index
          %get3A_133 = tpu.vector_load %arg11[%get3A_131, %get3A_132] {strides = array<i32>} : memref<80x128xf32, #tpu.memory_space<vmem>>, vector<1x16xf32>,
          %get3A_134 = vector.shape_cast %get3A_133 : vector<1x16xf32> to vector<16xf32>
          %add3A_135 = arith.addf %get3A_130, %get3A_134 : vector<16xf32>
          %swap3A_136 = arith.index_cast %add3A_100 : i32 to index
          %swap3A_137 = arith.constant 32 : index
          %swap3A_138 = tpu.vector_load %arg9[%swap3A_136, %swap3A_137] {strides = array<i32>} : memref<80x128xf32, #tpu.memory_space<vmem>>, vector<1x16xf32>,
          %swap3A_139 = vector.shape_cast %swap3A_138 : vector<1x16xf32> to vector<16xf32>
          %swap3A_140 = vector.shape_cast %add3A_135 : vector<16xf32> to vector<1x16xf32>
          tpu.vector_store %arg9[%swap3A_136, %swap3A_137], %swap3A_140 {strides = array<i32>} : memref<80x128xf32, #tpu.memory_space<vmem>>, vector<1x16xf32>,
          %get3A_141 = arith.index_cast %add3A_100 : i32 to index
          %get3A_142 = arith.constant 48 : index
          %get3A_143 = tpu.vector_load %arg9[%get3A_141, %get3A_142] {strides = array<i32>} : memref<80x128xf32, #tpu.memory_space<vmem>>, vector<1x16xf32>,
          %get3A_144 = vector.shape_cast %get3A_143 : vector<1x16xf32> to vector<16xf32>
          %get3A_145 = arith.index_cast %add3A_100 : i32 to index
          %get3A_146 = arith.constant 48 : index
          %get3A_147 = tpu.vector_load %arg11[%get3A_145, %get3A_146] {strides = array<i32>} : memref<80x128xf32, #tpu.memory_space<vmem>>, vector<1x16xf32>,
          %get3A_148 = vector.shape_cast %get3A_147 : vector<1x16xf32> to vector<16xf32>
          %add3A_149 = arith.addf %get3A_144, %get3A_148 : vector<16xf32>
          %swap3A_150 = arith.index_cast %add3A_100 : i32 to index
          %swap3A_151 = arith.constant 48 : index
          %swap3A_152 = tpu.vector_load %arg9[%swap3A_150, %swap3A_151] {strides = array<i32>} : memref<80x128xf32, #tpu.memory_space<vmem>>, vector<1x16xf32>,
          %swap3A_153 = vector.shape_cast %swap3A_152 : vector<1x16xf32> to vector<16xf32>
          %swap3A_154 = vector.shape_cast %add3A_149 : vector<16xf32> to vector<1x16xf32>
          tpu.vector_store %arg9[%swap3A_150, %swap3A_151], %swap3A_154 {strides = array<i32>} : memref<80x128xf32, #tpu.memory_space<vmem>>, vector<1x16xf32>,
          %get3A_155 = arith.index_cast %add3A_100 : i32 to index
          %get3A_156 = arith.constant 64 : index
          %get3A_157 = tpu.vector_load %arg9[%get3A_155, %get3A_156] {strides = array<i32>} : memref<80x128xf32, #tpu.memory_space<vmem>>, vector<1x16xf32>,
          %get3A_158 = vector.shape_cast %get3A_157 : vector<1x16xf32> to vector<16xf32>
          %get3A_159 = arith.index_cast %add3A_100 : i32 to index
          %get3A_160 = arith.constant 64 : index
          %get3A_161 = tpu.vector_load %arg11[%get3A_159, %get3A_160] {strides = array<i32>} : memref<80x128xf32, #tpu.memory_space<vmem>>, vector<1x16xf32>,
          %get3A_162 = vector.shape_cast %get3A_161 : vector<1x16xf32> to vector<16xf32>
          %add3A_163 = arith.addf %get3A_158, %get3A_162 : vector<16xf32>
          %swap3A_164 = arith.index_cast %add3A_100 : i32 to index
          %swap3A_165 = arith.constant 64 : index
          %swap3A_166 = tpu.vector_load %arg9[%swap3A_164, %swap3A_165] {strides = array<i32>} : memref<80x128xf32, #tpu.memory_space<vmem>>, vector<1x16xf32>,
          %swap3A_167 = vector.shape_cast %swap3A_166 : vector<1x16xf32> to vector<16xf32>
          %swap3A_168 = vector.shape_cast %add3A_163 : vector<16xf32> to vector<1x16xf32>
          tpu.vector_store %arg9[%swap3A_164, %swap3A_165], %swap3A_168 {strides = array<i32>} : memref<80x128xf32, #tpu.memory_space<vmem>>, vector<1x16xf32>,
          %get3A_169 = arith.index_cast %add3A_100 : i32 to index
          %get3A_170 = arith.constant 80 : index
          %get3A_171 = tpu.vector_load %arg9[%get3A_169, %get3A_170] {strides = array<i32>} : memref<80x128xf32, #tpu.memory_space<vmem>>, vector<1x16xf32>,
          %get3A_172 = vector.shape_cast %get3A_171 : vector<1x16xf32> to vector<16xf32>
          %get3A_173 = arith.index_cast %add3A_100 : i32 to index
          %get3A_174 = arith.constant 80 : index
          %get3A_175 = tpu.vector_load %arg11[%get3A_173, %get3A_174] {strides = array<i32>} : memref<80x128xf32, #tpu.memory_space<vmem>>, vector<1x16xf32>,
          %get3A_176 = vector.shape_cast %get3A_175 : vector<1x16xf32> to vector<16xf32>
          %add3A_177 = arith.addf %get3A_172, %get3A_176 : vector<16xf32>
          %swap3A_178 = arith.index_cast %add3A_100 : i32 to index
          %swap3A_179 = arith.constant 80 : index
          %swap3A_180 = tpu.vector_load %arg9[%swap3A_178, %swap3A_179] {strides = array<i32>} : memref<80x128xf32, #tpu.memory_space<vmem>>, vector<1x16xf32>,
          %swap3A_181 = vector.shape_cast %swap3A_180 : vector<1x16xf32> to vector<16xf32>
          %swap3A_182 = vector.shape_cast %add3A_177 : vector<16xf32> to vector<1x16xf32>
          tpu.vector_store %arg9[%swap3A_178, %swap3A_179], %swap3A_182 {strides = array<i32>} : memref<80x128xf32, #tpu.memory_space<vmem>>, vector<1x16xf32>,
          %get3A_183 = arith.index_cast %add3A_100 : i32 to index
          %get3A_184 = arith.constant 96 : index
          %get3A_185 = tpu.vector_load %arg9[%get3A_183, %get3A_184] {strides = array<i32>} : memref<80x128xf32, #tpu.memory_space<vmem>>, vector<1x16xf32>,
          %get3A_186 = vector.shape_cast %get3A_185 : vector<1x16xf32> to vector<16xf32>
          %get3A_187 = arith.index_cast %add3A_100 : i32 to index
          %get3A_188 = arith.constant 96 : index
          %get3A_189 = tpu.vector_load %arg11[%get3A_187, %get3A_188] {strides = array<i32>} : memref<80x128xf32, #tpu.memory_space<vmem>>, vector<1x16xf32>,
          %get3A_190 = vector.shape_cast %get3A_189 : vector<1x16xf32> to vector<16xf32>
          %add3A_191 = arith.addf %get3A_186, %get3A_190 : vector<16xf32>
          %swap3A_192 = arith.index_cast %add3A_100 : i32 to index
          %swap3A_193 = arith.constant 96 : index
          %swap3A_194 = tpu.vector_load %arg9[%swap3A_192, %swap3A_193] {strides = array<i32>} : memref<80x128xf32, #tpu.memory_space<vmem>>, vector<1x16xf32>,
          %swap3A_195 = vector.shape_cast %swap3A_194 : vector<1x16xf32> to vector<16xf32>
          %swap3A_196 = vector.shape_cast %add3A_191 : vector<16xf32> to vector<1x16xf32>
          tpu.vector_store %arg9[%swap3A_192, %swap3A_193], %swap3A_196 {strides = array<i32>} : memref<80x128xf32, #tpu.memory_space<vmem>>, vector<1x16xf32>,
          %get3A_197 = arith.index_cast %add3A_100 : i32 to index
          %get3A_198 = arith.constant 112 : index
          %get3A_199 = tpu.vector_load %arg9[%get3A_197, %get3A_198] {strides = array<i32>} : memref<80x128xf32, #tpu.memory_space<vmem>>, vector<1x16xf32>,
          %get3A_200 = vector.shape_cast %get3A_199 : vector<1x16xf32> to vector<16xf32>
          %get3A_201 = arith.index_cast %add3A_100 : i32 to index
          %get3A_202 = arith.constant 112 : index
          %get3A_203 = tpu.vector_load %arg11[%get3A_201, %get3A_202] {strides = array<i32>} : memref<80x128xf32, #tpu.memory_space<vmem>>, vector<1x16xf32>,
          %get3A_204 = vector.shape_cast %get3A_203 : vector<1x16xf32> to vector<16xf32>
          %add3A_205 = arith.addf %get3A_200, %get3A_204 : vector<16xf32>
          %swap3A_206 = arith.index_cast %add3A_100 : i32 to index
          %swap3A_207 = arith.constant 112 : index
          %swap3A_208 = tpu.vector_load %arg9[%swap3A_206, %swap3A_207] {strides = array<i32>} : memref<80x128xf32, #tpu.memory_space<vmem>>, vector<1x16xf32>,
          %swap3A_209 = vector.shape_cast %swap3A_208 : vector<1x16xf32> to vector<16xf32>
          %swap3A_210 = vector.shape_cast %add3A_205 : vector<16xf32> to vector<1x16xf32>
          tpu.vector_store %arg9[%swap3A_206, %swap3A_207], %swap3A_210 {strides = array<i32>} : memref<80x128xf32, #tpu.memory_space<vmem>>, vector<1x16xf32>,
        }
        %scan3A_77 = arith.constant 80 : i32
        %mul3A_78 = arith.constant 80 : i32
        %mul3A_79 = arith.muli %add3A_48, %mul3A_78 : i32
        %add3A_80 = arith.addi %mul3A_35, %mul3A_79 : i32
        %dma_start3A_81 = arith.constant 0 : i32
        %dma_start3A_82 = tpu.memref_slice %arg6[%add3A_80, %dma_start3A_81] : memref<79360x128xf32, #tpu.memory_space<hbm>> -> memref<80x128xf32, #tpu.memory_space<hbm>>
        %dma_start3A_83 = arith.constant 0 : i32
        %dma_start3A_84 = tpu.memref_slice %arg6[%add3A_80, %dma_start3A_83] : memref<79360x128xf32, #tpu.memory_space<hbm>> -> memref<80x128xf32, #tpu.memory_space<hbm>>
        tpu.enqueue_dma source(%arg9 : memref<80x128xf32, #tpu.memory_space<vmem>>) target(%dma_start3A_84 : memref<80x128xf32, #tpu.memory_space<hbm>>) target_semaphore(%arg13 : memref<!tpu.dma_semaphore, #tpu.memory_space<semaphore_mem>>)
        %dma_wait3A_85 = arith.constant 0 : i32
        %dma_wait3A_86 = tpu.memref_slice %arg6[%add3A_80, %dma_wait3A_85] : memref<79360x128xf32, #tpu.memory_space<hbm>> -> memref<80x128xf32, #tpu.memory_space<hbm>>
        %dma_wait3A_87 = arith.constant 0 : i32
        %dma_wait3A_88 = tpu.memref_slice %arg6[%add3A_80, %dma_wait3A_87] : memref<79360x128xf32, #tpu.memory_space<hbm>> -> memref<80x128xf32, #tpu.memory_space<hbm>>
        tpu.wait_dma2 semaphore(%arg13 : memref<!tpu.dma_semaphore, #tpu.memory_space<semaphore_mem>>) src(%arg9 : memref<80x128xf32, #tpu.memory_space<vmem>>) dst(%dma_wait3A_88 : memref<80x128xf32, #tpu.memory_space<hbm>>)
        %add3A_89 = arith.constant 2 : i32
        %add3A_90 = arith.addi %add3A_48, %add3A_89 : i32
        %lt3A_91 = arith.constant 31 : i32
        %lt3A_92 = arith.cmpi slt, %add3A_90, %lt3A_91 : i32
        %convert_element_type3A_93 = arith.extui %lt3A_92 : i1 to i32
        %cond3A_94 = arith.constant 0 : i32
        %cond3A_95 = arith.cmpi ne, %convert_element_type3A_93, %cond3A_94 : i32
        scf.if %cond3A_95 {
          %add3A_96 = arith.constant 2 : i32
          %add3A_97 = arith.addi %add3A_48, %add3A_96 : i32
          %dma_start3A_98 = arith.constant 0 : i32
          %dma_start3A_99 = tpu.memref_slice %arg7[%add3A_97, %dma_start3A_98] : memref<31x80xi32, #tpu.memory_space<vmem>> -> memref<1x80xi32, #tpu.memory_space<vmem>>
          %dma_start3A_100 = tpu.memref_squeeze %dma_start3A_99 : memref<1x80xi32, #tpu.memory_space<vmem>> -> memref<80xi32, #tpu.memory_space<vmem>>
          %dma_start3A_101 = arith.constant 0 : i32
          %dma_start3A_102 = arith.constant 0 : i32
          %dma_start3A_103 = tpu.memref_slice %arg2[%dma_start3A_101, %dma_start3A_102] : memref<10000x128xf32, #tpu.memory_space<hbm>> -> memref<10000x128xf32, #tpu.memory_space<hbm>>
          tpu.enqueue_indirect_dma source(%dma_start3A_103 : memref<10000x128xf32, #tpu.memory_space<hbm>>) target(%arg9 : memref<80x128xf32, #tpu.memory_space<vmem>>) offsets(%dma_start3A_100 : memref<80xi32, #tpu.memory_space<vmem>>) semaphore(%arg13 : memref<!tpu.dma_semaphore, #tpu.memory_space<semaphore_mem>>)
          %dma_start3A_104 = arith.constant 0 : i32
          %dma_start3A_105 = tpu.memref_slice %arg8[%add3A_97, %dma_start3A_104] : memref<31x80xi32, #tpu.memory_space<vmem>> -> memref<1x80xi32, #tpu.memory_space<vmem>>
          %dma_start3A_106 = tpu.memref_squeeze %dma_start3A_105 : memref<1x80xi32, #tpu.memory_space<vmem>> -> memref<80xi32, #tpu.memory_space<vmem>>
          %dma_start3A_107 = arith.constant 0 : i32
          %dma_start3A_108 = arith.constant 0 : i32
          %dma_start3A_109 = tpu.memref_slice %arg3[%dma_start3A_107, %dma_start3A_108] : memref<10000x128xf32, #tpu.memory_space<hbm>> -> memref<10000x128xf32, #tpu.memory_space<hbm>>
          tpu.enqueue_indirect_dma source(%dma_start3A_109 : memref<10000x128xf32, #tpu.memory_space<hbm>>) target(%arg11 : memref<80x128xf32, #tpu.memory_space<vmem>>) offsets(%dma_start3A_106 : memref<80xi32, #tpu.memory_space<vmem>>) semaphore(%arg15 : memref<!tpu.dma_semaphore, #tpu.memory_space<semaphore_mem>>)
        } else {
        }
      } else {
      }
      %mul3A_51 = arith.constant 2 : i32
      %mul3A_52 = arith.muli %add3A_44, %mul3A_51 : i32
      %add3A_53 = arith.constant 1 : i32
      %add3A_54 = arith.addi %mul3A_52, %add3A_53 : i32
      %lt3A_55 = arith.constant 31 : i32
      %lt3A_56 = arith.cmpi slt, %add3A_54, %lt3A_55 : i32
      %convert_element_type3A_57 = arith.extui %lt3A_56 : i1 to i32
      %cond3A_58 = arith.constant 0 : i32
      %cond3A_59 = arith.cmpi ne, %convert_element_type3A_57, %cond3A_58 : i32
      scf.if %cond3A_59 {
        %dma_wait3A = arith.constant 0 : i32
        %dma_wait3A_60 = arith.constant 0 : i32
        %dma_wait3A_61 = tpu.memref_slice %arg7[%dma_wait3A, %dma_wait3A_60] : memref<31x80xi32, #tpu.memory_space<vmem>> -> memref<1x80xi32, #tpu.memory_space<vmem>>
        %dma_wait3A_62 = tpu.memref_squeeze %dma_wait3A_61 : memref<1x80xi32, #tpu.memory_space<vmem>> -> memref<80xi32, #tpu.memory_space<vmem>>
        %dma_wait3A_63 = arith.constant 0 : i32
        %dma_wait3A_64 = arith.constant 0 : i32
        %dma_wait3A_65 = tpu.memref_slice %arg2[%dma_wait3A_63, %dma_wait3A_64] : memref<10000x128xf32, #tpu.memory_space<hbm>> -> memref<10000x128xf32, #tpu.memory_space<hbm>>
        tpu.wait_indirect_dma semaphore(%arg14 : memref<!tpu.dma_semaphore, #tpu.memory_space<semaphore_mem>>) src(%dma_wait3A_65 : memref<10000x128xf32, #tpu.memory_space<hbm>>) dst(%arg10 : memref<80x128xf32, #tpu.memory_space<vmem>>)
        %dma_wait3A_66 = arith.constant 0 : i32
        %dma_wait3A_67 = arith.constant 0 : i32
        %dma_wait3A_68 = tpu.memref_slice %arg8[%dma_wait3A_66, %dma_wait3A_67] : memref<31x80xi32, #tpu.memory_space<vmem>> -> memref<1x80xi32, #tpu.memory_space<vmem>>
        %dma_wait3A_69 = tpu.memref_squeeze %dma_wait3A_68 : memref<1x80xi32, #tpu.memory_space<vmem>> -> memref<80xi32, #tpu.memory_space<vmem>>
        %dma_wait3A_70 = arith.constant 0 : i32
        %dma_wait3A_71 = arith.constant 0 : i32
        %dma_wait3A_72 = tpu.memref_slice %arg3[%dma_wait3A_70, %dma_wait3A_71] : memref<10000x128xf32, #tpu.memory_space<hbm>> -> memref<10000x128xf32, #tpu.memory_space<hbm>>
        tpu.wait_indirect_dma semaphore(%arg16 : memref<!tpu.dma_semaphore, #tpu.memory_space<semaphore_mem>>) src(%dma_wait3A_72 : memref<10000x128xf32, #tpu.memory_space<hbm>>) dst(%arg12 : memref<80x128xf32, #tpu.memory_space<vmem>>)
        %scan3A_73 = arith.constant 0 : i32
        %scan3A_74 = arith.constant 80 : i32
        %scan3A_75 = arith.addi %scan3A_73, %scan3A_74 : i32
        %scan3A_76 = arith.constant 1 : i32
        scf.for %scan3A_96 = %scan3A_73 to %scan3A_75 step %scan3A_76  : i32 {
          %mul3A_97 = arith.constant 1 : i32
          %mul3A_98 = arith.muli %scan3A_96, %mul3A_97 : i32
          %add3A_99 = arith.constant 0 : i32
          %add3A_100 = arith.addi %add3A_99, %mul3A_98 : i32
          %get3A = arith.index_cast %add3A_100 : i32 to index
          %get3A_101 = arith.constant 0 : index
          %get3A_102 = tpu.vector_load %arg10[%get3A, %get3A_101] {strides = array<i32>} : memref<80x128xf32, #tpu.memory_space<vmem>>, vector<1x16xf32>,
          %get3A_103 = vector.shape_cast %get3A_102 : vector<1x16xf32> to vector<16xf32>
          %get3A_104 = arith.index_cast %add3A_100 : i32 to index
          %get3A_105 = arith.constant 0 : index
          %get3A_106 = tpu.vector_load %arg12[%get3A_104, %get3A_105] {strides = array<i32>} : memref<80x128xf32, #tpu.memory_space<vmem>>, vector<1x16xf32>,
          %get3A_107 = vector.shape_cast %get3A_106 : vector<1x16xf32> to vector<16xf32>
          %add3A_108 = arith.addf %get3A_103, %get3A_107 : vector<16xf32>
          %swap3A = arith.index_cast %add3A_100 : i32 to index
          %swap3A_109 = arith.constant 0 : index
          %swap3A_110 = tpu.vector_load %arg10[%swap3A, %swap3A_109] {strides = array<i32>} : memref<80x128xf32, #tpu.memory_space<vmem>>, vector<1x16xf32>,
          %swap3A_111 = vector.shape_cast %swap3A_110 : vector<1x16xf32> to vector<16xf32>
          %swap3A_112 = vector.shape_cast %add3A_108 : vector<16xf32> to vector<1x16xf32>
          tpu.vector_store %arg10[%swap3A, %swap3A_109], %swap3A_112 {strides = array<i32>} : memref<80x128xf32, #tpu.memory_space<vmem>>, vector<1x16xf32>,
          %get3A_113 = arith.index_cast %add3A_100 : i32 to index
          %get3A_114 = arith.constant 16 : index
          %get3A_115 = tpu.vector_load %arg10[%get3A_113, %get3A_114] {strides = array<i32>} : memref<80x128xf32, #tpu.memory_space<vmem>>, vector<1x16xf32>,
          %get3A_116 = vector.shape_cast %get3A_115 : vector<1x16xf32> to vector<16xf32>
          %get3A_117 = arith.index_cast %add3A_100 : i32 to index
          %get3A_118 = arith.constant 16 : index
          %get3A_119 = tpu.vector_load %arg12[%get3A_117, %get3A_118] {strides = array<i32>} : memref<80x128xf32, #tpu.memory_space<vmem>>, vector<1x16xf32>,
          %get3A_120 = vector.shape_cast %get3A_119 : vector<1x16xf32> to vector<16xf32>
          %add3A_121 = arith.addf %get3A_116, %get3A_120 : vector<16xf32>
          %swap3A_122 = arith.index_cast %add3A_100 : i32 to index
          %swap3A_123 = arith.constant 16 : index
          %swap3A_124 = tpu.vector_load %arg10[%swap3A_122, %swap3A_123] {strides = array<i32>} : memref<80x128xf32, #tpu.memory_space<vmem>>, vector<1x16xf32>,
          %swap3A_125 = vector.shape_cast %swap3A_124 : vector<1x16xf32> to vector<16xf32>
          %swap3A_126 = vector.shape_cast %add3A_121 : vector<16xf32> to vector<1x16xf32>
          tpu.vector_store %arg10[%swap3A_122, %swap3A_123], %swap3A_126 {strides = array<i32>} : memref<80x128xf32, #tpu.memory_space<vmem>>, vector<1x16xf32>,
          %get3A_127 = arith.index_cast %add3A_100 : i32 to index
          %get3A_128 = arith.constant 32 : index
          %get3A_129 = tpu.vector_load %arg10[%get3A_127, %get3A_128] {strides = array<i32>} : memref<80x128xf32, #tpu.memory_space<vmem>>, vector<1x16xf32>,
          %get3A_130 = vector.shape_cast %get3A_129 : vector<1x16xf32> to vector<16xf32>
          %get3A_131 = arith.index_cast %add3A_100 : i32 to index
          %get3A_132 = arith.constant 32 : index
          %get3A_133 = tpu.vector_load %arg12[%get3A_131, %get3A_132] {strides = array<i32>} : memref<80x128xf32, #tpu.memory_space<vmem>>, vector<1x16xf32>,
          %get3A_134 = vector.shape_cast %get3A_133 : vector<1x16xf32> to vector<16xf32>
          %add3A_135 = arith.addf %get3A_130, %get3A_134 : vector<16xf32>
          %swap3A_136 = arith.index_cast %add3A_100 : i32 to index
          %swap3A_137 = arith.constant 32 : index
          %swap3A_138 = tpu.vector_load %arg10[%swap3A_136, %swap3A_137] {strides = array<i32>} : memref<80x128xf32, #tpu.memory_space<vmem>>, vector<1x16xf32>,
          %swap3A_139 = vector.shape_cast %swap3A_138 : vector<1x16xf32> to vector<16xf32>
          %swap3A_140 = vector.shape_cast %add3A_135 : vector<16xf32> to vector<1x16xf32>
          tpu.vector_store %arg10[%swap3A_136, %swap3A_137], %swap3A_140 {strides = array<i32>} : memref<80x128xf32, #tpu.memory_space<vmem>>, vector<1x16xf32>,
          %get3A_141 = arith.index_cast %add3A_100 : i32 to index
          %get3A_142 = arith.constant 48 : index
          %get3A_143 = tpu.vector_load %arg10[%get3A_141, %get3A_142] {strides = array<i32>} : memref<80x128xf32, #tpu.memory_space<vmem>>, vector<1x16xf32>,
          %get3A_144 = vector.shape_cast %get3A_143 : vector<1x16xf32> to vector<16xf32>
          %get3A_145 = arith.index_cast %add3A_100 : i32 to index
          %get3A_146 = arith.constant 48 : index
          %get3A_147 = tpu.vector_load %arg12[%get3A_145, %get3A_146] {strides = array<i32>} : memref<80x128xf32, #tpu.memory_space<vmem>>, vector<1x16xf32>,
          %get3A_148 = vector.shape_cast %get3A_147 : vector<1x16xf32> to vector<16xf32>
          %add3A_149 = arith.addf %get3A_144, %get3A_148 : vector<16xf32>
          %swap3A_150 = arith.index_cast %add3A_100 : i32 to index
          %swap3A_151 = arith.constant 48 : index
          %swap3A_152 = tpu.vector_load %arg10[%swap3A_150, %swap3A_151] {strides = array<i32>} : memref<80x128xf32, #tpu.memory_space<vmem>>, vector<1x16xf32>,
          %swap3A_153 = vector.shape_cast %swap3A_152 : vector<1x16xf32> to vector<16xf32>
          %swap3A_154 = vector.shape_cast %add3A_149 : vector<16xf32> to vector<1x16xf32>
          tpu.vector_store %arg10[%swap3A_150, %swap3A_151], %swap3A_154 {strides = array<i32>} : memref<80x128xf32, #tpu.memory_space<vmem>>, vector<1x16xf32>,
          %get3A_155 = arith.index_cast %add3A_100 : i32 to index
          %get3A_156 = arith.constant 64 : index
          %get3A_157 = tpu.vector_load %arg10[%get3A_155, %get3A_156] {strides = array<i32>} : memref<80x128xf32, #tpu.memory_space<vmem>>, vector<1x16xf32>,
          %get3A_158 = vector.shape_cast %get3A_157 : vector<1x16xf32> to vector<16xf32>
          %get3A_159 = arith.index_cast %add3A_100 : i32 to index
          %get3A_160 = arith.constant 64 : index
          %get3A_161 = tpu.vector_load %arg12[%get3A_159, %get3A_160] {strides = array<i32>} : memref<80x128xf32, #tpu.memory_space<vmem>>, vector<1x16xf32>,
          %get3A_162 = vector.shape_cast %get3A_161 : vector<1x16xf32> to vector<16xf32>
          %add3A_163 = arith.addf %get3A_158, %get3A_162 : vector<16xf32>
          %swap3A_164 = arith.index_cast %add3A_100 : i32 to index
          %swap3A_165 = arith.constant 64 : index
          %swap3A_166 = tpu.vector_load %arg10[%swap3A_164, %swap3A_165] {strides = array<i32>} : memref<80x128xf32, #tpu.memory_space<vmem>>, vector<1x16xf32>,
          %swap3A_167 = vector.shape_cast %swap3A_166 : vector<1x16xf32> to vector<16xf32>
          %swap3A_168 = vector.shape_cast %add3A_163 : vector<16xf32> to vector<1x16xf32>
          tpu.vector_store %arg10[%swap3A_164, %swap3A_165], %swap3A_168 {strides = array<i32>} : memref<80x128xf32, #tpu.memory_space<vmem>>, vector<1x16xf32>,
          %get3A_169 = arith.index_cast %add3A_100 : i32 to index
          %get3A_170 = arith.constant 80 : index
          %get3A_171 = tpu.vector_load %arg10[%get3A_169, %get3A_170] {strides = array<i32>} : memref<80x128xf32, #tpu.memory_space<vmem>>, vector<1x16xf32>,
          %get3A_172 = vector.shape_cast %get3A_171 : vector<1x16xf32> to vector<16xf32>
          %get3A_173 = arith.index_cast %add3A_100 : i32 to index
          %get3A_174 = arith.constant 80 : index
          %get3A_175 = tpu.vector_load %arg12[%get3A_173, %get3A_174] {strides = array<i32>} : memref<80x128xf32, #tpu.memory_space<vmem>>, vector<1x16xf32>,
          %get3A_176 = vector.shape_cast %get3A_175 : vector<1x16xf32> to vector<16xf32>
          %add3A_177 = arith.addf %get3A_172, %get3A_176 : vector<16xf32>
          %swap3A_178 = arith.index_cast %add3A_100 : i32 to index
          %swap3A_179 = arith.constant 80 : index
          %swap3A_180 = tpu.vector_load %arg10[%swap3A_178, %swap3A_179] {strides = array<i32>} : memref<80x128xf32, #tpu.memory_space<vmem>>, vector<1x16xf32>,
          %swap3A_181 = vector.shape_cast %swap3A_180 : vector<1x16xf32> to vector<16xf32>
          %swap3A_182 = vector.shape_cast %add3A_177 : vector<16xf32> to vector<1x16xf32>
          tpu.vector_store %arg10[%swap3A_178, %swap3A_179], %swap3A_182 {strides = array<i32>} : memref<80x128xf32, #tpu.memory_space<vmem>>, vector<1x16xf32>,
          %get3A_183 = arith.index_cast %add3A_100 : i32 to index
          %get3A_184 = arith.constant 96 : index
          %get3A_185 = tpu.vector_load %arg10[%get3A_183, %get3A_184] {strides = array<i32>} : memref<80x128xf32, #tpu.memory_space<vmem>>, vector<1x16xf32>,
          %get3A_186 = vector.shape_cast %get3A_185 : vector<1x16xf32> to vector<16xf32>
          %get3A_187 = arith.index_cast %add3A_100 : i32 to index
          %get3A_188 = arith.constant 96 : index
          %get3A_189 = tpu.vector_load %arg12[%get3A_187, %get3A_188] {strides = array<i32>} : memref<80x128xf32, #tpu.memory_space<vmem>>, vector<1x16xf32>,
          %get3A_190 = vector.shape_cast %get3A_189 : vector<1x16xf32> to vector<16xf32>
          %add3A_191 = arith.addf %get3A_186, %get3A_190 : vector<16xf32>
          %swap3A_192 = arith.index_cast %add3A_100 : i32 to index
          %swap3A_193 = arith.constant 96 : index
          %swap3A_194 = tpu.vector_load %arg10[%swap3A_192, %swap3A_193] {strides = array<i32>} : memref<80x128xf32, #tpu.memory_space<vmem>>, vector<1x16xf32>,
          %swap3A_195 = vector.shape_cast %swap3A_194 : vector<1x16xf32> to vector<16xf32>
          %swap3A_196 = vector.shape_cast %add3A_191 : vector<16xf32> to vector<1x16xf32>
          tpu.vector_store %arg10[%swap3A_192, %swap3A_193], %swap3A_196 {strides = array<i32>} : memref<80x128xf32, #tpu.memory_space<vmem>>, vector<1x16xf32>,
          %get3A_197 = arith.index_cast %add3A_100 : i32 to index
          %get3A_198 = arith.constant 112 : index
          %get3A_199 = tpu.vector_load %arg10[%get3A_197, %get3A_198] {strides = array<i32>} : memref<80x128xf32, #tpu.memory_space<vmem>>, vector<1x16xf32>,
          %get3A_200 = vector.shape_cast %get3A_199 : vector<1x16xf32> to vector<16xf32>
          %get3A_201 = arith.index_cast %add3A_100 : i32 to index
          %get3A_202 = arith.constant 112 : index
          %get3A_203 = tpu.vector_load %arg12[%get3A_201, %get3A_202] {strides = array<i32>} : memref<80x128xf32, #tpu.memory_space<vmem>>, vector<1x16xf32>,
          %get3A_204 = vector.shape_cast %get3A_203 : vector<1x16xf32> to vector<16xf32>
          %add3A_205 = arith.addf %get3A_200, %get3A_204 : vector<16xf32>
          %swap3A_206 = arith.index_cast %add3A_100 : i32 to index
          %swap3A_207 = arith.constant 112 : index
          %swap3A_208 = tpu.vector_load %arg10[%swap3A_206, %swap3A_207] {strides = array<i32>} : memref<80x128xf32, #tpu.memory_space<vmem>>, vector<1x16xf32>,
          %swap3A_209 = vector.shape_cast %swap3A_208 : vector<1x16xf32> to vector<16xf32>
          %swap3A_210 = vector.shape_cast %add3A_205 : vector<16xf32> to vector<1x16xf32>
          tpu.vector_store %arg10[%swap3A_206, %swap3A_207], %swap3A_210 {strides = array<i32>} : memref<80x128xf32, #tpu.memory_space<vmem>>, vector<1x16xf32>,
        }
        %scan3A_77 = arith.constant 80 : i32
        %mul3A_78 = arith.constant 80 : i32
        %mul3A_79 = arith.muli %add3A_54, %mul3A_78 : i32
        %add3A_80 = arith.addi %mul3A_35, %mul3A_79 : i32
        %dma_start3A_81 = arith.constant 0 : i32
        %dma_start3A_82 = tpu.memref_slice %arg6[%add3A_80, %dma_start3A_81] : memref<79360x128xf32, #tpu.memory_space<hbm>> -> memref<80x128xf32, #tpu.memory_space<hbm>>
        %dma_start3A_83 = arith.constant 0 : i32
        %dma_start3A_84 = tpu.memref_slice %arg6[%add3A_80, %dma_start3A_83] : memref<79360x128xf32, #tpu.memory_space<hbm>> -> memref<80x128xf32, #tpu.memory_space<hbm>>
        tpu.enqueue_dma source(%arg10 : memref<80x128xf32, #tpu.memory_space<vmem>>) target(%dma_start3A_84 : memref<80x128xf32, #tpu.memory_space<hbm>>) target_semaphore(%arg14 : memref<!tpu.dma_semaphore, #tpu.memory_space<semaphore_mem>>)
        %dma_wait3A_85 = arith.constant 0 : i32
        %dma_wait3A_86 = tpu.memref_slice %arg6[%add3A_80, %dma_wait3A_85] : memref<79360x128xf32, #tpu.memory_space<hbm>> -> memref<80x128xf32, #tpu.memory_space<hbm>>
        %dma_wait3A_87 = arith.constant 0 : i32
        %dma_wait3A_88 = tpu.memref_slice %arg6[%add3A_80, %dma_wait3A_87] : memref<79360x128xf32, #tpu.memory_space<hbm>> -> memref<80x128xf32, #tpu.memory_space<hbm>>
        tpu.wait_dma2 semaphore(%arg14 : memref<!tpu.dma_semaphore, #tpu.memory_space<semaphore_mem>>) src(%arg10 : memref<80x128xf32, #tpu.memory_space<vmem>>) dst(%dma_wait3A_88 : memref<80x128xf32, #tpu.memory_space<hbm>>)
        %add3A_89 = arith.constant 2 : i32
        %add3A_90 = arith.addi %add3A_54, %add3A_89 : i32
        %lt3A_91 = arith.constant 31 : i32
        %lt3A_92 = arith.cmpi slt, %add3A_90, %lt3A_91 : i32
        %convert_element_type3A_93 = arith.extui %lt3A_92 : i1 to i32
        %cond3A_94 = arith.constant 0 : i32
        %cond3A_95 = arith.cmpi ne, %convert_element_type3A_93, %cond3A_94 : i32
        scf.if %cond3A_95 {
          %add3A_96 = arith.constant 2 : i32
          %add3A_97 = arith.addi %add3A_54, %add3A_96 : i32
          %dma_start3A_98 = arith.constant 0 : i32
          %dma_start3A_99 = tpu.memref_slice %arg7[%add3A_97, %dma_start3A_98] : memref<31x80xi32, #tpu.memory_space<vmem>> -> memref<1x80xi32, #tpu.memory_space<vmem>>
          %dma_start3A_100 = tpu.memref_squeeze %dma_start3A_99 : memref<1x80xi32, #tpu.memory_space<vmem>> -> memref<80xi32, #tpu.memory_space<vmem>>
          %dma_start3A_101 = arith.constant 0 : i32
          %dma_start3A_102 = arith.constant 0 : i32
          %dma_start3A_103 = tpu.memref_slice %arg2[%dma_start3A_101, %dma_start3A_102] : memref<10000x128xf32, #tpu.memory_space<hbm>> -> memref<10000x128xf32, #tpu.memory_space<hbm>>
          tpu.enqueue_indirect_dma source(%dma_start3A_103 : memref<10000x128xf32, #tpu.memory_space<hbm>>) target(%arg10 : memref<80x128xf32, #tpu.memory_space<vmem>>) offsets(%dma_start3A_100 : memref<80xi32, #tpu.memory_space<vmem>>) semaphore(%arg14 : memref<!tpu.dma_semaphore, #tpu.memory_space<semaphore_mem>>)
          %dma_start3A_104 = arith.constant 0 : i32
          %dma_start3A_105 = tpu.memref_slice %arg8[%add3A_97, %dma_start3A_104] : memref<31x80xi32, #tpu.memory_space<vmem>> -> memref<1x80xi32, #tpu.memory_space<vmem>>
          %dma_start3A_106 = tpu.memref_squeeze %dma_start3A_105 : memref<1x80xi32, #tpu.memory_space<vmem>> -> memref<80xi32, #tpu.memory_space<vmem>>
          %dma_start3A_107 = arith.constant 0 : i32
          %dma_start3A_108 = arith.constant 0 : i32
          %dma_start3A_109 = tpu.memref_slice %arg3[%dma_start3A_107, %dma_start3A_108] : memref<10000x128xf32, #tpu.memory_space<hbm>> -> memref<10000x128xf32, #tpu.memory_space<hbm>>
          tpu.enqueue_indirect_dma source(%dma_start3A_109 : memref<10000x128xf32, #tpu.memory_space<hbm>>) target(%arg12 : memref<80x128xf32, #tpu.memory_space<vmem>>) offsets(%dma_start3A_106 : memref<80xi32, #tpu.memory_space<vmem>>) semaphore(%arg16 : memref<!tpu.dma_semaphore, #tpu.memory_space<semaphore_mem>>)
        } else {
        }
      } else {
      }
    }
    %scan3A_39 = arith.constant 16 : i32
    return
  }
}

#map = affine_map<(d0, d1) -> (0, 0)>
module attributes {stable_mosaic.version = 14 : i64} {
  func.func @_segsum_deg_body(%arg0: i32, %arg1: i32, %arg2: memref<20000x64xf32, #tpu.memory_space<hbm>>, %arg3: memref<4000x80xi32, #tpu.memory_space<hbm>>, %arg4: memref<4000x80xi32, #tpu.memory_space<hbm>>, %arg5: memref<4000x80xi32, #tpu.memory_space<hbm>>, %arg6: memref<20000x64xf32, #tpu.memory_space<hbm>>, %arg7: memref<20000x16xf32, #tpu.memory_space<hbm>>, %arg8: memref<80x16xf32, #tpu.memory_space<hbm>>, %arg9: memref<20000x128xf32, #tpu.memory_space<hbm>>, %arg10: memref<20000x32xf32, #tpu.memory_space<hbm>>, %arg11: memref<50x80xi32, #tpu.memory_space<vmem>>, %arg12: memref<50x80xi32, #tpu.memory_space<vmem>>, %arg13: memref<50x80xi32, #tpu.memory_space<vmem>>, %arg14: memref<80x64xf32, #tpu.memory_space<vmem>>, %arg15: memref<80x64xf32, #tpu.memory_space<vmem>>, %arg16: memref<80x16xf32, #tpu.memory_space<vmem>>, %arg17: memref<20000x64xf32, #tpu.memory_space<vmem_shared>>, %arg18: memref<20000x16xf32, #tpu.memory_space<vmem_shared>>, %arg19: memref<!tpu.dma_semaphore, #tpu.memory_space<semaphore_mem>>, %arg20: memref<!tpu.dma_semaphore, #tpu.memory_space<semaphore_mem>>) attributes {dimension_semantics = [#tpu.dimension_semantics<core_parallel>, #tpu.dimension_semantics<subcore_parallel>], iteration_bounds = array<i64: 2, 16>, scalar_prefetch = 0 : i64, scratch_operands = 10 : i64, tpu.core_type = #tpu.core_type<sc_vector_subcore>, window_params = [{transform_indices = #map}, {transform_indices = #map}, {transform_indices = #map}, {transform_indices = #map}, {transform_indices = #map}, {transform_indices = #map}, {transform_indices = #map}, {transform_indices = #map}, {transform_indices = #map}]} {
    %mul3A = arith.constant 1250 : i32
    %mul3A_0 = arith.muli %arg1, %mul3A : i32
    %mul3A_1 = arith.constant 1250 : i32
    %mul3A_2 = arith.muli %arg1, %mul3A_1 : i32
    "tpu.region"() ({
      %run_scoped3A = tpu.sem_alloc : memref<!tpu.dma_semaphore, #tpu.memory_space<semaphore_mem>>
      %dma_start3A = arith.constant 0 : i32
      %dma_start3A_26 = tpu.memref_slice %arg17[%mul3A_2, %dma_start3A] : memref<20000x64xf32, #tpu.memory_space<vmem_shared>> -> memref<1250x64xf32, #tpu.memory_space<vmem_shared>>
      %dma_start3A_27 = arith.constant 0 : i32
      %dma_start3A_28 = tpu.memref_slice %arg6[%mul3A_0, %dma_start3A_27] : memref<20000x64xf32, #tpu.memory_space<hbm>> -> memref<1250x64xf32, #tpu.memory_space<hbm>>
      tpu.enqueue_dma source(%dma_start3A_28 : memref<1250x64xf32, #tpu.memory_space<hbm>>) target(%dma_start3A_26 : memref<1250x64xf32, #tpu.memory_space<vmem_shared>>) target_semaphore(%run_scoped3A : memref<!tpu.dma_semaphore, #tpu.memory_space<semaphore_mem>>)
      %dma_wait3A = arith.constant 0 : i32
      %dma_wait3A_29 = tpu.memref_slice %arg17[%mul3A_2, %dma_wait3A] : memref<20000x64xf32, #tpu.memory_space<vmem_shared>> -> memref<1250x64xf32, #tpu.memory_space<vmem_shared>>
      %dma_wait3A_30 = arith.constant 0 : i32
      %dma_wait3A_31 = tpu.memref_slice %arg6[%mul3A_0, %dma_wait3A_30] : memref<20000x64xf32, #tpu.memory_space<hbm>> -> memref<1250x64xf32, #tpu.memory_space<hbm>>
      tpu.wait_dma2 semaphore(%run_scoped3A : memref<!tpu.dma_semaphore, #tpu.memory_space<semaphore_mem>>) src(%dma_wait3A_31 : memref<1250x64xf32, #tpu.memory_space<hbm>>) dst(%dma_wait3A_29 : memref<1250x64xf32, #tpu.memory_space<vmem_shared>>)
      tpu.yield
    }) : () -> ()
    %mul3A_3 = arith.constant 1250 : i32
    %mul3A_4 = arith.muli %arg1, %mul3A_3 : i32
    %mul3A_5 = arith.constant 1250 : i32
    %mul3A_6 = arith.muli %arg1, %mul3A_5 : i32
    "tpu.region"() ({
      %run_scoped3A = tpu.sem_alloc : memref<!tpu.dma_semaphore, #tpu.memory_space<semaphore_mem>>
      %dma_start3A = arith.constant 0 : i32
      %dma_start3A_26 = tpu.memref_slice %arg18[%mul3A_6, %dma_start3A] : memref<20000x16xf32, #tpu.memory_space<vmem_shared>> -> memref<1250x16xf32, #tpu.memory_space<vmem_shared>>
      %dma_start3A_27 = arith.constant 0 : i32
      %dma_start3A_28 = tpu.memref_slice %arg7[%mul3A_4, %dma_start3A_27] : memref<20000x16xf32, #tpu.memory_space<hbm>> -> memref<1250x16xf32, #tpu.memory_space<hbm>>
      tpu.enqueue_dma source(%dma_start3A_28 : memref<1250x16xf32, #tpu.memory_space<hbm>>) target(%dma_start3A_26 : memref<1250x16xf32, #tpu.memory_space<vmem_shared>>) target_semaphore(%run_scoped3A : memref<!tpu.dma_semaphore, #tpu.memory_space<semaphore_mem>>)
      %dma_wait3A = arith.constant 0 : i32
      %dma_wait3A_29 = tpu.memref_slice %arg18[%mul3A_6, %dma_wait3A] : memref<20000x16xf32, #tpu.memory_space<vmem_shared>> -> memref<1250x16xf32, #tpu.memory_space<vmem_shared>>
      %dma_wait3A_30 = arith.constant 0 : i32
      %dma_wait3A_31 = tpu.memref_slice %arg7[%mul3A_4, %dma_wait3A_30] : memref<20000x16xf32, #tpu.memory_space<hbm>> -> memref<1250x16xf32, #tpu.memory_space<hbm>>
      tpu.wait_dma2 semaphore(%run_scoped3A : memref<!tpu.dma_semaphore, #tpu.memory_space<semaphore_mem>>) src(%dma_wait3A_31 : memref<1250x16xf32, #tpu.memory_space<hbm>>) dst(%dma_wait3A_29 : memref<1250x16xf32, #tpu.memory_space<vmem_shared>>)
      tpu.yield
    }) : () -> ()
    "tpu.region"() ({
      %run_scoped3A = tpu.sem_alloc : memref<!tpu.dma_semaphore, #tpu.memory_space<semaphore_mem>>
      tpu.enqueue_dma source(%arg8 : memref<80x16xf32, #tpu.memory_space<hbm>>) target(%arg16 : memref<80x16xf32, #tpu.memory_space<vmem>>) target_semaphore(%run_scoped3A : memref<!tpu.dma_semaphore, #tpu.memory_space<semaphore_mem>>)
      tpu.wait_dma2 semaphore(%run_scoped3A : memref<!tpu.dma_semaphore, #tpu.memory_space<semaphore_mem>>) src(%arg8 : memref<80x16xf32, #tpu.memory_space<hbm>>) dst(%arg16 : memref<80x16xf32, #tpu.memory_space<vmem>>)
      tpu.yield
    }) : () -> ()
    %mul3A_7 = arith.constant 250 : i32
    %mul3A_8 = arith.muli %arg1, %mul3A_7 : i32
    %barrier3A = arith.constant 0 : index
    tpu.barrier barrier_id(%barrier3A)
    %scan3A = arith.constant 0 : i32
    %scan3A_9 = arith.constant 5 : i32
    %scan3A_10 = arith.addi %scan3A, %scan3A_9 : i32
    %scan3A_11 = arith.constant 1 : i32
    scf.for %scan3A_26 = %scan3A to %scan3A_10 step %scan3A_11  : i32 {
      %mul3A_27 = arith.constant 1 : i32
      %mul3A_28 = arith.muli %scan3A_26, %mul3A_27 : i32
      %add3A = arith.constant 0 : i32
      %add3A_29 = arith.addi %add3A, %mul3A_28 : i32
      %mul3A_30 = arith.constant 50 : i32
      %mul3A_31 = arith.muli %add3A_29, %mul3A_30 : i32
      %add3A_32 = arith.addi %mul3A_8, %mul3A_31 : i32
      "tpu.region"() ({
        %run_scoped3A = tpu.sem_alloc : memref<!tpu.dma_semaphore, #tpu.memory_space<semaphore_mem>>
        %dma_start3A_56 = arith.constant 0 : i32
        %dma_start3A_57 = tpu.memref_slice %arg3[%add3A_32, %dma_start3A_56] : memref<4000x80xi32, #tpu.memory_space<hbm>> -> memref<50x80xi32, #tpu.memory_space<hbm>>
        %dma_start3A_58 = arith.constant 0 : i32
        %dma_start3A_59 = tpu.memref_slice %arg3[%add3A_32, %dma_start3A_58] : memref<4000x80xi32, #tpu.memory_space<hbm>> -> memref<50x80xi32, #tpu.memory_space<hbm>>
        tpu.enqueue_dma source(%dma_start3A_59 : memref<50x80xi32, #tpu.memory_space<hbm>>) target(%arg11 : memref<50x80xi32, #tpu.memory_space<vmem>>) target_semaphore(%run_scoped3A : memref<!tpu.dma_semaphore, #tpu.memory_space<semaphore_mem>>)
        %dma_wait3A = arith.constant 0 : i32
        %dma_wait3A_60 = tpu.memref_slice %arg3[%add3A_32, %dma_wait3A] : memref<4000x80xi32, #tpu.memory_space<hbm>> -> memref<50x80xi32, #tpu.memory_space<hbm>>
        %dma_wait3A_61 = arith.constant 0 : i32
        %dma_wait3A_62 = tpu.memref_slice %arg3[%add3A_32, %dma_wait3A_61] : memref<4000x80xi32, #tpu.memory_space<hbm>> -> memref<50x80xi32, #tpu.memory_space<hbm>>
        tpu.wait_dma2 semaphore(%run_scoped3A : memref<!tpu.dma_semaphore, #tpu.memory_space<semaphore_mem>>) src(%dma_wait3A_62 : memref<50x80xi32, #tpu.memory_space<hbm>>) dst(%arg11 : memref<50x80xi32, #tpu.memory_space<vmem>>)
        tpu.yield
      }) : () -> ()
      "tpu.region"() ({
        %run_scoped3A = tpu.sem_alloc : memref<!tpu.dma_semaphore, #tpu.memory_space<semaphore_mem>>
        %dma_start3A_56 = arith.constant 0 : i32
        %dma_start3A_57 = tpu.memref_slice %arg4[%add3A_32, %dma_start3A_56] : memref<4000x80xi32, #tpu.memory_space<hbm>> -> memref<50x80xi32, #tpu.memory_space<hbm>>
        %dma_start3A_58 = arith.constant 0 : i32
        %dma_start3A_59 = tpu.memref_slice %arg4[%add3A_32, %dma_start3A_58] : memref<4000x80xi32, #tpu.memory_space<hbm>> -> memref<50x80xi32, #tpu.memory_space<hbm>>
        tpu.enqueue_dma source(%dma_start3A_59 : memref<50x80xi32, #tpu.memory_space<hbm>>) target(%arg12 : memref<50x80xi32, #tpu.memory_space<vmem>>) target_semaphore(%run_scoped3A : memref<!tpu.dma_semaphore, #tpu.memory_space<semaphore_mem>>)
        %dma_wait3A = arith.constant 0 : i32
        %dma_wait3A_60 = tpu.memref_slice %arg4[%add3A_32, %dma_wait3A] : memref<4000x80xi32, #tpu.memory_space<hbm>> -> memref<50x80xi32, #tpu.memory_space<hbm>>
        %dma_wait3A_61 = arith.constant 0 : i32
        %dma_wait3A_62 = tpu.memref_slice %arg4[%add3A_32, %dma_wait3A_61] : memref<4000x80xi32, #tpu.memory_space<hbm>> -> memref<50x80xi32, #tpu.memory_space<hbm>>
        tpu.wait_dma2 semaphore(%run_scoped3A : memref<!tpu.dma_semaphore, #tpu.memory_space<semaphore_mem>>) src(%dma_wait3A_62 : memref<50x80xi32, #tpu.memory_space<hbm>>) dst(%arg12 : memref<50x80xi32, #tpu.memory_space<vmem>>)
        tpu.yield
      }) : () -> ()
      "tpu.region"() ({
        %run_scoped3A = tpu.sem_alloc : memref<!tpu.dma_semaphore, #tpu.memory_space<semaphore_mem>>
        %dma_start3A_56 = arith.constant 0 : i32
        %dma_start3A_57 = tpu.memref_slice %arg5[%add3A_32, %dma_start3A_56] : memref<4000x80xi32, #tpu.memory_space<hbm>> -> memref<50x80xi32, #tpu.memory_space<hbm>>
        %dma_start3A_58 = arith.constant 0 : i32
        %dma_start3A_59 = tpu.memref_slice %arg5[%add3A_32, %dma_start3A_58] : memref<4000x80xi32, #tpu.memory_space<hbm>> -> memref<50x80xi32, #tpu.memory_space<hbm>>
        tpu.enqueue_dma source(%dma_start3A_59 : memref<50x80xi32, #tpu.memory_space<hbm>>) target(%arg13 : memref<50x80xi32, #tpu.memory_space<vmem>>) target_semaphore(%run_scoped3A : memref<!tpu.dma_semaphore, #tpu.memory_space<semaphore_mem>>)
        %dma_wait3A = arith.constant 0 : i32
        %dma_wait3A_60 = tpu.memref_slice %arg5[%add3A_32, %dma_wait3A] : memref<4000x80xi32, #tpu.memory_space<hbm>> -> memref<50x80xi32, #tpu.memory_space<hbm>>
        %dma_wait3A_61 = arith.constant 0 : i32
        %dma_wait3A_62 = tpu.memref_slice %arg5[%add3A_32, %dma_wait3A_61] : memref<4000x80xi32, #tpu.memory_space<hbm>> -> memref<50x80xi32, #tpu.memory_space<hbm>>
        tpu.wait_dma2 semaphore(%run_scoped3A : memref<!tpu.dma_semaphore, #tpu.memory_space<semaphore_mem>>) src(%dma_wait3A_62 : memref<50x80xi32, #tpu.memory_space<hbm>>) dst(%arg13 : memref<50x80xi32, #tpu.memory_space<vmem>>)
        tpu.yield
      }) : () -> ()
      %scan3A_33 = arith.constant 0 : i32
      %scan3A_34 = arith.constant 50 : i32
      %scan3A_35 = arith.addi %scan3A_33, %scan3A_34 : i32
      %scan3A_36 = arith.constant 1 : i32
      scf.for %scan3A_56 = %scan3A_33 to %scan3A_35 step %scan3A_36  : i32 {
        %mul3A_57 = arith.constant 1 : i32
        %mul3A_58 = arith.muli %scan3A_56, %mul3A_57 : i32
        %add3A_59 = arith.constant 0 : i32
        %add3A_60 = arith.addi %add3A_59, %mul3A_58 : i32
        %get3A = arith.index_cast %add3A_60 : i32 to index
        %get3A_61 = arith.constant 0 : index
        %get3A_62 = tpu.vector_load %arg11[%get3A, %get3A_61] {strides = array<i32>} : memref<50x80xi32, #tpu.memory_space<vmem>>, vector<1x16xi32>,
        %get3A_63 = vector.shape_cast %get3A_62 : vector<1x16xi32> to vector<16xi32>
        %get3A_64 = arith.index_cast %add3A_60 : i32 to index
        %get3A_65 = arith.constant 0 : index
        %get3A_66 = tpu.vector_load %arg11[%get3A_64, %get3A_65] {strides = array<i32>} : memref<50x80xi32, #tpu.memory_space<vmem>>, vector<1x16xi32>,
        %get3A_67 = vector.shape_cast %get3A_66 : vector<1x16xi32> to vector<16xi32>
        %add3A_68 = arith.addi %get3A_63, %get3A_67 : vector<16xi32>
        %add3A_69 = vector.broadcast %arg0 : i32 to vector<16xi32>
        %add3A_70 = arith.addi %add3A_68, %add3A_69 : vector<16xi32>
        %swap3A = arith.index_cast %add3A_60 : i32 to index
        %swap3A_71 = arith.constant 0 : index
        %swap3A_72 = tpu.vector_load %arg11[%swap3A, %swap3A_71] {strides = array<i32>} : memref<50x80xi32, #tpu.memory_space<vmem>>, vector<1x16xi32>,
        %swap3A_73 = vector.shape_cast %swap3A_72 : vector<1x16xi32> to vector<16xi32>
        %swap3A_74 = vector.shape_cast %add3A_70 : vector<16xi32> to vector<1x16xi32>
        tpu.vector_store %arg11[%swap3A, %swap3A_71], %swap3A_74 {strides = array<i32>} : memref<50x80xi32, #tpu.memory_space<vmem>>, vector<1x16xi32>,
        %get3A_75 = arith.index_cast %add3A_60 : i32 to index
        %get3A_76 = arith.constant 0 : index
        %get3A_77 = tpu.vector_load %arg12[%get3A_75, %get3A_76] {strides = array<i32>} : memref<50x80xi32, #tpu.memory_space<vmem>>, vector<1x16xi32>,
        %get3A_78 = vector.shape_cast %get3A_77 : vector<1x16xi32> to vector<16xi32>
        %get3A_79 = arith.index_cast %add3A_60 : i32 to index
        %get3A_80 = arith.constant 0 : index
        %get3A_81 = tpu.vector_load %arg13[%get3A_79, %get3A_80] {strides = array<i32>} : memref<50x80xi32, #tpu.memory_space<vmem>>, vector<1x16xi32>,
        %get3A_82 = vector.shape_cast %get3A_81 : vector<1x16xi32> to vector<16xi32>
        %mul3A_83 = arith.constant 10000 : i32
        %mul3A_84 = vector.broadcast %mul3A_83 : i32 to vector<16xi32>
        %mul3A_85 = arith.muli %get3A_82, %mul3A_84 : vector<16xi32>
        %add3A_86 = arith.addi %get3A_78, %mul3A_85 : vector<16xi32>
        %swap3A_87 = arith.index_cast %add3A_60 : i32 to index
        %swap3A_88 = arith.constant 0 : index
        %swap3A_89 = tpu.vector_load %arg12[%swap3A_87, %swap3A_88] {strides = array<i32>} : memref<50x80xi32, #tpu.memory_space<vmem>>, vector<1x16xi32>,
        %swap3A_90 = vector.shape_cast %swap3A_89 : vector<1x16xi32> to vector<16xi32>
        %swap3A_91 = vector.shape_cast %add3A_86 : vector<16xi32> to vector<1x16xi32>
        tpu.vector_store %arg12[%swap3A_87, %swap3A_88], %swap3A_91 {strides = array<i32>} : memref<50x80xi32, #tpu.memory_space<vmem>>, vector<1x16xi32>,
        %get3A_92 = arith.index_cast %add3A_60 : i32 to index
        %get3A_93 = arith.constant 16 : index
        %get3A_94 = tpu.vector_load %arg11[%get3A_92, %get3A_93] {strides = array<i32>} : memref<50x80xi32, #tpu.memory_space<vmem>>, vector<1x16xi32>,
        %get3A_95 = vector.shape_cast %get3A_94 : vector<1x16xi32> to vector<16xi32>
        %get3A_96 = arith.index_cast %add3A_60 : i32 to index
        %get3A_97 = arith.constant 16 : index
        %get3A_98 = tpu.vector_load %arg11[%get3A_96, %get3A_97] {strides = array<i32>} : memref<50x80xi32, #tpu.memory_space<vmem>>, vector<1x16xi32>,
        %get3A_99 = vector.shape_cast %get3A_98 : vector<1x16xi32> to vector<16xi32>
        %add3A_100 = arith.addi %get3A_95, %get3A_99 : vector<16xi32>
        %add3A_101 = vector.broadcast %arg0 : i32 to vector<16xi32>
        %add3A_102 = arith.addi %add3A_100, %add3A_101 : vector<16xi32>
        %swap3A_103 = arith.index_cast %add3A_60 : i32 to index
        %swap3A_104 = arith.constant 16 : index
        %swap3A_105 = tpu.vector_load %arg11[%swap3A_103, %swap3A_104] {strides = array<i32>} : memref<50x80xi32, #tpu.memory_space<vmem>>, vector<1x16xi32>,
        %swap3A_106 = vector.shape_cast %swap3A_105 : vector<1x16xi32> to vector<16xi32>
        %swap3A_107 = vector.shape_cast %add3A_102 : vector<16xi32> to vector<1x16xi32>
        tpu.vector_store %arg11[%swap3A_103, %swap3A_104], %swap3A_107 {strides = array<i32>} : memref<50x80xi32, #tpu.memory_space<vmem>>, vector<1x16xi32>,
        %get3A_108 = arith.index_cast %add3A_60 : i32 to index
        %get3A_109 = arith.constant 16 : index
        %get3A_110 = tpu.vector_load %arg12[%get3A_108, %get3A_109] {strides = array<i32>} : memref<50x80xi32, #tpu.memory_space<vmem>>, vector<1x16xi32>,
        %get3A_111 = vector.shape_cast %get3A_110 : vector<1x16xi32> to vector<16xi32>
        %get3A_112 = arith.index_cast %add3A_60 : i32 to index
        %get3A_113 = arith.constant 16 : index
        %get3A_114 = tpu.vector_load %arg13[%get3A_112, %get3A_113] {strides = array<i32>} : memref<50x80xi32, #tpu.memory_space<vmem>>, vector<1x16xi32>,
        %get3A_115 = vector.shape_cast %get3A_114 : vector<1x16xi32> to vector<16xi32>
        %mul3A_116 = arith.constant 10000 : i32
        %mul3A_117 = vector.broadcast %mul3A_116 : i32 to vector<16xi32>
        %mul3A_118 = arith.muli %get3A_115, %mul3A_117 : vector<16xi32>
        %add3A_119 = arith.addi %get3A_111, %mul3A_118 : vector<16xi32>
        %swap3A_120 = arith.index_cast %add3A_60 : i32 to index
        %swap3A_121 = arith.constant 16 : index
        %swap3A_122 = tpu.vector_load %arg12[%swap3A_120, %swap3A_121] {strides = array<i32>} : memref<50x80xi32, #tpu.memory_space<vmem>>, vector<1x16xi32>,
        %swap3A_123 = vector.shape_cast %swap3A_122 : vector<1x16xi32> to vector<16xi32>
        %swap3A_124 = vector.shape_cast %add3A_119 : vector<16xi32> to vector<1x16xi32>
        tpu.vector_store %arg12[%swap3A_120, %swap3A_121], %swap3A_124 {strides = array<i32>} : memref<50x80xi32, #tpu.memory_space<vmem>>, vector<1x16xi32>,
        %get3A_125 = arith.index_cast %add3A_60 : i32 to index
        %get3A_126 = arith.constant 32 : index
        %get3A_127 = tpu.vector_load %arg11[%get3A_125, %get3A_126] {strides = array<i32>} : memref<50x80xi32, #tpu.memory_space<vmem>>, vector<1x16xi32>,
        %get3A_128 = vector.shape_cast %get3A_127 : vector<1x16xi32> to vector<16xi32>
        %get3A_129 = arith.index_cast %add3A_60 : i32 to index
        %get3A_130 = arith.constant 32 : index
        %get3A_131 = tpu.vector_load %arg11[%get3A_129, %get3A_130] {strides = array<i32>} : memref<50x80xi32, #tpu.memory_space<vmem>>, vector<1x16xi32>,
        %get3A_132 = vector.shape_cast %get3A_131 : vector<1x16xi32> to vector<16xi32>
        %add3A_133 = arith.addi %get3A_128, %get3A_132 : vector<16xi32>
        %add3A_134 = vector.broadcast %arg0 : i32 to vector<16xi32>
        %add3A_135 = arith.addi %add3A_133, %add3A_134 : vector<16xi32>
        %swap3A_136 = arith.index_cast %add3A_60 : i32 to index
        %swap3A_137 = arith.constant 32 : index
        %swap3A_138 = tpu.vector_load %arg11[%swap3A_136, %swap3A_137] {strides = array<i32>} : memref<50x80xi32, #tpu.memory_space<vmem>>, vector<1x16xi32>,
        %swap3A_139 = vector.shape_cast %swap3A_138 : vector<1x16xi32> to vector<16xi32>
        %swap3A_140 = vector.shape_cast %add3A_135 : vector<16xi32> to vector<1x16xi32>
        tpu.vector_store %arg11[%swap3A_136, %swap3A_137], %swap3A_140 {strides = array<i32>} : memref<50x80xi32, #tpu.memory_space<vmem>>, vector<1x16xi32>,
        %get3A_141 = arith.index_cast %add3A_60 : i32 to index
        %get3A_142 = arith.constant 32 : index
        %get3A_143 = tpu.vector_load %arg12[%get3A_141, %get3A_142] {strides = array<i32>} : memref<50x80xi32, #tpu.memory_space<vmem>>, vector<1x16xi32>,
        %get3A_144 = vector.shape_cast %get3A_143 : vector<1x16xi32> to vector<16xi32>
        %get3A_145 = arith.index_cast %add3A_60 : i32 to index
        %get3A_146 = arith.constant 32 : index
        %get3A_147 = tpu.vector_load %arg13[%get3A_145, %get3A_146] {strides = array<i32>} : memref<50x80xi32, #tpu.memory_space<vmem>>, vector<1x16xi32>,
        %get3A_148 = vector.shape_cast %get3A_147 : vector<1x16xi32> to vector<16xi32>
        %mul3A_149 = arith.constant 10000 : i32
        %mul3A_150 = vector.broadcast %mul3A_149 : i32 to vector<16xi32>
        %mul3A_151 = arith.muli %get3A_148, %mul3A_150 : vector<16xi32>
        %add3A_152 = arith.addi %get3A_144, %mul3A_151 : vector<16xi32>
        %swap3A_153 = arith.index_cast %add3A_60 : i32 to index
        %swap3A_154 = arith.constant 32 : index
        %swap3A_155 = tpu.vector_load %arg12[%swap3A_153, %swap3A_154] {strides = array<i32>} : memref<50x80xi32, #tpu.memory_space<vmem>>, vector<1x16xi32>,
        %swap3A_156 = vector.shape_cast %swap3A_155 : vector<1x16xi32> to vector<16xi32>
        %swap3A_157 = vector.shape_cast %add3A_152 : vector<16xi32> to vector<1x16xi32>
        tpu.vector_store %arg12[%swap3A_153, %swap3A_154], %swap3A_157 {strides = array<i32>} : memref<50x80xi32, #tpu.memory_space<vmem>>, vector<1x16xi32>,
        %get3A_158 = arith.index_cast %add3A_60 : i32 to index
        %get3A_159 = arith.constant 48 : index
        %get3A_160 = tpu.vector_load %arg11[%get3A_158, %get3A_159] {strides = array<i32>} : memref<50x80xi32, #tpu.memory_space<vmem>>, vector<1x16xi32>,
        %get3A_161 = vector.shape_cast %get3A_160 : vector<1x16xi32> to vector<16xi32>
        %get3A_162 = arith.index_cast %add3A_60 : i32 to index
        %get3A_163 = arith.constant 48 : index
        %get3A_164 = tpu.vector_load %arg11[%get3A_162, %get3A_163] {strides = array<i32>} : memref<50x80xi32, #tpu.memory_space<vmem>>, vector<1x16xi32>,
        %get3A_165 = vector.shape_cast %get3A_164 : vector<1x16xi32> to vector<16xi32>
        %add3A_166 = arith.addi %get3A_161, %get3A_165 : vector<16xi32>
        %add3A_167 = vector.broadcast %arg0 : i32 to vector<16xi32>
        %add3A_168 = arith.addi %add3A_166, %add3A_167 : vector<16xi32>
        %swap3A_169 = arith.index_cast %add3A_60 : i32 to index
        %swap3A_170 = arith.constant 48 : index
        %swap3A_171 = tpu.vector_load %arg11[%swap3A_169, %swap3A_170] {strides = array<i32>} : memref<50x80xi32, #tpu.memory_space<vmem>>, vector<1x16xi32>,
        %swap3A_172 = vector.shape_cast %swap3A_171 : vector<1x16xi32> to vector<16xi32>
        %swap3A_173 = vector.shape_cast %add3A_168 : vector<16xi32> to vector<1x16xi32>
        tpu.vector_store %arg11[%swap3A_169, %swap3A_170], %swap3A_173 {strides = array<i32>} : memref<50x80xi32, #tpu.memory_space<vmem>>, vector<1x16xi32>,
        %get3A_174 = arith.index_cast %add3A_60 : i32 to index
        %get3A_175 = arith.constant 48 : index
        %get3A_176 = tpu.vector_load %arg12[%get3A_174, %get3A_175] {strides = array<i32>} : memref<50x80xi32, #tpu.memory_space<vmem>>, vector<1x16xi32>,
        %get3A_177 = vector.shape_cast %get3A_176 : vector<1x16xi32> to vector<16xi32>
        %get3A_178 = arith.index_cast %add3A_60 : i32 to index
        %get3A_179 = arith.constant 48 : index
        %get3A_180 = tpu.vector_load %arg13[%get3A_178, %get3A_179] {strides = array<i32>} : memref<50x80xi32, #tpu.memory_space<vmem>>, vector<1x16xi32>,
        %get3A_181 = vector.shape_cast %get3A_180 : vector<1x16xi32> to vector<16xi32>
        %mul3A_182 = arith.constant 10000 : i32
        %mul3A_183 = vector.broadcast %mul3A_182 : i32 to vector<16xi32>
        %mul3A_184 = arith.muli %get3A_181, %mul3A_183 : vector<16xi32>
        %add3A_185 = arith.addi %get3A_177, %mul3A_184 : vector<16xi32>
        %swap3A_186 = arith.index_cast %add3A_60 : i32 to index
        %swap3A_187 = arith.constant 48 : index
        %swap3A_188 = tpu.vector_load %arg12[%swap3A_186, %swap3A_187] {strides = array<i32>} : memref<50x80xi32, #tpu.memory_space<vmem>>, vector<1x16xi32>,
        %swap3A_189 = vector.shape_cast %swap3A_188 : vector<1x16xi32> to vector<16xi32>
        %swap3A_190 = vector.shape_cast %add3A_185 : vector<16xi32> to vector<1x16xi32>
        tpu.vector_store %arg12[%swap3A_186, %swap3A_187], %swap3A_190 {strides = array<i32>} : memref<50x80xi32, #tpu.memory_space<vmem>>, vector<1x16xi32>,
        %get3A_191 = arith.index_cast %add3A_60 : i32 to index
        %get3A_192 = arith.constant 64 : index
        %get3A_193 = tpu.vector_load %arg11[%get3A_191, %get3A_192] {strides = array<i32>} : memref<50x80xi32, #tpu.memory_space<vmem>>, vector<1x16xi32>,
        %get3A_194 = vector.shape_cast %get3A_193 : vector<1x16xi32> to vector<16xi32>
        %get3A_195 = arith.index_cast %add3A_60 : i32 to index
        %get3A_196 = arith.constant 64 : index
        %get3A_197 = tpu.vector_load %arg11[%get3A_195, %get3A_196] {strides = array<i32>} : memref<50x80xi32, #tpu.memory_space<vmem>>, vector<1x16xi32>,
        %get3A_198 = vector.shape_cast %get3A_197 : vector<1x16xi32> to vector<16xi32>
        %add3A_199 = arith.addi %get3A_194, %get3A_198 : vector<16xi32>
        %add3A_200 = vector.broadcast %arg0 : i32 to vector<16xi32>
        %add3A_201 = arith.addi %add3A_199, %add3A_200 : vector<16xi32>
        %swap3A_202 = arith.index_cast %add3A_60 : i32 to index
        %swap3A_203 = arith.constant 64 : index
        %swap3A_204 = tpu.vector_load %arg11[%swap3A_202, %swap3A_203] {strides = array<i32>} : memref<50x80xi32, #tpu.memory_space<vmem>>, vector<1x16xi32>,
        %swap3A_205 = vector.shape_cast %swap3A_204 : vector<1x16xi32> to vector<16xi32>
        %swap3A_206 = vector.shape_cast %add3A_201 : vector<16xi32> to vector<1x16xi32>
        tpu.vector_store %arg11[%swap3A_202, %swap3A_203], %swap3A_206 {strides = array<i32>} : memref<50x80xi32, #tpu.memory_space<vmem>>, vector<1x16xi32>,
        %get3A_207 = arith.index_cast %add3A_60 : i32 to index
        %get3A_208 = arith.constant 64 : index
        %get3A_209 = tpu.vector_load %arg12[%get3A_207, %get3A_208] {strides = array<i32>} : memref<50x80xi32, #tpu.memory_space<vmem>>, vector<1x16xi32>,
        %get3A_210 = vector.shape_cast %get3A_209 : vector<1x16xi32> to vector<16xi32>
        %get3A_211 = arith.index_cast %add3A_60 : i32 to index
        %get3A_212 = arith.constant 64 : index
        %get3A_213 = tpu.vector_load %arg13[%get3A_211, %get3A_212] {strides = array<i32>} : memref<50x80xi32, #tpu.memory_space<vmem>>, vector<1x16xi32>,
        %get3A_214 = vector.shape_cast %get3A_213 : vector<1x16xi32> to vector<16xi32>
        %mul3A_215 = arith.constant 10000 : i32
        %mul3A_216 = vector.broadcast %mul3A_215 : i32 to vector<16xi32>
        %mul3A_217 = arith.muli %get3A_214, %mul3A_216 : vector<16xi32>
        %add3A_218 = arith.addi %get3A_210, %mul3A_217 : vector<16xi32>
        %swap3A_219 = arith.index_cast %add3A_60 : i32 to index
        %swap3A_220 = arith.constant 64 : index
        %swap3A_221 = tpu.vector_load %arg12[%swap3A_219, %swap3A_220] {strides = array<i32>} : memref<50x80xi32, #tpu.memory_space<vmem>>, vector<1x16xi32>,
        %swap3A_222 = vector.shape_cast %swap3A_221 : vector<1x16xi32> to vector<16xi32>
        %swap3A_223 = vector.shape_cast %add3A_218 : vector<16xi32> to vector<1x16xi32>
        tpu.vector_store %arg12[%swap3A_219, %swap3A_220], %swap3A_223 {strides = array<i32>} : memref<50x80xi32, #tpu.memory_space<vmem>>, vector<1x16xi32>,
      }
      %scan3A_37 = arith.constant 50 : i32
      %dma_start3A = arith.constant 0 : i32
      %dma_start3A_38 = arith.constant 0 : i32
      %dma_start3A_39 = tpu.memref_slice %arg11[%dma_start3A, %dma_start3A_38] : memref<50x80xi32, #tpu.memory_space<vmem>> -> memref<1x80xi32, #tpu.memory_space<vmem>>
      %dma_start3A_40 = tpu.memref_squeeze %dma_start3A_39 : memref<1x80xi32, #tpu.memory_space<vmem>> -> memref<80xi32, #tpu.memory_space<vmem>>
      %dma_start3A_41 = arith.constant 0 : i32
      %dma_start3A_42 = arith.constant 0 : i32
      %dma_start3A_43 = tpu.memref_slice %arg2[%dma_start3A_41, %dma_start3A_42] : memref<20000x64xf32, #tpu.memory_space<hbm>> -> memref<20000x64xf32, #tpu.memory_space<hbm>>
      tpu.enqueue_indirect_dma source(%dma_start3A_43 : memref<20000x64xf32, #tpu.memory_space<hbm>>) target(%arg14 : memref<80x64xf32, #tpu.memory_space<vmem>>) offsets(%dma_start3A_40 : memref<80xi32, #tpu.memory_space<vmem>>) semaphore(%arg19 : memref<!tpu.dma_semaphore, #tpu.memory_space<semaphore_mem>>)
      %dma_start3A_44 = arith.constant 1 : i32
      %dma_start3A_45 = arith.constant 0 : i32
      %dma_start3A_46 = tpu.memref_slice %arg11[%dma_start3A_44, %dma_start3A_45] : memref<50x80xi32, #tpu.memory_space<vmem>> -> memref<1x80xi32, #tpu.memory_space<vmem>>
      %dma_start3A_47 = tpu.memref_squeeze %dma_start3A_46 : memref<1x80xi32, #tpu.memory_space<vmem>> -> memref<80xi32, #tpu.memory_space<vmem>>
      %dma_start3A_48 = arith.constant 0 : i32
      %dma_start3A_49 = arith.constant 0 : i32
      %dma_start3A_50 = tpu.memref_slice %arg2[%dma_start3A_48, %dma_start3A_49] : memref<20000x64xf32, #tpu.memory_space<hbm>> -> memref<20000x64xf32, #tpu.memory_space<hbm>>
      tpu.enqueue_indirect_dma source(%dma_start3A_50 : memref<20000x64xf32, #tpu.memory_space<hbm>>) target(%arg15 : memref<80x64xf32, #tpu.memory_space<vmem>>) offsets(%dma_start3A_47 : memref<80xi32, #tpu.memory_space<vmem>>) semaphore(%arg20 : memref<!tpu.dma_semaphore, #tpu.memory_space<semaphore_mem>>)
      %scan3A_51 = arith.constant 0 : i32
      %scan3A_52 = arith.constant 25 : i32
      %scan3A_53 = arith.addi %scan3A_51, %scan3A_52 : i32
      %scan3A_54 = arith.constant 1 : i32
      scf.for %scan3A_56 = %scan3A_51 to %scan3A_53 step %scan3A_54  : i32 {
        %mul3A_57 = arith.constant 1 : i32
        %mul3A_58 = arith.muli %scan3A_56, %mul3A_57 : i32
        %add3A_59 = arith.constant 0 : i32
        %add3A_60 = arith.addi %add3A_59, %mul3A_58 : i32
        %mul3A_61 = arith.constant 2 : i32
        %mul3A_62 = arith.muli %add3A_60, %mul3A_61 : i32
        %add3A_63 = arith.constant 0 : i32
        %add3A_64 = arith.addi %mul3A_62, %add3A_63 : i32
        %dma_wait3A = arith.constant 0 : i32
        %dma_wait3A_65 = arith.constant 0 : i32
        %dma_wait3A_66 = tpu.memref_slice %arg11[%dma_wait3A, %dma_wait3A_65] : memref<50x80xi32, #tpu.memory_space<vmem>> -> memref<1x80xi32, #tpu.memory_space<vmem>>
        %dma_wait3A_67 = tpu.memref_squeeze %dma_wait3A_66 : memref<1x80xi32, #tpu.memory_space<vmem>> -> memref<80xi32, #tpu.memory_space<vmem>>
        %dma_wait3A_68 = arith.constant 0 : i32
        %dma_wait3A_69 = arith.constant 0 : i32
        %dma_wait3A_70 = tpu.memref_slice %arg2[%dma_wait3A_68, %dma_wait3A_69] : memref<20000x64xf32, #tpu.memory_space<hbm>> -> memref<20000x64xf32, #tpu.memory_space<hbm>>
        tpu.wait_indirect_dma semaphore(%arg19 : memref<!tpu.dma_semaphore, #tpu.memory_space<semaphore_mem>>) src(%dma_wait3A_70 : memref<20000x64xf32, #tpu.memory_space<hbm>>) dst(%arg14 : memref<80x64xf32, #tpu.memory_space<vmem>>)
        "tpu.region"() ({
          %run_scoped3A = tpu.sem_alloc : memref<!tpu.dma_semaphore, #tpu.memory_space<semaphore_mem>>
          %dma_start3A_118 = arith.constant 0 : i32
          %dma_start3A_119 = tpu.memref_slice %arg12[%add3A_64, %dma_start3A_118] : memref<50x80xi32, #tpu.memory_space<vmem>> -> memref<1x80xi32, #tpu.memory_space<vmem>>
          %dma_start3A_120 = tpu.memref_squeeze %dma_start3A_119 : memref<1x80xi32, #tpu.memory_space<vmem>> -> memref<80xi32, #tpu.memory_space<vmem>>
          %dma_start3A_121 = arith.constant 0 : i32
          %dma_start3A_122 = arith.constant 0 : i32
          %dma_start3A_123 = tpu.memref_slice %arg17[%dma_start3A_121, %dma_start3A_122] : memref<20000x64xf32, #tpu.memory_space<vmem_shared>> -> memref<20000x64xf32, #tpu.memory_space<vmem_shared>>
          tpu.enqueue_indirect_dma source(%arg14 : memref<80x64xf32, #tpu.memory_space<vmem>>) target(%dma_start3A_123 : memref<20000x64xf32, #tpu.memory_space<vmem_shared>>) offsets(%dma_start3A_120 : memref<80xi32, #tpu.memory_space<vmem>>) semaphore(%run_scoped3A : memref<!tpu.dma_semaphore, #tpu.memory_space<semaphore_mem>>) {add = true}
          %dma_wait3A_124 = arith.constant 0 : i32
          %dma_wait3A_125 = tpu.memref_slice %arg12[%add3A_64, %dma_wait3A_124] : memref<50x80xi32, #tpu.memory_space<vmem>> -> memref<1x80xi32, #tpu.memory_space<vmem>>
          %dma_wait3A_126 = tpu.memref_squeeze %dma_wait3A_125 : memref<1x80xi32, #tpu.memory_space<vmem>> -> memref<80xi32, #tpu.memory_space<vmem>>
          %dma_wait3A_127 = arith.constant 0 : i32
          %dma_wait3A_128 = arith.constant 0 : i32
          %dma_wait3A_129 = tpu.memref_slice %arg17[%dma_wait3A_127, %dma_wait3A_128] : memref<20000x64xf32, #tpu.memory_space<vmem_shared>> -> memref<20000x64xf32, #tpu.memory_space<vmem_shared>>
          tpu.wait_indirect_dma semaphore(%run_scoped3A : memref<!tpu.dma_semaphore, #tpu.memory_space<semaphore_mem>>) src(%arg14 : memref<80x64xf32, #tpu.memory_space<vmem>>) dst(%dma_wait3A_129 : memref<20000x64xf32, #tpu.memory_space<vmem_shared>>)
          tpu.yield
        }) : () -> ()
        %mul3A_71 = arith.constant 50 : i32
        %mul3A_72 = arith.muli %add3A_29, %mul3A_71 : i32
        %add3A_73 = arith.addi %mul3A_72, %add3A_64 : i32
        %lt3A = arith.constant 125 : i32
        %lt3A_74 = arith.cmpi slt, %add3A_73, %lt3A : i32
        %eq3A = arith.constant 0 : i32
        %eq3A_75 = arith.cmpi eq, %arg0, %eq3A : i32
        %eq3A_76 = arith.xori %lt3A_74, %eq3A_75 : i1
        %eq3A_77 = arith.constant true
        %eq3A_78 = arith.xori %eq3A_76, %eq3A_77 : i1
        %convert_element_type3A = arith.extui %eq3A_78 : i1 to i32
        %cond3A = arith.constant 0 : i32
        %cond3A_79 = arith.cmpi ne, %convert_element_type3A, %cond3A : i32
        scf.if %cond3A_79 {
          "tpu.region"() ({
            %run_scoped3A = tpu.sem_alloc : memref<!tpu.dma_semaphore, #tpu.memory_space<semaphore_mem>>
            %dma_start3A_118 = arith.constant 0 : i32
            %dma_start3A_119 = tpu.memref_slice %arg12[%add3A_64, %dma_start3A_118] : memref<50x80xi32, #tpu.memory_space<vmem>> -> memref<1x80xi32, #tpu.memory_space<vmem>>
            %dma_start3A_120 = tpu.memref_squeeze %dma_start3A_119 : memref<1x80xi32, #tpu.memory_space<vmem>> -> memref<80xi32, #tpu.memory_space<vmem>>
            %dma_start3A_121 = arith.constant 0 : i32
            %dma_start3A_122 = arith.constant 0 : i32
            %dma_start3A_123 = tpu.memref_slice %arg18[%dma_start3A_121, %dma_start3A_122] : memref<20000x16xf32, #tpu.memory_space<vmem_shared>> -> memref<20000x16xf32, #tpu.memory_space<vmem_shared>>
            tpu.enqueue_indirect_dma source(%arg16 : memref<80x16xf32, #tpu.memory_space<vmem>>) target(%dma_start3A_123 : memref<20000x16xf32, #tpu.memory_space<vmem_shared>>) offsets(%dma_start3A_120 : memref<80xi32, #tpu.memory_space<vmem>>) semaphore(%run_scoped3A : memref<!tpu.dma_semaphore, #tpu.memory_space<semaphore_mem>>) {add = true}
            %dma_wait3A_124 = arith.constant 0 : i32
            %dma_wait3A_125 = tpu.memref_slice %arg12[%add3A_64, %dma_wait3A_124] : memref<50x80xi32, #tpu.memory_space<vmem>> -> memref<1x80xi32, #tpu.memory_space<vmem>>
            %dma_wait3A_126 = tpu.memref_squeeze %dma_wait3A_125 : memref<1x80xi32, #tpu.memory_space<vmem>> -> memref<80xi32, #tpu.memory_space<vmem>>
            %dma_wait3A_127 = arith.constant 0 : i32
            %dma_wait3A_128 = arith.constant 0 : i32
            %dma_wait3A_129 = tpu.memref_slice %arg18[%dma_wait3A_127, %dma_wait3A_128] : memref<20000x16xf32, #tpu.memory_space<vmem_shared>> -> memref<20000x16xf32, #tpu.memory_space<vmem_shared>>
            tpu.wait_indirect_dma semaphore(%run_scoped3A : memref<!tpu.dma_semaphore, #tpu.memory_space<semaphore_mem>>) src(%arg16 : memref<80x16xf32, #tpu.memory_space<vmem>>) dst(%dma_wait3A_129 : memref<20000x16xf32, #tpu.memory_space<vmem_shared>>)
            tpu.yield
          }) : () -> ()
        } else {
        }
        %add3A_80 = arith.constant 2 : i32
        %add3A_81 = arith.addi %add3A_64, %add3A_80 : i32
        %lt3A_82 = arith.constant 50 : i32
        %lt3A_83 = arith.cmpi slt, %add3A_81, %lt3A_82 : i32
        %convert_element_type3A_84 = arith.extui %lt3A_83 : i1 to i32
        %cond3A_85 = arith.constant 0 : i32
        %cond3A_86 = arith.cmpi ne, %convert_element_type3A_84, %cond3A_85 : i32
        scf.if %cond3A_86 {
          %add3A_118 = arith.constant 2 : i32
          %add3A_119 = arith.addi %add3A_64, %add3A_118 : i32
          %dma_start3A_120 = arith.constant 0 : i32
          %dma_start3A_121 = tpu.memref_slice %arg11[%add3A_119, %dma_start3A_120] : memref<50x80xi32, #tpu.memory_space<vmem>> -> memref<1x80xi32, #tpu.memory_space<vmem>>
          %dma_start3A_122 = tpu.memref_squeeze %dma_start3A_121 : memref<1x80xi32, #tpu.memory_space<vmem>> -> memref<80xi32, #tpu.memory_space<vmem>>
          %dma_start3A_123 = arith.constant 0 : i32
          %dma_start3A_124 = arith.constant 0 : i32
          %dma_start3A_125 = tpu.memref_slice %arg2[%dma_start3A_123, %dma_start3A_124] : memref<20000x64xf32, #tpu.memory_space<hbm>> -> memref<20000x64xf32, #tpu.memory_space<hbm>>
          tpu.enqueue_indirect_dma source(%dma_start3A_125 : memref<20000x64xf32, #tpu.memory_space<hbm>>) target(%arg14 : memref<80x64xf32, #tpu.memory_space<vmem>>) offsets(%dma_start3A_122 : memref<80xi32, #tpu.memory_space<vmem>>) semaphore(%arg19 : memref<!tpu.dma_semaphore, #tpu.memory_space<semaphore_mem>>)
        } else {
        }
        %mul3A_87 = arith.constant 2 : i32
        %mul3A_88 = arith.muli %add3A_60, %mul3A_87 : i32
        %add3A_89 = arith.constant 1 : i32
        %add3A_90 = arith.addi %mul3A_88, %add3A_89 : i32
        %dma_wait3A_91 = arith.constant 0 : i32
        %dma_wait3A_92 = arith.constant 0 : i32
        %dma_wait3A_93 = tpu.memref_slice %arg11[%dma_wait3A_91, %dma_wait3A_92] : memref<50x80xi32, #tpu.memory_space<vmem>> -> memref<1x80xi32, #tpu.memory_space<vmem>>
        %dma_wait3A_94 = tpu.memref_squeeze %dma_wait3A_93 : memref<1x80xi32, #tpu.memory_space<vmem>> -> memref<80xi32, #tpu.memory_space<vmem>>
        %dma_wait3A_95 = arith.constant 0 : i32
        %dma_wait3A_96 = arith.constant 0 : i32
        %dma_wait3A_97 = tpu.memref_slice %arg2[%dma_wait3A_95, %dma_wait3A_96] : memref<20000x64xf32, #tpu.memory_space<hbm>> -> memref<20000x64xf32, #tpu.memory_space<hbm>>
        tpu.wait_indirect_dma semaphore(%arg20 : memref<!tpu.dma_semaphore, #tpu.memory_space<semaphore_mem>>) src(%dma_wait3A_97 : memref<20000x64xf32, #tpu.memory_space<hbm>>) dst(%arg15 : memref<80x64xf32, #tpu.memory_space<vmem>>)
        "tpu.region"() ({
          %run_scoped3A = tpu.sem_alloc : memref<!tpu.dma_semaphore, #tpu.memory_space<semaphore_mem>>
          %dma_start3A_118 = arith.constant 0 : i32
          %dma_start3A_119 = tpu.memref_slice %arg12[%add3A_90, %dma_start3A_118] : memref<50x80xi32, #tpu.memory_space<vmem>> -> memref<1x80xi32, #tpu.memory_space<vmem>>
          %dma_start3A_120 = tpu.memref_squeeze %dma_start3A_119 : memref<1x80xi32, #tpu.memory_space<vmem>> -> memref<80xi32, #tpu.memory_space<vmem>>
          %dma_start3A_121 = arith.constant 0 : i32
          %dma_start3A_122 = arith.constant 0 : i32
          %dma_start3A_123 = tpu.memref_slice %arg17[%dma_start3A_121, %dma_start3A_122] : memref<20000x64xf32, #tpu.memory_space<vmem_shared>> -> memref<20000x64xf32, #tpu.memory_space<vmem_shared>>
          tpu.enqueue_indirect_dma source(%arg15 : memref<80x64xf32, #tpu.memory_space<vmem>>) target(%dma_start3A_123 : memref<20000x64xf32, #tpu.memory_space<vmem_shared>>) offsets(%dma_start3A_120 : memref<80xi32, #tpu.memory_space<vmem>>) semaphore(%run_scoped3A : memref<!tpu.dma_semaphore, #tpu.memory_space<semaphore_mem>>) {add = true}
          %dma_wait3A_124 = arith.constant 0 : i32
          %dma_wait3A_125 = tpu.memref_slice %arg12[%add3A_90, %dma_wait3A_124] : memref<50x80xi32, #tpu.memory_space<vmem>> -> memref<1x80xi32, #tpu.memory_space<vmem>>
          %dma_wait3A_126 = tpu.memref_squeeze %dma_wait3A_125 : memref<1x80xi32, #tpu.memory_space<vmem>> -> memref<80xi32, #tpu.memory_space<vmem>>
          %dma_wait3A_127 = arith.constant 0 : i32
          %dma_wait3A_128 = arith.constant 0 : i32
          %dma_wait3A_129 = tpu.memref_slice %arg17[%dma_wait3A_127, %dma_wait3A_128] : memref<20000x64xf32, #tpu.memory_space<vmem_shared>> -> memref<20000x64xf32, #tpu.memory_space<vmem_shared>>
          tpu.wait_indirect_dma semaphore(%run_scoped3A : memref<!tpu.dma_semaphore, #tpu.memory_space<semaphore_mem>>) src(%arg15 : memref<80x64xf32, #tpu.memory_space<vmem>>) dst(%dma_wait3A_129 : memref<20000x64xf32, #tpu.memory_space<vmem_shared>>)
          tpu.yield
        }) : () -> ()
        %mul3A_98 = arith.constant 50 : i32
        %mul3A_99 = arith.muli %add3A_29, %mul3A_98 : i32
        %add3A_100 = arith.addi %mul3A_99, %add3A_90 : i32
        %lt3A_101 = arith.constant 125 : i32
        %lt3A_102 = arith.cmpi slt, %add3A_100, %lt3A_101 : i32
        %eq3A_103 = arith.constant 0 : i32
        %eq3A_104 = arith.cmpi eq, %arg0, %eq3A_103 : i32
        %eq3A_105 = arith.xori %lt3A_102, %eq3A_104 : i1
        %eq3A_106 = arith.constant true
        %eq3A_107 = arith.xori %eq3A_105, %eq3A_106 : i1
        %convert_element_type3A_108 = arith.extui %eq3A_107 : i1 to i32
        %cond3A_109 = arith.constant 0 : i32
        %cond3A_110 = arith.cmpi ne, %convert_element_type3A_108, %cond3A_109 : i32
        scf.if %cond3A_110 {
          "tpu.region"() ({
            %run_scoped3A = tpu.sem_alloc : memref<!tpu.dma_semaphore, #tpu.memory_space<semaphore_mem>>
            %dma_start3A_118 = arith.constant 0 : i32
            %dma_start3A_119 = tpu.memref_slice %arg12[%add3A_90, %dma_start3A_118] : memref<50x80xi32, #tpu.memory_space<vmem>> -> memref<1x80xi32, #tpu.memory_space<vmem>>
            %dma_start3A_120 = tpu.memref_squeeze %dma_start3A_119 : memref<1x80xi32, #tpu.memory_space<vmem>> -> memref<80xi32, #tpu.memory_space<vmem>>
            %dma_start3A_121 = arith.constant 0 : i32
            %dma_start3A_122 = arith.constant 0 : i32
            %dma_start3A_123 = tpu.memref_slice %arg18[%dma_start3A_121, %dma_start3A_122] : memref<20000x16xf32, #tpu.memory_space<vmem_shared>> -> memref<20000x16xf32, #tpu.memory_space<vmem_shared>>
            tpu.enqueue_indirect_dma source(%arg16 : memref<80x16xf32, #tpu.memory_space<vmem>>) target(%dma_start3A_123 : memref<20000x16xf32, #tpu.memory_space<vmem_shared>>) offsets(%dma_start3A_120 : memref<80xi32, #tpu.memory_space<vmem>>) semaphore(%run_scoped3A : memref<!tpu.dma_semaphore, #tpu.memory_space<semaphore_mem>>) {add = true}
            %dma_wait3A_124 = arith.constant 0 : i32
            %dma_wait3A_125 = tpu.memref_slice %arg12[%add3A_90, %dma_wait3A_124] : memref<50x80xi32, #tpu.memory_space<vmem>> -> memref<1x80xi32, #tpu.memory_space<vmem>>
            %dma_wait3A_126 = tpu.memref_squeeze %dma_wait3A_125 : memref<1x80xi32, #tpu.memory_space<vmem>> -> memref<80xi32, #tpu.memory_space<vmem>>
            %dma_wait3A_127 = arith.constant 0 : i32
            %dma_wait3A_128 = arith.constant 0 : i32
            %dma_wait3A_129 = tpu.memref_slice %arg18[%dma_wait3A_127, %dma_wait3A_128] : memref<20000x16xf32, #tpu.memory_space<vmem_shared>> -> memref<20000x16xf32, #tpu.memory_space<vmem_shared>>
            tpu.wait_indirect_dma semaphore(%run_scoped3A : memref<!tpu.dma_semaphore, #tpu.memory_space<semaphore_mem>>) src(%arg16 : memref<80x16xf32, #tpu.memory_space<vmem>>) dst(%dma_wait3A_129 : memref<20000x16xf32, #tpu.memory_space<vmem_shared>>)
            tpu.yield
          }) : () -> ()
        } else {
        }
        %add3A_111 = arith.constant 2 : i32
        %add3A_112 = arith.addi %add3A_90, %add3A_111 : i32
        %lt3A_113 = arith.constant 50 : i32
        %lt3A_114 = arith.cmpi slt, %add3A_112, %lt3A_113 : i32
        %convert_element_type3A_115 = arith.extui %lt3A_114 : i1 to i32
        %cond3A_116 = arith.constant 0 : i32
        %cond3A_117 = arith.cmpi ne, %convert_element_type3A_115, %cond3A_116 : i32
        scf.if %cond3A_117 {
          %add3A_118 = arith.constant 2 : i32
          %add3A_119 = arith.addi %add3A_90, %add3A_118 : i32
          %dma_start3A_120 = arith.constant 0 : i32
          %dma_start3A_121 = tpu.memref_slice %arg11[%add3A_119, %dma_start3A_120] : memref<50x80xi32, #tpu.memory_space<vmem>> -> memref<1x80xi32, #tpu.memory_space<vmem>>
          %dma_start3A_122 = tpu.memref_squeeze %dma_start3A_121 : memref<1x80xi32, #tpu.memory_space<vmem>> -> memref<80xi32, #tpu.memory_space<vmem>>
          %dma_start3A_123 = arith.constant 0 : i32
          %dma_start3A_124 = arith.constant 0 : i32
          %dma_start3A_125 = tpu.memref_slice %arg2[%dma_start3A_123, %dma_start3A_124] : memref<20000x64xf32, #tpu.memory_space<hbm>> -> memref<20000x64xf32, #tpu.memory_space<hbm>>
          tpu.enqueue_indirect_dma source(%dma_start3A_125 : memref<20000x64xf32, #tpu.memory_space<hbm>>) target(%arg15 : memref<80x64xf32, #tpu.memory_space<vmem>>) offsets(%dma_start3A_122 : memref<80xi32, #tpu.memory_space<vmem>>) semaphore(%arg20 : memref<!tpu.dma_semaphore, #tpu.memory_space<semaphore_mem>>)
        } else {
        }
      }
      %scan3A_55 = arith.constant 25 : i32
    }
    %scan3A_12 = arith.constant 5 : i32
    %barrier3A_13 = arith.constant 0 : index
    tpu.barrier barrier_id(%barrier3A_13)
    %mul3A_14 = arith.constant 1250 : i32
    %mul3A_15 = arith.muli %arg1, %mul3A_14 : i32
    %mul3A_16 = arith.constant 1250 : i32
    %mul3A_17 = arith.muli %arg1, %mul3A_16 : i32
    %mul3A_18 = arith.constant 64 : i32
    %mul3A_19 = arith.muli %arg0, %mul3A_18 : i32
    "tpu.region"() ({
      %run_scoped3A = tpu.sem_alloc : memref<!tpu.dma_semaphore, #tpu.memory_space<semaphore_mem>>
      %dma_start3A = tpu.memref_slice %arg9[%mul3A_17, %mul3A_19] : memref<20000x128xf32, #tpu.memory_space<hbm>> -> memref<1250x64xf32, #tpu.memory_space<hbm>>
      %dma_start3A_26 = arith.constant 0 : i32
      %dma_start3A_27 = tpu.memref_slice %arg17[%mul3A_15, %dma_start3A_26] : memref<20000x64xf32, #tpu.memory_space<vmem_shared>> -> memref<1250x64xf32, #tpu.memory_space<vmem_shared>>
      tpu.enqueue_dma source(%dma_start3A_27 : memref<1250x64xf32, #tpu.memory_space<vmem_shared>>) target(%dma_start3A : memref<1250x64xf32, #tpu.memory_space<hbm>>) target_semaphore(%run_scoped3A : memref<!tpu.dma_semaphore, #tpu.memory_space<semaphore_mem>>)
      %dma_wait3A = tpu.memref_slice %arg9[%mul3A_17, %mul3A_19] : memref<20000x128xf32, #tpu.memory_space<hbm>> -> memref<1250x64xf32, #tpu.memory_space<hbm>>
      %dma_wait3A_28 = arith.constant 0 : i32
      %dma_wait3A_29 = tpu.memref_slice %arg17[%mul3A_15, %dma_wait3A_28] : memref<20000x64xf32, #tpu.memory_space<vmem_shared>> -> memref<1250x64xf32, #tpu.memory_space<vmem_shared>>
      tpu.wait_dma2 semaphore(%run_scoped3A : memref<!tpu.dma_semaphore, #tpu.memory_space<semaphore_mem>>) src(%dma_wait3A_29 : memref<1250x64xf32, #tpu.memory_space<vmem_shared>>) dst(%dma_wait3A : memref<1250x64xf32, #tpu.memory_space<hbm>>)
      tpu.yield
    }) : () -> ()
    %mul3A_20 = arith.constant 1250 : i32
    %mul3A_21 = arith.muli %arg1, %mul3A_20 : i32
    %mul3A_22 = arith.constant 1250 : i32
    %mul3A_23 = arith.muli %arg1, %mul3A_22 : i32
    %mul3A_24 = arith.constant 16 : i32
    %mul3A_25 = arith.muli %arg0, %mul3A_24 : i32
    "tpu.region"() ({
      %run_scoped3A = tpu.sem_alloc : memref<!tpu.dma_semaphore, #tpu.memory_space<semaphore_mem>>
      %dma_start3A = tpu.memref_slice %arg10[%mul3A_23, %mul3A_25] : memref<20000x32xf32, #tpu.memory_space<hbm>> -> memref<1250x16xf32, #tpu.memory_space<hbm>>
      %dma_start3A_26 = arith.constant 0 : i32
      %dma_start3A_27 = tpu.memref_slice %arg18[%mul3A_21, %dma_start3A_26] : memref<20000x16xf32, #tpu.memory_space<vmem_shared>> -> memref<1250x16xf32, #tpu.memory_space<vmem_shared>>
      tpu.enqueue_dma source(%dma_start3A_27 : memref<1250x16xf32, #tpu.memory_space<vmem_shared>>) target(%dma_start3A : memref<1250x16xf32, #tpu.memory_space<hbm>>) target_semaphore(%run_scoped3A : memref<!tpu.dma_semaphore, #tpu.memory_space<semaphore_mem>>)
      %dma_wait3A = tpu.memref_slice %arg10[%mul3A_23, %mul3A_25] : memref<20000x32xf32, #tpu.memory_space<hbm>> -> memref<1250x16xf32, #tpu.memory_space<hbm>>
      %dma_wait3A_28 = arith.constant 0 : i32
      %dma_wait3A_29 = tpu.memref_slice %arg18[%mul3A_21, %dma_wait3A_28] : memref<20000x16xf32, #tpu.memory_space<vmem_shared>> -> memref<1250x16xf32, #tpu.memory_space<vmem_shared>>
      tpu.wait_dma2 semaphore(%run_scoped3A : memref<!tpu.dma_semaphore, #tpu.memory_space<semaphore_mem>>) src(%dma_wait3A_29 : memref<1250x16xf32, #tpu.memory_space<vmem_shared>>) dst(%dma_wait3A : memref<1250x16xf32, #tpu.memory_space<hbm>>)
      tpu.yield
    }) : () -> ()
    return
  }
}

#map = affine_map<(d0, d1) -> (0, 0)>
module attributes {stable_mosaic.version = 14 : i64} {
  func.func @_segsum_body(%arg0: i32, %arg1: i32, %arg2: memref<20000x64xf32, #tpu.memory_space<hbm>>, %arg3: memref<4000x80xi32, #tpu.memory_space<hbm>>, %arg4: memref<4000x80xi32, #tpu.memory_space<hbm>>, %arg5: memref<4000x80xi32, #tpu.memory_space<hbm>>, %arg6: memref<20000x64xf32, #tpu.memory_space<hbm>>, %arg7: memref<20000x128xf32, #tpu.memory_space<hbm>>, %arg8: memref<50x80xi32, #tpu.memory_space<vmem>>, %arg9: memref<50x80xi32, #tpu.memory_space<vmem>>, %arg10: memref<50x80xi32, #tpu.memory_space<vmem>>, %arg11: memref<80x64xf32, #tpu.memory_space<vmem>>, %arg12: memref<80x64xf32, #tpu.memory_space<vmem>>, %arg13: memref<20000x64xf32, #tpu.memory_space<vmem_shared>>, %arg14: memref<!tpu.dma_semaphore, #tpu.memory_space<semaphore_mem>>, %arg15: memref<!tpu.dma_semaphore, #tpu.memory_space<semaphore_mem>>) attributes {dimension_semantics = [#tpu.dimension_semantics<core_parallel>, #tpu.dimension_semantics<subcore_parallel>], iteration_bounds = array<i64: 2, 16>, scalar_prefetch = 0 : i64, scratch_operands = 8 : i64, tpu.core_type = #tpu.core_type<sc_vector_subcore>, window_params = [{transform_indices = #map}, {transform_indices = #map}, {transform_indices = #map}, {transform_indices = #map}, {transform_indices = #map}, {transform_indices = #map}]} {
    %mul3A = arith.constant 1250 : i32
    %mul3A_0 = arith.muli %arg1, %mul3A : i32
    %mul3A_1 = arith.constant 1250 : i32
    %mul3A_2 = arith.muli %arg1, %mul3A_1 : i32
    "tpu.region"() ({
      %run_scoped3A = tpu.sem_alloc : memref<!tpu.dma_semaphore, #tpu.memory_space<semaphore_mem>>
      %dma_start3A = arith.constant 0 : i32
      %dma_start3A_16 = tpu.memref_slice %arg13[%mul3A_2, %dma_start3A] : memref<20000x64xf32, #tpu.memory_space<vmem_shared>> -> memref<1250x64xf32, #tpu.memory_space<vmem_shared>>
      %dma_start3A_17 = arith.constant 0 : i32
      %dma_start3A_18 = tpu.memref_slice %arg6[%mul3A_0, %dma_start3A_17] : memref<20000x64xf32, #tpu.memory_space<hbm>> -> memref<1250x64xf32, #tpu.memory_space<hbm>>
      tpu.enqueue_dma source(%dma_start3A_18 : memref<1250x64xf32, #tpu.memory_space<hbm>>) target(%dma_start3A_16 : memref<1250x64xf32, #tpu.memory_space<vmem_shared>>) target_semaphore(%run_scoped3A : memref<!tpu.dma_semaphore, #tpu.memory_space<semaphore_mem>>)
      %dma_wait3A = arith.constant 0 : i32
      %dma_wait3A_19 = tpu.memref_slice %arg13[%mul3A_2, %dma_wait3A] : memref<20000x64xf32, #tpu.memory_space<vmem_shared>> -> memref<1250x64xf32, #tpu.memory_space<vmem_shared>>
      %dma_wait3A_20 = arith.constant 0 : i32
      %dma_wait3A_21 = tpu.memref_slice %arg6[%mul3A_0, %dma_wait3A_20] : memref<20000x64xf32, #tpu.memory_space<hbm>> -> memref<1250x64xf32, #tpu.memory_space<hbm>>
      tpu.wait_dma2 semaphore(%run_scoped3A : memref<!tpu.dma_semaphore, #tpu.memory_space<semaphore_mem>>) src(%dma_wait3A_21 : memref<1250x64xf32, #tpu.memory_space<hbm>>) dst(%dma_wait3A_19 : memref<1250x64xf32, #tpu.memory_space<vmem_shared>>)
      tpu.yield
    }) : () -> ()
    %mul3A_3 = arith.constant 250 : i32
    %mul3A_4 = arith.muli %arg1, %mul3A_3 : i32
    %barrier3A = arith.constant 0 : index
    tpu.barrier barrier_id(%barrier3A)
    %scan3A = arith.constant 0 : i32
    %scan3A_5 = arith.constant 5 : i32
    %scan3A_6 = arith.addi %scan3A, %scan3A_5 : i32
    %scan3A_7 = arith.constant 1 : i32
    scf.for %scan3A_16 = %scan3A to %scan3A_6 step %scan3A_7  : i32 {
      %mul3A_17 = arith.constant 1 : i32
      %mul3A_18 = arith.muli %scan3A_16, %mul3A_17 : i32
      %add3A = arith.constant 0 : i32
      %add3A_19 = arith.addi %add3A, %mul3A_18 : i32
      %mul3A_20 = arith.constant 50 : i32
      %mul3A_21 = arith.muli %add3A_19, %mul3A_20 : i32
      %add3A_22 = arith.addi %mul3A_4, %mul3A_21 : i32
      "tpu.region"() ({
        %run_scoped3A = tpu.sem_alloc : memref<!tpu.dma_semaphore, #tpu.memory_space<semaphore_mem>>
        %dma_start3A_46 = arith.constant 0 : i32
        %dma_start3A_47 = tpu.memref_slice %arg3[%add3A_22, %dma_start3A_46] : memref<4000x80xi32, #tpu.memory_space<hbm>> -> memref<50x80xi32, #tpu.memory_space<hbm>>
        %dma_start3A_48 = arith.constant 0 : i32
        %dma_start3A_49 = tpu.memref_slice %arg3[%add3A_22, %dma_start3A_48] : memref<4000x80xi32, #tpu.memory_space<hbm>> -> memref<50x80xi32, #tpu.memory_space<hbm>>
        tpu.enqueue_dma source(%dma_start3A_49 : memref<50x80xi32, #tpu.memory_space<hbm>>) target(%arg8 : memref<50x80xi32, #tpu.memory_space<vmem>>) target_semaphore(%run_scoped3A : memref<!tpu.dma_semaphore, #tpu.memory_space<semaphore_mem>>)
        %dma_wait3A = arith.constant 0 : i32
        %dma_wait3A_50 = tpu.memref_slice %arg3[%add3A_22, %dma_wait3A] : memref<4000x80xi32, #tpu.memory_space<hbm>> -> memref<50x80xi32, #tpu.memory_space<hbm>>
        %dma_wait3A_51 = arith.constant 0 : i32
        %dma_wait3A_52 = tpu.memref_slice %arg3[%add3A_22, %dma_wait3A_51] : memref<4000x80xi32, #tpu.memory_space<hbm>> -> memref<50x80xi32, #tpu.memory_space<hbm>>
        tpu.wait_dma2 semaphore(%run_scoped3A : memref<!tpu.dma_semaphore, #tpu.memory_space<semaphore_mem>>) src(%dma_wait3A_52 : memref<50x80xi32, #tpu.memory_space<hbm>>) dst(%arg8 : memref<50x80xi32, #tpu.memory_space<vmem>>)
        tpu.yield
      }) : () -> ()
      "tpu.region"() ({
        %run_scoped3A = tpu.sem_alloc : memref<!tpu.dma_semaphore, #tpu.memory_space<semaphore_mem>>
        %dma_start3A_46 = arith.constant 0 : i32
        %dma_start3A_47 = tpu.memref_slice %arg4[%add3A_22, %dma_start3A_46] : memref<4000x80xi32, #tpu.memory_space<hbm>> -> memref<50x80xi32, #tpu.memory_space<hbm>>
        %dma_start3A_48 = arith.constant 0 : i32
        %dma_start3A_49 = tpu.memref_slice %arg4[%add3A_22, %dma_start3A_48] : memref<4000x80xi32, #tpu.memory_space<hbm>> -> memref<50x80xi32, #tpu.memory_space<hbm>>
        tpu.enqueue_dma source(%dma_start3A_49 : memref<50x80xi32, #tpu.memory_space<hbm>>) target(%arg9 : memref<50x80xi32, #tpu.memory_space<vmem>>) target_semaphore(%run_scoped3A : memref<!tpu.dma_semaphore, #tpu.memory_space<semaphore_mem>>)
        %dma_wait3A = arith.constant 0 : i32
        %dma_wait3A_50 = tpu.memref_slice %arg4[%add3A_22, %dma_wait3A] : memref<4000x80xi32, #tpu.memory_space<hbm>> -> memref<50x80xi32, #tpu.memory_space<hbm>>
        %dma_wait3A_51 = arith.constant 0 : i32
        %dma_wait3A_52 = tpu.memref_slice %arg4[%add3A_22, %dma_wait3A_51] : memref<4000x80xi32, #tpu.memory_space<hbm>> -> memref<50x80xi32, #tpu.memory_space<hbm>>
        tpu.wait_dma2 semaphore(%run_scoped3A : memref<!tpu.dma_semaphore, #tpu.memory_space<semaphore_mem>>) src(%dma_wait3A_52 : memref<50x80xi32, #tpu.memory_space<hbm>>) dst(%arg9 : memref<50x80xi32, #tpu.memory_space<vmem>>)
        tpu.yield
      }) : () -> ()
      "tpu.region"() ({
        %run_scoped3A = tpu.sem_alloc : memref<!tpu.dma_semaphore, #tpu.memory_space<semaphore_mem>>
        %dma_start3A_46 = arith.constant 0 : i32
        %dma_start3A_47 = tpu.memref_slice %arg5[%add3A_22, %dma_start3A_46] : memref<4000x80xi32, #tpu.memory_space<hbm>> -> memref<50x80xi32, #tpu.memory_space<hbm>>
        %dma_start3A_48 = arith.constant 0 : i32
        %dma_start3A_49 = tpu.memref_slice %arg5[%add3A_22, %dma_start3A_48] : memref<4000x80xi32, #tpu.memory_space<hbm>> -> memref<50x80xi32, #tpu.memory_space<hbm>>
        tpu.enqueue_dma source(%dma_start3A_49 : memref<50x80xi32, #tpu.memory_space<hbm>>) target(%arg10 : memref<50x80xi32, #tpu.memory_space<vmem>>) target_semaphore(%run_scoped3A : memref<!tpu.dma_semaphore, #tpu.memory_space<semaphore_mem>>)
        %dma_wait3A = arith.constant 0 : i32
        %dma_wait3A_50 = tpu.memref_slice %arg5[%add3A_22, %dma_wait3A] : memref<4000x80xi32, #tpu.memory_space<hbm>> -> memref<50x80xi32, #tpu.memory_space<hbm>>
        %dma_wait3A_51 = arith.constant 0 : i32
        %dma_wait3A_52 = tpu.memref_slice %arg5[%add3A_22, %dma_wait3A_51] : memref<4000x80xi32, #tpu.memory_space<hbm>> -> memref<50x80xi32, #tpu.memory_space<hbm>>
        tpu.wait_dma2 semaphore(%run_scoped3A : memref<!tpu.dma_semaphore, #tpu.memory_space<semaphore_mem>>) src(%dma_wait3A_52 : memref<50x80xi32, #tpu.memory_space<hbm>>) dst(%arg10 : memref<50x80xi32, #tpu.memory_space<vmem>>)
        tpu.yield
      }) : () -> ()
      %scan3A_23 = arith.constant 0 : i32
      %scan3A_24 = arith.constant 50 : i32
      %scan3A_25 = arith.addi %scan3A_23, %scan3A_24 : i32
      %scan3A_26 = arith.constant 1 : i32
      scf.for %scan3A_46 = %scan3A_23 to %scan3A_25 step %scan3A_26  : i32 {
        %mul3A_47 = arith.constant 1 : i32
        %mul3A_48 = arith.muli %scan3A_46, %mul3A_47 : i32
        %add3A_49 = arith.constant 0 : i32
        %add3A_50 = arith.addi %add3A_49, %mul3A_48 : i32
        %get3A = arith.index_cast %add3A_50 : i32 to index
        %get3A_51 = arith.constant 0 : index
        %get3A_52 = tpu.vector_load %arg8[%get3A, %get3A_51] {strides = array<i32>} : memref<50x80xi32, #tpu.memory_space<vmem>>, vector<1x16xi32>,
        %get3A_53 = vector.shape_cast %get3A_52 : vector<1x16xi32> to vector<16xi32>
        %get3A_54 = arith.index_cast %add3A_50 : i32 to index
        %get3A_55 = arith.constant 0 : index
        %get3A_56 = tpu.vector_load %arg8[%get3A_54, %get3A_55] {strides = array<i32>} : memref<50x80xi32, #tpu.memory_space<vmem>>, vector<1x16xi32>,
        %get3A_57 = vector.shape_cast %get3A_56 : vector<1x16xi32> to vector<16xi32>
        %add3A_58 = arith.addi %get3A_53, %get3A_57 : vector<16xi32>
        %add3A_59 = vector.broadcast %arg0 : i32 to vector<16xi32>
        %add3A_60 = arith.addi %add3A_58, %add3A_59 : vector<16xi32>
        %swap3A = arith.index_cast %add3A_50 : i32 to index
        %swap3A_61 = arith.constant 0 : index
        %swap3A_62 = tpu.vector_load %arg8[%swap3A, %swap3A_61] {strides = array<i32>} : memref<50x80xi32, #tpu.memory_space<vmem>>, vector<1x16xi32>,
        %swap3A_63 = vector.shape_cast %swap3A_62 : vector<1x16xi32> to vector<16xi32>
        %swap3A_64 = vector.shape_cast %add3A_60 : vector<16xi32> to vector<1x16xi32>
        tpu.vector_store %arg8[%swap3A, %swap3A_61], %swap3A_64 {strides = array<i32>} : memref<50x80xi32, #tpu.memory_space<vmem>>, vector<1x16xi32>,
        %get3A_65 = arith.index_cast %add3A_50 : i32 to index
        %get3A_66 = arith.constant 0 : index
        %get3A_67 = tpu.vector_load %arg9[%get3A_65, %get3A_66] {strides = array<i32>} : memref<50x80xi32, #tpu.memory_space<vmem>>, vector<1x16xi32>,
        %get3A_68 = vector.shape_cast %get3A_67 : vector<1x16xi32> to vector<16xi32>
        %get3A_69 = arith.index_cast %add3A_50 : i32 to index
        %get3A_70 = arith.constant 0 : index
        %get3A_71 = tpu.vector_load %arg10[%get3A_69, %get3A_70] {strides = array<i32>} : memref<50x80xi32, #tpu.memory_space<vmem>>, vector<1x16xi32>,
        %get3A_72 = vector.shape_cast %get3A_71 : vector<1x16xi32> to vector<16xi32>
        %mul3A_73 = arith.constant 10000 : i32
        %mul3A_74 = vector.broadcast %mul3A_73 : i32 to vector<16xi32>
        %mul3A_75 = arith.muli %get3A_72, %mul3A_74 : vector<16xi32>
        %add3A_76 = arith.addi %get3A_68, %mul3A_75 : vector<16xi32>
        %swap3A_77 = arith.index_cast %add3A_50 : i32 to index
        %swap3A_78 = arith.constant 0 : index
        %swap3A_79 = tpu.vector_load %arg9[%swap3A_77, %swap3A_78] {strides = array<i32>} : memref<50x80xi32, #tpu.memory_space<vmem>>, vector<1x16xi32>,
        %swap3A_80 = vector.shape_cast %swap3A_79 : vector<1x16xi32> to vector<16xi32>
        %swap3A_81 = vector.shape_cast %add3A_76 : vector<16xi32> to vector<1x16xi32>
        tpu.vector_store %arg9[%swap3A_77, %swap3A_78], %swap3A_81 {strides = array<i32>} : memref<50x80xi32, #tpu.memory_space<vmem>>, vector<1x16xi32>,
        %get3A_82 = arith.index_cast %add3A_50 : i32 to index
        %get3A_83 = arith.constant 16 : index
        %get3A_84 = tpu.vector_load %arg8[%get3A_82, %get3A_83] {strides = array<i32>} : memref<50x80xi32, #tpu.memory_space<vmem>>, vector<1x16xi32>,
        %get3A_85 = vector.shape_cast %get3A_84 : vector<1x16xi32> to vector<16xi32>
        %get3A_86 = arith.index_cast %add3A_50 : i32 to index
        %get3A_87 = arith.constant 16 : index
        %get3A_88 = tpu.vector_load %arg8[%get3A_86, %get3A_87] {strides = array<i32>} : memref<50x80xi32, #tpu.memory_space<vmem>>, vector<1x16xi32>,
        %get3A_89 = vector.shape_cast %get3A_88 : vector<1x16xi32> to vector<16xi32>
        %add3A_90 = arith.addi %get3A_85, %get3A_89 : vector<16xi32>
        %add3A_91 = vector.broadcast %arg0 : i32 to vector<16xi32>
        %add3A_92 = arith.addi %add3A_90, %add3A_91 : vector<16xi32>
        %swap3A_93 = arith.index_cast %add3A_50 : i32 to index
        %swap3A_94 = arith.constant 16 : index
        %swap3A_95 = tpu.vector_load %arg8[%swap3A_93, %swap3A_94] {strides = array<i32>} : memref<50x80xi32, #tpu.memory_space<vmem>>, vector<1x16xi32>,
        %swap3A_96 = vector.shape_cast %swap3A_95 : vector<1x16xi32> to vector<16xi32>
        %swap3A_97 = vector.shape_cast %add3A_92 : vector<16xi32> to vector<1x16xi32>
        tpu.vector_store %arg8[%swap3A_93, %swap3A_94], %swap3A_97 {strides = array<i32>} : memref<50x80xi32, #tpu.memory_space<vmem>>, vector<1x16xi32>,
        %get3A_98 = arith.index_cast %add3A_50 : i32 to index
        %get3A_99 = arith.constant 16 : index
        %get3A_100 = tpu.vector_load %arg9[%get3A_98, %get3A_99] {strides = array<i32>} : memref<50x80xi32, #tpu.memory_space<vmem>>, vector<1x16xi32>,
        %get3A_101 = vector.shape_cast %get3A_100 : vector<1x16xi32> to vector<16xi32>
        %get3A_102 = arith.index_cast %add3A_50 : i32 to index
        %get3A_103 = arith.constant 16 : index
        %get3A_104 = tpu.vector_load %arg10[%get3A_102, %get3A_103] {strides = array<i32>} : memref<50x80xi32, #tpu.memory_space<vmem>>, vector<1x16xi32>,
        %get3A_105 = vector.shape_cast %get3A_104 : vector<1x16xi32> to vector<16xi32>
        %mul3A_106 = arith.constant 10000 : i32
        %mul3A_107 = vector.broadcast %mul3A_106 : i32 to vector<16xi32>
        %mul3A_108 = arith.muli %get3A_105, %mul3A_107 : vector<16xi32>
        %add3A_109 = arith.addi %get3A_101, %mul3A_108 : vector<16xi32>
        %swap3A_110 = arith.index_cast %add3A_50 : i32 to index
        %swap3A_111 = arith.constant 16 : index
        %swap3A_112 = tpu.vector_load %arg9[%swap3A_110, %swap3A_111] {strides = array<i32>} : memref<50x80xi32, #tpu.memory_space<vmem>>, vector<1x16xi32>,
        %swap3A_113 = vector.shape_cast %swap3A_112 : vector<1x16xi32> to vector<16xi32>
        %swap3A_114 = vector.shape_cast %add3A_109 : vector<16xi32> to vector<1x16xi32>
        tpu.vector_store %arg9[%swap3A_110, %swap3A_111], %swap3A_114 {strides = array<i32>} : memref<50x80xi32, #tpu.memory_space<vmem>>, vector<1x16xi32>,
        %get3A_115 = arith.index_cast %add3A_50 : i32 to index
        %get3A_116 = arith.constant 32 : index
        %get3A_117 = tpu.vector_load %arg8[%get3A_115, %get3A_116] {strides = array<i32>} : memref<50x80xi32, #tpu.memory_space<vmem>>, vector<1x16xi32>,
        %get3A_118 = vector.shape_cast %get3A_117 : vector<1x16xi32> to vector<16xi32>
        %get3A_119 = arith.index_cast %add3A_50 : i32 to index
        %get3A_120 = arith.constant 32 : index
        %get3A_121 = tpu.vector_load %arg8[%get3A_119, %get3A_120] {strides = array<i32>} : memref<50x80xi32, #tpu.memory_space<vmem>>, vector<1x16xi32>,
        %get3A_122 = vector.shape_cast %get3A_121 : vector<1x16xi32> to vector<16xi32>
        %add3A_123 = arith.addi %get3A_118, %get3A_122 : vector<16xi32>
        %add3A_124 = vector.broadcast %arg0 : i32 to vector<16xi32>
        %add3A_125 = arith.addi %add3A_123, %add3A_124 : vector<16xi32>
        %swap3A_126 = arith.index_cast %add3A_50 : i32 to index
        %swap3A_127 = arith.constant 32 : index
        %swap3A_128 = tpu.vector_load %arg8[%swap3A_126, %swap3A_127] {strides = array<i32>} : memref<50x80xi32, #tpu.memory_space<vmem>>, vector<1x16xi32>,
        %swap3A_129 = vector.shape_cast %swap3A_128 : vector<1x16xi32> to vector<16xi32>
        %swap3A_130 = vector.shape_cast %add3A_125 : vector<16xi32> to vector<1x16xi32>
        tpu.vector_store %arg8[%swap3A_126, %swap3A_127], %swap3A_130 {strides = array<i32>} : memref<50x80xi32, #tpu.memory_space<vmem>>, vector<1x16xi32>,
        %get3A_131 = arith.index_cast %add3A_50 : i32 to index
        %get3A_132 = arith.constant 32 : index
        %get3A_133 = tpu.vector_load %arg9[%get3A_131, %get3A_132] {strides = array<i32>} : memref<50x80xi32, #tpu.memory_space<vmem>>, vector<1x16xi32>,
        %get3A_134 = vector.shape_cast %get3A_133 : vector<1x16xi32> to vector<16xi32>
        %get3A_135 = arith.index_cast %add3A_50 : i32 to index
        %get3A_136 = arith.constant 32 : index
        %get3A_137 = tpu.vector_load %arg10[%get3A_135, %get3A_136] {strides = array<i32>} : memref<50x80xi32, #tpu.memory_space<vmem>>, vector<1x16xi32>,
        %get3A_138 = vector.shape_cast %get3A_137 : vector<1x16xi32> to vector<16xi32>
        %mul3A_139 = arith.constant 10000 : i32
        %mul3A_140 = vector.broadcast %mul3A_139 : i32 to vector<16xi32>
        %mul3A_141 = arith.muli %get3A_138, %mul3A_140 : vector<16xi32>
        %add3A_142 = arith.addi %get3A_134, %mul3A_141 : vector<16xi32>
        %swap3A_143 = arith.index_cast %add3A_50 : i32 to index
        %swap3A_144 = arith.constant 32 : index
        %swap3A_145 = tpu.vector_load %arg9[%swap3A_143, %swap3A_144] {strides = array<i32>} : memref<50x80xi32, #tpu.memory_space<vmem>>, vector<1x16xi32>,
        %swap3A_146 = vector.shape_cast %swap3A_145 : vector<1x16xi32> to vector<16xi32>
        %swap3A_147 = vector.shape_cast %add3A_142 : vector<16xi32> to vector<1x16xi32>
        tpu.vector_store %arg9[%swap3A_143, %swap3A_144], %swap3A_147 {strides = array<i32>} : memref<50x80xi32, #tpu.memory_space<vmem>>, vector<1x16xi32>,
        %get3A_148 = arith.index_cast %add3A_50 : i32 to index
        %get3A_149 = arith.constant 48 : index
        %get3A_150 = tpu.vector_load %arg8[%get3A_148, %get3A_149] {strides = array<i32>} : memref<50x80xi32, #tpu.memory_space<vmem>>, vector<1x16xi32>,
        %get3A_151 = vector.shape_cast %get3A_150 : vector<1x16xi32> to vector<16xi32>
        %get3A_152 = arith.index_cast %add3A_50 : i32 to index
        %get3A_153 = arith.constant 48 : index
        %get3A_154 = tpu.vector_load %arg8[%get3A_152, %get3A_153] {strides = array<i32>} : memref<50x80xi32, #tpu.memory_space<vmem>>, vector<1x16xi32>,
        %get3A_155 = vector.shape_cast %get3A_154 : vector<1x16xi32> to vector<16xi32>
        %add3A_156 = arith.addi %get3A_151, %get3A_155 : vector<16xi32>
        %add3A_157 = vector.broadcast %arg0 : i32 to vector<16xi32>
        %add3A_158 = arith.addi %add3A_156, %add3A_157 : vector<16xi32>
        %swap3A_159 = arith.index_cast %add3A_50 : i32 to index
        %swap3A_160 = arith.constant 48 : index
        %swap3A_161 = tpu.vector_load %arg8[%swap3A_159, %swap3A_160] {strides = array<i32>} : memref<50x80xi32, #tpu.memory_space<vmem>>, vector<1x16xi32>,
        %swap3A_162 = vector.shape_cast %swap3A_161 : vector<1x16xi32> to vector<16xi32>
        %swap3A_163 = vector.shape_cast %add3A_158 : vector<16xi32> to vector<1x16xi32>
        tpu.vector_store %arg8[%swap3A_159, %swap3A_160], %swap3A_163 {strides = array<i32>} : memref<50x80xi32, #tpu.memory_space<vmem>>, vector<1x16xi32>,
        %get3A_164 = arith.index_cast %add3A_50 : i32 to index
        %get3A_165 = arith.constant 48 : index
        %get3A_166 = tpu.vector_load %arg9[%get3A_164, %get3A_165] {strides = array<i32>} : memref<50x80xi32, #tpu.memory_space<vmem>>, vector<1x16xi32>,
        %get3A_167 = vector.shape_cast %get3A_166 : vector<1x16xi32> to vector<16xi32>
        %get3A_168 = arith.index_cast %add3A_50 : i32 to index
        %get3A_169 = arith.constant 48 : index
        %get3A_170 = tpu.vector_load %arg10[%get3A_168, %get3A_169] {strides = array<i32>} : memref<50x80xi32, #tpu.memory_space<vmem>>, vector<1x16xi32>,
        %get3A_171 = vector.shape_cast %get3A_170 : vector<1x16xi32> to vector<16xi32>
        %mul3A_172 = arith.constant 10000 : i32
        %mul3A_173 = vector.broadcast %mul3A_172 : i32 to vector<16xi32>
        %mul3A_174 = arith.muli %get3A_171, %mul3A_173 : vector<16xi32>
        %add3A_175 = arith.addi %get3A_167, %mul3A_174 : vector<16xi32>
        %swap3A_176 = arith.index_cast %add3A_50 : i32 to index
        %swap3A_177 = arith.constant 48 : index
        %swap3A_178 = tpu.vector_load %arg9[%swap3A_176, %swap3A_177] {strides = array<i32>} : memref<50x80xi32, #tpu.memory_space<vmem>>, vector<1x16xi32>,
        %swap3A_179 = vector.shape_cast %swap3A_178 : vector<1x16xi32> to vector<16xi32>
        %swap3A_180 = vector.shape_cast %add3A_175 : vector<16xi32> to vector<1x16xi32>
        tpu.vector_store %arg9[%swap3A_176, %swap3A_177], %swap3A_180 {strides = array<i32>} : memref<50x80xi32, #tpu.memory_space<vmem>>, vector<1x16xi32>,
        %get3A_181 = arith.index_cast %add3A_50 : i32 to index
        %get3A_182 = arith.constant 64 : index
        %get3A_183 = tpu.vector_load %arg8[%get3A_181, %get3A_182] {strides = array<i32>} : memref<50x80xi32, #tpu.memory_space<vmem>>, vector<1x16xi32>,
        %get3A_184 = vector.shape_cast %get3A_183 : vector<1x16xi32> to vector<16xi32>
        %get3A_185 = arith.index_cast %add3A_50 : i32 to index
        %get3A_186 = arith.constant 64 : index
        %get3A_187 = tpu.vector_load %arg8[%get3A_185, %get3A_186] {strides = array<i32>} : memref<50x80xi32, #tpu.memory_space<vmem>>, vector<1x16xi32>,
        %get3A_188 = vector.shape_cast %get3A_187 : vector<1x16xi32> to vector<16xi32>
        %add3A_189 = arith.addi %get3A_184, %get3A_188 : vector<16xi32>
        %add3A_190 = vector.broadcast %arg0 : i32 to vector<16xi32>
        %add3A_191 = arith.addi %add3A_189, %add3A_190 : vector<16xi32>
        %swap3A_192 = arith.index_cast %add3A_50 : i32 to index
        %swap3A_193 = arith.constant 64 : index
        %swap3A_194 = tpu.vector_load %arg8[%swap3A_192, %swap3A_193] {strides = array<i32>} : memref<50x80xi32, #tpu.memory_space<vmem>>, vector<1x16xi32>,
        %swap3A_195 = vector.shape_cast %swap3A_194 : vector<1x16xi32> to vector<16xi32>
        %swap3A_196 = vector.shape_cast %add3A_191 : vector<16xi32> to vector<1x16xi32>
        tpu.vector_store %arg8[%swap3A_192, %swap3A_193], %swap3A_196 {strides = array<i32>} : memref<50x80xi32, #tpu.memory_space<vmem>>, vector<1x16xi32>,
        %get3A_197 = arith.index_cast %add3A_50 : i32 to index
        %get3A_198 = arith.constant 64 : index
        %get3A_199 = tpu.vector_load %arg9[%get3A_197, %get3A_198] {strides = array<i32>} : memref<50x80xi32, #tpu.memory_space<vmem>>, vector<1x16xi32>,
        %get3A_200 = vector.shape_cast %get3A_199 : vector<1x16xi32> to vector<16xi32>
        %get3A_201 = arith.index_cast %add3A_50 : i32 to index
        %get3A_202 = arith.constant 64 : index
        %get3A_203 = tpu.vector_load %arg10[%get3A_201, %get3A_202] {strides = array<i32>} : memref<50x80xi32, #tpu.memory_space<vmem>>, vector<1x16xi32>,
        %get3A_204 = vector.shape_cast %get3A_203 : vector<1x16xi32> to vector<16xi32>
        %mul3A_205 = arith.constant 10000 : i32
        %mul3A_206 = vector.broadcast %mul3A_205 : i32 to vector<16xi32>
        %mul3A_207 = arith.muli %get3A_204, %mul3A_206 : vector<16xi32>
        %add3A_208 = arith.addi %get3A_200, %mul3A_207 : vector<16xi32>
        %swap3A_209 = arith.index_cast %add3A_50 : i32 to index
        %swap3A_210 = arith.constant 64 : index
        %swap3A_211 = tpu.vector_load %arg9[%swap3A_209, %swap3A_210] {strides = array<i32>} : memref<50x80xi32, #tpu.memory_space<vmem>>, vector<1x16xi32>,
        %swap3A_212 = vector.shape_cast %swap3A_211 : vector<1x16xi32> to vector<16xi32>
        %swap3A_213 = vector.shape_cast %add3A_208 : vector<16xi32> to vector<1x16xi32>
        tpu.vector_store %arg9[%swap3A_209, %swap3A_210], %swap3A_213 {strides = array<i32>} : memref<50x80xi32, #tpu.memory_space<vmem>>, vector<1x16xi32>,
      }
      %scan3A_27 = arith.constant 50 : i32
      %dma_start3A = arith.constant 0 : i32
      %dma_start3A_28 = arith.constant 0 : i32
      %dma_start3A_29 = tpu.memref_slice %arg8[%dma_start3A, %dma_start3A_28] : memref<50x80xi32, #tpu.memory_space<vmem>> -> memref<1x80xi32, #tpu.memory_space<vmem>>
      %dma_start3A_30 = tpu.memref_squeeze %dma_start3A_29 : memref<1x80xi32, #tpu.memory_space<vmem>> -> memref<80xi32, #tpu.memory_space<vmem>>
      %dma_start3A_31 = arith.constant 0 : i32
      %dma_start3A_32 = arith.constant 0 : i32
      %dma_start3A_33 = tpu.memref_slice %arg2[%dma_start3A_31, %dma_start3A_32] : memref<20000x64xf32, #tpu.memory_space<hbm>> -> memref<20000x64xf32, #tpu.memory_space<hbm>>
      tpu.enqueue_indirect_dma source(%dma_start3A_33 : memref<20000x64xf32, #tpu.memory_space<hbm>>) target(%arg11 : memref<80x64xf32, #tpu.memory_space<vmem>>) offsets(%dma_start3A_30 : memref<80xi32, #tpu.memory_space<vmem>>) semaphore(%arg14 : memref<!tpu.dma_semaphore, #tpu.memory_space<semaphore_mem>>)
      %dma_start3A_34 = arith.constant 1 : i32
      %dma_start3A_35 = arith.constant 0 : i32
      %dma_start3A_36 = tpu.memref_slice %arg8[%dma_start3A_34, %dma_start3A_35] : memref<50x80xi32, #tpu.memory_space<vmem>> -> memref<1x80xi32, #tpu.memory_space<vmem>>
      %dma_start3A_37 = tpu.memref_squeeze %dma_start3A_36 : memref<1x80xi32, #tpu.memory_space<vmem>> -> memref<80xi32, #tpu.memory_space<vmem>>
      %dma_start3A_38 = arith.constant 0 : i32
      %dma_start3A_39 = arith.constant 0 : i32
      %dma_start3A_40 = tpu.memref_slice %arg2[%dma_start3A_38, %dma_start3A_39] : memref<20000x64xf32, #tpu.memory_space<hbm>> -> memref<20000x64xf32, #tpu.memory_space<hbm>>
      tpu.enqueue_indirect_dma source(%dma_start3A_40 : memref<20000x64xf32, #tpu.memory_space<hbm>>) target(%arg12 : memref<80x64xf32, #tpu.memory_space<vmem>>) offsets(%dma_start3A_37 : memref<80xi32, #tpu.memory_space<vmem>>) semaphore(%arg15 : memref<!tpu.dma_semaphore, #tpu.memory_space<semaphore_mem>>)
      %scan3A_41 = arith.constant 0 : i32
      %scan3A_42 = arith.constant 25 : i32
      %scan3A_43 = arith.addi %scan3A_41, %scan3A_42 : i32
      %scan3A_44 = arith.constant 1 : i32
      scf.for %scan3A_46 = %scan3A_41 to %scan3A_43 step %scan3A_44  : i32 {
        %mul3A_47 = arith.constant 1 : i32
        %mul3A_48 = arith.muli %scan3A_46, %mul3A_47 : i32
        %add3A_49 = arith.constant 0 : i32
        %add3A_50 = arith.addi %add3A_49, %mul3A_48 : i32
        %mul3A_51 = arith.constant 2 : i32
        %mul3A_52 = arith.muli %add3A_50, %mul3A_51 : i32
        %add3A_53 = arith.constant 0 : i32
        %add3A_54 = arith.addi %mul3A_52, %add3A_53 : i32
        %dma_wait3A = arith.constant 0 : i32
        %dma_wait3A_55 = arith.constant 0 : i32
        %dma_wait3A_56 = tpu.memref_slice %arg8[%dma_wait3A, %dma_wait3A_55] : memref<50x80xi32, #tpu.memory_space<vmem>> -> memref<1x80xi32, #tpu.memory_space<vmem>>
        %dma_wait3A_57 = tpu.memref_squeeze %dma_wait3A_56 : memref<1x80xi32, #tpu.memory_space<vmem>> -> memref<80xi32, #tpu.memory_space<vmem>>
        %dma_wait3A_58 = arith.constant 0 : i32
        %dma_wait3A_59 = arith.constant 0 : i32
        %dma_wait3A_60 = tpu.memref_slice %arg2[%dma_wait3A_58, %dma_wait3A_59] : memref<20000x64xf32, #tpu.memory_space<hbm>> -> memref<20000x64xf32, #tpu.memory_space<hbm>>
        tpu.wait_indirect_dma semaphore(%arg14 : memref<!tpu.dma_semaphore, #tpu.memory_space<semaphore_mem>>) src(%dma_wait3A_60 : memref<20000x64xf32, #tpu.memory_space<hbm>>) dst(%arg11 : memref<80x64xf32, #tpu.memory_space<vmem>>)
        "tpu.region"() ({
          %run_scoped3A = tpu.sem_alloc : memref<!tpu.dma_semaphore, #tpu.memory_space<semaphore_mem>>
          %dma_start3A_83 = arith.constant 0 : i32
          %dma_start3A_84 = tpu.memref_slice %arg9[%add3A_54, %dma_start3A_83] : memref<50x80xi32, #tpu.memory_space<vmem>> -> memref<1x80xi32, #tpu.memory_space<vmem>>
          %dma_start3A_85 = tpu.memref_squeeze %dma_start3A_84 : memref<1x80xi32, #tpu.memory_space<vmem>> -> memref<80xi32, #tpu.memory_space<vmem>>
          %dma_start3A_86 = arith.constant 0 : i32
          %dma_start3A_87 = arith.constant 0 : i32
          %dma_start3A_88 = tpu.memref_slice %arg13[%dma_start3A_86, %dma_start3A_87] : memref<20000x64xf32, #tpu.memory_space<vmem_shared>> -> memref<20000x64xf32, #tpu.memory_space<vmem_shared>>
          tpu.enqueue_indirect_dma source(%arg11 : memref<80x64xf32, #tpu.memory_space<vmem>>) target(%dma_start3A_88 : memref<20000x64xf32, #tpu.memory_space<vmem_shared>>) offsets(%dma_start3A_85 : memref<80xi32, #tpu.memory_space<vmem>>) semaphore(%run_scoped3A : memref<!tpu.dma_semaphore, #tpu.memory_space<semaphore_mem>>) {add = true}
          %dma_wait3A_89 = arith.constant 0 : i32
          %dma_wait3A_90 = tpu.memref_slice %arg9[%add3A_54, %dma_wait3A_89] : memref<50x80xi32, #tpu.memory_space<vmem>> -> memref<1x80xi32, #tpu.memory_space<vmem>>
          %dma_wait3A_91 = tpu.memref_squeeze %dma_wait3A_90 : memref<1x80xi32, #tpu.memory_space<vmem>> -> memref<80xi32, #tpu.memory_space<vmem>>
          %dma_wait3A_92 = arith.constant 0 : i32
          %dma_wait3A_93 = arith.constant 0 : i32
          %dma_wait3A_94 = tpu.memref_slice %arg13[%dma_wait3A_92, %dma_wait3A_93] : memref<20000x64xf32, #tpu.memory_space<vmem_shared>> -> memref<20000x64xf32, #tpu.memory_space<vmem_shared>>
          tpu.wait_indirect_dma semaphore(%run_scoped3A : memref<!tpu.dma_semaphore, #tpu.memory_space<semaphore_mem>>) src(%arg11 : memref<80x64xf32, #tpu.memory_space<vmem>>) dst(%dma_wait3A_94 : memref<20000x64xf32, #tpu.memory_space<vmem_shared>>)
          tpu.yield
        }) : () -> ()
        %add3A_61 = arith.constant 2 : i32
        %add3A_62 = arith.addi %add3A_54, %add3A_61 : i32
        %lt3A = arith.constant 50 : i32
        %lt3A_63 = arith.cmpi slt, %add3A_62, %lt3A : i32
        %convert_element_type3A = arith.extui %lt3A_63 : i1 to i32
        %cond3A = arith.constant 0 : i32
        %cond3A_64 = arith.cmpi ne, %convert_element_type3A, %cond3A : i32
        scf.if %cond3A_64 {
          %add3A_83 = arith.constant 2 : i32
          %add3A_84 = arith.addi %add3A_54, %add3A_83 : i32
          %dma_start3A_85 = arith.constant 0 : i32
          %dma_start3A_86 = tpu.memref_slice %arg8[%add3A_84, %dma_start3A_85] : memref<50x80xi32, #tpu.memory_space<vmem>> -> memref<1x80xi32, #tpu.memory_space<vmem>>
          %dma_start3A_87 = tpu.memref_squeeze %dma_start3A_86 : memref<1x80xi32, #tpu.memory_space<vmem>> -> memref<80xi32, #tpu.memory_space<vmem>>
          %dma_start3A_88 = arith.constant 0 : i32
          %dma_start3A_89 = arith.constant 0 : i32
          %dma_start3A_90 = tpu.memref_slice %arg2[%dma_start3A_88, %dma_start3A_89] : memref<20000x64xf32, #tpu.memory_space<hbm>> -> memref<20000x64xf32, #tpu.memory_space<hbm>>
          tpu.enqueue_indirect_dma source(%dma_start3A_90 : memref<20000x64xf32, #tpu.memory_space<hbm>>) target(%arg11 : memref<80x64xf32, #tpu.memory_space<vmem>>) offsets(%dma_start3A_87 : memref<80xi32, #tpu.memory_space<vmem>>) semaphore(%arg14 : memref<!tpu.dma_semaphore, #tpu.memory_space<semaphore_mem>>)
        } else {
        }
        %mul3A_65 = arith.constant 2 : i32
        %mul3A_66 = arith.muli %add3A_50, %mul3A_65 : i32
        %add3A_67 = arith.constant 1 : i32
        %add3A_68 = arith.addi %mul3A_66, %add3A_67 : i32
        %dma_wait3A_69 = arith.constant 0 : i32
        %dma_wait3A_70 = arith.constant 0 : i32
        %dma_wait3A_71 = tpu.memref_slice %arg8[%dma_wait3A_69, %dma_wait3A_70] : memref<50x80xi32, #tpu.memory_space<vmem>> -> memref<1x80xi32, #tpu.memory_space<vmem>>
        %dma_wait3A_72 = tpu.memref_squeeze %dma_wait3A_71 : memref<1x80xi32, #tpu.memory_space<vmem>> -> memref<80xi32, #tpu.memory_space<vmem>>
        %dma_wait3A_73 = arith.constant 0 : i32
        %dma_wait3A_74 = arith.constant 0 : i32
        %dma_wait3A_75 = tpu.memref_slice %arg2[%dma_wait3A_73, %dma_wait3A_74] : memref<20000x64xf32, #tpu.memory_space<hbm>> -> memref<20000x64xf32, #tpu.memory_space<hbm>>
        tpu.wait_indirect_dma semaphore(%arg15 : memref<!tpu.dma_semaphore, #tpu.memory_space<semaphore_mem>>) src(%dma_wait3A_75 : memref<20000x64xf32, #tpu.memory_space<hbm>>) dst(%arg12 : memref<80x64xf32, #tpu.memory_space<vmem>>)
        "tpu.region"() ({
          %run_scoped3A = tpu.sem_alloc : memref<!tpu.dma_semaphore, #tpu.memory_space<semaphore_mem>>
          %dma_start3A_83 = arith.constant 0 : i32
          %dma_start3A_84 = tpu.memref_slice %arg9[%add3A_68, %dma_start3A_83] : memref<50x80xi32, #tpu.memory_space<vmem>> -> memref<1x80xi32, #tpu.memory_space<vmem>>
          %dma_start3A_85 = tpu.memref_squeeze %dma_start3A_84 : memref<1x80xi32, #tpu.memory_space<vmem>> -> memref<80xi32, #tpu.memory_space<vmem>>
          %dma_start3A_86 = arith.constant 0 : i32
          %dma_start3A_87 = arith.constant 0 : i32
          %dma_start3A_88 = tpu.memref_slice %arg13[%dma_start3A_86, %dma_start3A_87] : memref<20000x64xf32, #tpu.memory_space<vmem_shared>> -> memref<20000x64xf32, #tpu.memory_space<vmem_shared>>
          tpu.enqueue_indirect_dma source(%arg12 : memref<80x64xf32, #tpu.memory_space<vmem>>) target(%dma_start3A_88 : memref<20000x64xf32, #tpu.memory_space<vmem_shared>>) offsets(%dma_start3A_85 : memref<80xi32, #tpu.memory_space<vmem>>) semaphore(%run_scoped3A : memref<!tpu.dma_semaphore, #tpu.memory_space<semaphore_mem>>) {add = true}
          %dma_wait3A_89 = arith.constant 0 : i32
          %dma_wait3A_90 = tpu.memref_slice %arg9[%add3A_68, %dma_wait3A_89] : memref<50x80xi32, #tpu.memory_space<vmem>> -> memref<1x80xi32, #tpu.memory_space<vmem>>
          %dma_wait3A_91 = tpu.memref_squeeze %dma_wait3A_90 : memref<1x80xi32, #tpu.memory_space<vmem>> -> memref<80xi32, #tpu.memory_space<vmem>>
          %dma_wait3A_92 = arith.constant 0 : i32
          %dma_wait3A_93 = arith.constant 0 : i32
          %dma_wait3A_94 = tpu.memref_slice %arg13[%dma_wait3A_92, %dma_wait3A_93] : memref<20000x64xf32, #tpu.memory_space<vmem_shared>> -> memref<20000x64xf32, #tpu.memory_space<vmem_shared>>
          tpu.wait_indirect_dma semaphore(%run_scoped3A : memref<!tpu.dma_semaphore, #tpu.memory_space<semaphore_mem>>) src(%arg12 : memref<80x64xf32, #tpu.memory_space<vmem>>) dst(%dma_wait3A_94 : memref<20000x64xf32, #tpu.memory_space<vmem_shared>>)
          tpu.yield
        }) : () -> ()
        %add3A_76 = arith.constant 2 : i32
        %add3A_77 = arith.addi %add3A_68, %add3A_76 : i32
        %lt3A_78 = arith.constant 50 : i32
        %lt3A_79 = arith.cmpi slt, %add3A_77, %lt3A_78 : i32
        %convert_element_type3A_80 = arith.extui %lt3A_79 : i1 to i32
        %cond3A_81 = arith.constant 0 : i32
        %cond3A_82 = arith.cmpi ne, %convert_element_type3A_80, %cond3A_81 : i32
        scf.if %cond3A_82 {
          %add3A_83 = arith.constant 2 : i32
          %add3A_84 = arith.addi %add3A_68, %add3A_83 : i32
          %dma_start3A_85 = arith.constant 0 : i32
          %dma_start3A_86 = tpu.memref_slice %arg8[%add3A_84, %dma_start3A_85] : memref<50x80xi32, #tpu.memory_space<vmem>> -> memref<1x80xi32, #tpu.memory_space<vmem>>
          %dma_start3A_87 = tpu.memref_squeeze %dma_start3A_86 : memref<1x80xi32, #tpu.memory_space<vmem>> -> memref<80xi32, #tpu.memory_space<vmem>>
          %dma_start3A_88 = arith.constant 0 : i32
          %dma_start3A_89 = arith.constant 0 : i32
          %dma_start3A_90 = tpu.memref_slice %arg2[%dma_start3A_88, %dma_start3A_89] : memref<20000x64xf32, #tpu.memory_space<hbm>> -> memref<20000x64xf32, #tpu.memory_space<hbm>>
          tpu.enqueue_indirect_dma source(%dma_start3A_90 : memref<20000x64xf32, #tpu.memory_space<hbm>>) target(%arg12 : memref<80x64xf32, #tpu.memory_space<vmem>>) offsets(%dma_start3A_87 : memref<80xi32, #tpu.memory_space<vmem>>) semaphore(%arg15 : memref<!tpu.dma_semaphore, #tpu.memory_space<semaphore_mem>>)
        } else {
        }
      }
      %scan3A_45 = arith.constant 25 : i32
    }
    %scan3A_8 = arith.constant 5 : i32
    %barrier3A_9 = arith.constant 0 : index
    tpu.barrier barrier_id(%barrier3A_9)
    %mul3A_10 = arith.constant 1250 : i32
    %mul3A_11 = arith.muli %arg1, %mul3A_10 : i32
    %mul3A_12 = arith.constant 1250 : i32
    %mul3A_13 = arith.muli %arg1, %mul3A_12 : i32
    %mul3A_14 = arith.constant 64 : i32
    %mul3A_15 = arith.muli %arg0, %mul3A_14 : i32
    "tpu.region"() ({
      %run_scoped3A = tpu.sem_alloc : memref<!tpu.dma_semaphore, #tpu.memory_space<semaphore_mem>>
      %dma_start3A = tpu.memref_slice %arg7[%mul3A_13, %mul3A_15] : memref<20000x128xf32, #tpu.memory_space<hbm>> -> memref<1250x64xf32, #tpu.memory_space<hbm>>
      %dma_start3A_16 = arith.constant 0 : i32
      %dma_start3A_17 = tpu.memref_slice %arg13[%mul3A_11, %dma_start3A_16] : memref<20000x64xf32, #tpu.memory_space<vmem_shared>> -> memref<1250x64xf32, #tpu.memory_space<vmem_shared>>
      tpu.enqueue_dma source(%dma_start3A_17 : memref<1250x64xf32, #tpu.memory_space<vmem_shared>>) target(%dma_start3A : memref<1250x64xf32, #tpu.memory_space<hbm>>) target_semaphore(%run_scoped3A : memref<!tpu.dma_semaphore, #tpu.memory_space<semaphore_mem>>)
      %dma_wait3A = tpu.memref_slice %arg7[%mul3A_13, %mul3A_15] : memref<20000x128xf32, #tpu.memory_space<hbm>> -> memref<1250x64xf32, #tpu.memory_space<hbm>>
      %dma_wait3A_18 = arith.constant 0 : i32
      %dma_wait3A_19 = tpu.memref_slice %arg13[%mul3A_11, %dma_wait3A_18] : memref<20000x64xf32, #tpu.memory_space<vmem_shared>> -> memref<1250x64xf32, #tpu.memory_space<vmem_shared>>
      tpu.wait_dma2 semaphore(%run_scoped3A : memref<!tpu.dma_semaphore, #tpu.memory_space<semaphore_mem>>) src(%dma_wait3A_19 : memref<1250x64xf32, #tpu.memory_space<vmem_shared>>) dst(%dma_wait3A : memref<1250x64xf32, #tpu.memory_space<hbm>>)
      tpu.yield
    }) : () -> ()
    return
  }
}

#map = affine_map<(d0, d1) -> (0, 0)>
module attributes {stable_mosaic.version = 14 : i64} {
  func.func @body(%arg0: i32, %arg1: i32, %arg2: memref<10000x128xf32, #tpu.memory_space<hbm>>, %arg3: memref<10000x128xf32, #tpu.memory_space<hbm>>, %arg4: memref<4000x80xi32, #tpu.memory_space<hbm>>, %arg5: memref<4000x80xi32, #tpu.memory_space<hbm>>, %arg6: memref<81920x128xf32, #tpu.memory_space<hbm>>, %arg7: memref<32x80xi32, #tpu.memory_space<vmem>>, %arg8: memref<32x80xi32, #tpu.memory_space<vmem>>, %arg9: memref<80x128xf32, #tpu.memory_space<vmem>>, %arg10: memref<80x128xf32, #tpu.memory_space<vmem>>, %arg11: memref<80x128xf32, #tpu.memory_space<vmem>>, %arg12: memref<80x128xf32, #tpu.memory_space<vmem>>, %arg13: memref<!tpu.dma_semaphore, #tpu.memory_space<semaphore_mem>>, %arg14: memref<!tpu.dma_semaphore, #tpu.memory_space<semaphore_mem>>, %arg15: memref<!tpu.dma_semaphore, #tpu.memory_space<semaphore_mem>>, %arg16: memref<!tpu.dma_semaphore, #tpu.memory_space<semaphore_mem>>) attributes {dimension_semantics = [#tpu.dimension_semantics<core_parallel>, #tpu.dimension_semantics<subcore_parallel>], iteration_bounds = array<i64: 2, 16>, scalar_prefetch = 0 : i64, scratch_operands = 10 : i64, tpu.core_type = #tpu.core_type<sc_vector_subcore>, window_params = [{transform_indices = #map}, {transform_indices = #map}, {transform_indices = #map}, {transform_indices = #map}, {transform_indices = #map}]} {
    %mul3A = arith.constant 2 : i32
    %mul3A_0 = arith.muli %arg1, %mul3A : i32
    %add3A = arith.addi %mul3A_0, %arg0 : i32
    %mul3A_1 = arith.constant 32 : i32
    %mul3A_2 = arith.muli %add3A, %mul3A_1 : i32
    %add3A_3 = arith.constant 0 : i32
    %add3A_4 = arith.addi %add3A_3, %mul3A_2 : i32
    "tpu.region"() ({
      %run_scoped3A = tpu.sem_alloc : memref<!tpu.dma_semaphore, #tpu.memory_space<semaphore_mem>>
      %dma_start3A_40 = arith.constant 0 : i32
      %dma_start3A_41 = tpu.memref_slice %arg4[%add3A_4, %dma_start3A_40] : memref<4000x80xi32, #tpu.memory_space<hbm>> -> memref<32x80xi32, #tpu.memory_space<hbm>>
      %dma_start3A_42 = arith.constant 0 : i32
      %dma_start3A_43 = tpu.memref_slice %arg4[%add3A_4, %dma_start3A_42] : memref<4000x80xi32, #tpu.memory_space<hbm>> -> memref<32x80xi32, #tpu.memory_space<hbm>>
      tpu.enqueue_dma source(%dma_start3A_43 : memref<32x80xi32, #tpu.memory_space<hbm>>) target(%arg7 : memref<32x80xi32, #tpu.memory_space<vmem>>) target_semaphore(%run_scoped3A : memref<!tpu.dma_semaphore, #tpu.memory_space<semaphore_mem>>)
      %dma_wait3A = arith.constant 0 : i32
      %dma_wait3A_44 = tpu.memref_slice %arg4[%add3A_4, %dma_wait3A] : memref<4000x80xi32, #tpu.memory_space<hbm>> -> memref<32x80xi32, #tpu.memory_space<hbm>>
      %dma_wait3A_45 = arith.constant 0 : i32
      %dma_wait3A_46 = tpu.memref_slice %arg4[%add3A_4, %dma_wait3A_45] : memref<4000x80xi32, #tpu.memory_space<hbm>> -> memref<32x80xi32, #tpu.memory_space<hbm>>
      tpu.wait_dma2 semaphore(%run_scoped3A : memref<!tpu.dma_semaphore, #tpu.memory_space<semaphore_mem>>) src(%dma_wait3A_46 : memref<32x80xi32, #tpu.memory_space<hbm>>) dst(%arg7 : memref<32x80xi32, #tpu.memory_space<vmem>>)
      tpu.yield
    }) : () -> ()
    "tpu.region"() ({
      %run_scoped3A = tpu.sem_alloc : memref<!tpu.dma_semaphore, #tpu.memory_space<semaphore_mem>>
      %dma_start3A_40 = arith.constant 0 : i32
      %dma_start3A_41 = tpu.memref_slice %arg5[%add3A_4, %dma_start3A_40] : memref<4000x80xi32, #tpu.memory_space<hbm>> -> memref<32x80xi32, #tpu.memory_space<hbm>>
      %dma_start3A_42 = arith.constant 0 : i32
      %dma_start3A_43 = tpu.memref_slice %arg5[%add3A_4, %dma_start3A_42] : memref<4000x80xi32, #tpu.memory_space<hbm>> -> memref<32x80xi32, #tpu.memory_space<hbm>>
      tpu.enqueue_dma source(%dma_start3A_43 : memref<32x80xi32, #tpu.memory_space<hbm>>) target(%arg8 : memref<32x80xi32, #tpu.memory_space<vmem>>) target_semaphore(%run_scoped3A : memref<!tpu.dma_semaphore, #tpu.memory_space<semaphore_mem>>)
      %dma_wait3A = arith.constant 0 : i32
      %dma_wait3A_44 = tpu.memref_slice %arg5[%add3A_4, %dma_wait3A] : memref<4000x80xi32, #tpu.memory_space<hbm>> -> memref<32x80xi32, #tpu.memory_space<hbm>>
      %dma_wait3A_45 = arith.constant 0 : i32
      %dma_wait3A_46 = tpu.memref_slice %arg5[%add3A_4, %dma_wait3A_45] : memref<4000x80xi32, #tpu.memory_space<hbm>> -> memref<32x80xi32, #tpu.memory_space<hbm>>
      tpu.wait_dma2 semaphore(%run_scoped3A : memref<!tpu.dma_semaphore, #tpu.memory_space<semaphore_mem>>) src(%dma_wait3A_46 : memref<32x80xi32, #tpu.memory_space<hbm>>) dst(%arg8 : memref<32x80xi32, #tpu.memory_space<vmem>>)
      tpu.yield
    }) : () -> ()
    %dma_start3A = arith.constant 0 : i32
    %dma_start3A_5 = arith.constant 0 : i32
    %dma_start3A_6 = tpu.memref_slice %arg7[%dma_start3A, %dma_start3A_5] : memref<32x80xi32, #tpu.memory_space<vmem>> -> memref<1x80xi32, #tpu.memory_space<vmem>>
    %dma_start3A_7 = tpu.memref_squeeze %dma_start3A_6 : memref<1x80xi32, #tpu.memory_space<vmem>> -> memref<80xi32, #tpu.memory_space<vmem>>
    %dma_start3A_8 = arith.constant 0 : i32
    %dma_start3A_9 = arith.constant 0 : i32
    %dma_start3A_10 = tpu.memref_slice %arg2[%dma_start3A_8, %dma_start3A_9] : memref<10000x128xf32, #tpu.memory_space<hbm>> -> memref<10000x128xf32, #tpu.memory_space<hbm>>
    tpu.enqueue_indirect_dma source(%dma_start3A_10 : memref<10000x128xf32, #tpu.memory_space<hbm>>) target(%arg9 : memref<80x128xf32, #tpu.memory_space<vmem>>) offsets(%dma_start3A_7 : memref<80xi32, #tpu.memory_space<vmem>>) semaphore(%arg13 : memref<!tpu.dma_semaphore, #tpu.memory_space<semaphore_mem>>)
    %dma_start3A_11 = arith.constant 0 : i32
    %dma_start3A_12 = arith.constant 0 : i32
    %dma_start3A_13 = tpu.memref_slice %arg8[%dma_start3A_11, %dma_start3A_12] : memref<32x80xi32, #tpu.memory_space<vmem>> -> memref<1x80xi32, #tpu.memory_space<vmem>>
    %dma_start3A_14 = tpu.memref_squeeze %dma_start3A_13 : memref<1x80xi32, #tpu.memory_space<vmem>> -> memref<80xi32, #tpu.memory_space<vmem>>
    %dma_start3A_15 = arith.constant 0 : i32
    %dma_start3A_16 = arith.constant 0 : i32
    %dma_start3A_17 = tpu.memref_slice %arg3[%dma_start3A_15, %dma_start3A_16] : memref<10000x128xf32, #tpu.memory_space<hbm>> -> memref<10000x128xf32, #tpu.memory_space<hbm>>
    tpu.enqueue_indirect_dma source(%dma_start3A_17 : memref<10000x128xf32, #tpu.memory_space<hbm>>) target(%arg11 : memref<80x128xf32, #tpu.memory_space<vmem>>) offsets(%dma_start3A_14 : memref<80xi32, #tpu.memory_space<vmem>>) semaphore(%arg15 : memref<!tpu.dma_semaphore, #tpu.memory_space<semaphore_mem>>)
    %dma_start3A_18 = arith.constant 1 : i32
    %dma_start3A_19 = arith.constant 0 : i32
    %dma_start3A_20 = tpu.memref_slice %arg7[%dma_start3A_18, %dma_start3A_19] : memref<32x80xi32, #tpu.memory_space<vmem>> -> memref<1x80xi32, #tpu.memory_space<vmem>>
    %dma_start3A_21 = tpu.memref_squeeze %dma_start3A_20 : memref<1x80xi32, #tpu.memory_space<vmem>> -> memref<80xi32, #tpu.memory_space<vmem>>
    %dma_start3A_22 = arith.constant 0 : i32
    %dma_start3A_23 = arith.constant 0 : i32
    %dma_start3A_24 = tpu.memref_slice %arg2[%dma_start3A_22, %dma_start3A_23] : memref<10000x128xf32, #tpu.memory_space<hbm>> -> memref<10000x128xf32, #tpu.memory_space<hbm>>
    tpu.enqueue_indirect_dma source(%dma_start3A_24 : memref<10000x128xf32, #tpu.memory_space<hbm>>) target(%arg10 : memref<80x128xf32, #tpu.memory_space<vmem>>) offsets(%dma_start3A_21 : memref<80xi32, #tpu.memory_space<vmem>>) semaphore(%arg14 : memref<!tpu.dma_semaphore, #tpu.memory_space<semaphore_mem>>)
    %dma_start3A_25 = arith.constant 1 : i32
    %dma_start3A_26 = arith.constant 0 : i32
    %dma_start3A_27 = tpu.memref_slice %arg8[%dma_start3A_25, %dma_start3A_26] : memref<32x80xi32, #tpu.memory_space<vmem>> -> memref<1x80xi32, #tpu.memory_space<vmem>>
    %dma_start3A_28 = tpu.memref_squeeze %dma_start3A_27 : memref<1x80xi32, #tpu.memory_space<vmem>> -> memref<80xi32, #tpu.memory_space<vmem>>
    %dma_start3A_29 = arith.constant 0 : i32
    %dma_start3A_30 = arith.constant 0 : i32
    %dma_start3A_31 = tpu.memref_slice %arg3[%dma_start3A_29, %dma_start3A_30] : memref<10000x128xf32, #tpu.memory_space<hbm>> -> memref<10000x128xf32, #tpu.memory_space<hbm>>
    tpu.enqueue_indirect_dma source(%dma_start3A_31 : memref<10000x128xf32, #tpu.memory_space<hbm>>) target(%arg12 : memref<80x128xf32, #tpu.memory_space<vmem>>) offsets(%dma_start3A_28 : memref<80xi32, #tpu.memory_space<vmem>>) semaphore(%arg16 : memref<!tpu.dma_semaphore, #tpu.memory_space<semaphore_mem>>)
    %mul3A_32 = arith.constant 32 : i32
    %mul3A_33 = arith.muli %add3A, %mul3A_32 : i32
    %mul3A_34 = arith.constant 80 : i32
    %mul3A_35 = arith.muli %mul3A_33, %mul3A_34 : i32
    %scan3A = arith.constant 0 : i32
    %scan3A_36 = arith.constant 16 : i32
    %scan3A_37 = arith.addi %scan3A, %scan3A_36 : i32
    %scan3A_38 = arith.constant 1 : i32
    scf.for %scan3A_40 = %scan3A to %scan3A_37 step %scan3A_38  : i32 {
      %mul3A_41 = arith.constant 1 : i32
      %mul3A_42 = arith.muli %scan3A_40, %mul3A_41 : i32
      %add3A_43 = arith.constant 0 : i32
      %add3A_44 = arith.addi %add3A_43, %mul3A_42 : i32
      %mul3A_45 = arith.constant 2 : i32
      %mul3A_46 = arith.muli %add3A_44, %mul3A_45 : i32
      %add3A_47 = arith.constant 0 : i32
      %add3A_48 = arith.addi %mul3A_46, %add3A_47 : i32
      %lt3A = arith.constant 32 : i32
      %lt3A_49 = arith.cmpi slt, %add3A_48, %lt3A : i32
      %convert_element_type3A = arith.extui %lt3A_49 : i1 to i32
      %cond3A = arith.constant 0 : i32
      %cond3A_50 = arith.cmpi ne, %convert_element_type3A, %cond3A : i32
      scf.if %cond3A_50 {
        %dma_wait3A = arith.constant 0 : i32
        %dma_wait3A_60 = arith.constant 0 : i32
        %dma_wait3A_61 = tpu.memref_slice %arg7[%dma_wait3A, %dma_wait3A_60] : memref<32x80xi32, #tpu.memory_space<vmem>> -> memref<1x80xi32, #tpu.memory_space<vmem>>
        %dma_wait3A_62 = tpu.memref_squeeze %dma_wait3A_61 : memref<1x80xi32, #tpu.memory_space<vmem>> -> memref<80xi32, #tpu.memory_space<vmem>>
        %dma_wait3A_63 = arith.constant 0 : i32
        %dma_wait3A_64 = arith.constant 0 : i32
        %dma_wait3A_65 = tpu.memref_slice %arg2[%dma_wait3A_63, %dma_wait3A_64] : memref<10000x128xf32, #tpu.memory_space<hbm>> -> memref<10000x128xf32, #tpu.memory_space<hbm>>
        tpu.wait_indirect_dma semaphore(%arg13 : memref<!tpu.dma_semaphore, #tpu.memory_space<semaphore_mem>>) src(%dma_wait3A_65 : memref<10000x128xf32, #tpu.memory_space<hbm>>) dst(%arg9 : memref<80x128xf32, #tpu.memory_space<vmem>>)
        %dma_wait3A_66 = arith.constant 0 : i32
        %dma_wait3A_67 = arith.constant 0 : i32
        %dma_wait3A_68 = tpu.memref_slice %arg8[%dma_wait3A_66, %dma_wait3A_67] : memref<32x80xi32, #tpu.memory_space<vmem>> -> memref<1x80xi32, #tpu.memory_space<vmem>>
        %dma_wait3A_69 = tpu.memref_squeeze %dma_wait3A_68 : memref<1x80xi32, #tpu.memory_space<vmem>> -> memref<80xi32, #tpu.memory_space<vmem>>
        %dma_wait3A_70 = arith.constant 0 : i32
        %dma_wait3A_71 = arith.constant 0 : i32
        %dma_wait3A_72 = tpu.memref_slice %arg3[%dma_wait3A_70, %dma_wait3A_71] : memref<10000x128xf32, #tpu.memory_space<hbm>> -> memref<10000x128xf32, #tpu.memory_space<hbm>>
        tpu.wait_indirect_dma semaphore(%arg15 : memref<!tpu.dma_semaphore, #tpu.memory_space<semaphore_mem>>) src(%dma_wait3A_72 : memref<10000x128xf32, #tpu.memory_space<hbm>>) dst(%arg11 : memref<80x128xf32, #tpu.memory_space<vmem>>)
        %scan3A_73 = arith.constant 0 : i32
        %scan3A_74 = arith.constant 80 : i32
        %scan3A_75 = arith.addi %scan3A_73, %scan3A_74 : i32
        %scan3A_76 = arith.constant 1 : i32
        scf.for %scan3A_96 = %scan3A_73 to %scan3A_75 step %scan3A_76  : i32 {
          %mul3A_97 = arith.constant 1 : i32
          %mul3A_98 = arith.muli %scan3A_96, %mul3A_97 : i32
          %add3A_99 = arith.constant 0 : i32
          %add3A_100 = arith.addi %add3A_99, %mul3A_98 : i32
          %get3A = arith.index_cast %add3A_100 : i32 to index
          %get3A_101 = arith.constant 0 : index
          %get3A_102 = tpu.vector_load %arg9[%get3A, %get3A_101] {strides = array<i32>} : memref<80x128xf32, #tpu.memory_space<vmem>>, vector<1x16xf32>,
          %get3A_103 = vector.shape_cast %get3A_102 : vector<1x16xf32> to vector<16xf32>
          %get3A_104 = arith.index_cast %add3A_100 : i32 to index
          %get3A_105 = arith.constant 0 : index
          %get3A_106 = tpu.vector_load %arg11[%get3A_104, %get3A_105] {strides = array<i32>} : memref<80x128xf32, #tpu.memory_space<vmem>>, vector<1x16xf32>,
          %get3A_107 = vector.shape_cast %get3A_106 : vector<1x16xf32> to vector<16xf32>
          %add3A_108 = arith.addf %get3A_103, %get3A_107 : vector<16xf32>
          %swap3A = arith.index_cast %add3A_100 : i32 to index
          %swap3A_109 = arith.constant 0 : index
          %swap3A_110 = tpu.vector_load %arg9[%swap3A, %swap3A_109] {strides = array<i32>} : memref<80x128xf32, #tpu.memory_space<vmem>>, vector<1x16xf32>,
          %swap3A_111 = vector.shape_cast %swap3A_110 : vector<1x16xf32> to vector<16xf32>
          %swap3A_112 = vector.shape_cast %add3A_108 : vector<16xf32> to vector<1x16xf32>
          tpu.vector_store %arg9[%swap3A, %swap3A_109], %swap3A_112 {strides = array<i32>} : memref<80x128xf32, #tpu.memory_space<vmem>>, vector<1x16xf32>,
          %get3A_113 = arith.index_cast %add3A_100 : i32 to index
          %get3A_114 = arith.constant 16 : index
          %get3A_115 = tpu.vector_load %arg9[%get3A_113, %get3A_114] {strides = array<i32>} : memref<80x128xf32, #tpu.memory_space<vmem>>, vector<1x16xf32>,
          %get3A_116 = vector.shape_cast %get3A_115 : vector<1x16xf32> to vector<16xf32>
          %get3A_117 = arith.index_cast %add3A_100 : i32 to index
          %get3A_118 = arith.constant 16 : index
          %get3A_119 = tpu.vector_load %arg11[%get3A_117, %get3A_118] {strides = array<i32>} : memref<80x128xf32, #tpu.memory_space<vmem>>, vector<1x16xf32>,
          %get3A_120 = vector.shape_cast %get3A_119 : vector<1x16xf32> to vector<16xf32>
          %add3A_121 = arith.addf %get3A_116, %get3A_120 : vector<16xf32>
          %swap3A_122 = arith.index_cast %add3A_100 : i32 to index
          %swap3A_123 = arith.constant 16 : index
          %swap3A_124 = tpu.vector_load %arg9[%swap3A_122, %swap3A_123] {strides = array<i32>} : memref<80x128xf32, #tpu.memory_space<vmem>>, vector<1x16xf32>,
          %swap3A_125 = vector.shape_cast %swap3A_124 : vector<1x16xf32> to vector<16xf32>
          %swap3A_126 = vector.shape_cast %add3A_121 : vector<16xf32> to vector<1x16xf32>
          tpu.vector_store %arg9[%swap3A_122, %swap3A_123], %swap3A_126 {strides = array<i32>} : memref<80x128xf32, #tpu.memory_space<vmem>>, vector<1x16xf32>,
          %get3A_127 = arith.index_cast %add3A_100 : i32 to index
          %get3A_128 = arith.constant 32 : index
          %get3A_129 = tpu.vector_load %arg9[%get3A_127, %get3A_128] {strides = array<i32>} : memref<80x128xf32, #tpu.memory_space<vmem>>, vector<1x16xf32>,
          %get3A_130 = vector.shape_cast %get3A_129 : vector<1x16xf32> to vector<16xf32>
          %get3A_131 = arith.index_cast %add3A_100 : i32 to index
          %get3A_132 = arith.constant 32 : index
          %get3A_133 = tpu.vector_load %arg11[%get3A_131, %get3A_132] {strides = array<i32>} : memref<80x128xf32, #tpu.memory_space<vmem>>, vector<1x16xf32>,
          %get3A_134 = vector.shape_cast %get3A_133 : vector<1x16xf32> to vector<16xf32>
          %add3A_135 = arith.addf %get3A_130, %get3A_134 : vector<16xf32>
          %swap3A_136 = arith.index_cast %add3A_100 : i32 to index
          %swap3A_137 = arith.constant 32 : index
          %swap3A_138 = tpu.vector_load %arg9[%swap3A_136, %swap3A_137] {strides = array<i32>} : memref<80x128xf32, #tpu.memory_space<vmem>>, vector<1x16xf32>,
          %swap3A_139 = vector.shape_cast %swap3A_138 : vector<1x16xf32> to vector<16xf32>
          %swap3A_140 = vector.shape_cast %add3A_135 : vector<16xf32> to vector<1x16xf32>
          tpu.vector_store %arg9[%swap3A_136, %swap3A_137], %swap3A_140 {strides = array<i32>} : memref<80x128xf32, #tpu.memory_space<vmem>>, vector<1x16xf32>,
          %get3A_141 = arith.index_cast %add3A_100 : i32 to index
          %get3A_142 = arith.constant 48 : index
          %get3A_143 = tpu.vector_load %arg9[%get3A_141, %get3A_142] {strides = array<i32>} : memref<80x128xf32, #tpu.memory_space<vmem>>, vector<1x16xf32>,
          %get3A_144 = vector.shape_cast %get3A_143 : vector<1x16xf32> to vector<16xf32>
          %get3A_145 = arith.index_cast %add3A_100 : i32 to index
          %get3A_146 = arith.constant 48 : index
          %get3A_147 = tpu.vector_load %arg11[%get3A_145, %get3A_146] {strides = array<i32>} : memref<80x128xf32, #tpu.memory_space<vmem>>, vector<1x16xf32>,
          %get3A_148 = vector.shape_cast %get3A_147 : vector<1x16xf32> to vector<16xf32>
          %add3A_149 = arith.addf %get3A_144, %get3A_148 : vector<16xf32>
          %swap3A_150 = arith.index_cast %add3A_100 : i32 to index
          %swap3A_151 = arith.constant 48 : index
          %swap3A_152 = tpu.vector_load %arg9[%swap3A_150, %swap3A_151] {strides = array<i32>} : memref<80x128xf32, #tpu.memory_space<vmem>>, vector<1x16xf32>,
          %swap3A_153 = vector.shape_cast %swap3A_152 : vector<1x16xf32> to vector<16xf32>
          %swap3A_154 = vector.shape_cast %add3A_149 : vector<16xf32> to vector<1x16xf32>
          tpu.vector_store %arg9[%swap3A_150, %swap3A_151], %swap3A_154 {strides = array<i32>} : memref<80x128xf32, #tpu.memory_space<vmem>>, vector<1x16xf32>,
          %get3A_155 = arith.index_cast %add3A_100 : i32 to index
          %get3A_156 = arith.constant 64 : index
          %get3A_157 = tpu.vector_load %arg9[%get3A_155, %get3A_156] {strides = array<i32>} : memref<80x128xf32, #tpu.memory_space<vmem>>, vector<1x16xf32>,
          %get3A_158 = vector.shape_cast %get3A_157 : vector<1x16xf32> to vector<16xf32>
          %get3A_159 = arith.index_cast %add3A_100 : i32 to index
          %get3A_160 = arith.constant 64 : index
          %get3A_161 = tpu.vector_load %arg11[%get3A_159, %get3A_160] {strides = array<i32>} : memref<80x128xf32, #tpu.memory_space<vmem>>, vector<1x16xf32>,
          %get3A_162 = vector.shape_cast %get3A_161 : vector<1x16xf32> to vector<16xf32>
          %add3A_163 = arith.addf %get3A_158, %get3A_162 : vector<16xf32>
          %swap3A_164 = arith.index_cast %add3A_100 : i32 to index
          %swap3A_165 = arith.constant 64 : index
          %swap3A_166 = tpu.vector_load %arg9[%swap3A_164, %swap3A_165] {strides = array<i32>} : memref<80x128xf32, #tpu.memory_space<vmem>>, vector<1x16xf32>,
          %swap3A_167 = vector.shape_cast %swap3A_166 : vector<1x16xf32> to vector<16xf32>
          %swap3A_168 = vector.shape_cast %add3A_163 : vector<16xf32> to vector<1x16xf32>
          tpu.vector_store %arg9[%swap3A_164, %swap3A_165], %swap3A_168 {strides = array<i32>} : memref<80x128xf32, #tpu.memory_space<vmem>>, vector<1x16xf32>,
          %get3A_169 = arith.index_cast %add3A_100 : i32 to index
          %get3A_170 = arith.constant 80 : index
          %get3A_171 = tpu.vector_load %arg9[%get3A_169, %get3A_170] {strides = array<i32>} : memref<80x128xf32, #tpu.memory_space<vmem>>, vector<1x16xf32>,
          %get3A_172 = vector.shape_cast %get3A_171 : vector<1x16xf32> to vector<16xf32>
          %get3A_173 = arith.index_cast %add3A_100 : i32 to index
          %get3A_174 = arith.constant 80 : index
          %get3A_175 = tpu.vector_load %arg11[%get3A_173, %get3A_174] {strides = array<i32>} : memref<80x128xf32, #tpu.memory_space<vmem>>, vector<1x16xf32>,
          %get3A_176 = vector.shape_cast %get3A_175 : vector<1x16xf32> to vector<16xf32>
          %add3A_177 = arith.addf %get3A_172, %get3A_176 : vector<16xf32>
          %swap3A_178 = arith.index_cast %add3A_100 : i32 to index
          %swap3A_179 = arith.constant 80 : index
          %swap3A_180 = tpu.vector_load %arg9[%swap3A_178, %swap3A_179] {strides = array<i32>} : memref<80x128xf32, #tpu.memory_space<vmem>>, vector<1x16xf32>,
          %swap3A_181 = vector.shape_cast %swap3A_180 : vector<1x16xf32> to vector<16xf32>
          %swap3A_182 = vector.shape_cast %add3A_177 : vector<16xf32> to vector<1x16xf32>
          tpu.vector_store %arg9[%swap3A_178, %swap3A_179], %swap3A_182 {strides = array<i32>} : memref<80x128xf32, #tpu.memory_space<vmem>>, vector<1x16xf32>,
          %get3A_183 = arith.index_cast %add3A_100 : i32 to index
          %get3A_184 = arith.constant 96 : index
          %get3A_185 = tpu.vector_load %arg9[%get3A_183, %get3A_184] {strides = array<i32>} : memref<80x128xf32, #tpu.memory_space<vmem>>, vector<1x16xf32>,
          %get3A_186 = vector.shape_cast %get3A_185 : vector<1x16xf32> to vector<16xf32>
          %get3A_187 = arith.index_cast %add3A_100 : i32 to index
          %get3A_188 = arith.constant 96 : index
          %get3A_189 = tpu.vector_load %arg11[%get3A_187, %get3A_188] {strides = array<i32>} : memref<80x128xf32, #tpu.memory_space<vmem>>, vector<1x16xf32>,
          %get3A_190 = vector.shape_cast %get3A_189 : vector<1x16xf32> to vector<16xf32>
          %add3A_191 = arith.addf %get3A_186, %get3A_190 : vector<16xf32>
          %swap3A_192 = arith.index_cast %add3A_100 : i32 to index
          %swap3A_193 = arith.constant 96 : index
          %swap3A_194 = tpu.vector_load %arg9[%swap3A_192, %swap3A_193] {strides = array<i32>} : memref<80x128xf32, #tpu.memory_space<vmem>>, vector<1x16xf32>,
          %swap3A_195 = vector.shape_cast %swap3A_194 : vector<1x16xf32> to vector<16xf32>
          %swap3A_196 = vector.shape_cast %add3A_191 : vector<16xf32> to vector<1x16xf32>
          tpu.vector_store %arg9[%swap3A_192, %swap3A_193], %swap3A_196 {strides = array<i32>} : memref<80x128xf32, #tpu.memory_space<vmem>>, vector<1x16xf32>,
          %get3A_197 = arith.index_cast %add3A_100 : i32 to index
          %get3A_198 = arith.constant 112 : index
          %get3A_199 = tpu.vector_load %arg9[%get3A_197, %get3A_198] {strides = array<i32>} : memref<80x128xf32, #tpu.memory_space<vmem>>, vector<1x16xf32>,
          %get3A_200 = vector.shape_cast %get3A_199 : vector<1x16xf32> to vector<16xf32>
          %get3A_201 = arith.index_cast %add3A_100 : i32 to index
          %get3A_202 = arith.constant 112 : index
          %get3A_203 = tpu.vector_load %arg11[%get3A_201, %get3A_202] {strides = array<i32>} : memref<80x128xf32, #tpu.memory_space<vmem>>, vector<1x16xf32>,
          %get3A_204 = vector.shape_cast %get3A_203 : vector<1x16xf32> to vector<16xf32>
          %add3A_205 = arith.addf %get3A_200, %get3A_204 : vector<16xf32>
          %swap3A_206 = arith.index_cast %add3A_100 : i32 to index
          %swap3A_207 = arith.constant 112 : index
          %swap3A_208 = tpu.vector_load %arg9[%swap3A_206, %swap3A_207] {strides = array<i32>} : memref<80x128xf32, #tpu.memory_space<vmem>>, vector<1x16xf32>,
          %swap3A_209 = vector.shape_cast %swap3A_208 : vector<1x16xf32> to vector<16xf32>
          %swap3A_210 = vector.shape_cast %add3A_205 : vector<16xf32> to vector<1x16xf32>
          tpu.vector_store %arg9[%swap3A_206, %swap3A_207], %swap3A_210 {strides = array<i32>} : memref<80x128xf32, #tpu.memory_space<vmem>>, vector<1x16xf32>,
        }
        %scan3A_77 = arith.constant 80 : i32
        %mul3A_78 = arith.constant 80 : i32
        %mul3A_79 = arith.muli %add3A_48, %mul3A_78 : i32
        %add3A_80 = arith.addi %mul3A_35, %mul3A_79 : i32
        %dma_start3A_81 = arith.constant 0 : i32
        %dma_start3A_82 = tpu.memref_slice %arg6[%add3A_80, %dma_start3A_81] : memref<81920x128xf32, #tpu.memory_space<hbm>> -> memref<80x128xf32, #tpu.memory_space<hbm>>
        %dma_start3A_83 = arith.constant 0 : i32
        %dma_start3A_84 = tpu.memref_slice %arg6[%add3A_80, %dma_start3A_83] : memref<81920x128xf32, #tpu.memory_space<hbm>> -> memref<80x128xf32, #tpu.memory_space<hbm>>
        tpu.enqueue_dma source(%arg9 : memref<80x128xf32, #tpu.memory_space<vmem>>) target(%dma_start3A_84 : memref<80x128xf32, #tpu.memory_space<hbm>>) target_semaphore(%arg13 : memref<!tpu.dma_semaphore, #tpu.memory_space<semaphore_mem>>)
        %dma_wait3A_85 = arith.constant 0 : i32
        %dma_wait3A_86 = tpu.memref_slice %arg6[%add3A_80, %dma_wait3A_85] : memref<81920x128xf32, #tpu.memory_space<hbm>> -> memref<80x128xf32, #tpu.memory_space<hbm>>
        %dma_wait3A_87 = arith.constant 0 : i32
        %dma_wait3A_88 = tpu.memref_slice %arg6[%add3A_80, %dma_wait3A_87] : memref<81920x128xf32, #tpu.memory_space<hbm>> -> memref<80x128xf32, #tpu.memory_space<hbm>>
        tpu.wait_dma2 semaphore(%arg13 : memref<!tpu.dma_semaphore, #tpu.memory_space<semaphore_mem>>) src(%arg9 : memref<80x128xf32, #tpu.memory_space<vmem>>) dst(%dma_wait3A_88 : memref<80x128xf32, #tpu.memory_space<hbm>>)
        %add3A_89 = arith.constant 2 : i32
        %add3A_90 = arith.addi %add3A_48, %add3A_89 : i32
        %lt3A_91 = arith.constant 32 : i32
        %lt3A_92 = arith.cmpi slt, %add3A_90, %lt3A_91 : i32
        %convert_element_type3A_93 = arith.extui %lt3A_92 : i1 to i32
        %cond3A_94 = arith.constant 0 : i32
        %cond3A_95 = arith.cmpi ne, %convert_element_type3A_93, %cond3A_94 : i32
        scf.if %cond3A_95 {
          %add3A_96 = arith.constant 2 : i32
          %add3A_97 = arith.addi %add3A_48, %add3A_96 : i32
          %dma_start3A_98 = arith.constant 0 : i32
          %dma_start3A_99 = tpu.memref_slice %arg7[%add3A_97, %dma_start3A_98] : memref<32x80xi32, #tpu.memory_space<vmem>> -> memref<1x80xi32, #tpu.memory_space<vmem>>
          %dma_start3A_100 = tpu.memref_squeeze %dma_start3A_99 : memref<1x80xi32, #tpu.memory_space<vmem>> -> memref<80xi32, #tpu.memory_space<vmem>>
          %dma_start3A_101 = arith.constant 0 : i32
          %dma_start3A_102 = arith.constant 0 : i32
          %dma_start3A_103 = tpu.memref_slice %arg2[%dma_start3A_101, %dma_start3A_102] : memref<10000x128xf32, #tpu.memory_space<hbm>> -> memref<10000x128xf32, #tpu.memory_space<hbm>>
          tpu.enqueue_indirect_dma source(%dma_start3A_103 : memref<10000x128xf32, #tpu.memory_space<hbm>>) target(%arg9 : memref<80x128xf32, #tpu.memory_space<vmem>>) offsets(%dma_start3A_100 : memref<80xi32, #tpu.memory_space<vmem>>) semaphore(%arg13 : memref<!tpu.dma_semaphore, #tpu.memory_space<semaphore_mem>>)
          %dma_start3A_104 = arith.constant 0 : i32
          %dma_start3A_105 = tpu.memref_slice %arg8[%add3A_97, %dma_start3A_104] : memref<32x80xi32, #tpu.memory_space<vmem>> -> memref<1x80xi32, #tpu.memory_space<vmem>>
          %dma_start3A_106 = tpu.memref_squeeze %dma_start3A_105 : memref<1x80xi32, #tpu.memory_space<vmem>> -> memref<80xi32, #tpu.memory_space<vmem>>
          %dma_start3A_107 = arith.constant 0 : i32
          %dma_start3A_108 = arith.constant 0 : i32
          %dma_start3A_109 = tpu.memref_slice %arg3[%dma_start3A_107, %dma_start3A_108] : memref<10000x128xf32, #tpu.memory_space<hbm>> -> memref<10000x128xf32, #tpu.memory_space<hbm>>
          tpu.enqueue_indirect_dma source(%dma_start3A_109 : memref<10000x128xf32, #tpu.memory_space<hbm>>) target(%arg11 : memref<80x128xf32, #tpu.memory_space<vmem>>) offsets(%dma_start3A_106 : memref<80xi32, #tpu.memory_space<vmem>>) semaphore(%arg15 : memref<!tpu.dma_semaphore, #tpu.memory_space<semaphore_mem>>)
        } else {
        }
      } else {
      }
      %mul3A_51 = arith.constant 2 : i32
      %mul3A_52 = arith.muli %add3A_44, %mul3A_51 : i32
      %add3A_53 = arith.constant 1 : i32
      %add3A_54 = arith.addi %mul3A_52, %add3A_53 : i32
      %lt3A_55 = arith.constant 32 : i32
      %lt3A_56 = arith.cmpi slt, %add3A_54, %lt3A_55 : i32
      %convert_element_type3A_57 = arith.extui %lt3A_56 : i1 to i32
      %cond3A_58 = arith.constant 0 : i32
      %cond3A_59 = arith.cmpi ne, %convert_element_type3A_57, %cond3A_58 : i32
      scf.if %cond3A_59 {
        %dma_wait3A = arith.constant 0 : i32
        %dma_wait3A_60 = arith.constant 0 : i32
        %dma_wait3A_61 = tpu.memref_slice %arg7[%dma_wait3A, %dma_wait3A_60] : memref<32x80xi32, #tpu.memory_space<vmem>> -> memref<1x80xi32, #tpu.memory_space<vmem>>
        %dma_wait3A_62 = tpu.memref_squeeze %dma_wait3A_61 : memref<1x80xi32, #tpu.memory_space<vmem>> -> memref<80xi32, #tpu.memory_space<vmem>>
        %dma_wait3A_63 = arith.constant 0 : i32
        %dma_wait3A_64 = arith.constant 0 : i32
        %dma_wait3A_65 = tpu.memref_slice %arg2[%dma_wait3A_63, %dma_wait3A_64] : memref<10000x128xf32, #tpu.memory_space<hbm>> -> memref<10000x128xf32, #tpu.memory_space<hbm>>
        tpu.wait_indirect_dma semaphore(%arg14 : memref<!tpu.dma_semaphore, #tpu.memory_space<semaphore_mem>>) src(%dma_wait3A_65 : memref<10000x128xf32, #tpu.memory_space<hbm>>) dst(%arg10 : memref<80x128xf32, #tpu.memory_space<vmem>>)
        %dma_wait3A_66 = arith.constant 0 : i32
        %dma_wait3A_67 = arith.constant 0 : i32
        %dma_wait3A_68 = tpu.memref_slice %arg8[%dma_wait3A_66, %dma_wait3A_67] : memref<32x80xi32, #tpu.memory_space<vmem>> -> memref<1x80xi32, #tpu.memory_space<vmem>>
        %dma_wait3A_69 = tpu.memref_squeeze %dma_wait3A_68 : memref<1x80xi32, #tpu.memory_space<vmem>> -> memref<80xi32, #tpu.memory_space<vmem>>
        %dma_wait3A_70 = arith.constant 0 : i32
        %dma_wait3A_71 = arith.constant 0 : i32
        %dma_wait3A_72 = tpu.memref_slice %arg3[%dma_wait3A_70, %dma_wait3A_71] : memref<10000x128xf32, #tpu.memory_space<hbm>> -> memref<10000x128xf32, #tpu.memory_space<hbm>>
        tpu.wait_indirect_dma semaphore(%arg16 : memref<!tpu.dma_semaphore, #tpu.memory_space<semaphore_mem>>) src(%dma_wait3A_72 : memref<10000x128xf32, #tpu.memory_space<hbm>>) dst(%arg12 : memref<80x128xf32, #tpu.memory_space<vmem>>)
        %scan3A_73 = arith.constant 0 : i32
        %scan3A_74 = arith.constant 80 : i32
        %scan3A_75 = arith.addi %scan3A_73, %scan3A_74 : i32
        %scan3A_76 = arith.constant 1 : i32
        scf.for %scan3A_96 = %scan3A_73 to %scan3A_75 step %scan3A_76  : i32 {
          %mul3A_97 = arith.constant 1 : i32
          %mul3A_98 = arith.muli %scan3A_96, %mul3A_97 : i32
          %add3A_99 = arith.constant 0 : i32
          %add3A_100 = arith.addi %add3A_99, %mul3A_98 : i32
          %get3A = arith.index_cast %add3A_100 : i32 to index
          %get3A_101 = arith.constant 0 : index
          %get3A_102 = tpu.vector_load %arg10[%get3A, %get3A_101] {strides = array<i32>} : memref<80x128xf32, #tpu.memory_space<vmem>>, vector<1x16xf32>,
          %get3A_103 = vector.shape_cast %get3A_102 : vector<1x16xf32> to vector<16xf32>
          %get3A_104 = arith.index_cast %add3A_100 : i32 to index
          %get3A_105 = arith.constant 0 : index
          %get3A_106 = tpu.vector_load %arg12[%get3A_104, %get3A_105] {strides = array<i32>} : memref<80x128xf32, #tpu.memory_space<vmem>>, vector<1x16xf32>,
          %get3A_107 = vector.shape_cast %get3A_106 : vector<1x16xf32> to vector<16xf32>
          %add3A_108 = arith.addf %get3A_103, %get3A_107 : vector<16xf32>
          %swap3A = arith.index_cast %add3A_100 : i32 to index
          %swap3A_109 = arith.constant 0 : index
          %swap3A_110 = tpu.vector_load %arg10[%swap3A, %swap3A_109] {strides = array<i32>} : memref<80x128xf32, #tpu.memory_space<vmem>>, vector<1x16xf32>,
          %swap3A_111 = vector.shape_cast %swap3A_110 : vector<1x16xf32> to vector<16xf32>
          %swap3A_112 = vector.shape_cast %add3A_108 : vector<16xf32> to vector<1x16xf32>
          tpu.vector_store %arg10[%swap3A, %swap3A_109], %swap3A_112 {strides = array<i32>} : memref<80x128xf32, #tpu.memory_space<vmem>>, vector<1x16xf32>,
          %get3A_113 = arith.index_cast %add3A_100 : i32 to index
          %get3A_114 = arith.constant 16 : index
          %get3A_115 = tpu.vector_load %arg10[%get3A_113, %get3A_114] {strides = array<i32>} : memref<80x128xf32, #tpu.memory_space<vmem>>, vector<1x16xf32>,
          %get3A_116 = vector.shape_cast %get3A_115 : vector<1x16xf32> to vector<16xf32>
          %get3A_117 = arith.index_cast %add3A_100 : i32 to index
          %get3A_118 = arith.constant 16 : index
          %get3A_119 = tpu.vector_load %arg12[%get3A_117, %get3A_118] {strides = array<i32>} : memref<80x128xf32, #tpu.memory_space<vmem>>, vector<1x16xf32>,
          %get3A_120 = vector.shape_cast %get3A_119 : vector<1x16xf32> to vector<16xf32>
          %add3A_121 = arith.addf %get3A_116, %get3A_120 : vector<16xf32>
          %swap3A_122 = arith.index_cast %add3A_100 : i32 to index
          %swap3A_123 = arith.constant 16 : index
          %swap3A_124 = tpu.vector_load %arg10[%swap3A_122, %swap3A_123] {strides = array<i32>} : memref<80x128xf32, #tpu.memory_space<vmem>>, vector<1x16xf32>,
          %swap3A_125 = vector.shape_cast %swap3A_124 : vector<1x16xf32> to vector<16xf32>
          %swap3A_126 = vector.shape_cast %add3A_121 : vector<16xf32> to vector<1x16xf32>
          tpu.vector_store %arg10[%swap3A_122, %swap3A_123], %swap3A_126 {strides = array<i32>} : memref<80x128xf32, #tpu.memory_space<vmem>>, vector<1x16xf32>,
          %get3A_127 = arith.index_cast %add3A_100 : i32 to index
          %get3A_128 = arith.constant 32 : index
          %get3A_129 = tpu.vector_load %arg10[%get3A_127, %get3A_128] {strides = array<i32>} : memref<80x128xf32, #tpu.memory_space<vmem>>, vector<1x16xf32>,
          %get3A_130 = vector.shape_cast %get3A_129 : vector<1x16xf32> to vector<16xf32>
          %get3A_131 = arith.index_cast %add3A_100 : i32 to index
          %get3A_132 = arith.constant 32 : index
          %get3A_133 = tpu.vector_load %arg12[%get3A_131, %get3A_132] {strides = array<i32>} : memref<80x128xf32, #tpu.memory_space<vmem>>, vector<1x16xf32>,
          %get3A_134 = vector.shape_cast %get3A_133 : vector<1x16xf32> to vector<16xf32>
          %add3A_135 = arith.addf %get3A_130, %get3A_134 : vector<16xf32>
          %swap3A_136 = arith.index_cast %add3A_100 : i32 to index
          %swap3A_137 = arith.constant 32 : index
          %swap3A_138 = tpu.vector_load %arg10[%swap3A_136, %swap3A_137] {strides = array<i32>} : memref<80x128xf32, #tpu.memory_space<vmem>>, vector<1x16xf32>,
          %swap3A_139 = vector.shape_cast %swap3A_138 : vector<1x16xf32> to vector<16xf32>
          %swap3A_140 = vector.shape_cast %add3A_135 : vector<16xf32> to vector<1x16xf32>
          tpu.vector_store %arg10[%swap3A_136, %swap3A_137], %swap3A_140 {strides = array<i32>} : memref<80x128xf32, #tpu.memory_space<vmem>>, vector<1x16xf32>,
          %get3A_141 = arith.index_cast %add3A_100 : i32 to index
          %get3A_142 = arith.constant 48 : index
          %get3A_143 = tpu.vector_load %arg10[%get3A_141, %get3A_142] {strides = array<i32>} : memref<80x128xf32, #tpu.memory_space<vmem>>, vector<1x16xf32>,
          %get3A_144 = vector.shape_cast %get3A_143 : vector<1x16xf32> to vector<16xf32>
          %get3A_145 = arith.index_cast %add3A_100 : i32 to index
          %get3A_146 = arith.constant 48 : index
          %get3A_147 = tpu.vector_load %arg12[%get3A_145, %get3A_146] {strides = array<i32>} : memref<80x128xf32, #tpu.memory_space<vmem>>, vector<1x16xf32>,
          %get3A_148 = vector.shape_cast %get3A_147 : vector<1x16xf32> to vector<16xf32>
          %add3A_149 = arith.addf %get3A_144, %get3A_148 : vector<16xf32>
          %swap3A_150 = arith.index_cast %add3A_100 : i32 to index
          %swap3A_151 = arith.constant 48 : index
          %swap3A_152 = tpu.vector_load %arg10[%swap3A_150, %swap3A_151] {strides = array<i32>} : memref<80x128xf32, #tpu.memory_space<vmem>>, vector<1x16xf32>,
          %swap3A_153 = vector.shape_cast %swap3A_152 : vector<1x16xf32> to vector<16xf32>
          %swap3A_154 = vector.shape_cast %add3A_149 : vector<16xf32> to vector<1x16xf32>
          tpu.vector_store %arg10[%swap3A_150, %swap3A_151], %swap3A_154 {strides = array<i32>} : memref<80x128xf32, #tpu.memory_space<vmem>>, vector<1x16xf32>,
          %get3A_155 = arith.index_cast %add3A_100 : i32 to index
          %get3A_156 = arith.constant 64 : index
          %get3A_157 = tpu.vector_load %arg10[%get3A_155, %get3A_156] {strides = array<i32>} : memref<80x128xf32, #tpu.memory_space<vmem>>, vector<1x16xf32>,
          %get3A_158 = vector.shape_cast %get3A_157 : vector<1x16xf32> to vector<16xf32>
          %get3A_159 = arith.index_cast %add3A_100 : i32 to index
          %get3A_160 = arith.constant 64 : index
          %get3A_161 = tpu.vector_load %arg12[%get3A_159, %get3A_160] {strides = array<i32>} : memref<80x128xf32, #tpu.memory_space<vmem>>, vector<1x16xf32>,
          %get3A_162 = vector.shape_cast %get3A_161 : vector<1x16xf32> to vector<16xf32>
          %add3A_163 = arith.addf %get3A_158, %get3A_162 : vector<16xf32>
          %swap3A_164 = arith.index_cast %add3A_100 : i32 to index
          %swap3A_165 = arith.constant 64 : index
          %swap3A_166 = tpu.vector_load %arg10[%swap3A_164, %swap3A_165] {strides = array<i32>} : memref<80x128xf32, #tpu.memory_space<vmem>>, vector<1x16xf32>,
          %swap3A_167 = vector.shape_cast %swap3A_166 : vector<1x16xf32> to vector<16xf32>
          %swap3A_168 = vector.shape_cast %add3A_163 : vector<16xf32> to vector<1x16xf32>
          tpu.vector_store %arg10[%swap3A_164, %swap3A_165], %swap3A_168 {strides = array<i32>} : memref<80x128xf32, #tpu.memory_space<vmem>>, vector<1x16xf32>,
          %get3A_169 = arith.index_cast %add3A_100 : i32 to index
          %get3A_170 = arith.constant 80 : index
          %get3A_171 = tpu.vector_load %arg10[%get3A_169, %get3A_170] {strides = array<i32>} : memref<80x128xf32, #tpu.memory_space<vmem>>, vector<1x16xf32>,
          %get3A_172 = vector.shape_cast %get3A_171 : vector<1x16xf32> to vector<16xf32>
          %get3A_173 = arith.index_cast %add3A_100 : i32 to index
          %get3A_174 = arith.constant 80 : index
          %get3A_175 = tpu.vector_load %arg12[%get3A_173, %get3A_174] {strides = array<i32>} : memref<80x128xf32, #tpu.memory_space<vmem>>, vector<1x16xf32>,
          %get3A_176 = vector.shape_cast %get3A_175 : vector<1x16xf32> to vector<16xf32>
          %add3A_177 = arith.addf %get3A_172, %get3A_176 : vector<16xf32>
          %swap3A_178 = arith.index_cast %add3A_100 : i32 to index
          %swap3A_179 = arith.constant 80 : index
          %swap3A_180 = tpu.vector_load %arg10[%swap3A_178, %swap3A_179] {strides = array<i32>} : memref<80x128xf32, #tpu.memory_space<vmem>>, vector<1x16xf32>,
          %swap3A_181 = vector.shape_cast %swap3A_180 : vector<1x16xf32> to vector<16xf32>
          %swap3A_182 = vector.shape_cast %add3A_177 : vector<16xf32> to vector<1x16xf32>
          tpu.vector_store %arg10[%swap3A_178, %swap3A_179], %swap3A_182 {strides = array<i32>} : memref<80x128xf32, #tpu.memory_space<vmem>>, vector<1x16xf32>,
          %get3A_183 = arith.index_cast %add3A_100 : i32 to index
          %get3A_184 = arith.constant 96 : index
          %get3A_185 = tpu.vector_load %arg10[%get3A_183, %get3A_184] {strides = array<i32>} : memref<80x128xf32, #tpu.memory_space<vmem>>, vector<1x16xf32>,
          %get3A_186 = vector.shape_cast %get3A_185 : vector<1x16xf32> to vector<16xf32>
          %get3A_187 = arith.index_cast %add3A_100 : i32 to index
          %get3A_188 = arith.constant 96 : index
          %get3A_189 = tpu.vector_load %arg12[%get3A_187, %get3A_188] {strides = array<i32>} : memref<80x128xf32, #tpu.memory_space<vmem>>, vector<1x16xf32>,
          %get3A_190 = vector.shape_cast %get3A_189 : vector<1x16xf32> to vector<16xf32>
          %add3A_191 = arith.addf %get3A_186, %get3A_190 : vector<16xf32>
          %swap3A_192 = arith.index_cast %add3A_100 : i32 to index
          %swap3A_193 = arith.constant 96 : index
          %swap3A_194 = tpu.vector_load %arg10[%swap3A_192, %swap3A_193] {strides = array<i32>} : memref<80x128xf32, #tpu.memory_space<vmem>>, vector<1x16xf32>,
          %swap3A_195 = vector.shape_cast %swap3A_194 : vector<1x16xf32> to vector<16xf32>
          %swap3A_196 = vector.shape_cast %add3A_191 : vector<16xf32> to vector<1x16xf32>
          tpu.vector_store %arg10[%swap3A_192, %swap3A_193], %swap3A_196 {strides = array<i32>} : memref<80x128xf32, #tpu.memory_space<vmem>>, vector<1x16xf32>,
          %get3A_197 = arith.index_cast %add3A_100 : i32 to index
          %get3A_198 = arith.constant 112 : index
          %get3A_199 = tpu.vector_load %arg10[%get3A_197, %get3A_198] {strides = array<i32>} : memref<80x128xf32, #tpu.memory_space<vmem>>, vector<1x16xf32>,
          %get3A_200 = vector.shape_cast %get3A_199 : vector<1x16xf32> to vector<16xf32>
          %get3A_201 = arith.index_cast %add3A_100 : i32 to index
          %get3A_202 = arith.constant 112 : index
          %get3A_203 = tpu.vector_load %arg12[%get3A_201, %get3A_202] {strides = array<i32>} : memref<80x128xf32, #tpu.memory_space<vmem>>, vector<1x16xf32>,
          %get3A_204 = vector.shape_cast %get3A_203 : vector<1x16xf32> to vector<16xf32>
          %add3A_205 = arith.addf %get3A_200, %get3A_204 : vector<16xf32>
          %swap3A_206 = arith.index_cast %add3A_100 : i32 to index
          %swap3A_207 = arith.constant 112 : index
          %swap3A_208 = tpu.vector_load %arg10[%swap3A_206, %swap3A_207] {strides = array<i32>} : memref<80x128xf32, #tpu.memory_space<vmem>>, vector<1x16xf32>,
          %swap3A_209 = vector.shape_cast %swap3A_208 : vector<1x16xf32> to vector<16xf32>
          %swap3A_210 = vector.shape_cast %add3A_205 : vector<16xf32> to vector<1x16xf32>
          tpu.vector_store %arg10[%swap3A_206, %swap3A_207], %swap3A_210 {strides = array<i32>} : memref<80x128xf32, #tpu.memory_space<vmem>>, vector<1x16xf32>,
        }
        %scan3A_77 = arith.constant 80 : i32
        %mul3A_78 = arith.constant 80 : i32
        %mul3A_79 = arith.muli %add3A_54, %mul3A_78 : i32
        %add3A_80 = arith.addi %mul3A_35, %mul3A_79 : i32
        %dma_start3A_81 = arith.constant 0 : i32
        %dma_start3A_82 = tpu.memref_slice %arg6[%add3A_80, %dma_start3A_81] : memref<81920x128xf32, #tpu.memory_space<hbm>> -> memref<80x128xf32, #tpu.memory_space<hbm>>
        %dma_start3A_83 = arith.constant 0 : i32
        %dma_start3A_84 = tpu.memref_slice %arg6[%add3A_80, %dma_start3A_83] : memref<81920x128xf32, #tpu.memory_space<hbm>> -> memref<80x128xf32, #tpu.memory_space<hbm>>
        tpu.enqueue_dma source(%arg10 : memref<80x128xf32, #tpu.memory_space<vmem>>) target(%dma_start3A_84 : memref<80x128xf32, #tpu.memory_space<hbm>>) target_semaphore(%arg14 : memref<!tpu.dma_semaphore, #tpu.memory_space<semaphore_mem>>)
        %dma_wait3A_85 = arith.constant 0 : i32
        %dma_wait3A_86 = tpu.memref_slice %arg6[%add3A_80, %dma_wait3A_85] : memref<81920x128xf32, #tpu.memory_space<hbm>> -> memref<80x128xf32, #tpu.memory_space<hbm>>
        %dma_wait3A_87 = arith.constant 0 : i32
        %dma_wait3A_88 = tpu.memref_slice %arg6[%add3A_80, %dma_wait3A_87] : memref<81920x128xf32, #tpu.memory_space<hbm>> -> memref<80x128xf32, #tpu.memory_space<hbm>>
        tpu.wait_dma2 semaphore(%arg14 : memref<!tpu.dma_semaphore, #tpu.memory_space<semaphore_mem>>) src(%arg10 : memref<80x128xf32, #tpu.memory_space<vmem>>) dst(%dma_wait3A_88 : memref<80x128xf32, #tpu.memory_space<hbm>>)
        %add3A_89 = arith.constant 2 : i32
        %add3A_90 = arith.addi %add3A_54, %add3A_89 : i32
        %lt3A_91 = arith.constant 32 : i32
        %lt3A_92 = arith.cmpi slt, %add3A_90, %lt3A_91 : i32
        %convert_element_type3A_93 = arith.extui %lt3A_92 : i1 to i32
        %cond3A_94 = arith.constant 0 : i32
        %cond3A_95 = arith.cmpi ne, %convert_element_type3A_93, %cond3A_94 : i32
        scf.if %cond3A_95 {
          %add3A_96 = arith.constant 2 : i32
          %add3A_97 = arith.addi %add3A_54, %add3A_96 : i32
          %dma_start3A_98 = arith.constant 0 : i32
          %dma_start3A_99 = tpu.memref_slice %arg7[%add3A_97, %dma_start3A_98] : memref<32x80xi32, #tpu.memory_space<vmem>> -> memref<1x80xi32, #tpu.memory_space<vmem>>
          %dma_start3A_100 = tpu.memref_squeeze %dma_start3A_99 : memref<1x80xi32, #tpu.memory_space<vmem>> -> memref<80xi32, #tpu.memory_space<vmem>>
          %dma_start3A_101 = arith.constant 0 : i32
          %dma_start3A_102 = arith.constant 0 : i32
          %dma_start3A_103 = tpu.memref_slice %arg2[%dma_start3A_101, %dma_start3A_102] : memref<10000x128xf32, #tpu.memory_space<hbm>> -> memref<10000x128xf32, #tpu.memory_space<hbm>>
          tpu.enqueue_indirect_dma source(%dma_start3A_103 : memref<10000x128xf32, #tpu.memory_space<hbm>>) target(%arg10 : memref<80x128xf32, #tpu.memory_space<vmem>>) offsets(%dma_start3A_100 : memref<80xi32, #tpu.memory_space<vmem>>) semaphore(%arg14 : memref<!tpu.dma_semaphore, #tpu.memory_space<semaphore_mem>>)
          %dma_start3A_104 = arith.constant 0 : i32
          %dma_start3A_105 = tpu.memref_slice %arg8[%add3A_97, %dma_start3A_104] : memref<32x80xi32, #tpu.memory_space<vmem>> -> memref<1x80xi32, #tpu.memory_space<vmem>>
          %dma_start3A_106 = tpu.memref_squeeze %dma_start3A_105 : memref<1x80xi32, #tpu.memory_space<vmem>> -> memref<80xi32, #tpu.memory_space<vmem>>
          %dma_start3A_107 = arith.constant 0 : i32
          %dma_start3A_108 = arith.constant 0 : i32
          %dma_start3A_109 = tpu.memref_slice %arg3[%dma_start3A_107, %dma_start3A_108] : memref<10000x128xf32, #tpu.memory_space<hbm>> -> memref<10000x128xf32, #tpu.memory_space<hbm>>
          tpu.enqueue_indirect_dma source(%dma_start3A_109 : memref<10000x128xf32, #tpu.memory_space<hbm>>) target(%arg12 : memref<80x128xf32, #tpu.memory_space<vmem>>) offsets(%dma_start3A_106 : memref<80xi32, #tpu.memory_space<vmem>>) semaphore(%arg16 : memref<!tpu.dma_semaphore, #tpu.memory_space<semaphore_mem>>)
        } else {
        }
      } else {
      }
    }
    %scan3A_39 = arith.constant 16 : i32
    return
  }
}

#map = affine_map<(d0, d1) -> (0, 0)>
module attributes {stable_mosaic.version = 14 : i64} {
  func.func @body(%arg0: i32, %arg1: i32, %arg2: memref<10000x128xf32, #tpu.memory_space<hbm>>, %arg3: memref<10000x128xf32, #tpu.memory_space<hbm>>, %arg4: memref<4000x80xi32, #tpu.memory_space<hbm>>, %arg5: memref<4000x80xi32, #tpu.memory_space<hbm>>, %arg6: memref<81920x128xf32, #tpu.memory_space<hbm>>, %arg7: memref<32x80xi32, #tpu.memory_space<vmem>>, %arg8: memref<32x80xi32, #tpu.memory_space<vmem>>, %arg9: memref<80x128xf32, #tpu.memory_space<vmem>>, %arg10: memref<80x128xf32, #tpu.memory_space<vmem>>, %arg11: memref<80x128xf32, #tpu.memory_space<vmem>>, %arg12: memref<80x128xf32, #tpu.memory_space<vmem>>, %arg13: memref<!tpu.dma_semaphore, #tpu.memory_space<semaphore_mem>>, %arg14: memref<!tpu.dma_semaphore, #tpu.memory_space<semaphore_mem>>, %arg15: memref<!tpu.dma_semaphore, #tpu.memory_space<semaphore_mem>>, %arg16: memref<!tpu.dma_semaphore, #tpu.memory_space<semaphore_mem>>) attributes {dimension_semantics = [#tpu.dimension_semantics<core_parallel>, #tpu.dimension_semantics<subcore_parallel>], iteration_bounds = array<i64: 2, 16>, scalar_prefetch = 0 : i64, scratch_operands = 10 : i64, tpu.core_type = #tpu.core_type<sc_vector_subcore>, window_params = [{transform_indices = #map}, {transform_indices = #map}, {transform_indices = #map}, {transform_indices = #map}, {transform_indices = #map}]} {
    %mul3A = arith.constant 2 : i32
    %mul3A_0 = arith.muli %arg1, %mul3A : i32
    %add3A = arith.addi %mul3A_0, %arg0 : i32
    %mul3A_1 = arith.constant 32 : i32
    %mul3A_2 = arith.muli %add3A, %mul3A_1 : i32
    %add3A_3 = arith.constant 1024 : i32
    %add3A_4 = arith.addi %add3A_3, %mul3A_2 : i32
    "tpu.region"() ({
      %run_scoped3A = tpu.sem_alloc : memref<!tpu.dma_semaphore, #tpu.memory_space<semaphore_mem>>
      %dma_start3A_40 = arith.constant 0 : i32
      %dma_start3A_41 = tpu.memref_slice %arg4[%add3A_4, %dma_start3A_40] : memref<4000x80xi32, #tpu.memory_space<hbm>> -> memref<32x80xi32, #tpu.memory_space<hbm>>
      %dma_start3A_42 = arith.constant 0 : i32
      %dma_start3A_43 = tpu.memref_slice %arg4[%add3A_4, %dma_start3A_42] : memref<4000x80xi32, #tpu.memory_space<hbm>> -> memref<32x80xi32, #tpu.memory_space<hbm>>
      tpu.enqueue_dma source(%dma_start3A_43 : memref<32x80xi32, #tpu.memory_space<hbm>>) target(%arg7 : memref<32x80xi32, #tpu.memory_space<vmem>>) target_semaphore(%run_scoped3A : memref<!tpu.dma_semaphore, #tpu.memory_space<semaphore_mem>>)
      %dma_wait3A = arith.constant 0 : i32
      %dma_wait3A_44 = tpu.memref_slice %arg4[%add3A_4, %dma_wait3A] : memref<4000x80xi32, #tpu.memory_space<hbm>> -> memref<32x80xi32, #tpu.memory_space<hbm>>
      %dma_wait3A_45 = arith.constant 0 : i32
      %dma_wait3A_46 = tpu.memref_slice %arg4[%add3A_4, %dma_wait3A_45] : memref<4000x80xi32, #tpu.memory_space<hbm>> -> memref<32x80xi32, #tpu.memory_space<hbm>>
      tpu.wait_dma2 semaphore(%run_scoped3A : memref<!tpu.dma_semaphore, #tpu.memory_space<semaphore_mem>>) src(%dma_wait3A_46 : memref<32x80xi32, #tpu.memory_space<hbm>>) dst(%arg7 : memref<32x80xi32, #tpu.memory_space<vmem>>)
      tpu.yield
    }) : () -> ()
    "tpu.region"() ({
      %run_scoped3A = tpu.sem_alloc : memref<!tpu.dma_semaphore, #tpu.memory_space<semaphore_mem>>
      %dma_start3A_40 = arith.constant 0 : i32
      %dma_start3A_41 = tpu.memref_slice %arg5[%add3A_4, %dma_start3A_40] : memref<4000x80xi32, #tpu.memory_space<hbm>> -> memref<32x80xi32, #tpu.memory_space<hbm>>
      %dma_start3A_42 = arith.constant 0 : i32
      %dma_start3A_43 = tpu.memref_slice %arg5[%add3A_4, %dma_start3A_42] : memref<4000x80xi32, #tpu.memory_space<hbm>> -> memref<32x80xi32, #tpu.memory_space<hbm>>
      tpu.enqueue_dma source(%dma_start3A_43 : memref<32x80xi32, #tpu.memory_space<hbm>>) target(%arg8 : memref<32x80xi32, #tpu.memory_space<vmem>>) target_semaphore(%run_scoped3A : memref<!tpu.dma_semaphore, #tpu.memory_space<semaphore_mem>>)
      %dma_wait3A = arith.constant 0 : i32
      %dma_wait3A_44 = tpu.memref_slice %arg5[%add3A_4, %dma_wait3A] : memref<4000x80xi32, #tpu.memory_space<hbm>> -> memref<32x80xi32, #tpu.memory_space<hbm>>
      %dma_wait3A_45 = arith.constant 0 : i32
      %dma_wait3A_46 = tpu.memref_slice %arg5[%add3A_4, %dma_wait3A_45] : memref<4000x80xi32, #tpu.memory_space<hbm>> -> memref<32x80xi32, #tpu.memory_space<hbm>>
      tpu.wait_dma2 semaphore(%run_scoped3A : memref<!tpu.dma_semaphore, #tpu.memory_space<semaphore_mem>>) src(%dma_wait3A_46 : memref<32x80xi32, #tpu.memory_space<hbm>>) dst(%arg8 : memref<32x80xi32, #tpu.memory_space<vmem>>)
      tpu.yield
    }) : () -> ()
    %dma_start3A = arith.constant 0 : i32
    %dma_start3A_5 = arith.constant 0 : i32
    %dma_start3A_6 = tpu.memref_slice %arg7[%dma_start3A, %dma_start3A_5] : memref<32x80xi32, #tpu.memory_space<vmem>> -> memref<1x80xi32, #tpu.memory_space<vmem>>
    %dma_start3A_7 = tpu.memref_squeeze %dma_start3A_6 : memref<1x80xi32, #tpu.memory_space<vmem>> -> memref<80xi32, #tpu.memory_space<vmem>>
    %dma_start3A_8 = arith.constant 0 : i32
    %dma_start3A_9 = arith.constant 0 : i32
    %dma_start3A_10 = tpu.memref_slice %arg2[%dma_start3A_8, %dma_start3A_9] : memref<10000x128xf32, #tpu.memory_space<hbm>> -> memref<10000x128xf32, #tpu.memory_space<hbm>>
    tpu.enqueue_indirect_dma source(%dma_start3A_10 : memref<10000x128xf32, #tpu.memory_space<hbm>>) target(%arg9 : memref<80x128xf32, #tpu.memory_space<vmem>>) offsets(%dma_start3A_7 : memref<80xi32, #tpu.memory_space<vmem>>) semaphore(%arg13 : memref<!tpu.dma_semaphore, #tpu.memory_space<semaphore_mem>>)
    %dma_start3A_11 = arith.constant 0 : i32
    %dma_start3A_12 = arith.constant 0 : i32
    %dma_start3A_13 = tpu.memref_slice %arg8[%dma_start3A_11, %dma_start3A_12] : memref<32x80xi32, #tpu.memory_space<vmem>> -> memref<1x80xi32, #tpu.memory_space<vmem>>
    %dma_start3A_14 = tpu.memref_squeeze %dma_start3A_13 : memref<1x80xi32, #tpu.memory_space<vmem>> -> memref<80xi32, #tpu.memory_space<vmem>>
    %dma_start3A_15 = arith.constant 0 : i32
    %dma_start3A_16 = arith.constant 0 : i32
    %dma_start3A_17 = tpu.memref_slice %arg3[%dma_start3A_15, %dma_start3A_16] : memref<10000x128xf32, #tpu.memory_space<hbm>> -> memref<10000x128xf32, #tpu.memory_space<hbm>>
    tpu.enqueue_indirect_dma source(%dma_start3A_17 : memref<10000x128xf32, #tpu.memory_space<hbm>>) target(%arg11 : memref<80x128xf32, #tpu.memory_space<vmem>>) offsets(%dma_start3A_14 : memref<80xi32, #tpu.memory_space<vmem>>) semaphore(%arg15 : memref<!tpu.dma_semaphore, #tpu.memory_space<semaphore_mem>>)
    %dma_start3A_18 = arith.constant 1 : i32
    %dma_start3A_19 = arith.constant 0 : i32
    %dma_start3A_20 = tpu.memref_slice %arg7[%dma_start3A_18, %dma_start3A_19] : memref<32x80xi32, #tpu.memory_space<vmem>> -> memref<1x80xi32, #tpu.memory_space<vmem>>
    %dma_start3A_21 = tpu.memref_squeeze %dma_start3A_20 : memref<1x80xi32, #tpu.memory_space<vmem>> -> memref<80xi32, #tpu.memory_space<vmem>>
    %dma_start3A_22 = arith.constant 0 : i32
    %dma_start3A_23 = arith.constant 0 : i32
    %dma_start3A_24 = tpu.memref_slice %arg2[%dma_start3A_22, %dma_start3A_23] : memref<10000x128xf32, #tpu.memory_space<hbm>> -> memref<10000x128xf32, #tpu.memory_space<hbm>>
    tpu.enqueue_indirect_dma source(%dma_start3A_24 : memref<10000x128xf32, #tpu.memory_space<hbm>>) target(%arg10 : memref<80x128xf32, #tpu.memory_space<vmem>>) offsets(%dma_start3A_21 : memref<80xi32, #tpu.memory_space<vmem>>) semaphore(%arg14 : memref<!tpu.dma_semaphore, #tpu.memory_space<semaphore_mem>>)
    %dma_start3A_25 = arith.constant 1 : i32
    %dma_start3A_26 = arith.constant 0 : i32
    %dma_start3A_27 = tpu.memref_slice %arg8[%dma_start3A_25, %dma_start3A_26] : memref<32x80xi32, #tpu.memory_space<vmem>> -> memref<1x80xi32, #tpu.memory_space<vmem>>
    %dma_start3A_28 = tpu.memref_squeeze %dma_start3A_27 : memref<1x80xi32, #tpu.memory_space<vmem>> -> memref<80xi32, #tpu.memory_space<vmem>>
    %dma_start3A_29 = arith.constant 0 : i32
    %dma_start3A_30 = arith.constant 0 : i32
    %dma_start3A_31 = tpu.memref_slice %arg3[%dma_start3A_29, %dma_start3A_30] : memref<10000x128xf32, #tpu.memory_space<hbm>> -> memref<10000x128xf32, #tpu.memory_space<hbm>>
    tpu.enqueue_indirect_dma source(%dma_start3A_31 : memref<10000x128xf32, #tpu.memory_space<hbm>>) target(%arg12 : memref<80x128xf32, #tpu.memory_space<vmem>>) offsets(%dma_start3A_28 : memref<80xi32, #tpu.memory_space<vmem>>) semaphore(%arg16 : memref<!tpu.dma_semaphore, #tpu.memory_space<semaphore_mem>>)
    %mul3A_32 = arith.constant 32 : i32
    %mul3A_33 = arith.muli %add3A, %mul3A_32 : i32
    %mul3A_34 = arith.constant 80 : i32
    %mul3A_35 = arith.muli %mul3A_33, %mul3A_34 : i32
    %scan3A = arith.constant 0 : i32
    %scan3A_36 = arith.constant 16 : i32
    %scan3A_37 = arith.addi %scan3A, %scan3A_36 : i32
    %scan3A_38 = arith.constant 1 : i32
    scf.for %scan3A_40 = %scan3A to %scan3A_37 step %scan3A_38  : i32 {
      %mul3A_41 = arith.constant 1 : i32
      %mul3A_42 = arith.muli %scan3A_40, %mul3A_41 : i32
      %add3A_43 = arith.constant 0 : i32
      %add3A_44 = arith.addi %add3A_43, %mul3A_42 : i32
      %mul3A_45 = arith.constant 2 : i32
      %mul3A_46 = arith.muli %add3A_44, %mul3A_45 : i32
      %add3A_47 = arith.constant 0 : i32
      %add3A_48 = arith.addi %mul3A_46, %add3A_47 : i32
      %lt3A = arith.constant 32 : i32
      %lt3A_49 = arith.cmpi slt, %add3A_48, %lt3A : i32
      %convert_element_type3A = arith.extui %lt3A_49 : i1 to i32
      %cond3A = arith.constant 0 : i32
      %cond3A_50 = arith.cmpi ne, %convert_element_type3A, %cond3A : i32
      scf.if %cond3A_50 {
        %dma_wait3A = arith.constant 0 : i32
        %dma_wait3A_60 = arith.constant 0 : i32
        %dma_wait3A_61 = tpu.memref_slice %arg7[%dma_wait3A, %dma_wait3A_60] : memref<32x80xi32, #tpu.memory_space<vmem>> -> memref<1x80xi32, #tpu.memory_space<vmem>>
        %dma_wait3A_62 = tpu.memref_squeeze %dma_wait3A_61 : memref<1x80xi32, #tpu.memory_space<vmem>> -> memref<80xi32, #tpu.memory_space<vmem>>
        %dma_wait3A_63 = arith.constant 0 : i32
        %dma_wait3A_64 = arith.constant 0 : i32
        %dma_wait3A_65 = tpu.memref_slice %arg2[%dma_wait3A_63, %dma_wait3A_64] : memref<10000x128xf32, #tpu.memory_space<hbm>> -> memref<10000x128xf32, #tpu.memory_space<hbm>>
        tpu.wait_indirect_dma semaphore(%arg13 : memref<!tpu.dma_semaphore, #tpu.memory_space<semaphore_mem>>) src(%dma_wait3A_65 : memref<10000x128xf32, #tpu.memory_space<hbm>>) dst(%arg9 : memref<80x128xf32, #tpu.memory_space<vmem>>)
        %dma_wait3A_66 = arith.constant 0 : i32
        %dma_wait3A_67 = arith.constant 0 : i32
        %dma_wait3A_68 = tpu.memref_slice %arg8[%dma_wait3A_66, %dma_wait3A_67] : memref<32x80xi32, #tpu.memory_space<vmem>> -> memref<1x80xi32, #tpu.memory_space<vmem>>
        %dma_wait3A_69 = tpu.memref_squeeze %dma_wait3A_68 : memref<1x80xi32, #tpu.memory_space<vmem>> -> memref<80xi32, #tpu.memory_space<vmem>>
        %dma_wait3A_70 = arith.constant 0 : i32
        %dma_wait3A_71 = arith.constant 0 : i32
        %dma_wait3A_72 = tpu.memref_slice %arg3[%dma_wait3A_70, %dma_wait3A_71] : memref<10000x128xf32, #tpu.memory_space<hbm>> -> memref<10000x128xf32, #tpu.memory_space<hbm>>
        tpu.wait_indirect_dma semaphore(%arg15 : memref<!tpu.dma_semaphore, #tpu.memory_space<semaphore_mem>>) src(%dma_wait3A_72 : memref<10000x128xf32, #tpu.memory_space<hbm>>) dst(%arg11 : memref<80x128xf32, #tpu.memory_space<vmem>>)
        %scan3A_73 = arith.constant 0 : i32
        %scan3A_74 = arith.constant 80 : i32
        %scan3A_75 = arith.addi %scan3A_73, %scan3A_74 : i32
        %scan3A_76 = arith.constant 1 : i32
        scf.for %scan3A_96 = %scan3A_73 to %scan3A_75 step %scan3A_76  : i32 {
          %mul3A_97 = arith.constant 1 : i32
          %mul3A_98 = arith.muli %scan3A_96, %mul3A_97 : i32
          %add3A_99 = arith.constant 0 : i32
          %add3A_100 = arith.addi %add3A_99, %mul3A_98 : i32
          %get3A = arith.index_cast %add3A_100 : i32 to index
          %get3A_101 = arith.constant 0 : index
          %get3A_102 = tpu.vector_load %arg9[%get3A, %get3A_101] {strides = array<i32>} : memref<80x128xf32, #tpu.memory_space<vmem>>, vector<1x16xf32>,
          %get3A_103 = vector.shape_cast %get3A_102 : vector<1x16xf32> to vector<16xf32>
          %get3A_104 = arith.index_cast %add3A_100 : i32 to index
          %get3A_105 = arith.constant 0 : index
          %get3A_106 = tpu.vector_load %arg11[%get3A_104, %get3A_105] {strides = array<i32>} : memref<80x128xf32, #tpu.memory_space<vmem>>, vector<1x16xf32>,
          %get3A_107 = vector.shape_cast %get3A_106 : vector<1x16xf32> to vector<16xf32>
          %add3A_108 = arith.addf %get3A_103, %get3A_107 : vector<16xf32>
          %swap3A = arith.index_cast %add3A_100 : i32 to index
          %swap3A_109 = arith.constant 0 : index
          %swap3A_110 = tpu.vector_load %arg9[%swap3A, %swap3A_109] {strides = array<i32>} : memref<80x128xf32, #tpu.memory_space<vmem>>, vector<1x16xf32>,
          %swap3A_111 = vector.shape_cast %swap3A_110 : vector<1x16xf32> to vector<16xf32>
          %swap3A_112 = vector.shape_cast %add3A_108 : vector<16xf32> to vector<1x16xf32>
          tpu.vector_store %arg9[%swap3A, %swap3A_109], %swap3A_112 {strides = array<i32>} : memref<80x128xf32, #tpu.memory_space<vmem>>, vector<1x16xf32>,
          %get3A_113 = arith.index_cast %add3A_100 : i32 to index
          %get3A_114 = arith.constant 16 : index
          %get3A_115 = tpu.vector_load %arg9[%get3A_113, %get3A_114] {strides = array<i32>} : memref<80x128xf32, #tpu.memory_space<vmem>>, vector<1x16xf32>,
          %get3A_116 = vector.shape_cast %get3A_115 : vector<1x16xf32> to vector<16xf32>
          %get3A_117 = arith.index_cast %add3A_100 : i32 to index
          %get3A_118 = arith.constant 16 : index
          %get3A_119 = tpu.vector_load %arg11[%get3A_117, %get3A_118] {strides = array<i32>} : memref<80x128xf32, #tpu.memory_space<vmem>>, vector<1x16xf32>,
          %get3A_120 = vector.shape_cast %get3A_119 : vector<1x16xf32> to vector<16xf32>
          %add3A_121 = arith.addf %get3A_116, %get3A_120 : vector<16xf32>
          %swap3A_122 = arith.index_cast %add3A_100 : i32 to index
          %swap3A_123 = arith.constant 16 : index
          %swap3A_124 = tpu.vector_load %arg9[%swap3A_122, %swap3A_123] {strides = array<i32>} : memref<80x128xf32, #tpu.memory_space<vmem>>, vector<1x16xf32>,
          %swap3A_125 = vector.shape_cast %swap3A_124 : vector<1x16xf32> to vector<16xf32>
          %swap3A_126 = vector.shape_cast %add3A_121 : vector<16xf32> to vector<1x16xf32>
          tpu.vector_store %arg9[%swap3A_122, %swap3A_123], %swap3A_126 {strides = array<i32>} : memref<80x128xf32, #tpu.memory_space<vmem>>, vector<1x16xf32>,
          %get3A_127 = arith.index_cast %add3A_100 : i32 to index
          %get3A_128 = arith.constant 32 : index
          %get3A_129 = tpu.vector_load %arg9[%get3A_127, %get3A_128] {strides = array<i32>} : memref<80x128xf32, #tpu.memory_space<vmem>>, vector<1x16xf32>,
          %get3A_130 = vector.shape_cast %get3A_129 : vector<1x16xf32> to vector<16xf32>
          %get3A_131 = arith.index_cast %add3A_100 : i32 to index
          %get3A_132 = arith.constant 32 : index
          %get3A_133 = tpu.vector_load %arg11[%get3A_131, %get3A_132] {strides = array<i32>} : memref<80x128xf32, #tpu.memory_space<vmem>>, vector<1x16xf32>,
          %get3A_134 = vector.shape_cast %get3A_133 : vector<1x16xf32> to vector<16xf32>
          %add3A_135 = arith.addf %get3A_130, %get3A_134 : vector<16xf32>
          %swap3A_136 = arith.index_cast %add3A_100 : i32 to index
          %swap3A_137 = arith.constant 32 : index
          %swap3A_138 = tpu.vector_load %arg9[%swap3A_136, %swap3A_137] {strides = array<i32>} : memref<80x128xf32, #tpu.memory_space<vmem>>, vector<1x16xf32>,
          %swap3A_139 = vector.shape_cast %swap3A_138 : vector<1x16xf32> to vector<16xf32>
          %swap3A_140 = vector.shape_cast %add3A_135 : vector<16xf32> to vector<1x16xf32>
          tpu.vector_store %arg9[%swap3A_136, %swap3A_137], %swap3A_140 {strides = array<i32>} : memref<80x128xf32, #tpu.memory_space<vmem>>, vector<1x16xf32>,
          %get3A_141 = arith.index_cast %add3A_100 : i32 to index
          %get3A_142 = arith.constant 48 : index
          %get3A_143 = tpu.vector_load %arg9[%get3A_141, %get3A_142] {strides = array<i32>} : memref<80x128xf32, #tpu.memory_space<vmem>>, vector<1x16xf32>,
          %get3A_144 = vector.shape_cast %get3A_143 : vector<1x16xf32> to vector<16xf32>
          %get3A_145 = arith.index_cast %add3A_100 : i32 to index
          %get3A_146 = arith.constant 48 : index
          %get3A_147 = tpu.vector_load %arg11[%get3A_145, %get3A_146] {strides = array<i32>} : memref<80x128xf32, #tpu.memory_space<vmem>>, vector<1x16xf32>,
          %get3A_148 = vector.shape_cast %get3A_147 : vector<1x16xf32> to vector<16xf32>
          %add3A_149 = arith.addf %get3A_144, %get3A_148 : vector<16xf32>
          %swap3A_150 = arith.index_cast %add3A_100 : i32 to index
          %swap3A_151 = arith.constant 48 : index
          %swap3A_152 = tpu.vector_load %arg9[%swap3A_150, %swap3A_151] {strides = array<i32>} : memref<80x128xf32, #tpu.memory_space<vmem>>, vector<1x16xf32>,
          %swap3A_153 = vector.shape_cast %swap3A_152 : vector<1x16xf32> to vector<16xf32>
          %swap3A_154 = vector.shape_cast %add3A_149 : vector<16xf32> to vector<1x16xf32>
          tpu.vector_store %arg9[%swap3A_150, %swap3A_151], %swap3A_154 {strides = array<i32>} : memref<80x128xf32, #tpu.memory_space<vmem>>, vector<1x16xf32>,
          %get3A_155 = arith.index_cast %add3A_100 : i32 to index
          %get3A_156 = arith.constant 64 : index
          %get3A_157 = tpu.vector_load %arg9[%get3A_155, %get3A_156] {strides = array<i32>} : memref<80x128xf32, #tpu.memory_space<vmem>>, vector<1x16xf32>,
          %get3A_158 = vector.shape_cast %get3A_157 : vector<1x16xf32> to vector<16xf32>
          %get3A_159 = arith.index_cast %add3A_100 : i32 to index
          %get3A_160 = arith.constant 64 : index
          %get3A_161 = tpu.vector_load %arg11[%get3A_159, %get3A_160] {strides = array<i32>} : memref<80x128xf32, #tpu.memory_space<vmem>>, vector<1x16xf32>,
          %get3A_162 = vector.shape_cast %get3A_161 : vector<1x16xf32> to vector<16xf32>
          %add3A_163 = arith.addf %get3A_158, %get3A_162 : vector<16xf32>
          %swap3A_164 = arith.index_cast %add3A_100 : i32 to index
          %swap3A_165 = arith.constant 64 : index
          %swap3A_166 = tpu.vector_load %arg9[%swap3A_164, %swap3A_165] {strides = array<i32>} : memref<80x128xf32, #tpu.memory_space<vmem>>, vector<1x16xf32>,
          %swap3A_167 = vector.shape_cast %swap3A_166 : vector<1x16xf32> to vector<16xf32>
          %swap3A_168 = vector.shape_cast %add3A_163 : vector<16xf32> to vector<1x16xf32>
          tpu.vector_store %arg9[%swap3A_164, %swap3A_165], %swap3A_168 {strides = array<i32>} : memref<80x128xf32, #tpu.memory_space<vmem>>, vector<1x16xf32>,
          %get3A_169 = arith.index_cast %add3A_100 : i32 to index
          %get3A_170 = arith.constant 80 : index
          %get3A_171 = tpu.vector_load %arg9[%get3A_169, %get3A_170] {strides = array<i32>} : memref<80x128xf32, #tpu.memory_space<vmem>>, vector<1x16xf32>,
          %get3A_172 = vector.shape_cast %get3A_171 : vector<1x16xf32> to vector<16xf32>
          %get3A_173 = arith.index_cast %add3A_100 : i32 to index
          %get3A_174 = arith.constant 80 : index
          %get3A_175 = tpu.vector_load %arg11[%get3A_173, %get3A_174] {strides = array<i32>} : memref<80x128xf32, #tpu.memory_space<vmem>>, vector<1x16xf32>,
          %get3A_176 = vector.shape_cast %get3A_175 : vector<1x16xf32> to vector<16xf32>
          %add3A_177 = arith.addf %get3A_172, %get3A_176 : vector<16xf32>
          %swap3A_178 = arith.index_cast %add3A_100 : i32 to index
          %swap3A_179 = arith.constant 80 : index
          %swap3A_180 = tpu.vector_load %arg9[%swap3A_178, %swap3A_179] {strides = array<i32>} : memref<80x128xf32, #tpu.memory_space<vmem>>, vector<1x16xf32>,
          %swap3A_181 = vector.shape_cast %swap3A_180 : vector<1x16xf32> to vector<16xf32>
          %swap3A_182 = vector.shape_cast %add3A_177 : vector<16xf32> to vector<1x16xf32>
          tpu.vector_store %arg9[%swap3A_178, %swap3A_179], %swap3A_182 {strides = array<i32>} : memref<80x128xf32, #tpu.memory_space<vmem>>, vector<1x16xf32>,
          %get3A_183 = arith.index_cast %add3A_100 : i32 to index
          %get3A_184 = arith.constant 96 : index
          %get3A_185 = tpu.vector_load %arg9[%get3A_183, %get3A_184] {strides = array<i32>} : memref<80x128xf32, #tpu.memory_space<vmem>>, vector<1x16xf32>,
          %get3A_186 = vector.shape_cast %get3A_185 : vector<1x16xf32> to vector<16xf32>
          %get3A_187 = arith.index_cast %add3A_100 : i32 to index
          %get3A_188 = arith.constant 96 : index
          %get3A_189 = tpu.vector_load %arg11[%get3A_187, %get3A_188] {strides = array<i32>} : memref<80x128xf32, #tpu.memory_space<vmem>>, vector<1x16xf32>,
          %get3A_190 = vector.shape_cast %get3A_189 : vector<1x16xf32> to vector<16xf32>
          %add3A_191 = arith.addf %get3A_186, %get3A_190 : vector<16xf32>
          %swap3A_192 = arith.index_cast %add3A_100 : i32 to index
          %swap3A_193 = arith.constant 96 : index
          %swap3A_194 = tpu.vector_load %arg9[%swap3A_192, %swap3A_193] {strides = array<i32>} : memref<80x128xf32, #tpu.memory_space<vmem>>, vector<1x16xf32>,
          %swap3A_195 = vector.shape_cast %swap3A_194 : vector<1x16xf32> to vector<16xf32>
          %swap3A_196 = vector.shape_cast %add3A_191 : vector<16xf32> to vector<1x16xf32>
          tpu.vector_store %arg9[%swap3A_192, %swap3A_193], %swap3A_196 {strides = array<i32>} : memref<80x128xf32, #tpu.memory_space<vmem>>, vector<1x16xf32>,
          %get3A_197 = arith.index_cast %add3A_100 : i32 to index
          %get3A_198 = arith.constant 112 : index
          %get3A_199 = tpu.vector_load %arg9[%get3A_197, %get3A_198] {strides = array<i32>} : memref<80x128xf32, #tpu.memory_space<vmem>>, vector<1x16xf32>,
          %get3A_200 = vector.shape_cast %get3A_199 : vector<1x16xf32> to vector<16xf32>
          %get3A_201 = arith.index_cast %add3A_100 : i32 to index
          %get3A_202 = arith.constant 112 : index
          %get3A_203 = tpu.vector_load %arg11[%get3A_201, %get3A_202] {strides = array<i32>} : memref<80x128xf32, #tpu.memory_space<vmem>>, vector<1x16xf32>,
          %get3A_204 = vector.shape_cast %get3A_203 : vector<1x16xf32> to vector<16xf32>
          %add3A_205 = arith.addf %get3A_200, %get3A_204 : vector<16xf32>
          %swap3A_206 = arith.index_cast %add3A_100 : i32 to index
          %swap3A_207 = arith.constant 112 : index
          %swap3A_208 = tpu.vector_load %arg9[%swap3A_206, %swap3A_207] {strides = array<i32>} : memref<80x128xf32, #tpu.memory_space<vmem>>, vector<1x16xf32>,
          %swap3A_209 = vector.shape_cast %swap3A_208 : vector<1x16xf32> to vector<16xf32>
          %swap3A_210 = vector.shape_cast %add3A_205 : vector<16xf32> to vector<1x16xf32>
          tpu.vector_store %arg9[%swap3A_206, %swap3A_207], %swap3A_210 {strides = array<i32>} : memref<80x128xf32, #tpu.memory_space<vmem>>, vector<1x16xf32>,
        }
        %scan3A_77 = arith.constant 80 : i32
        %mul3A_78 = arith.constant 80 : i32
        %mul3A_79 = arith.muli %add3A_48, %mul3A_78 : i32
        %add3A_80 = arith.addi %mul3A_35, %mul3A_79 : i32
        %dma_start3A_81 = arith.constant 0 : i32
        %dma_start3A_82 = tpu.memref_slice %arg6[%add3A_80, %dma_start3A_81] : memref<81920x128xf32, #tpu.memory_space<hbm>> -> memref<80x128xf32, #tpu.memory_space<hbm>>
        %dma_start3A_83 = arith.constant 0 : i32
        %dma_start3A_84 = tpu.memref_slice %arg6[%add3A_80, %dma_start3A_83] : memref<81920x128xf32, #tpu.memory_space<hbm>> -> memref<80x128xf32, #tpu.memory_space<hbm>>
        tpu.enqueue_dma source(%arg9 : memref<80x128xf32, #tpu.memory_space<vmem>>) target(%dma_start3A_84 : memref<80x128xf32, #tpu.memory_space<hbm>>) target_semaphore(%arg13 : memref<!tpu.dma_semaphore, #tpu.memory_space<semaphore_mem>>)
        %dma_wait3A_85 = arith.constant 0 : i32
        %dma_wait3A_86 = tpu.memref_slice %arg6[%add3A_80, %dma_wait3A_85] : memref<81920x128xf32, #tpu.memory_space<hbm>> -> memref<80x128xf32, #tpu.memory_space<hbm>>
        %dma_wait3A_87 = arith.constant 0 : i32
        %dma_wait3A_88 = tpu.memref_slice %arg6[%add3A_80, %dma_wait3A_87] : memref<81920x128xf32, #tpu.memory_space<hbm>> -> memref<80x128xf32, #tpu.memory_space<hbm>>
        tpu.wait_dma2 semaphore(%arg13 : memref<!tpu.dma_semaphore, #tpu.memory_space<semaphore_mem>>) src(%arg9 : memref<80x128xf32, #tpu.memory_space<vmem>>) dst(%dma_wait3A_88 : memref<80x128xf32, #tpu.memory_space<hbm>>)
        %add3A_89 = arith.constant 2 : i32
        %add3A_90 = arith.addi %add3A_48, %add3A_89 : i32
        %lt3A_91 = arith.constant 32 : i32
        %lt3A_92 = arith.cmpi slt, %add3A_90, %lt3A_91 : i32
        %convert_element_type3A_93 = arith.extui %lt3A_92 : i1 to i32
        %cond3A_94 = arith.constant 0 : i32
        %cond3A_95 = arith.cmpi ne, %convert_element_type3A_93, %cond3A_94 : i32
        scf.if %cond3A_95 {
          %add3A_96 = arith.constant 2 : i32
          %add3A_97 = arith.addi %add3A_48, %add3A_96 : i32
          %dma_start3A_98 = arith.constant 0 : i32
          %dma_start3A_99 = tpu.memref_slice %arg7[%add3A_97, %dma_start3A_98] : memref<32x80xi32, #tpu.memory_space<vmem>> -> memref<1x80xi32, #tpu.memory_space<vmem>>
          %dma_start3A_100 = tpu.memref_squeeze %dma_start3A_99 : memref<1x80xi32, #tpu.memory_space<vmem>> -> memref<80xi32, #tpu.memory_space<vmem>>
          %dma_start3A_101 = arith.constant 0 : i32
          %dma_start3A_102 = arith.constant 0 : i32
          %dma_start3A_103 = tpu.memref_slice %arg2[%dma_start3A_101, %dma_start3A_102] : memref<10000x128xf32, #tpu.memory_space<hbm>> -> memref<10000x128xf32, #tpu.memory_space<hbm>>
          tpu.enqueue_indirect_dma source(%dma_start3A_103 : memref<10000x128xf32, #tpu.memory_space<hbm>>) target(%arg9 : memref<80x128xf32, #tpu.memory_space<vmem>>) offsets(%dma_start3A_100 : memref<80xi32, #tpu.memory_space<vmem>>) semaphore(%arg13 : memref<!tpu.dma_semaphore, #tpu.memory_space<semaphore_mem>>)
          %dma_start3A_104 = arith.constant 0 : i32
          %dma_start3A_105 = tpu.memref_slice %arg8[%add3A_97, %dma_start3A_104] : memref<32x80xi32, #tpu.memory_space<vmem>> -> memref<1x80xi32, #tpu.memory_space<vmem>>
          %dma_start3A_106 = tpu.memref_squeeze %dma_start3A_105 : memref<1x80xi32, #tpu.memory_space<vmem>> -> memref<80xi32, #tpu.memory_space<vmem>>
          %dma_start3A_107 = arith.constant 0 : i32
          %dma_start3A_108 = arith.constant 0 : i32
          %dma_start3A_109 = tpu.memref_slice %arg3[%dma_start3A_107, %dma_start3A_108] : memref<10000x128xf32, #tpu.memory_space<hbm>> -> memref<10000x128xf32, #tpu.memory_space<hbm>>
          tpu.enqueue_indirect_dma source(%dma_start3A_109 : memref<10000x128xf32, #tpu.memory_space<hbm>>) target(%arg11 : memref<80x128xf32, #tpu.memory_space<vmem>>) offsets(%dma_start3A_106 : memref<80xi32, #tpu.memory_space<vmem>>) semaphore(%arg15 : memref<!tpu.dma_semaphore, #tpu.memory_space<semaphore_mem>>)
        } else {
        }
      } else {
      }
      %mul3A_51 = arith.constant 2 : i32
      %mul3A_52 = arith.muli %add3A_44, %mul3A_51 : i32
      %add3A_53 = arith.constant 1 : i32
      %add3A_54 = arith.addi %mul3A_52, %add3A_53 : i32
      %lt3A_55 = arith.constant 32 : i32
      %lt3A_56 = arith.cmpi slt, %add3A_54, %lt3A_55 : i32
      %convert_element_type3A_57 = arith.extui %lt3A_56 : i1 to i32
      %cond3A_58 = arith.constant 0 : i32
      %cond3A_59 = arith.cmpi ne, %convert_element_type3A_57, %cond3A_58 : i32
      scf.if %cond3A_59 {
        %dma_wait3A = arith.constant 0 : i32
        %dma_wait3A_60 = arith.constant 0 : i32
        %dma_wait3A_61 = tpu.memref_slice %arg7[%dma_wait3A, %dma_wait3A_60] : memref<32x80xi32, #tpu.memory_space<vmem>> -> memref<1x80xi32, #tpu.memory_space<vmem>>
        %dma_wait3A_62 = tpu.memref_squeeze %dma_wait3A_61 : memref<1x80xi32, #tpu.memory_space<vmem>> -> memref<80xi32, #tpu.memory_space<vmem>>
        %dma_wait3A_63 = arith.constant 0 : i32
        %dma_wait3A_64 = arith.constant 0 : i32
        %dma_wait3A_65 = tpu.memref_slice %arg2[%dma_wait3A_63, %dma_wait3A_64] : memref<10000x128xf32, #tpu.memory_space<hbm>> -> memref<10000x128xf32, #tpu.memory_space<hbm>>
        tpu.wait_indirect_dma semaphore(%arg14 : memref<!tpu.dma_semaphore, #tpu.memory_space<semaphore_mem>>) src(%dma_wait3A_65 : memref<10000x128xf32, #tpu.memory_space<hbm>>) dst(%arg10 : memref<80x128xf32, #tpu.memory_space<vmem>>)
        %dma_wait3A_66 = arith.constant 0 : i32
        %dma_wait3A_67 = arith.constant 0 : i32
        %dma_wait3A_68 = tpu.memref_slice %arg8[%dma_wait3A_66, %dma_wait3A_67] : memref<32x80xi32, #tpu.memory_space<vmem>> -> memref<1x80xi32, #tpu.memory_space<vmem>>
        %dma_wait3A_69 = tpu.memref_squeeze %dma_wait3A_68 : memref<1x80xi32, #tpu.memory_space<vmem>> -> memref<80xi32, #tpu.memory_space<vmem>>
        %dma_wait3A_70 = arith.constant 0 : i32
        %dma_wait3A_71 = arith.constant 0 : i32
        %dma_wait3A_72 = tpu.memref_slice %arg3[%dma_wait3A_70, %dma_wait3A_71] : memref<10000x128xf32, #tpu.memory_space<hbm>> -> memref<10000x128xf32, #tpu.memory_space<hbm>>
        tpu.wait_indirect_dma semaphore(%arg16 : memref<!tpu.dma_semaphore, #tpu.memory_space<semaphore_mem>>) src(%dma_wait3A_72 : memref<10000x128xf32, #tpu.memory_space<hbm>>) dst(%arg12 : memref<80x128xf32, #tpu.memory_space<vmem>>)
        %scan3A_73 = arith.constant 0 : i32
        %scan3A_74 = arith.constant 80 : i32
        %scan3A_75 = arith.addi %scan3A_73, %scan3A_74 : i32
        %scan3A_76 = arith.constant 1 : i32
        scf.for %scan3A_96 = %scan3A_73 to %scan3A_75 step %scan3A_76  : i32 {
          %mul3A_97 = arith.constant 1 : i32
          %mul3A_98 = arith.muli %scan3A_96, %mul3A_97 : i32
          %add3A_99 = arith.constant 0 : i32
          %add3A_100 = arith.addi %add3A_99, %mul3A_98 : i32
          %get3A = arith.index_cast %add3A_100 : i32 to index
          %get3A_101 = arith.constant 0 : index
          %get3A_102 = tpu.vector_load %arg10[%get3A, %get3A_101] {strides = array<i32>} : memref<80x128xf32, #tpu.memory_space<vmem>>, vector<1x16xf32>,
          %get3A_103 = vector.shape_cast %get3A_102 : vector<1x16xf32> to vector<16xf32>
          %get3A_104 = arith.index_cast %add3A_100 : i32 to index
          %get3A_105 = arith.constant 0 : index
          %get3A_106 = tpu.vector_load %arg12[%get3A_104, %get3A_105] {strides = array<i32>} : memref<80x128xf32, #tpu.memory_space<vmem>>, vector<1x16xf32>,
          %get3A_107 = vector.shape_cast %get3A_106 : vector<1x16xf32> to vector<16xf32>
          %add3A_108 = arith.addf %get3A_103, %get3A_107 : vector<16xf32>
          %swap3A = arith.index_cast %add3A_100 : i32 to index
          %swap3A_109 = arith.constant 0 : index
          %swap3A_110 = tpu.vector_load %arg10[%swap3A, %swap3A_109] {strides = array<i32>} : memref<80x128xf32, #tpu.memory_space<vmem>>, vector<1x16xf32>,
          %swap3A_111 = vector.shape_cast %swap3A_110 : vector<1x16xf32> to vector<16xf32>
          %swap3A_112 = vector.shape_cast %add3A_108 : vector<16xf32> to vector<1x16xf32>
          tpu.vector_store %arg10[%swap3A, %swap3A_109], %swap3A_112 {strides = array<i32>} : memref<80x128xf32, #tpu.memory_space<vmem>>, vector<1x16xf32>,
          %get3A_113 = arith.index_cast %add3A_100 : i32 to index
          %get3A_114 = arith.constant 16 : index
          %get3A_115 = tpu.vector_load %arg10[%get3A_113, %get3A_114] {strides = array<i32>} : memref<80x128xf32, #tpu.memory_space<vmem>>, vector<1x16xf32>,
          %get3A_116 = vector.shape_cast %get3A_115 : vector<1x16xf32> to vector<16xf32>
          %get3A_117 = arith.index_cast %add3A_100 : i32 to index
          %get3A_118 = arith.constant 16 : index
          %get3A_119 = tpu.vector_load %arg12[%get3A_117, %get3A_118] {strides = array<i32>} : memref<80x128xf32, #tpu.memory_space<vmem>>, vector<1x16xf32>,
          %get3A_120 = vector.shape_cast %get3A_119 : vector<1x16xf32> to vector<16xf32>
          %add3A_121 = arith.addf %get3A_116, %get3A_120 : vector<16xf32>
          %swap3A_122 = arith.index_cast %add3A_100 : i32 to index
          %swap3A_123 = arith.constant 16 : index
          %swap3A_124 = tpu.vector_load %arg10[%swap3A_122, %swap3A_123] {strides = array<i32>} : memref<80x128xf32, #tpu.memory_space<vmem>>, vector<1x16xf32>,
          %swap3A_125 = vector.shape_cast %swap3A_124 : vector<1x16xf32> to vector<16xf32>
          %swap3A_126 = vector.shape_cast %add3A_121 : vector<16xf32> to vector<1x16xf32>
          tpu.vector_store %arg10[%swap3A_122, %swap3A_123], %swap3A_126 {strides = array<i32>} : memref<80x128xf32, #tpu.memory_space<vmem>>, vector<1x16xf32>,
          %get3A_127 = arith.index_cast %add3A_100 : i32 to index
          %get3A_128 = arith.constant 32 : index
          %get3A_129 = tpu.vector_load %arg10[%get3A_127, %get3A_128] {strides = array<i32>} : memref<80x128xf32, #tpu.memory_space<vmem>>, vector<1x16xf32>,
          %get3A_130 = vector.shape_cast %get3A_129 : vector<1x16xf32> to vector<16xf32>
          %get3A_131 = arith.index_cast %add3A_100 : i32 to index
          %get3A_132 = arith.constant 32 : index
          %get3A_133 = tpu.vector_load %arg12[%get3A_131, %get3A_132] {strides = array<i32>} : memref<80x128xf32, #tpu.memory_space<vmem>>, vector<1x16xf32>,
          %get3A_134 = vector.shape_cast %get3A_133 : vector<1x16xf32> to vector<16xf32>
          %add3A_135 = arith.addf %get3A_130, %get3A_134 : vector<16xf32>
          %swap3A_136 = arith.index_cast %add3A_100 : i32 to index
          %swap3A_137 = arith.constant 32 : index
          %swap3A_138 = tpu.vector_load %arg10[%swap3A_136, %swap3A_137] {strides = array<i32>} : memref<80x128xf32, #tpu.memory_space<vmem>>, vector<1x16xf32>,
          %swap3A_139 = vector.shape_cast %swap3A_138 : vector<1x16xf32> to vector<16xf32>
          %swap3A_140 = vector.shape_cast %add3A_135 : vector<16xf32> to vector<1x16xf32>
          tpu.vector_store %arg10[%swap3A_136, %swap3A_137], %swap3A_140 {strides = array<i32>} : memref<80x128xf32, #tpu.memory_space<vmem>>, vector<1x16xf32>,
          %get3A_141 = arith.index_cast %add3A_100 : i32 to index
          %get3A_142 = arith.constant 48 : index
          %get3A_143 = tpu.vector_load %arg10[%get3A_141, %get3A_142] {strides = array<i32>} : memref<80x128xf32, #tpu.memory_space<vmem>>, vector<1x16xf32>,
          %get3A_144 = vector.shape_cast %get3A_143 : vector<1x16xf32> to vector<16xf32>
          %get3A_145 = arith.index_cast %add3A_100 : i32 to index
          %get3A_146 = arith.constant 48 : index
          %get3A_147 = tpu.vector_load %arg12[%get3A_145, %get3A_146] {strides = array<i32>} : memref<80x128xf32, #tpu.memory_space<vmem>>, vector<1x16xf32>,
          %get3A_148 = vector.shape_cast %get3A_147 : vector<1x16xf32> to vector<16xf32>
          %add3A_149 = arith.addf %get3A_144, %get3A_148 : vector<16xf32>
          %swap3A_150 = arith.index_cast %add3A_100 : i32 to index
          %swap3A_151 = arith.constant 48 : index
          %swap3A_152 = tpu.vector_load %arg10[%swap3A_150, %swap3A_151] {strides = array<i32>} : memref<80x128xf32, #tpu.memory_space<vmem>>, vector<1x16xf32>,
          %swap3A_153 = vector.shape_cast %swap3A_152 : vector<1x16xf32> to vector<16xf32>
          %swap3A_154 = vector.shape_cast %add3A_149 : vector<16xf32> to vector<1x16xf32>
          tpu.vector_store %arg10[%swap3A_150, %swap3A_151], %swap3A_154 {strides = array<i32>} : memref<80x128xf32, #tpu.memory_space<vmem>>, vector<1x16xf32>,
          %get3A_155 = arith.index_cast %add3A_100 : i32 to index
          %get3A_156 = arith.constant 64 : index
          %get3A_157 = tpu.vector_load %arg10[%get3A_155, %get3A_156] {strides = array<i32>} : memref<80x128xf32, #tpu.memory_space<vmem>>, vector<1x16xf32>,
          %get3A_158 = vector.shape_cast %get3A_157 : vector<1x16xf32> to vector<16xf32>
          %get3A_159 = arith.index_cast %add3A_100 : i32 to index
          %get3A_160 = arith.constant 64 : index
          %get3A_161 = tpu.vector_load %arg12[%get3A_159, %get3A_160] {strides = array<i32>} : memref<80x128xf32, #tpu.memory_space<vmem>>, vector<1x16xf32>,
          %get3A_162 = vector.shape_cast %get3A_161 : vector<1x16xf32> to vector<16xf32>
          %add3A_163 = arith.addf %get3A_158, %get3A_162 : vector<16xf32>
          %swap3A_164 = arith.index_cast %add3A_100 : i32 to index
          %swap3A_165 = arith.constant 64 : index
          %swap3A_166 = tpu.vector_load %arg10[%swap3A_164, %swap3A_165] {strides = array<i32>} : memref<80x128xf32, #tpu.memory_space<vmem>>, vector<1x16xf32>,
          %swap3A_167 = vector.shape_cast %swap3A_166 : vector<1x16xf32> to vector<16xf32>
          %swap3A_168 = vector.shape_cast %add3A_163 : vector<16xf32> to vector<1x16xf32>
          tpu.vector_store %arg10[%swap3A_164, %swap3A_165], %swap3A_168 {strides = array<i32>} : memref<80x128xf32, #tpu.memory_space<vmem>>, vector<1x16xf32>,
          %get3A_169 = arith.index_cast %add3A_100 : i32 to index
          %get3A_170 = arith.constant 80 : index
          %get3A_171 = tpu.vector_load %arg10[%get3A_169, %get3A_170] {strides = array<i32>} : memref<80x128xf32, #tpu.memory_space<vmem>>, vector<1x16xf32>,
          %get3A_172 = vector.shape_cast %get3A_171 : vector<1x16xf32> to vector<16xf32>
          %get3A_173 = arith.index_cast %add3A_100 : i32 to index
          %get3A_174 = arith.constant 80 : index
          %get3A_175 = tpu.vector_load %arg12[%get3A_173, %get3A_174] {strides = array<i32>} : memref<80x128xf32, #tpu.memory_space<vmem>>, vector<1x16xf32>,
          %get3A_176 = vector.shape_cast %get3A_175 : vector<1x16xf32> to vector<16xf32>
          %add3A_177 = arith.addf %get3A_172, %get3A_176 : vector<16xf32>
          %swap3A_178 = arith.index_cast %add3A_100 : i32 to index
          %swap3A_179 = arith.constant 80 : index
          %swap3A_180 = tpu.vector_load %arg10[%swap3A_178, %swap3A_179] {strides = array<i32>} : memref<80x128xf32, #tpu.memory_space<vmem>>, vector<1x16xf32>,
          %swap3A_181 = vector.shape_cast %swap3A_180 : vector<1x16xf32> to vector<16xf32>
          %swap3A_182 = vector.shape_cast %add3A_177 : vector<16xf32> to vector<1x16xf32>
          tpu.vector_store %arg10[%swap3A_178, %swap3A_179], %swap3A_182 {strides = array<i32>} : memref<80x128xf32, #tpu.memory_space<vmem>>, vector<1x16xf32>,
          %get3A_183 = arith.index_cast %add3A_100 : i32 to index
          %get3A_184 = arith.constant 96 : index
          %get3A_185 = tpu.vector_load %arg10[%get3A_183, %get3A_184] {strides = array<i32>} : memref<80x128xf32, #tpu.memory_space<vmem>>, vector<1x16xf32>,
          %get3A_186 = vector.shape_cast %get3A_185 : vector<1x16xf32> to vector<16xf32>
          %get3A_187 = arith.index_cast %add3A_100 : i32 to index
          %get3A_188 = arith.constant 96 : index
          %get3A_189 = tpu.vector_load %arg12[%get3A_187, %get3A_188] {strides = array<i32>} : memref<80x128xf32, #tpu.memory_space<vmem>>, vector<1x16xf32>,
          %get3A_190 = vector.shape_cast %get3A_189 : vector<1x16xf32> to vector<16xf32>
          %add3A_191 = arith.addf %get3A_186, %get3A_190 : vector<16xf32>
          %swap3A_192 = arith.index_cast %add3A_100 : i32 to index
          %swap3A_193 = arith.constant 96 : index
          %swap3A_194 = tpu.vector_load %arg10[%swap3A_192, %swap3A_193] {strides = array<i32>} : memref<80x128xf32, #tpu.memory_space<vmem>>, vector<1x16xf32>,
          %swap3A_195 = vector.shape_cast %swap3A_194 : vector<1x16xf32> to vector<16xf32>
          %swap3A_196 = vector.shape_cast %add3A_191 : vector<16xf32> to vector<1x16xf32>
          tpu.vector_store %arg10[%swap3A_192, %swap3A_193], %swap3A_196 {strides = array<i32>} : memref<80x128xf32, #tpu.memory_space<vmem>>, vector<1x16xf32>,
          %get3A_197 = arith.index_cast %add3A_100 : i32 to index
          %get3A_198 = arith.constant 112 : index
          %get3A_199 = tpu.vector_load %arg10[%get3A_197, %get3A_198] {strides = array<i32>} : memref<80x128xf32, #tpu.memory_space<vmem>>, vector<1x16xf32>,
          %get3A_200 = vector.shape_cast %get3A_199 : vector<1x16xf32> to vector<16xf32>
          %get3A_201 = arith.index_cast %add3A_100 : i32 to index
          %get3A_202 = arith.constant 112 : index
          %get3A_203 = tpu.vector_load %arg12[%get3A_201, %get3A_202] {strides = array<i32>} : memref<80x128xf32, #tpu.memory_space<vmem>>, vector<1x16xf32>,
          %get3A_204 = vector.shape_cast %get3A_203 : vector<1x16xf32> to vector<16xf32>
          %add3A_205 = arith.addf %get3A_200, %get3A_204 : vector<16xf32>
          %swap3A_206 = arith.index_cast %add3A_100 : i32 to index
          %swap3A_207 = arith.constant 112 : index
          %swap3A_208 = tpu.vector_load %arg10[%swap3A_206, %swap3A_207] {strides = array<i32>} : memref<80x128xf32, #tpu.memory_space<vmem>>, vector<1x16xf32>,
          %swap3A_209 = vector.shape_cast %swap3A_208 : vector<1x16xf32> to vector<16xf32>
          %swap3A_210 = vector.shape_cast %add3A_205 : vector<16xf32> to vector<1x16xf32>
          tpu.vector_store %arg10[%swap3A_206, %swap3A_207], %swap3A_210 {strides = array<i32>} : memref<80x128xf32, #tpu.memory_space<vmem>>, vector<1x16xf32>,
        }
        %scan3A_77 = arith.constant 80 : i32
        %mul3A_78 = arith.constant 80 : i32
        %mul3A_79 = arith.muli %add3A_54, %mul3A_78 : i32
        %add3A_80 = arith.addi %mul3A_35, %mul3A_79 : i32
        %dma_start3A_81 = arith.constant 0 : i32
        %dma_start3A_82 = tpu.memref_slice %arg6[%add3A_80, %dma_start3A_81] : memref<81920x128xf32, #tpu.memory_space<hbm>> -> memref<80x128xf32, #tpu.memory_space<hbm>>
        %dma_start3A_83 = arith.constant 0 : i32
        %dma_start3A_84 = tpu.memref_slice %arg6[%add3A_80, %dma_start3A_83] : memref<81920x128xf32, #tpu.memory_space<hbm>> -> memref<80x128xf32, #tpu.memory_space<hbm>>
        tpu.enqueue_dma source(%arg10 : memref<80x128xf32, #tpu.memory_space<vmem>>) target(%dma_start3A_84 : memref<80x128xf32, #tpu.memory_space<hbm>>) target_semaphore(%arg14 : memref<!tpu.dma_semaphore, #tpu.memory_space<semaphore_mem>>)
        %dma_wait3A_85 = arith.constant 0 : i32
        %dma_wait3A_86 = tpu.memref_slice %arg6[%add3A_80, %dma_wait3A_85] : memref<81920x128xf32, #tpu.memory_space<hbm>> -> memref<80x128xf32, #tpu.memory_space<hbm>>
        %dma_wait3A_87 = arith.constant 0 : i32
        %dma_wait3A_88 = tpu.memref_slice %arg6[%add3A_80, %dma_wait3A_87] : memref<81920x128xf32, #tpu.memory_space<hbm>> -> memref<80x128xf32, #tpu.memory_space<hbm>>
        tpu.wait_dma2 semaphore(%arg14 : memref<!tpu.dma_semaphore, #tpu.memory_space<semaphore_mem>>) src(%arg10 : memref<80x128xf32, #tpu.memory_space<vmem>>) dst(%dma_wait3A_88 : memref<80x128xf32, #tpu.memory_space<hbm>>)
        %add3A_89 = arith.constant 2 : i32
        %add3A_90 = arith.addi %add3A_54, %add3A_89 : i32
        %lt3A_91 = arith.constant 32 : i32
        %lt3A_92 = arith.cmpi slt, %add3A_90, %lt3A_91 : i32
        %convert_element_type3A_93 = arith.extui %lt3A_92 : i1 to i32
        %cond3A_94 = arith.constant 0 : i32
        %cond3A_95 = arith.cmpi ne, %convert_element_type3A_93, %cond3A_94 : i32
        scf.if %cond3A_95 {
          %add3A_96 = arith.constant 2 : i32
          %add3A_97 = arith.addi %add3A_54, %add3A_96 : i32
          %dma_start3A_98 = arith.constant 0 : i32
          %dma_start3A_99 = tpu.memref_slice %arg7[%add3A_97, %dma_start3A_98] : memref<32x80xi32, #tpu.memory_space<vmem>> -> memref<1x80xi32, #tpu.memory_space<vmem>>
          %dma_start3A_100 = tpu.memref_squeeze %dma_start3A_99 : memref<1x80xi32, #tpu.memory_space<vmem>> -> memref<80xi32, #tpu.memory_space<vmem>>
          %dma_start3A_101 = arith.constant 0 : i32
          %dma_start3A_102 = arith.constant 0 : i32
          %dma_start3A_103 = tpu.memref_slice %arg2[%dma_start3A_101, %dma_start3A_102] : memref<10000x128xf32, #tpu.memory_space<hbm>> -> memref<10000x128xf32, #tpu.memory_space<hbm>>
          tpu.enqueue_indirect_dma source(%dma_start3A_103 : memref<10000x128xf32, #tpu.memory_space<hbm>>) target(%arg10 : memref<80x128xf32, #tpu.memory_space<vmem>>) offsets(%dma_start3A_100 : memref<80xi32, #tpu.memory_space<vmem>>) semaphore(%arg14 : memref<!tpu.dma_semaphore, #tpu.memory_space<semaphore_mem>>)
          %dma_start3A_104 = arith.constant 0 : i32
          %dma_start3A_105 = tpu.memref_slice %arg8[%add3A_97, %dma_start3A_104] : memref<32x80xi32, #tpu.memory_space<vmem>> -> memref<1x80xi32, #tpu.memory_space<vmem>>
          %dma_start3A_106 = tpu.memref_squeeze %dma_start3A_105 : memref<1x80xi32, #tpu.memory_space<vmem>> -> memref<80xi32, #tpu.memory_space<vmem>>
          %dma_start3A_107 = arith.constant 0 : i32
          %dma_start3A_108 = arith.constant 0 : i32
          %dma_start3A_109 = tpu.memref_slice %arg3[%dma_start3A_107, %dma_start3A_108] : memref<10000x128xf32, #tpu.memory_space<hbm>> -> memref<10000x128xf32, #tpu.memory_space<hbm>>
          tpu.enqueue_indirect_dma source(%dma_start3A_109 : memref<10000x128xf32, #tpu.memory_space<hbm>>) target(%arg12 : memref<80x128xf32, #tpu.memory_space<vmem>>) offsets(%dma_start3A_106 : memref<80xi32, #tpu.memory_space<vmem>>) semaphore(%arg16 : memref<!tpu.dma_semaphore, #tpu.memory_space<semaphore_mem>>)
        } else {
        }
      } else {
      }
    }
    %scan3A_39 = arith.constant 16 : i32
    return
  }
}

#map = affine_map<(d0, d1) -> (0, 0)>
module attributes {stable_mosaic.version = 14 : i64} {
  func.func @body(%arg0: i32, %arg1: i32, %arg2: memref<10000x128xf32, #tpu.memory_space<hbm>>, %arg3: memref<10000x128xf32, #tpu.memory_space<hbm>>, %arg4: memref<4000x80xi32, #tpu.memory_space<hbm>>, %arg5: memref<4000x80xi32, #tpu.memory_space<hbm>>, %arg6: memref<76800x128xf32, #tpu.memory_space<hbm>>, %arg7: memref<30x80xi32, #tpu.memory_space<vmem>>, %arg8: memref<30x80xi32, #tpu.memory_space<vmem>>, %arg9: memref<80x128xf32, #tpu.memory_space<vmem>>, %arg10: memref<80x128xf32, #tpu.memory_space<vmem>>, %arg11: memref<80x128xf32, #tpu.memory_space<vmem>>, %arg12: memref<80x128xf32, #tpu.memory_space<vmem>>, %arg13: memref<!tpu.dma_semaphore, #tpu.memory_space<semaphore_mem>>, %arg14: memref<!tpu.dma_semaphore, #tpu.memory_space<semaphore_mem>>, %arg15: memref<!tpu.dma_semaphore, #tpu.memory_space<semaphore_mem>>, %arg16: memref<!tpu.dma_semaphore, #tpu.memory_space<semaphore_mem>>) attributes {dimension_semantics = [#tpu.dimension_semantics<core_parallel>, #tpu.dimension_semantics<subcore_parallel>], iteration_bounds = array<i64: 2, 16>, scalar_prefetch = 0 : i64, scratch_operands = 10 : i64, tpu.core_type = #tpu.core_type<sc_vector_subcore>, window_params = [{transform_indices = #map}, {transform_indices = #map}, {transform_indices = #map}, {transform_indices = #map}, {transform_indices = #map}]} {
    %mul3A = arith.constant 2 : i32
    %mul3A_0 = arith.muli %arg1, %mul3A : i32
    %add3A = arith.addi %mul3A_0, %arg0 : i32
    %mul3A_1 = arith.constant 30 : i32
    %mul3A_2 = arith.muli %add3A, %mul3A_1 : i32
    %add3A_3 = arith.constant 3040 : i32
    %add3A_4 = arith.addi %add3A_3, %mul3A_2 : i32
    "tpu.region"() ({
      %run_scoped3A = tpu.sem_alloc : memref<!tpu.dma_semaphore, #tpu.memory_space<semaphore_mem>>
      %dma_start3A_40 = arith.constant 0 : i32
      %dma_start3A_41 = tpu.memref_slice %arg4[%add3A_4, %dma_start3A_40] : memref<4000x80xi32, #tpu.memory_space<hbm>> -> memref<30x80xi32, #tpu.memory_space<hbm>>
      %dma_start3A_42 = arith.constant 0 : i32
      %dma_start3A_43 = tpu.memref_slice %arg4[%add3A_4, %dma_start3A_42] : memref<4000x80xi32, #tpu.memory_space<hbm>> -> memref<30x80xi32, #tpu.memory_space<hbm>>
      tpu.enqueue_dma source(%dma_start3A_43 : memref<30x80xi32, #tpu.memory_space<hbm>>) target(%arg7 : memref<30x80xi32, #tpu.memory_space<vmem>>) target_semaphore(%run_scoped3A : memref<!tpu.dma_semaphore, #tpu.memory_space<semaphore_mem>>)
      %dma_wait3A = arith.constant 0 : i32
      %dma_wait3A_44 = tpu.memref_slice %arg4[%add3A_4, %dma_wait3A] : memref<4000x80xi32, #tpu.memory_space<hbm>> -> memref<30x80xi32, #tpu.memory_space<hbm>>
      %dma_wait3A_45 = arith.constant 0 : i32
      %dma_wait3A_46 = tpu.memref_slice %arg4[%add3A_4, %dma_wait3A_45] : memref<4000x80xi32, #tpu.memory_space<hbm>> -> memref<30x80xi32, #tpu.memory_space<hbm>>
      tpu.wait_dma2 semaphore(%run_scoped3A : memref<!tpu.dma_semaphore, #tpu.memory_space<semaphore_mem>>) src(%dma_wait3A_46 : memref<30x80xi32, #tpu.memory_space<hbm>>) dst(%arg7 : memref<30x80xi32, #tpu.memory_space<vmem>>)
      tpu.yield
    }) : () -> ()
    "tpu.region"() ({
      %run_scoped3A = tpu.sem_alloc : memref<!tpu.dma_semaphore, #tpu.memory_space<semaphore_mem>>
      %dma_start3A_40 = arith.constant 0 : i32
      %dma_start3A_41 = tpu.memref_slice %arg5[%add3A_4, %dma_start3A_40] : memref<4000x80xi32, #tpu.memory_space<hbm>> -> memref<30x80xi32, #tpu.memory_space<hbm>>
      %dma_start3A_42 = arith.constant 0 : i32
      %dma_start3A_43 = tpu.memref_slice %arg5[%add3A_4, %dma_start3A_42] : memref<4000x80xi32, #tpu.memory_space<hbm>> -> memref<30x80xi32, #tpu.memory_space<hbm>>
      tpu.enqueue_dma source(%dma_start3A_43 : memref<30x80xi32, #tpu.memory_space<hbm>>) target(%arg8 : memref<30x80xi32, #tpu.memory_space<vmem>>) target_semaphore(%run_scoped3A : memref<!tpu.dma_semaphore, #tpu.memory_space<semaphore_mem>>)
      %dma_wait3A = arith.constant 0 : i32
      %dma_wait3A_44 = tpu.memref_slice %arg5[%add3A_4, %dma_wait3A] : memref<4000x80xi32, #tpu.memory_space<hbm>> -> memref<30x80xi32, #tpu.memory_space<hbm>>
      %dma_wait3A_45 = arith.constant 0 : i32
      %dma_wait3A_46 = tpu.memref_slice %arg5[%add3A_4, %dma_wait3A_45] : memref<4000x80xi32, #tpu.memory_space<hbm>> -> memref<30x80xi32, #tpu.memory_space<hbm>>
      tpu.wait_dma2 semaphore(%run_scoped3A : memref<!tpu.dma_semaphore, #tpu.memory_space<semaphore_mem>>) src(%dma_wait3A_46 : memref<30x80xi32, #tpu.memory_space<hbm>>) dst(%arg8 : memref<30x80xi32, #tpu.memory_space<vmem>>)
      tpu.yield
    }) : () -> ()
    %dma_start3A = arith.constant 0 : i32
    %dma_start3A_5 = arith.constant 0 : i32
    %dma_start3A_6 = tpu.memref_slice %arg7[%dma_start3A, %dma_start3A_5] : memref<30x80xi32, #tpu.memory_space<vmem>> -> memref<1x80xi32, #tpu.memory_space<vmem>>
    %dma_start3A_7 = tpu.memref_squeeze %dma_start3A_6 : memref<1x80xi32, #tpu.memory_space<vmem>> -> memref<80xi32, #tpu.memory_space<vmem>>
    %dma_start3A_8 = arith.constant 0 : i32
    %dma_start3A_9 = arith.constant 0 : i32
    %dma_start3A_10 = tpu.memref_slice %arg2[%dma_start3A_8, %dma_start3A_9] : memref<10000x128xf32, #tpu.memory_space<hbm>> -> memref<10000x128xf32, #tpu.memory_space<hbm>>
    tpu.enqueue_indirect_dma source(%dma_start3A_10 : memref<10000x128xf32, #tpu.memory_space<hbm>>) target(%arg9 : memref<80x128xf32, #tpu.memory_space<vmem>>) offsets(%dma_start3A_7 : memref<80xi32, #tpu.memory_space<vmem>>) semaphore(%arg13 : memref<!tpu.dma_semaphore, #tpu.memory_space<semaphore_mem>>)
    %dma_start3A_11 = arith.constant 0 : i32
    %dma_start3A_12 = arith.constant 0 : i32
    %dma_start3A_13 = tpu.memref_slice %arg8[%dma_start3A_11, %dma_start3A_12] : memref<30x80xi32, #tpu.memory_space<vmem>> -> memref<1x80xi32, #tpu.memory_space<vmem>>
    %dma_start3A_14 = tpu.memref_squeeze %dma_start3A_13 : memref<1x80xi32, #tpu.memory_space<vmem>> -> memref<80xi32, #tpu.memory_space<vmem>>
    %dma_start3A_15 = arith.constant 0 : i32
    %dma_start3A_16 = arith.constant 0 : i32
    %dma_start3A_17 = tpu.memref_slice %arg3[%dma_start3A_15, %dma_start3A_16] : memref<10000x128xf32, #tpu.memory_space<hbm>> -> memref<10000x128xf32, #tpu.memory_space<hbm>>
    tpu.enqueue_indirect_dma source(%dma_start3A_17 : memref<10000x128xf32, #tpu.memory_space<hbm>>) target(%arg11 : memref<80x128xf32, #tpu.memory_space<vmem>>) offsets(%dma_start3A_14 : memref<80xi32, #tpu.memory_space<vmem>>) semaphore(%arg15 : memref<!tpu.dma_semaphore, #tpu.memory_space<semaphore_mem>>)
    %dma_start3A_18 = arith.constant 1 : i32
    %dma_start3A_19 = arith.constant 0 : i32
    %dma_start3A_20 = tpu.memref_slice %arg7[%dma_start3A_18, %dma_start3A_19] : memref<30x80xi32, #tpu.memory_space<vmem>> -> memref<1x80xi32, #tpu.memory_space<vmem>>
    %dma_start3A_21 = tpu.memref_squeeze %dma_start3A_20 : memref<1x80xi32, #tpu.memory_space<vmem>> -> memref<80xi32, #tpu.memory_space<vmem>>
    %dma_start3A_22 = arith.constant 0 : i32
    %dma_start3A_23 = arith.constant 0 : i32
    %dma_start3A_24 = tpu.memref_slice %arg2[%dma_start3A_22, %dma_start3A_23] : memref<10000x128xf32, #tpu.memory_space<hbm>> -> memref<10000x128xf32, #tpu.memory_space<hbm>>
    tpu.enqueue_indirect_dma source(%dma_start3A_24 : memref<10000x128xf32, #tpu.memory_space<hbm>>) target(%arg10 : memref<80x128xf32, #tpu.memory_space<vmem>>) offsets(%dma_start3A_21 : memref<80xi32, #tpu.memory_space<vmem>>) semaphore(%arg14 : memref<!tpu.dma_semaphore, #tpu.memory_space<semaphore_mem>>)
    %dma_start3A_25 = arith.constant 1 : i32
    %dma_start3A_26 = arith.constant 0 : i32
    %dma_start3A_27 = tpu.memref_slice %arg8[%dma_start3A_25, %dma_start3A_26] : memref<30x80xi32, #tpu.memory_space<vmem>> -> memref<1x80xi32, #tpu.memory_space<vmem>>
    %dma_start3A_28 = tpu.memref_squeeze %dma_start3A_27 : memref<1x80xi32, #tpu.memory_space<vmem>> -> memref<80xi32, #tpu.memory_space<vmem>>
    %dma_start3A_29 = arith.constant 0 : i32
    %dma_start3A_30 = arith.constant 0 : i32
    %dma_start3A_31 = tpu.memref_slice %arg3[%dma_start3A_29, %dma_start3A_30] : memref<10000x128xf32, #tpu.memory_space<hbm>> -> memref<10000x128xf32, #tpu.memory_space<hbm>>
    tpu.enqueue_indirect_dma source(%dma_start3A_31 : memref<10000x128xf32, #tpu.memory_space<hbm>>) target(%arg12 : memref<80x128xf32, #tpu.memory_space<vmem>>) offsets(%dma_start3A_28 : memref<80xi32, #tpu.memory_space<vmem>>) semaphore(%arg16 : memref<!tpu.dma_semaphore, #tpu.memory_space<semaphore_mem>>)
    %mul3A_32 = arith.constant 30 : i32
    %mul3A_33 = arith.muli %add3A, %mul3A_32 : i32
    %mul3A_34 = arith.constant 80 : i32
    %mul3A_35 = arith.muli %mul3A_33, %mul3A_34 : i32
    %scan3A = arith.constant 0 : i32
    %scan3A_36 = arith.constant 15 : i32
    %scan3A_37 = arith.addi %scan3A, %scan3A_36 : i32
    %scan3A_38 = arith.constant 1 : i32
    scf.for %scan3A_40 = %scan3A to %scan3A_37 step %scan3A_38  : i32 {
      %mul3A_41 = arith.constant 1 : i32
      %mul3A_42 = arith.muli %scan3A_40, %mul3A_41 : i32
      %add3A_43 = arith.constant 0 : i32
      %add3A_44 = arith.addi %add3A_43, %mul3A_42 : i32
      %mul3A_45 = arith.constant 2 : i32
      %mul3A_46 = arith.muli %add3A_44, %mul3A_45 : i32
      %add3A_47 = arith.constant 0 : i32
      %add3A_48 = arith.addi %mul3A_46, %add3A_47 : i32
      %lt3A = arith.constant 30 : i32
      %lt3A_49 = arith.cmpi slt, %add3A_48, %lt3A : i32
      %convert_element_type3A = arith.extui %lt3A_49 : i1 to i32
      %cond3A = arith.constant 0 : i32
      %cond3A_50 = arith.cmpi ne, %convert_element_type3A, %cond3A : i32
      scf.if %cond3A_50 {
        %dma_wait3A = arith.constant 0 : i32
        %dma_wait3A_60 = arith.constant 0 : i32
        %dma_wait3A_61 = tpu.memref_slice %arg7[%dma_wait3A, %dma_wait3A_60] : memref<30x80xi32, #tpu.memory_space<vmem>> -> memref<1x80xi32, #tpu.memory_space<vmem>>
        %dma_wait3A_62 = tpu.memref_squeeze %dma_wait3A_61 : memref<1x80xi32, #tpu.memory_space<vmem>> -> memref<80xi32, #tpu.memory_space<vmem>>
        %dma_wait3A_63 = arith.constant 0 : i32
        %dma_wait3A_64 = arith.constant 0 : i32
        %dma_wait3A_65 = tpu.memref_slice %arg2[%dma_wait3A_63, %dma_wait3A_64] : memref<10000x128xf32, #tpu.memory_space<hbm>> -> memref<10000x128xf32, #tpu.memory_space<hbm>>
        tpu.wait_indirect_dma semaphore(%arg13 : memref<!tpu.dma_semaphore, #tpu.memory_space<semaphore_mem>>) src(%dma_wait3A_65 : memref<10000x128xf32, #tpu.memory_space<hbm>>) dst(%arg9 : memref<80x128xf32, #tpu.memory_space<vmem>>)
        %dma_wait3A_66 = arith.constant 0 : i32
        %dma_wait3A_67 = arith.constant 0 : i32
        %dma_wait3A_68 = tpu.memref_slice %arg8[%dma_wait3A_66, %dma_wait3A_67] : memref<30x80xi32, #tpu.memory_space<vmem>> -> memref<1x80xi32, #tpu.memory_space<vmem>>
        %dma_wait3A_69 = tpu.memref_squeeze %dma_wait3A_68 : memref<1x80xi32, #tpu.memory_space<vmem>> -> memref<80xi32, #tpu.memory_space<vmem>>
        %dma_wait3A_70 = arith.constant 0 : i32
        %dma_wait3A_71 = arith.constant 0 : i32
        %dma_wait3A_72 = tpu.memref_slice %arg3[%dma_wait3A_70, %dma_wait3A_71] : memref<10000x128xf32, #tpu.memory_space<hbm>> -> memref<10000x128xf32, #tpu.memory_space<hbm>>
        tpu.wait_indirect_dma semaphore(%arg15 : memref<!tpu.dma_semaphore, #tpu.memory_space<semaphore_mem>>) src(%dma_wait3A_72 : memref<10000x128xf32, #tpu.memory_space<hbm>>) dst(%arg11 : memref<80x128xf32, #tpu.memory_space<vmem>>)
        %scan3A_73 = arith.constant 0 : i32
        %scan3A_74 = arith.constant 80 : i32
        %scan3A_75 = arith.addi %scan3A_73, %scan3A_74 : i32
        %scan3A_76 = arith.constant 1 : i32
        scf.for %scan3A_96 = %scan3A_73 to %scan3A_75 step %scan3A_76  : i32 {
          %mul3A_97 = arith.constant 1 : i32
          %mul3A_98 = arith.muli %scan3A_96, %mul3A_97 : i32
          %add3A_99 = arith.constant 0 : i32
          %add3A_100 = arith.addi %add3A_99, %mul3A_98 : i32
          %get3A = arith.index_cast %add3A_100 : i32 to index
          %get3A_101 = arith.constant 0 : index
          %get3A_102 = tpu.vector_load %arg9[%get3A, %get3A_101] {strides = array<i32>} : memref<80x128xf32, #tpu.memory_space<vmem>>, vector<1x16xf32>,
          %get3A_103 = vector.shape_cast %get3A_102 : vector<1x16xf32> to vector<16xf32>
          %get3A_104 = arith.index_cast %add3A_100 : i32 to index
          %get3A_105 = arith.constant 0 : index
          %get3A_106 = tpu.vector_load %arg11[%get3A_104, %get3A_105] {strides = array<i32>} : memref<80x128xf32, #tpu.memory_space<vmem>>, vector<1x16xf32>,
          %get3A_107 = vector.shape_cast %get3A_106 : vector<1x16xf32> to vector<16xf32>
          %add3A_108 = arith.addf %get3A_103, %get3A_107 : vector<16xf32>
          %swap3A = arith.index_cast %add3A_100 : i32 to index
          %swap3A_109 = arith.constant 0 : index
          %swap3A_110 = tpu.vector_load %arg9[%swap3A, %swap3A_109] {strides = array<i32>} : memref<80x128xf32, #tpu.memory_space<vmem>>, vector<1x16xf32>,
          %swap3A_111 = vector.shape_cast %swap3A_110 : vector<1x16xf32> to vector<16xf32>
          %swap3A_112 = vector.shape_cast %add3A_108 : vector<16xf32> to vector<1x16xf32>
          tpu.vector_store %arg9[%swap3A, %swap3A_109], %swap3A_112 {strides = array<i32>} : memref<80x128xf32, #tpu.memory_space<vmem>>, vector<1x16xf32>,
          %get3A_113 = arith.index_cast %add3A_100 : i32 to index
          %get3A_114 = arith.constant 16 : index
          %get3A_115 = tpu.vector_load %arg9[%get3A_113, %get3A_114] {strides = array<i32>} : memref<80x128xf32, #tpu.memory_space<vmem>>, vector<1x16xf32>,
          %get3A_116 = vector.shape_cast %get3A_115 : vector<1x16xf32> to vector<16xf32>
          %get3A_117 = arith.index_cast %add3A_100 : i32 to index
          %get3A_118 = arith.constant 16 : index
          %get3A_119 = tpu.vector_load %arg11[%get3A_117, %get3A_118] {strides = array<i32>} : memref<80x128xf32, #tpu.memory_space<vmem>>, vector<1x16xf32>,
          %get3A_120 = vector.shape_cast %get3A_119 : vector<1x16xf32> to vector<16xf32>
          %add3A_121 = arith.addf %get3A_116, %get3A_120 : vector<16xf32>
          %swap3A_122 = arith.index_cast %add3A_100 : i32 to index
          %swap3A_123 = arith.constant 16 : index
          %swap3A_124 = tpu.vector_load %arg9[%swap3A_122, %swap3A_123] {strides = array<i32>} : memref<80x128xf32, #tpu.memory_space<vmem>>, vector<1x16xf32>,
          %swap3A_125 = vector.shape_cast %swap3A_124 : vector<1x16xf32> to vector<16xf32>
          %swap3A_126 = vector.shape_cast %add3A_121 : vector<16xf32> to vector<1x16xf32>
          tpu.vector_store %arg9[%swap3A_122, %swap3A_123], %swap3A_126 {strides = array<i32>} : memref<80x128xf32, #tpu.memory_space<vmem>>, vector<1x16xf32>,
          %get3A_127 = arith.index_cast %add3A_100 : i32 to index
          %get3A_128 = arith.constant 32 : index
          %get3A_129 = tpu.vector_load %arg9[%get3A_127, %get3A_128] {strides = array<i32>} : memref<80x128xf32, #tpu.memory_space<vmem>>, vector<1x16xf32>,
          %get3A_130 = vector.shape_cast %get3A_129 : vector<1x16xf32> to vector<16xf32>
          %get3A_131 = arith.index_cast %add3A_100 : i32 to index
          %get3A_132 = arith.constant 32 : index
          %get3A_133 = tpu.vector_load %arg11[%get3A_131, %get3A_132] {strides = array<i32>} : memref<80x128xf32, #tpu.memory_space<vmem>>, vector<1x16xf32>,
          %get3A_134 = vector.shape_cast %get3A_133 : vector<1x16xf32> to vector<16xf32>
          %add3A_135 = arith.addf %get3A_130, %get3A_134 : vector<16xf32>
          %swap3A_136 = arith.index_cast %add3A_100 : i32 to index
          %swap3A_137 = arith.constant 32 : index
          %swap3A_138 = tpu.vector_load %arg9[%swap3A_136, %swap3A_137] {strides = array<i32>} : memref<80x128xf32, #tpu.memory_space<vmem>>, vector<1x16xf32>,
          %swap3A_139 = vector.shape_cast %swap3A_138 : vector<1x16xf32> to vector<16xf32>
          %swap3A_140 = vector.shape_cast %add3A_135 : vector<16xf32> to vector<1x16xf32>
          tpu.vector_store %arg9[%swap3A_136, %swap3A_137], %swap3A_140 {strides = array<i32>} : memref<80x128xf32, #tpu.memory_space<vmem>>, vector<1x16xf32>,
          %get3A_141 = arith.index_cast %add3A_100 : i32 to index
          %get3A_142 = arith.constant 48 : index
          %get3A_143 = tpu.vector_load %arg9[%get3A_141, %get3A_142] {strides = array<i32>} : memref<80x128xf32, #tpu.memory_space<vmem>>, vector<1x16xf32>,
          %get3A_144 = vector.shape_cast %get3A_143 : vector<1x16xf32> to vector<16xf32>
          %get3A_145 = arith.index_cast %add3A_100 : i32 to index
          %get3A_146 = arith.constant 48 : index
          %get3A_147 = tpu.vector_load %arg11[%get3A_145, %get3A_146] {strides = array<i32>} : memref<80x128xf32, #tpu.memory_space<vmem>>, vector<1x16xf32>,
          %get3A_148 = vector.shape_cast %get3A_147 : vector<1x16xf32> to vector<16xf32>
          %add3A_149 = arith.addf %get3A_144, %get3A_148 : vector<16xf32>
          %swap3A_150 = arith.index_cast %add3A_100 : i32 to index
          %swap3A_151 = arith.constant 48 : index
          %swap3A_152 = tpu.vector_load %arg9[%swap3A_150, %swap3A_151] {strides = array<i32>} : memref<80x128xf32, #tpu.memory_space<vmem>>, vector<1x16xf32>,
          %swap3A_153 = vector.shape_cast %swap3A_152 : vector<1x16xf32> to vector<16xf32>
          %swap3A_154 = vector.shape_cast %add3A_149 : vector<16xf32> to vector<1x16xf32>
          tpu.vector_store %arg9[%swap3A_150, %swap3A_151], %swap3A_154 {strides = array<i32>} : memref<80x128xf32, #tpu.memory_space<vmem>>, vector<1x16xf32>,
          %get3A_155 = arith.index_cast %add3A_100 : i32 to index
          %get3A_156 = arith.constant 64 : index
          %get3A_157 = tpu.vector_load %arg9[%get3A_155, %get3A_156] {strides = array<i32>} : memref<80x128xf32, #tpu.memory_space<vmem>>, vector<1x16xf32>,
          %get3A_158 = vector.shape_cast %get3A_157 : vector<1x16xf32> to vector<16xf32>
          %get3A_159 = arith.index_cast %add3A_100 : i32 to index
          %get3A_160 = arith.constant 64 : index
          %get3A_161 = tpu.vector_load %arg11[%get3A_159, %get3A_160] {strides = array<i32>} : memref<80x128xf32, #tpu.memory_space<vmem>>, vector<1x16xf32>,
          %get3A_162 = vector.shape_cast %get3A_161 : vector<1x16xf32> to vector<16xf32>
          %add3A_163 = arith.addf %get3A_158, %get3A_162 : vector<16xf32>
          %swap3A_164 = arith.index_cast %add3A_100 : i32 to index
          %swap3A_165 = arith.constant 64 : index
          %swap3A_166 = tpu.vector_load %arg9[%swap3A_164, %swap3A_165] {strides = array<i32>} : memref<80x128xf32, #tpu.memory_space<vmem>>, vector<1x16xf32>,
          %swap3A_167 = vector.shape_cast %swap3A_166 : vector<1x16xf32> to vector<16xf32>
          %swap3A_168 = vector.shape_cast %add3A_163 : vector<16xf32> to vector<1x16xf32>
          tpu.vector_store %arg9[%swap3A_164, %swap3A_165], %swap3A_168 {strides = array<i32>} : memref<80x128xf32, #tpu.memory_space<vmem>>, vector<1x16xf32>,
          %get3A_169 = arith.index_cast %add3A_100 : i32 to index
          %get3A_170 = arith.constant 80 : index
          %get3A_171 = tpu.vector_load %arg9[%get3A_169, %get3A_170] {strides = array<i32>} : memref<80x128xf32, #tpu.memory_space<vmem>>, vector<1x16xf32>,
          %get3A_172 = vector.shape_cast %get3A_171 : vector<1x16xf32> to vector<16xf32>
          %get3A_173 = arith.index_cast %add3A_100 : i32 to index
          %get3A_174 = arith.constant 80 : index
          %get3A_175 = tpu.vector_load %arg11[%get3A_173, %get3A_174] {strides = array<i32>} : memref<80x128xf32, #tpu.memory_space<vmem>>, vector<1x16xf32>,
          %get3A_176 = vector.shape_cast %get3A_175 : vector<1x16xf32> to vector<16xf32>
          %add3A_177 = arith.addf %get3A_172, %get3A_176 : vector<16xf32>
          %swap3A_178 = arith.index_cast %add3A_100 : i32 to index
          %swap3A_179 = arith.constant 80 : index
          %swap3A_180 = tpu.vector_load %arg9[%swap3A_178, %swap3A_179] {strides = array<i32>} : memref<80x128xf32, #tpu.memory_space<vmem>>, vector<1x16xf32>,
          %swap3A_181 = vector.shape_cast %swap3A_180 : vector<1x16xf32> to vector<16xf32>
          %swap3A_182 = vector.shape_cast %add3A_177 : vector<16xf32> to vector<1x16xf32>
          tpu.vector_store %arg9[%swap3A_178, %swap3A_179], %swap3A_182 {strides = array<i32>} : memref<80x128xf32, #tpu.memory_space<vmem>>, vector<1x16xf32>,
          %get3A_183 = arith.index_cast %add3A_100 : i32 to index
          %get3A_184 = arith.constant 96 : index
          %get3A_185 = tpu.vector_load %arg9[%get3A_183, %get3A_184] {strides = array<i32>} : memref<80x128xf32, #tpu.memory_space<vmem>>, vector<1x16xf32>,
          %get3A_186 = vector.shape_cast %get3A_185 : vector<1x16xf32> to vector<16xf32>
          %get3A_187 = arith.index_cast %add3A_100 : i32 to index
          %get3A_188 = arith.constant 96 : index
          %get3A_189 = tpu.vector_load %arg11[%get3A_187, %get3A_188] {strides = array<i32>} : memref<80x128xf32, #tpu.memory_space<vmem>>, vector<1x16xf32>,
          %get3A_190 = vector.shape_cast %get3A_189 : vector<1x16xf32> to vector<16xf32>
          %add3A_191 = arith.addf %get3A_186, %get3A_190 : vector<16xf32>
          %swap3A_192 = arith.index_cast %add3A_100 : i32 to index
          %swap3A_193 = arith.constant 96 : index
          %swap3A_194 = tpu.vector_load %arg9[%swap3A_192, %swap3A_193] {strides = array<i32>} : memref<80x128xf32, #tpu.memory_space<vmem>>, vector<1x16xf32>,
          %swap3A_195 = vector.shape_cast %swap3A_194 : vector<1x16xf32> to vector<16xf32>
          %swap3A_196 = vector.shape_cast %add3A_191 : vector<16xf32> to vector<1x16xf32>
          tpu.vector_store %arg9[%swap3A_192, %swap3A_193], %swap3A_196 {strides = array<i32>} : memref<80x128xf32, #tpu.memory_space<vmem>>, vector<1x16xf32>,
          %get3A_197 = arith.index_cast %add3A_100 : i32 to index
          %get3A_198 = arith.constant 112 : index
          %get3A_199 = tpu.vector_load %arg9[%get3A_197, %get3A_198] {strides = array<i32>} : memref<80x128xf32, #tpu.memory_space<vmem>>, vector<1x16xf32>,
          %get3A_200 = vector.shape_cast %get3A_199 : vector<1x16xf32> to vector<16xf32>
          %get3A_201 = arith.index_cast %add3A_100 : i32 to index
          %get3A_202 = arith.constant 112 : index
          %get3A_203 = tpu.vector_load %arg11[%get3A_201, %get3A_202] {strides = array<i32>} : memref<80x128xf32, #tpu.memory_space<vmem>>, vector<1x16xf32>,
          %get3A_204 = vector.shape_cast %get3A_203 : vector<1x16xf32> to vector<16xf32>
          %add3A_205 = arith.addf %get3A_200, %get3A_204 : vector<16xf32>
          %swap3A_206 = arith.index_cast %add3A_100 : i32 to index
          %swap3A_207 = arith.constant 112 : index
          %swap3A_208 = tpu.vector_load %arg9[%swap3A_206, %swap3A_207] {strides = array<i32>} : memref<80x128xf32, #tpu.memory_space<vmem>>, vector<1x16xf32>,
          %swap3A_209 = vector.shape_cast %swap3A_208 : vector<1x16xf32> to vector<16xf32>
          %swap3A_210 = vector.shape_cast %add3A_205 : vector<16xf32> to vector<1x16xf32>
          tpu.vector_store %arg9[%swap3A_206, %swap3A_207], %swap3A_210 {strides = array<i32>} : memref<80x128xf32, #tpu.memory_space<vmem>>, vector<1x16xf32>,
        }
        %scan3A_77 = arith.constant 80 : i32
        %mul3A_78 = arith.constant 80 : i32
        %mul3A_79 = arith.muli %add3A_48, %mul3A_78 : i32
        %add3A_80 = arith.addi %mul3A_35, %mul3A_79 : i32
        %dma_start3A_81 = arith.constant 0 : i32
        %dma_start3A_82 = tpu.memref_slice %arg6[%add3A_80, %dma_start3A_81] : memref<76800x128xf32, #tpu.memory_space<hbm>> -> memref<80x128xf32, #tpu.memory_space<hbm>>
        %dma_start3A_83 = arith.constant 0 : i32
        %dma_start3A_84 = tpu.memref_slice %arg6[%add3A_80, %dma_start3A_83] : memref<76800x128xf32, #tpu.memory_space<hbm>> -> memref<80x128xf32, #tpu.memory_space<hbm>>
        tpu.enqueue_dma source(%arg9 : memref<80x128xf32, #tpu.memory_space<vmem>>) target(%dma_start3A_84 : memref<80x128xf32, #tpu.memory_space<hbm>>) target_semaphore(%arg13 : memref<!tpu.dma_semaphore, #tpu.memory_space<semaphore_mem>>)
        %dma_wait3A_85 = arith.constant 0 : i32
        %dma_wait3A_86 = tpu.memref_slice %arg6[%add3A_80, %dma_wait3A_85] : memref<76800x128xf32, #tpu.memory_space<hbm>> -> memref<80x128xf32, #tpu.memory_space<hbm>>
        %dma_wait3A_87 = arith.constant 0 : i32
        %dma_wait3A_88 = tpu.memref_slice %arg6[%add3A_80, %dma_wait3A_87] : memref<76800x128xf32, #tpu.memory_space<hbm>> -> memref<80x128xf32, #tpu.memory_space<hbm>>
        tpu.wait_dma2 semaphore(%arg13 : memref<!tpu.dma_semaphore, #tpu.memory_space<semaphore_mem>>) src(%arg9 : memref<80x128xf32, #tpu.memory_space<vmem>>) dst(%dma_wait3A_88 : memref<80x128xf32, #tpu.memory_space<hbm>>)
        %add3A_89 = arith.constant 2 : i32
        %add3A_90 = arith.addi %add3A_48, %add3A_89 : i32
        %lt3A_91 = arith.constant 30 : i32
        %lt3A_92 = arith.cmpi slt, %add3A_90, %lt3A_91 : i32
        %convert_element_type3A_93 = arith.extui %lt3A_92 : i1 to i32
        %cond3A_94 = arith.constant 0 : i32
        %cond3A_95 = arith.cmpi ne, %convert_element_type3A_93, %cond3A_94 : i32
        scf.if %cond3A_95 {
          %add3A_96 = arith.constant 2 : i32
          %add3A_97 = arith.addi %add3A_48, %add3A_96 : i32
          %dma_start3A_98 = arith.constant 0 : i32
          %dma_start3A_99 = tpu.memref_slice %arg7[%add3A_97, %dma_start3A_98] : memref<30x80xi32, #tpu.memory_space<vmem>> -> memref<1x80xi32, #tpu.memory_space<vmem>>
          %dma_start3A_100 = tpu.memref_squeeze %dma_start3A_99 : memref<1x80xi32, #tpu.memory_space<vmem>> -> memref<80xi32, #tpu.memory_space<vmem>>
          %dma_start3A_101 = arith.constant 0 : i32
          %dma_start3A_102 = arith.constant 0 : i32
          %dma_start3A_103 = tpu.memref_slice %arg2[%dma_start3A_101, %dma_start3A_102] : memref<10000x128xf32, #tpu.memory_space<hbm>> -> memref<10000x128xf32, #tpu.memory_space<hbm>>
          tpu.enqueue_indirect_dma source(%dma_start3A_103 : memref<10000x128xf32, #tpu.memory_space<hbm>>) target(%arg9 : memref<80x128xf32, #tpu.memory_space<vmem>>) offsets(%dma_start3A_100 : memref<80xi32, #tpu.memory_space<vmem>>) semaphore(%arg13 : memref<!tpu.dma_semaphore, #tpu.memory_space<semaphore_mem>>)
          %dma_start3A_104 = arith.constant 0 : i32
          %dma_start3A_105 = tpu.memref_slice %arg8[%add3A_97, %dma_start3A_104] : memref<30x80xi32, #tpu.memory_space<vmem>> -> memref<1x80xi32, #tpu.memory_space<vmem>>
          %dma_start3A_106 = tpu.memref_squeeze %dma_start3A_105 : memref<1x80xi32, #tpu.memory_space<vmem>> -> memref<80xi32, #tpu.memory_space<vmem>>
          %dma_start3A_107 = arith.constant 0 : i32
          %dma_start3A_108 = arith.constant 0 : i32
          %dma_start3A_109 = tpu.memref_slice %arg3[%dma_start3A_107, %dma_start3A_108] : memref<10000x128xf32, #tpu.memory_space<hbm>> -> memref<10000x128xf32, #tpu.memory_space<hbm>>
          tpu.enqueue_indirect_dma source(%dma_start3A_109 : memref<10000x128xf32, #tpu.memory_space<hbm>>) target(%arg11 : memref<80x128xf32, #tpu.memory_space<vmem>>) offsets(%dma_start3A_106 : memref<80xi32, #tpu.memory_space<vmem>>) semaphore(%arg15 : memref<!tpu.dma_semaphore, #tpu.memory_space<semaphore_mem>>)
        } else {
        }
      } else {
      }
      %mul3A_51 = arith.constant 2 : i32
      %mul3A_52 = arith.muli %add3A_44, %mul3A_51 : i32
      %add3A_53 = arith.constant 1 : i32
      %add3A_54 = arith.addi %mul3A_52, %add3A_53 : i32
      %lt3A_55 = arith.constant 30 : i32
      %lt3A_56 = arith.cmpi slt, %add3A_54, %lt3A_55 : i32
      %convert_element_type3A_57 = arith.extui %lt3A_56 : i1 to i32
      %cond3A_58 = arith.constant 0 : i32
      %cond3A_59 = arith.cmpi ne, %convert_element_type3A_57, %cond3A_58 : i32
      scf.if %cond3A_59 {
        %dma_wait3A = arith.constant 0 : i32
        %dma_wait3A_60 = arith.constant 0 : i32
        %dma_wait3A_61 = tpu.memref_slice %arg7[%dma_wait3A, %dma_wait3A_60] : memref<30x80xi32, #tpu.memory_space<vmem>> -> memref<1x80xi32, #tpu.memory_space<vmem>>
        %dma_wait3A_62 = tpu.memref_squeeze %dma_wait3A_61 : memref<1x80xi32, #tpu.memory_space<vmem>> -> memref<80xi32, #tpu.memory_space<vmem>>
        %dma_wait3A_63 = arith.constant 0 : i32
        %dma_wait3A_64 = arith.constant 0 : i32
        %dma_wait3A_65 = tpu.memref_slice %arg2[%dma_wait3A_63, %dma_wait3A_64] : memref<10000x128xf32, #tpu.memory_space<hbm>> -> memref<10000x128xf32, #tpu.memory_space<hbm>>
        tpu.wait_indirect_dma semaphore(%arg14 : memref<!tpu.dma_semaphore, #tpu.memory_space<semaphore_mem>>) src(%dma_wait3A_65 : memref<10000x128xf32, #tpu.memory_space<hbm>>) dst(%arg10 : memref<80x128xf32, #tpu.memory_space<vmem>>)
        %dma_wait3A_66 = arith.constant 0 : i32
        %dma_wait3A_67 = arith.constant 0 : i32
        %dma_wait3A_68 = tpu.memref_slice %arg8[%dma_wait3A_66, %dma_wait3A_67] : memref<30x80xi32, #tpu.memory_space<vmem>> -> memref<1x80xi32, #tpu.memory_space<vmem>>
        %dma_wait3A_69 = tpu.memref_squeeze %dma_wait3A_68 : memref<1x80xi32, #tpu.memory_space<vmem>> -> memref<80xi32, #tpu.memory_space<vmem>>
        %dma_wait3A_70 = arith.constant 0 : i32
        %dma_wait3A_71 = arith.constant 0 : i32
        %dma_wait3A_72 = tpu.memref_slice %arg3[%dma_wait3A_70, %dma_wait3A_71] : memref<10000x128xf32, #tpu.memory_space<hbm>> -> memref<10000x128xf32, #tpu.memory_space<hbm>>
        tpu.wait_indirect_dma semaphore(%arg16 : memref<!tpu.dma_semaphore, #tpu.memory_space<semaphore_mem>>) src(%dma_wait3A_72 : memref<10000x128xf32, #tpu.memory_space<hbm>>) dst(%arg12 : memref<80x128xf32, #tpu.memory_space<vmem>>)
        %scan3A_73 = arith.constant 0 : i32
        %scan3A_74 = arith.constant 80 : i32
        %scan3A_75 = arith.addi %scan3A_73, %scan3A_74 : i32
        %scan3A_76 = arith.constant 1 : i32
        scf.for %scan3A_96 = %scan3A_73 to %scan3A_75 step %scan3A_76  : i32 {
          %mul3A_97 = arith.constant 1 : i32
          %mul3A_98 = arith.muli %scan3A_96, %mul3A_97 : i32
          %add3A_99 = arith.constant 0 : i32
          %add3A_100 = arith.addi %add3A_99, %mul3A_98 : i32
          %get3A = arith.index_cast %add3A_100 : i32 to index
          %get3A_101 = arith.constant 0 : index
          %get3A_102 = tpu.vector_load %arg10[%get3A, %get3A_101] {strides = array<i32>} : memref<80x128xf32, #tpu.memory_space<vmem>>, vector<1x16xf32>,
          %get3A_103 = vector.shape_cast %get3A_102 : vector<1x16xf32> to vector<16xf32>
          %get3A_104 = arith.index_cast %add3A_100 : i32 to index
          %get3A_105 = arith.constant 0 : index
          %get3A_106 = tpu.vector_load %arg12[%get3A_104, %get3A_105] {strides = array<i32>} : memref<80x128xf32, #tpu.memory_space<vmem>>, vector<1x16xf32>,
          %get3A_107 = vector.shape_cast %get3A_106 : vector<1x16xf32> to vector<16xf32>
          %add3A_108 = arith.addf %get3A_103, %get3A_107 : vector<16xf32>
          %swap3A = arith.index_cast %add3A_100 : i32 to index
          %swap3A_109 = arith.constant 0 : index
          %swap3A_110 = tpu.vector_load %arg10[%swap3A, %swap3A_109] {strides = array<i32>} : memref<80x128xf32, #tpu.memory_space<vmem>>, vector<1x16xf32>,
          %swap3A_111 = vector.shape_cast %swap3A_110 : vector<1x16xf32> to vector<16xf32>
          %swap3A_112 = vector.shape_cast %add3A_108 : vector<16xf32> to vector<1x16xf32>
          tpu.vector_store %arg10[%swap3A, %swap3A_109], %swap3A_112 {strides = array<i32>} : memref<80x128xf32, #tpu.memory_space<vmem>>, vector<1x16xf32>,
          %get3A_113 = arith.index_cast %add3A_100 : i32 to index
          %get3A_114 = arith.constant 16 : index
          %get3A_115 = tpu.vector_load %arg10[%get3A_113, %get3A_114] {strides = array<i32>} : memref<80x128xf32, #tpu.memory_space<vmem>>, vector<1x16xf32>,
          %get3A_116 = vector.shape_cast %get3A_115 : vector<1x16xf32> to vector<16xf32>
          %get3A_117 = arith.index_cast %add3A_100 : i32 to index
          %get3A_118 = arith.constant 16 : index
          %get3A_119 = tpu.vector_load %arg12[%get3A_117, %get3A_118] {strides = array<i32>} : memref<80x128xf32, #tpu.memory_space<vmem>>, vector<1x16xf32>,
          %get3A_120 = vector.shape_cast %get3A_119 : vector<1x16xf32> to vector<16xf32>
          %add3A_121 = arith.addf %get3A_116, %get3A_120 : vector<16xf32>
          %swap3A_122 = arith.index_cast %add3A_100 : i32 to index
          %swap3A_123 = arith.constant 16 : index
          %swap3A_124 = tpu.vector_load %arg10[%swap3A_122, %swap3A_123] {strides = array<i32>} : memref<80x128xf32, #tpu.memory_space<vmem>>, vector<1x16xf32>,
          %swap3A_125 = vector.shape_cast %swap3A_124 : vector<1x16xf32> to vector<16xf32>
          %swap3A_126 = vector.shape_cast %add3A_121 : vector<16xf32> to vector<1x16xf32>
          tpu.vector_store %arg10[%swap3A_122, %swap3A_123], %swap3A_126 {strides = array<i32>} : memref<80x128xf32, #tpu.memory_space<vmem>>, vector<1x16xf32>,
          %get3A_127 = arith.index_cast %add3A_100 : i32 to index
          %get3A_128 = arith.constant 32 : index
          %get3A_129 = tpu.vector_load %arg10[%get3A_127, %get3A_128] {strides = array<i32>} : memref<80x128xf32, #tpu.memory_space<vmem>>, vector<1x16xf32>,
          %get3A_130 = vector.shape_cast %get3A_129 : vector<1x16xf32> to vector<16xf32>
          %get3A_131 = arith.index_cast %add3A_100 : i32 to index
          %get3A_132 = arith.constant 32 : index
          %get3A_133 = tpu.vector_load %arg12[%get3A_131, %get3A_132] {strides = array<i32>} : memref<80x128xf32, #tpu.memory_space<vmem>>, vector<1x16xf32>,
          %get3A_134 = vector.shape_cast %get3A_133 : vector<1x16xf32> to vector<16xf32>
          %add3A_135 = arith.addf %get3A_130, %get3A_134 : vector<16xf32>
          %swap3A_136 = arith.index_cast %add3A_100 : i32 to index
          %swap3A_137 = arith.constant 32 : index
          %swap3A_138 = tpu.vector_load %arg10[%swap3A_136, %swap3A_137] {strides = array<i32>} : memref<80x128xf32, #tpu.memory_space<vmem>>, vector<1x16xf32>,
          %swap3A_139 = vector.shape_cast %swap3A_138 : vector<1x16xf32> to vector<16xf32>
          %swap3A_140 = vector.shape_cast %add3A_135 : vector<16xf32> to vector<1x16xf32>
          tpu.vector_store %arg10[%swap3A_136, %swap3A_137], %swap3A_140 {strides = array<i32>} : memref<80x128xf32, #tpu.memory_space<vmem>>, vector<1x16xf32>,
          %get3A_141 = arith.index_cast %add3A_100 : i32 to index
          %get3A_142 = arith.constant 48 : index
          %get3A_143 = tpu.vector_load %arg10[%get3A_141, %get3A_142] {strides = array<i32>} : memref<80x128xf32, #tpu.memory_space<vmem>>, vector<1x16xf32>,
          %get3A_144 = vector.shape_cast %get3A_143 : vector<1x16xf32> to vector<16xf32>
          %get3A_145 = arith.index_cast %add3A_100 : i32 to index
          %get3A_146 = arith.constant 48 : index
          %get3A_147 = tpu.vector_load %arg12[%get3A_145, %get3A_146] {strides = array<i32>} : memref<80x128xf32, #tpu.memory_space<vmem>>, vector<1x16xf32>,
          %get3A_148 = vector.shape_cast %get3A_147 : vector<1x16xf32> to vector<16xf32>
          %add3A_149 = arith.addf %get3A_144, %get3A_148 : vector<16xf32>
          %swap3A_150 = arith.index_cast %add3A_100 : i32 to index
          %swap3A_151 = arith.constant 48 : index
          %swap3A_152 = tpu.vector_load %arg10[%swap3A_150, %swap3A_151] {strides = array<i32>} : memref<80x128xf32, #tpu.memory_space<vmem>>, vector<1x16xf32>,
          %swap3A_153 = vector.shape_cast %swap3A_152 : vector<1x16xf32> to vector<16xf32>
          %swap3A_154 = vector.shape_cast %add3A_149 : vector<16xf32> to vector<1x16xf32>
          tpu.vector_store %arg10[%swap3A_150, %swap3A_151], %swap3A_154 {strides = array<i32>} : memref<80x128xf32, #tpu.memory_space<vmem>>, vector<1x16xf32>,
          %get3A_155 = arith.index_cast %add3A_100 : i32 to index
          %get3A_156 = arith.constant 64 : index
          %get3A_157 = tpu.vector_load %arg10[%get3A_155, %get3A_156] {strides = array<i32>} : memref<80x128xf32, #tpu.memory_space<vmem>>, vector<1x16xf32>,
          %get3A_158 = vector.shape_cast %get3A_157 : vector<1x16xf32> to vector<16xf32>
          %get3A_159 = arith.index_cast %add3A_100 : i32 to index
          %get3A_160 = arith.constant 64 : index
          %get3A_161 = tpu.vector_load %arg12[%get3A_159, %get3A_160] {strides = array<i32>} : memref<80x128xf32, #tpu.memory_space<vmem>>, vector<1x16xf32>,
          %get3A_162 = vector.shape_cast %get3A_161 : vector<1x16xf32> to vector<16xf32>
          %add3A_163 = arith.addf %get3A_158, %get3A_162 : vector<16xf32>
          %swap3A_164 = arith.index_cast %add3A_100 : i32 to index
          %swap3A_165 = arith.constant 64 : index
          %swap3A_166 = tpu.vector_load %arg10[%swap3A_164, %swap3A_165] {strides = array<i32>} : memref<80x128xf32, #tpu.memory_space<vmem>>, vector<1x16xf32>,
          %swap3A_167 = vector.shape_cast %swap3A_166 : vector<1x16xf32> to vector<16xf32>
          %swap3A_168 = vector.shape_cast %add3A_163 : vector<16xf32> to vector<1x16xf32>
          tpu.vector_store %arg10[%swap3A_164, %swap3A_165], %swap3A_168 {strides = array<i32>} : memref<80x128xf32, #tpu.memory_space<vmem>>, vector<1x16xf32>,
          %get3A_169 = arith.index_cast %add3A_100 : i32 to index
          %get3A_170 = arith.constant 80 : index
          %get3A_171 = tpu.vector_load %arg10[%get3A_169, %get3A_170] {strides = array<i32>} : memref<80x128xf32, #tpu.memory_space<vmem>>, vector<1x16xf32>,
          %get3A_172 = vector.shape_cast %get3A_171 : vector<1x16xf32> to vector<16xf32>
          %get3A_173 = arith.index_cast %add3A_100 : i32 to index
          %get3A_174 = arith.constant 80 : index
          %get3A_175 = tpu.vector_load %arg12[%get3A_173, %get3A_174] {strides = array<i32>} : memref<80x128xf32, #tpu.memory_space<vmem>>, vector<1x16xf32>,
          %get3A_176 = vector.shape_cast %get3A_175 : vector<1x16xf32> to vector<16xf32>
          %add3A_177 = arith.addf %get3A_172, %get3A_176 : vector<16xf32>
          %swap3A_178 = arith.index_cast %add3A_100 : i32 to index
          %swap3A_179 = arith.constant 80 : index
          %swap3A_180 = tpu.vector_load %arg10[%swap3A_178, %swap3A_179] {strides = array<i32>} : memref<80x128xf32, #tpu.memory_space<vmem>>, vector<1x16xf32>,
          %swap3A_181 = vector.shape_cast %swap3A_180 : vector<1x16xf32> to vector<16xf32>
          %swap3A_182 = vector.shape_cast %add3A_177 : vector<16xf32> to vector<1x16xf32>
          tpu.vector_store %arg10[%swap3A_178, %swap3A_179], %swap3A_182 {strides = array<i32>} : memref<80x128xf32, #tpu.memory_space<vmem>>, vector<1x16xf32>,
          %get3A_183 = arith.index_cast %add3A_100 : i32 to index
          %get3A_184 = arith.constant 96 : index
          %get3A_185 = tpu.vector_load %arg10[%get3A_183, %get3A_184] {strides = array<i32>} : memref<80x128xf32, #tpu.memory_space<vmem>>, vector<1x16xf32>,
          %get3A_186 = vector.shape_cast %get3A_185 : vector<1x16xf32> to vector<16xf32>
          %get3A_187 = arith.index_cast %add3A_100 : i32 to index
          %get3A_188 = arith.constant 96 : index
          %get3A_189 = tpu.vector_load %arg12[%get3A_187, %get3A_188] {strides = array<i32>} : memref<80x128xf32, #tpu.memory_space<vmem>>, vector<1x16xf32>,
          %get3A_190 = vector.shape_cast %get3A_189 : vector<1x16xf32> to vector<16xf32>
          %add3A_191 = arith.addf %get3A_186, %get3A_190 : vector<16xf32>
          %swap3A_192 = arith.index_cast %add3A_100 : i32 to index
          %swap3A_193 = arith.constant 96 : index
          %swap3A_194 = tpu.vector_load %arg10[%swap3A_192, %swap3A_193] {strides = array<i32>} : memref<80x128xf32, #tpu.memory_space<vmem>>, vector<1x16xf32>,
          %swap3A_195 = vector.shape_cast %swap3A_194 : vector<1x16xf32> to vector<16xf32>
          %swap3A_196 = vector.shape_cast %add3A_191 : vector<16xf32> to vector<1x16xf32>
          tpu.vector_store %arg10[%swap3A_192, %swap3A_193], %swap3A_196 {strides = array<i32>} : memref<80x128xf32, #tpu.memory_space<vmem>>, vector<1x16xf32>,
          %get3A_197 = arith.index_cast %add3A_100 : i32 to index
          %get3A_198 = arith.constant 112 : index
          %get3A_199 = tpu.vector_load %arg10[%get3A_197, %get3A_198] {strides = array<i32>} : memref<80x128xf32, #tpu.memory_space<vmem>>, vector<1x16xf32>,
          %get3A_200 = vector.shape_cast %get3A_199 : vector<1x16xf32> to vector<16xf32>
          %get3A_201 = arith.index_cast %add3A_100 : i32 to index
          %get3A_202 = arith.constant 112 : index
          %get3A_203 = tpu.vector_load %arg12[%get3A_201, %get3A_202] {strides = array<i32>} : memref<80x128xf32, #tpu.memory_space<vmem>>, vector<1x16xf32>,
          %get3A_204 = vector.shape_cast %get3A_203 : vector<1x16xf32> to vector<16xf32>
          %add3A_205 = arith.addf %get3A_200, %get3A_204 : vector<16xf32>
          %swap3A_206 = arith.index_cast %add3A_100 : i32 to index
          %swap3A_207 = arith.constant 112 : index
          %swap3A_208 = tpu.vector_load %arg10[%swap3A_206, %swap3A_207] {strides = array<i32>} : memref<80x128xf32, #tpu.memory_space<vmem>>, vector<1x16xf32>,
          %swap3A_209 = vector.shape_cast %swap3A_208 : vector<1x16xf32> to vector<16xf32>
          %swap3A_210 = vector.shape_cast %add3A_205 : vector<16xf32> to vector<1x16xf32>
          tpu.vector_store %arg10[%swap3A_206, %swap3A_207], %swap3A_210 {strides = array<i32>} : memref<80x128xf32, #tpu.memory_space<vmem>>, vector<1x16xf32>,
        }
        %scan3A_77 = arith.constant 80 : i32
        %mul3A_78 = arith.constant 80 : i32
        %mul3A_79 = arith.muli %add3A_54, %mul3A_78 : i32
        %add3A_80 = arith.addi %mul3A_35, %mul3A_79 : i32
        %dma_start3A_81 = arith.constant 0 : i32
        %dma_start3A_82 = tpu.memref_slice %arg6[%add3A_80, %dma_start3A_81] : memref<76800x128xf32, #tpu.memory_space<hbm>> -> memref<80x128xf32, #tpu.memory_space<hbm>>
        %dma_start3A_83 = arith.constant 0 : i32
        %dma_start3A_84 = tpu.memref_slice %arg6[%add3A_80, %dma_start3A_83] : memref<76800x128xf32, #tpu.memory_space<hbm>> -> memref<80x128xf32, #tpu.memory_space<hbm>>
        tpu.enqueue_dma source(%arg10 : memref<80x128xf32, #tpu.memory_space<vmem>>) target(%dma_start3A_84 : memref<80x128xf32, #tpu.memory_space<hbm>>) target_semaphore(%arg14 : memref<!tpu.dma_semaphore, #tpu.memory_space<semaphore_mem>>)
        %dma_wait3A_85 = arith.constant 0 : i32
        %dma_wait3A_86 = tpu.memref_slice %arg6[%add3A_80, %dma_wait3A_85] : memref<76800x128xf32, #tpu.memory_space<hbm>> -> memref<80x128xf32, #tpu.memory_space<hbm>>
        %dma_wait3A_87 = arith.constant 0 : i32
        %dma_wait3A_88 = tpu.memref_slice %arg6[%add3A_80, %dma_wait3A_87] : memref<76800x128xf32, #tpu.memory_space<hbm>> -> memref<80x128xf32, #tpu.memory_space<hbm>>
        tpu.wait_dma2 semaphore(%arg14 : memref<!tpu.dma_semaphore, #tpu.memory_space<semaphore_mem>>) src(%arg10 : memref<80x128xf32, #tpu.memory_space<vmem>>) dst(%dma_wait3A_88 : memref<80x128xf32, #tpu.memory_space<hbm>>)
        %add3A_89 = arith.constant 2 : i32
        %add3A_90 = arith.addi %add3A_54, %add3A_89 : i32
        %lt3A_91 = arith.constant 30 : i32
        %lt3A_92 = arith.cmpi slt, %add3A_90, %lt3A_91 : i32
        %convert_element_type3A_93 = arith.extui %lt3A_92 : i1 to i32
        %cond3A_94 = arith.constant 0 : i32
        %cond3A_95 = arith.cmpi ne, %convert_element_type3A_93, %cond3A_94 : i32
        scf.if %cond3A_95 {
          %add3A_96 = arith.constant 2 : i32
          %add3A_97 = arith.addi %add3A_54, %add3A_96 : i32
          %dma_start3A_98 = arith.constant 0 : i32
          %dma_start3A_99 = tpu.memref_slice %arg7[%add3A_97, %dma_start3A_98] : memref<30x80xi32, #tpu.memory_space<vmem>> -> memref<1x80xi32, #tpu.memory_space<vmem>>
          %dma_start3A_100 = tpu.memref_squeeze %dma_start3A_99 : memref<1x80xi32, #tpu.memory_space<vmem>> -> memref<80xi32, #tpu.memory_space<vmem>>
          %dma_start3A_101 = arith.constant 0 : i32
          %dma_start3A_102 = arith.constant 0 : i32
          %dma_start3A_103 = tpu.memref_slice %arg2[%dma_start3A_101, %dma_start3A_102] : memref<10000x128xf32, #tpu.memory_space<hbm>> -> memref<10000x128xf32, #tpu.memory_space<hbm>>
          tpu.enqueue_indirect_dma source(%dma_start3A_103 : memref<10000x128xf32, #tpu.memory_space<hbm>>) target(%arg10 : memref<80x128xf32, #tpu.memory_space<vmem>>) offsets(%dma_start3A_100 : memref<80xi32, #tpu.memory_space<vmem>>) semaphore(%arg14 : memref<!tpu.dma_semaphore, #tpu.memory_space<semaphore_mem>>)
          %dma_start3A_104 = arith.constant 0 : i32
          %dma_start3A_105 = tpu.memref_slice %arg8[%add3A_97, %dma_start3A_104] : memref<30x80xi32, #tpu.memory_space<vmem>> -> memref<1x80xi32, #tpu.memory_space<vmem>>
          %dma_start3A_106 = tpu.memref_squeeze %dma_start3A_105 : memref<1x80xi32, #tpu.memory_space<vmem>> -> memref<80xi32, #tpu.memory_space<vmem>>
          %dma_start3A_107 = arith.constant 0 : i32
          %dma_start3A_108 = arith.constant 0 : i32
          %dma_start3A_109 = tpu.memref_slice %arg3[%dma_start3A_107, %dma_start3A_108] : memref<10000x128xf32, #tpu.memory_space<hbm>> -> memref<10000x128xf32, #tpu.memory_space<hbm>>
          tpu.enqueue_indirect_dma source(%dma_start3A_109 : memref<10000x128xf32, #tpu.memory_space<hbm>>) target(%arg12 : memref<80x128xf32, #tpu.memory_space<vmem>>) offsets(%dma_start3A_106 : memref<80xi32, #tpu.memory_space<vmem>>) semaphore(%arg16 : memref<!tpu.dma_semaphore, #tpu.memory_space<semaphore_mem>>)
        } else {
        }
      } else {
      }
    }
    %scan3A_39 = arith.constant 15 : i32
    return
  }
}

module attributes {stable_mosaic.version = 14 : i64} {
  func.func @_dense_body_noab(%arg0: i32, %arg1: memref<2000x2x64xf32, #tpu.memory_space<vmem>>, %arg2: memref<2000x128xf32, #tpu.memory_space<vmem>>, %arg3: memref<2000x128xf32, #tpu.memory_space<vmem>>, %arg4: memref<2000x32xf32, #tpu.memory_space<vmem>>, %arg5: memref<2000x32xf32, #tpu.memory_space<vmem>>, %arg6: memref<128x128xf32, #tpu.memory_space<vmem>>, %arg7: memref<1x128xf32, #tpu.memory_space<vmem>>, %arg8: memref<2x128x128xf32, #tpu.memory_space<vmem>>, %arg9: memref<1x128xf32, #tpu.memory_space<vmem>>, %arg10: memref<1x128xf32, #tpu.memory_space<vmem>>, %arg11: memref<2000x2x64xf32, #tpu.memory_space<vmem>>) attributes {dimension_semantics = [#tpu.dimension_semantics<arbitrary>], iteration_bounds = array<i64: 5>, scalar_prefetch = 0 : i64, scratch_operands = 0 : i64, tpu.core_type = #tpu.core_type<tc>, window_params = [{transform_indices = @transform_0, window_bounds = array<i64: 2000, 2, 64>}, {transform_indices = @transform_1, window_bounds = array<i64: 2000, 128>}, {transform_indices = @transform_2, window_bounds = array<i64: 2000, 128>}, {transform_indices = @transform_3, window_bounds = array<i64: 2000, 32>}, {transform_indices = @transform_4, window_bounds = array<i64: 2000, 32>}, {pipeline_mode = #tpu.pipeline_mode<synchronous>, transform_indices = @transform_5, window_bounds = array<i64: 128, 128>}, {pipeline_mode = #tpu.pipeline_mode<synchronous>, transform_indices = @transform_6, window_bounds = array<i64: 1, 128>}, {pipeline_mode = #tpu.pipeline_mode<synchronous>, transform_indices = @transform_7, window_bounds = array<i64: 2, 128, 128>}, {pipeline_mode = #tpu.pipeline_mode<synchronous>, transform_indices = @transform_8, window_bounds = array<i64: 1, 128>}, {pipeline_mode = #tpu.pipeline_mode<synchronous>, transform_indices = @transform_9, window_bounds = array<i64: 1, 128>}, {transform_indices = @transform_10, window_bounds = array<i64: 2000, 2, 64>}]} {
    %get3A = arith.constant 0 : index
    %get3A_0 = arith.constant 0 : index
    %get3A_1 = arith.constant 0 : index
    %get3A_2 = vector.load %arg1[%get3A, %get3A_0, %get3A_1] : memref<2000x2x64xf32, #tpu.memory_space<vmem>>, vector<2000x2x64xf32>
    %reshape3A = vector.shape_cast %get3A_2 : vector<2000x2x64xf32> to vector<2000x128xf32>
    %get3A_3 = arith.constant 0 : index
    %get3A_4 = arith.constant 0 : index
    %get3A_5 = vector.load %arg6[%get3A_3, %get3A_4] : memref<128x128xf32, #tpu.memory_space<vmem>>, vector<128x128xf32>
    %dot_general3A = arith.constant dense<0.000000e+00> : vector<2000x128xf32>
    %dot_general3A_6 = tpu.matmul %reshape3A, %get3A_5, %dot_general3A {dimension_numbers = #tpu.dot_dimension_numbers<[1], [0], [0], [1], [0, 0, 1, 1], [], []>, transpose_lhs_hint = false} : vector<2000x128xf32>, vector<128x128xf32>, vector<2000x128xf32> -> vector<2000x128xf32>
    %get3A_7 = arith.constant 0 : index
    %get3A_8 = arith.constant 0 : index
    %get3A_9 = vector.load %arg7[%get3A_7, %get3A_8] : memref<1x128xf32, #tpu.memory_space<vmem>>, vector<1x128xf32>
    %get3A_10 = vector.shape_cast %get3A_9 : vector<1x128xf32> to vector<128xf32>
    %broadcast_in_dim3A = vector.shape_cast %get3A_10 : vector<128xf32> to vector<1x128xf32>
    %add3A = vector.broadcast %broadcast_in_dim3A : vector<1x128xf32> to vector<2000x128xf32>
    %add3A_11 = arith.addf %dot_general3A_6, %add3A : vector<2000x128xf32>
    %get3A_12 = arith.constant 0 : index
    %get3A_13 = arith.constant 0 : index
    %get3A_14 = vector.load %arg4[%get3A_12, %get3A_13] : memref<2000x32xf32, #tpu.memory_space<vmem>>, vector<2000x32xf32>
    %slice3A = vector.extract_strided_slice %get3A_14 {offsets = [0, 0], sizes = [2000, 1], strides = [1, 1]} : vector<2000x32xf32> to vector<2000x1xf32>
    %squeeze3A = vector.shape_cast %slice3A : vector<2000x1xf32> to vector<2000xf32>
    %slice3A_15 = vector.extract_strided_slice %get3A_14 {offsets = [0, 16], sizes = [2000, 1], strides = [1, 1]} : vector<2000x32xf32> to vector<2000x1xf32>
    %squeeze3A_16 = vector.shape_cast %slice3A_15 : vector<2000x1xf32> to vector<2000xf32>
    %add3A_17 = arith.addf %squeeze3A, %squeeze3A_16 : vector<2000xf32>
    %max3A = arith.constant 1.000000e+00 : f32
    %max3A_18 = vector.broadcast %max3A : f32 to vector<2000xf32>
    %max3A_19 = arith.maximumf %add3A_17, %max3A_18 : vector<2000xf32>
    %div3A = arith.constant 1.000000e+00 : f32
    %div3A_20 = vector.broadcast %div3A : f32 to vector<2000xf32>
    %div3A_21 = arith.divf %div3A_20, %max3A_19 : vector<2000xf32>
    %get3A_22 = arith.constant 0 : index
    %get3A_23 = arith.constant 0 : index
    %get3A_24 = vector.load %arg2[%get3A_22, %get3A_23] : memref<2000x128xf32, #tpu.memory_space<vmem>>, vector<2000x128xf32>
    %broadcast_in_dim3A_25 = vector.shape_cast %div3A_21 : vector<2000xf32> to vector<2000x1xf32>
    %mul3A = vector.broadcast %broadcast_in_dim3A_25 : vector<2000x1xf32> to vector<2000x128xf32>
    %mul3A_26 = arith.mulf %get3A_24, %mul3A : vector<2000x128xf32>
    %get3A_27 = arith.constant 0 : index
    %get3A_28 = arith.constant 0 : index
    %get3A_29 = arith.constant 0 : index
    %get3A_30 = vector.load %arg8[%get3A_27, %get3A_28, %get3A_29] : memref<2x128x128xf32, #tpu.memory_space<vmem>>, vector<1x128x128xf32>
    %get3A_31 = vector.shape_cast %get3A_30 : vector<1x128x128xf32> to vector<128x128xf32>
    %dot_general3A_32 = arith.constant dense<0.000000e+00> : vector<2000x128xf32>
    %dot_general3A_33 = tpu.matmul %mul3A_26, %get3A_31, %dot_general3A_32 {dimension_numbers = #tpu.dot_dimension_numbers<[1], [0], [0], [1], [0, 0, 1, 1], [], []>, transpose_lhs_hint = false} : vector<2000x128xf32>, vector<128x128xf32>, vector<2000x128xf32> -> vector<2000x128xf32>
    %add3A_34 = arith.addf %add3A_11, %dot_general3A_33 : vector<2000x128xf32>
    %get3A_35 = arith.constant 0 : index
    %get3A_36 = arith.constant 0 : index
    %get3A_37 = vector.load %arg5[%get3A_35, %get3A_36] : memref<2000x32xf32, #tpu.memory_space<vmem>>, vector<2000x32xf32>
    %slice3A_38 = vector.extract_strided_slice %get3A_37 {offsets = [0, 0], sizes = [2000, 1], strides = [1, 1]} : vector<2000x32xf32> to vector<2000x1xf32>
    %squeeze3A_39 = vector.shape_cast %slice3A_38 : vector<2000x1xf32> to vector<2000xf32>
    %slice3A_40 = vector.extract_strided_slice %get3A_37 {offsets = [0, 16], sizes = [2000, 1], strides = [1, 1]} : vector<2000x32xf32> to vector<2000x1xf32>
    %squeeze3A_41 = vector.shape_cast %slice3A_40 : vector<2000x1xf32> to vector<2000xf32>
    %add3A_42 = arith.addf %squeeze3A_39, %squeeze3A_41 : vector<2000xf32>
    %max3A_43 = arith.constant 1.000000e+00 : f32
    %max3A_44 = vector.broadcast %max3A_43 : f32 to vector<2000xf32>
    %max3A_45 = arith.maximumf %add3A_42, %max3A_44 : vector<2000xf32>
    %div3A_46 = arith.constant 1.000000e+00 : f32
    %div3A_47 = vector.broadcast %div3A_46 : f32 to vector<2000xf32>
    %div3A_48 = arith.divf %div3A_47, %max3A_45 : vector<2000xf32>
    %get3A_49 = arith.constant 0 : index
    %get3A_50 = arith.constant 0 : index
    %get3A_51 = vector.load %arg3[%get3A_49, %get3A_50] : memref<2000x128xf32, #tpu.memory_space<vmem>>, vector<2000x128xf32>
    %broadcast_in_dim3A_52 = vector.shape_cast %div3A_48 : vector<2000xf32> to vector<2000x1xf32>
    %mul3A_53 = vector.broadcast %broadcast_in_dim3A_52 : vector<2000x1xf32> to vector<2000x128xf32>
    %mul3A_54 = arith.mulf %get3A_51, %mul3A_53 : vector<2000x128xf32>
    %get3A_55 = arith.constant 1 : index
    %get3A_56 = arith.constant 0 : index
    %get3A_57 = arith.constant 0 : index
    %get3A_58 = vector.load %arg8[%get3A_55, %get3A_56, %get3A_57] : memref<2x128x128xf32, #tpu.memory_space<vmem>>, vector<1x128x128xf32>
    %get3A_59 = vector.shape_cast %get3A_58 : vector<1x128x128xf32> to vector<128x128xf32>
    %dot_general3A_60 = arith.constant dense<0.000000e+00> : vector<2000x128xf32>
    %dot_general3A_61 = tpu.matmul %mul3A_54, %get3A_59, %dot_general3A_60 {dimension_numbers = #tpu.dot_dimension_numbers<[1], [0], [0], [1], [0, 0, 1, 1], [], []>, transpose_lhs_hint = false} : vector<2000x128xf32>, vector<128x128xf32>, vector<2000x128xf32> -> vector<2000x128xf32>
    %add3A_62 = arith.addf %add3A_34, %dot_general3A_61 : vector<2000x128xf32>
    %mul3A_63 = arith.constant 0.999994993 : f32
    %mul3A_64 = vector.broadcast %mul3A_63 : f32 to vector<2000x128xf32>
    %mul3A_65 = arith.mulf %add3A_62, %mul3A_64 : vector<2000x128xf32>
    %get3A_66 = arith.constant 0 : index
    %get3A_67 = arith.constant 0 : index
    %get3A_68 = vector.load %arg9[%get3A_66, %get3A_67] : memref<1x128xf32, #tpu.memory_space<vmem>>, vector<1x128xf32>
    %get3A_69 = vector.shape_cast %get3A_68 : vector<1x128xf32> to vector<128xf32>
    %broadcast_in_dim3A_70 = vector.shape_cast %get3A_69 : vector<128xf32> to vector<1x128xf32>
    %mul3A_71 = vector.broadcast %broadcast_in_dim3A_70 : vector<1x128xf32> to vector<2000x128xf32>
    %mul3A_72 = arith.mulf %mul3A_65, %mul3A_71 : vector<2000x128xf32>
    %get3A_73 = arith.constant 0 : index
    %get3A_74 = arith.constant 0 : index
    %get3A_75 = vector.load %arg10[%get3A_73, %get3A_74] : memref<1x128xf32, #tpu.memory_space<vmem>>, vector<1x128xf32>
    %get3A_76 = vector.shape_cast %get3A_75 : vector<1x128xf32> to vector<128xf32>
    %broadcast_in_dim3A_77 = vector.shape_cast %get3A_76 : vector<128xf32> to vector<1x128xf32>
    %add3A_78 = vector.broadcast %broadcast_in_dim3A_77 : vector<1x128xf32> to vector<2000x128xf32>
    %add3A_79 = arith.addf %mul3A_72, %add3A_78 : vector<2000x128xf32>
    %max3A_80 = arith.constant 0.000000e+00 : f32
    %max3A_81 = vector.broadcast %max3A_80 : f32 to vector<2000x128xf32>
    %max3A_82 = arith.maximumf %add3A_79, %max3A_81 : vector<2000x128xf32>
    %reshape3A_83 = vector.shape_cast %max3A_82 : vector<2000x128xf32> to vector<2000x2x64xf32>
    %swap3A = arith.constant 0 : index
    %swap3A_84 = arith.constant 0 : index
    %swap3A_85 = arith.constant 0 : index
    %swap3A_86 = vector.load %arg11[%swap3A, %swap3A_84, %swap3A_85] : memref<2000x2x64xf32, #tpu.memory_space<vmem>>, vector<2000x2x64xf32>
    tpu.vector_store %arg11[%swap3A, %swap3A_84, %swap3A_85], %reshape3A_83 {strides = array<i32>} : memref<2000x2x64xf32, #tpu.memory_space<vmem>>, vector<2000x2x64xf32>,
    return
  }
  func.func @transform_0(%arg0: i32) -> (i32, i32, i32) {
    %c0_i32 = arith.constant 0 : i32
    %c0_i32_0 = arith.constant 0 : i32
    %c0_i32_1 = arith.constant 0 : i32
    return %arg0, %c0_i32, %c0_i32_0 : i32, i32, i32
  }
  func.func @transform_1(%arg0: i32) -> (i32, i32) {
    %c0_i32 = arith.constant 0 : i32
    %c0_i32_0 = arith.constant 0 : i32
    return %arg0, %c0_i32 : i32, i32
  }
  func.func @transform_2(%arg0: i32) -> (i32, i32) {
    %add3A = arith.constant 5 : i32
    %add3A_0 = arith.addi %add3A, %arg0 : i32
    %c0_i32 = arith.constant 0 : i32
    %c0_i32_1 = arith.constant 0 : i32
    return %add3A_0, %c0_i32 : i32, i32
  }
  func.func @transform_3(%arg0: i32) -> (i32, i32) {
    %c0_i32 = arith.constant 0 : i32
    %c0_i32_0 = arith.constant 0 : i32
    return %arg0, %c0_i32 : i32, i32
  }
  func.func @transform_4(%arg0: i32) -> (i32, i32) {
    %add3A = arith.constant 5 : i32
    %add3A_0 = arith.addi %add3A, %arg0 : i32
    %c0_i32 = arith.constant 0 : i32
    %c0_i32_1 = arith.constant 0 : i32
    return %add3A_0, %c0_i32 : i32, i32
  }
  func.func @transform_5(%arg0: i32) -> (i32, i32) {
    %c0_i32 = arith.constant 0 : i32
    %c0_i32_0 = arith.constant 0 : i32
    %c0_i32_1 = arith.constant 0 : i32
    return %c0_i32, %c0_i32_0 : i32, i32
  }
  func.func @transform_6(%arg0: i32) -> (i32, i32) {
    %c0_i32 = arith.constant 0 : i32
    %c0_i32_0 = arith.constant 0 : i32
    %c0_i32_1 = arith.constant 0 : i32
    return %c0_i32, %c0_i32_0 : i32, i32
  }
  func.func @transform_7(%arg0: i32) -> (i32, i32, i32) {
    %c0_i32 = arith.constant 0 : i32
    %c0_i32_0 = arith.constant 0 : i32
    %c0_i32_1 = arith.constant 0 : i32
    %c0_i32_2 = arith.constant 0 : i32
    return %c0_i32, %c0_i32_0, %c0_i32_1 : i32, i32, i32
  }
  func.func @transform_8(%arg0: i32) -> (i32, i32) {
    %c0_i32 = arith.constant 0 : i32
    %c0_i32_0 = arith.constant 0 : i32
    %c0_i32_1 = arith.constant 0 : i32
    return %c0_i32, %c0_i32_0 : i32, i32
  }
  func.func @transform_9(%arg0: i32) -> (i32, i32) {
    %c0_i32 = arith.constant 0 : i32
    %c0_i32_0 = arith.constant 0 : i32
    %c0_i32_1 = arith.constant 0 : i32
    return %c0_i32, %c0_i32_0 : i32, i32
  }
  func.func @transform_10(%arg0: i32) -> (i32, i32, i32) {
    %c0_i32 = arith.constant 0 : i32
    %c0_i32_0 = arith.constant 0 : i32
    %c0_i32_1 = arith.constant 0 : i32
    return %arg0, %c0_i32, %c0_i32_0 : i32, i32, i32
  }
}

module attributes {stable_mosaic.version = 14 : i64} {
  func.func @_dense_body_ab(%arg0: i32, %arg1: memref<2000x2x64xf32, #tpu.memory_space<vmem>>, %arg2: memref<2000x128xf32, #tpu.memory_space<vmem>>, %arg3: memref<2000x128xf32, #tpu.memory_space<vmem>>, %arg4: memref<2000x32xf32, #tpu.memory_space<vmem>>, %arg5: memref<2000x32xf32, #tpu.memory_space<vmem>>, %arg6: memref<128x128xf32, #tpu.memory_space<vmem>>, %arg7: memref<1x128xf32, #tpu.memory_space<vmem>>, %arg8: memref<2x128x128xf32, #tpu.memory_space<vmem>>, %arg9: memref<1x128xf32, #tpu.memory_space<vmem>>, %arg10: memref<1x128xf32, #tpu.memory_space<vmem>>, %arg11: memref<256x128xf32, #tpu.memory_space<vmem>>, %arg12: memref<1x128xf32, #tpu.memory_space<vmem>>, %arg13: memref<2000x2x64xf32, #tpu.memory_space<vmem>>, %arg14: memref<2000x128xf32, #tpu.memory_space<vmem>>, %arg15: memref<2000x128xf32, #tpu.memory_space<vmem>>) attributes {dimension_semantics = [#tpu.dimension_semantics<arbitrary>], iteration_bounds = array<i64: 5>, scalar_prefetch = 0 : i64, scratch_operands = 0 : i64, tpu.core_type = #tpu.core_type<tc>, window_params = [{transform_indices = @transform_0, window_bounds = array<i64: 2000, 2, 64>}, {transform_indices = @transform_1, window_bounds = array<i64: 2000, 128>}, {transform_indices = @transform_2, window_bounds = array<i64: 2000, 128>}, {transform_indices = @transform_3, window_bounds = array<i64: 2000, 32>}, {transform_indices = @transform_4, window_bounds = array<i64: 2000, 32>}, {pipeline_mode = #tpu.pipeline_mode<synchronous>, transform_indices = @transform_5, window_bounds = array<i64: 128, 128>}, {pipeline_mode = #tpu.pipeline_mode<synchronous>, transform_indices = @transform_6, window_bounds = array<i64: 1, 128>}, {pipeline_mode = #tpu.pipeline_mode<synchronous>, transform_indices = @transform_7, window_bounds = array<i64: 2, 128, 128>}, {pipeline_mode = #tpu.pipeline_mode<synchronous>, transform_indices = @transform_8, window_bounds = array<i64: 1, 128>}, {pipeline_mode = #tpu.pipeline_mode<synchronous>, transform_indices = @transform_9, window_bounds = array<i64: 1, 128>}, {pipeline_mode = #tpu.pipeline_mode<synchronous>, transform_indices = @transform_10, window_bounds = array<i64: 256, 128>}, {pipeline_mode = #tpu.pipeline_mode<synchronous>, transform_indices = @transform_11, window_bounds = array<i64: 1, 128>}, {transform_indices = @transform_12, window_bounds = array<i64: 2000, 2, 64>}, {transform_indices = @transform_13, window_bounds = array<i64: 2000, 128>}, {transform_indices = @transform_14, window_bounds = array<i64: 2000, 128>}]} {
    %get3A = arith.constant 0 : index
    %get3A_0 = arith.constant 0 : index
    %get3A_1 = arith.constant 0 : index
    %get3A_2 = vector.load %arg1[%get3A, %get3A_0, %get3A_1] : memref<2000x2x64xf32, #tpu.memory_space<vmem>>, vector<2000x2x64xf32>
    %reshape3A = vector.shape_cast %get3A_2 : vector<2000x2x64xf32> to vector<2000x128xf32>
    %get3A_3 = arith.constant 0 : index
    %get3A_4 = arith.constant 0 : index
    %get3A_5 = vector.load %arg6[%get3A_3, %get3A_4] : memref<128x128xf32, #tpu.memory_space<vmem>>, vector<128x128xf32>
    %dot_general3A = arith.constant dense<0.000000e+00> : vector<2000x128xf32>
    %dot_general3A_6 = tpu.matmul %reshape3A, %get3A_5, %dot_general3A {dimension_numbers = #tpu.dot_dimension_numbers<[1], [0], [0], [1], [0, 0, 1, 1], [], []>, transpose_lhs_hint = false} : vector<2000x128xf32>, vector<128x128xf32>, vector<2000x128xf32> -> vector<2000x128xf32>
    %get3A_7 = arith.constant 0 : index
    %get3A_8 = arith.constant 0 : index
    %get3A_9 = vector.load %arg7[%get3A_7, %get3A_8] : memref<1x128xf32, #tpu.memory_space<vmem>>, vector<1x128xf32>
    %get3A_10 = vector.shape_cast %get3A_9 : vector<1x128xf32> to vector<128xf32>
    %broadcast_in_dim3A = vector.shape_cast %get3A_10 : vector<128xf32> to vector<1x128xf32>
    %add3A = vector.broadcast %broadcast_in_dim3A : vector<1x128xf32> to vector<2000x128xf32>
    %add3A_11 = arith.addf %dot_general3A_6, %add3A : vector<2000x128xf32>
    %get3A_12 = arith.constant 0 : index
    %get3A_13 = arith.constant 0 : index
    %get3A_14 = vector.load %arg4[%get3A_12, %get3A_13] : memref<2000x32xf32, #tpu.memory_space<vmem>>, vector<2000x32xf32>
    %slice3A = vector.extract_strided_slice %get3A_14 {offsets = [0, 0], sizes = [2000, 1], strides = [1, 1]} : vector<2000x32xf32> to vector<2000x1xf32>
    %squeeze3A = vector.shape_cast %slice3A : vector<2000x1xf32> to vector<2000xf32>
    %slice3A_15 = vector.extract_strided_slice %get3A_14 {offsets = [0, 16], sizes = [2000, 1], strides = [1, 1]} : vector<2000x32xf32> to vector<2000x1xf32>
    %squeeze3A_16 = vector.shape_cast %slice3A_15 : vector<2000x1xf32> to vector<2000xf32>
    %add3A_17 = arith.addf %squeeze3A, %squeeze3A_16 : vector<2000xf32>
    %max3A = arith.constant 1.000000e+00 : f32
    %max3A_18 = vector.broadcast %max3A : f32 to vector<2000xf32>
    %max3A_19 = arith.maximumf %add3A_17, %max3A_18 : vector<2000xf32>
    %div3A = arith.constant 1.000000e+00 : f32
    %div3A_20 = vector.broadcast %div3A : f32 to vector<2000xf32>
    %div3A_21 = arith.divf %div3A_20, %max3A_19 : vector<2000xf32>
    %get3A_22 = arith.constant 0 : index
    %get3A_23 = arith.constant 0 : index
    %get3A_24 = vector.load %arg2[%get3A_22, %get3A_23] : memref<2000x128xf32, #tpu.memory_space<vmem>>, vector<2000x128xf32>
    %broadcast_in_dim3A_25 = vector.shape_cast %div3A_21 : vector<2000xf32> to vector<2000x1xf32>
    %mul3A = vector.broadcast %broadcast_in_dim3A_25 : vector<2000x1xf32> to vector<2000x128xf32>
    %mul3A_26 = arith.mulf %get3A_24, %mul3A : vector<2000x128xf32>
    %get3A_27 = arith.constant 0 : index
    %get3A_28 = arith.constant 0 : index
    %get3A_29 = arith.constant 0 : index
    %get3A_30 = vector.load %arg8[%get3A_27, %get3A_28, %get3A_29] : memref<2x128x128xf32, #tpu.memory_space<vmem>>, vector<1x128x128xf32>
    %get3A_31 = vector.shape_cast %get3A_30 : vector<1x128x128xf32> to vector<128x128xf32>
    %dot_general3A_32 = arith.constant dense<0.000000e+00> : vector<2000x128xf32>
    %dot_general3A_33 = tpu.matmul %mul3A_26, %get3A_31, %dot_general3A_32 {dimension_numbers = #tpu.dot_dimension_numbers<[1], [0], [0], [1], [0, 0, 1, 1], [], []>, transpose_lhs_hint = false} : vector<2000x128xf32>, vector<128x128xf32>, vector<2000x128xf32> -> vector<2000x128xf32>
    %add3A_34 = arith.addf %add3A_11, %dot_general3A_33 : vector<2000x128xf32>
    %get3A_35 = arith.constant 0 : index
    %get3A_36 = arith.constant 0 : index
    %get3A_37 = vector.load %arg5[%get3A_35, %get3A_36] : memref<2000x32xf32, #tpu.memory_space<vmem>>, vector<2000x32xf32>
    %slice3A_38 = vector.extract_strided_slice %get3A_37 {offsets = [0, 0], sizes = [2000, 1], strides = [1, 1]} : vector<2000x32xf32> to vector<2000x1xf32>
    %squeeze3A_39 = vector.shape_cast %slice3A_38 : vector<2000x1xf32> to vector<2000xf32>
    %slice3A_40 = vector.extract_strided_slice %get3A_37 {offsets = [0, 16], sizes = [2000, 1], strides = [1, 1]} : vector<2000x32xf32> to vector<2000x1xf32>
    %squeeze3A_41 = vector.shape_cast %slice3A_40 : vector<2000x1xf32> to vector<2000xf32>
    %add3A_42 = arith.addf %squeeze3A_39, %squeeze3A_41 : vector<2000xf32>
    %max3A_43 = arith.constant 1.000000e+00 : f32
    %max3A_44 = vector.broadcast %max3A_43 : f32 to vector<2000xf32>
    %max3A_45 = arith.maximumf %add3A_42, %max3A_44 : vector<2000xf32>
    %div3A_46 = arith.constant 1.000000e+00 : f32
    %div3A_47 = vector.broadcast %div3A_46 : f32 to vector<2000xf32>
    %div3A_48 = arith.divf %div3A_47, %max3A_45 : vector<2000xf32>
    %get3A_49 = arith.constant 0 : index
    %get3A_50 = arith.constant 0 : index
    %get3A_51 = vector.load %arg3[%get3A_49, %get3A_50] : memref<2000x128xf32, #tpu.memory_space<vmem>>, vector<2000x128xf32>
    %broadcast_in_dim3A_52 = vector.shape_cast %div3A_48 : vector<2000xf32> to vector<2000x1xf32>
    %mul3A_53 = vector.broadcast %broadcast_in_dim3A_52 : vector<2000x1xf32> to vector<2000x128xf32>
    %mul3A_54 = arith.mulf %get3A_51, %mul3A_53 : vector<2000x128xf32>
    %get3A_55 = arith.constant 1 : index
    %get3A_56 = arith.constant 0 : index
    %get3A_57 = arith.constant 0 : index
    %get3A_58 = vector.load %arg8[%get3A_55, %get3A_56, %get3A_57] : memref<2x128x128xf32, #tpu.memory_space<vmem>>, vector<1x128x128xf32>
    %get3A_59 = vector.shape_cast %get3A_58 : vector<1x128x128xf32> to vector<128x128xf32>
    %dot_general3A_60 = arith.constant dense<0.000000e+00> : vector<2000x128xf32>
    %dot_general3A_61 = tpu.matmul %mul3A_54, %get3A_59, %dot_general3A_60 {dimension_numbers = #tpu.dot_dimension_numbers<[1], [0], [0], [1], [0, 0, 1, 1], [], []>, transpose_lhs_hint = false} : vector<2000x128xf32>, vector<128x128xf32>, vector<2000x128xf32> -> vector<2000x128xf32>
    %add3A_62 = arith.addf %add3A_34, %dot_general3A_61 : vector<2000x128xf32>
    %mul3A_63 = arith.constant 0.999994993 : f32
    %mul3A_64 = vector.broadcast %mul3A_63 : f32 to vector<2000x128xf32>
    %mul3A_65 = arith.mulf %add3A_62, %mul3A_64 : vector<2000x128xf32>
    %get3A_66 = arith.constant 0 : index
    %get3A_67 = arith.constant 0 : index
    %get3A_68 = vector.load %arg9[%get3A_66, %get3A_67] : memref<1x128xf32, #tpu.memory_space<vmem>>, vector<1x128xf32>
    %get3A_69 = vector.shape_cast %get3A_68 : vector<1x128xf32> to vector<128xf32>
    %broadcast_in_dim3A_70 = vector.shape_cast %get3A_69 : vector<128xf32> to vector<1x128xf32>
    %mul3A_71 = vector.broadcast %broadcast_in_dim3A_70 : vector<1x128xf32> to vector<2000x128xf32>
    %mul3A_72 = arith.mulf %mul3A_65, %mul3A_71 : vector<2000x128xf32>
    %get3A_73 = arith.constant 0 : index
    %get3A_74 = arith.constant 0 : index
    %get3A_75 = vector.load %arg10[%get3A_73, %get3A_74] : memref<1x128xf32, #tpu.memory_space<vmem>>, vector<1x128xf32>
    %get3A_76 = vector.shape_cast %get3A_75 : vector<1x128xf32> to vector<128xf32>
    %broadcast_in_dim3A_77 = vector.shape_cast %get3A_76 : vector<128xf32> to vector<1x128xf32>
    %add3A_78 = vector.broadcast %broadcast_in_dim3A_77 : vector<1x128xf32> to vector<2000x128xf32>
    %add3A_79 = arith.addf %mul3A_72, %add3A_78 : vector<2000x128xf32>
    %max3A_80 = arith.constant 0.000000e+00 : f32
    %max3A_81 = vector.broadcast %max3A_80 : f32 to vector<2000x128xf32>
    %max3A_82 = arith.maximumf %add3A_79, %max3A_81 : vector<2000x128xf32>
    %reshape3A_83 = vector.shape_cast %max3A_82 : vector<2000x128xf32> to vector<2000x2x64xf32>
    %swap3A = arith.constant 0 : index
    %swap3A_84 = arith.constant 0 : index
    %swap3A_85 = arith.constant 0 : index
    %swap3A_86 = vector.load %arg13[%swap3A, %swap3A_84, %swap3A_85] : memref<2000x2x64xf32, #tpu.memory_space<vmem>>, vector<2000x2x64xf32>
    tpu.vector_store %arg13[%swap3A, %swap3A_84, %swap3A_85], %reshape3A_83 {strides = array<i32>} : memref<2000x2x64xf32, #tpu.memory_space<vmem>>, vector<2000x2x64xf32>,
    %get3A_87 = arith.constant 0 : index
    %get3A_88 = arith.constant 0 : index
    %get3A_89 = vector.load %arg11[%get3A_87, %get3A_88] : memref<256x128xf32, #tpu.memory_space<vmem>>, vector<128x128xf32>
    %dot_general3A_90 = arith.constant dense<0.000000e+00> : vector<2000x128xf32>
    %dot_general3A_91 = tpu.matmul %max3A_82, %get3A_89, %dot_general3A_90 {dimension_numbers = #tpu.dot_dimension_numbers<[1], [0], [0], [1], [0, 0, 1, 1], [], []>, transpose_lhs_hint = false} : vector<2000x128xf32>, vector<128x128xf32>, vector<2000x128xf32> -> vector<2000x128xf32>
    %get3A_92 = arith.constant 0 : index
    %get3A_93 = arith.constant 0 : index
    %get3A_94 = vector.load %arg12[%get3A_92, %get3A_93] : memref<1x128xf32, #tpu.memory_space<vmem>>, vector<1x128xf32>
    %get3A_95 = vector.shape_cast %get3A_94 : vector<1x128xf32> to vector<128xf32>
    %broadcast_in_dim3A_96 = vector.shape_cast %get3A_95 : vector<128xf32> to vector<1x128xf32>
    %add3A_97 = vector.broadcast %broadcast_in_dim3A_96 : vector<1x128xf32> to vector<2000x128xf32>
    %add3A_98 = arith.addf %dot_general3A_91, %add3A_97 : vector<2000x128xf32>
    %swap3A_99 = arith.constant 0 : index
    %swap3A_100 = arith.constant 0 : index
    %swap3A_101 = vector.load %arg14[%swap3A_99, %swap3A_100] : memref<2000x128xf32, #tpu.memory_space<vmem>>, vector<2000x128xf32>
    tpu.vector_store %arg14[%swap3A_99, %swap3A_100], %add3A_98 {strides = array<i32>} : memref<2000x128xf32, #tpu.memory_space<vmem>>, vector<2000x128xf32>,
    %get3A_102 = arith.constant 128 : index
    %get3A_103 = arith.constant 0 : index
    %get3A_104 = vector.load %arg11[%get3A_102, %get3A_103] : memref<256x128xf32, #tpu.memory_space<vmem>>, vector<128x128xf32>
    %dot_general3A_105 = arith.constant dense<0.000000e+00> : vector<2000x128xf32>
    %dot_general3A_106 = tpu.matmul %max3A_82, %get3A_104, %dot_general3A_105 {dimension_numbers = #tpu.dot_dimension_numbers<[1], [0], [0], [1], [0, 0, 1, 1], [], []>, transpose_lhs_hint = false} : vector<2000x128xf32>, vector<128x128xf32>, vector<2000x128xf32> -> vector<2000x128xf32>
    %swap3A_107 = arith.constant 0 : index
    %swap3A_108 = arith.constant 0 : index
    %swap3A_109 = vector.load %arg15[%swap3A_107, %swap3A_108] : memref<2000x128xf32, #tpu.memory_space<vmem>>, vector<2000x128xf32>
    tpu.vector_store %arg15[%swap3A_107, %swap3A_108], %dot_general3A_106 {strides = array<i32>} : memref<2000x128xf32, #tpu.memory_space<vmem>>, vector<2000x128xf32>,
    return
  }
  func.func @transform_0(%arg0: i32) -> (i32, i32, i32) {
    %c0_i32 = arith.constant 0 : i32
    %c0_i32_0 = arith.constant 0 : i32
    %c0_i32_1 = arith.constant 0 : i32
    return %arg0, %c0_i32, %c0_i32_0 : i32, i32, i32
  }
  func.func @transform_1(%arg0: i32) -> (i32, i32) {
    %c0_i32 = arith.constant 0 : i32
    %c0_i32_0 = arith.constant 0 : i32
    return %arg0, %c0_i32 : i32, i32
  }
  func.func @transform_2(%arg0: i32) -> (i32, i32) {
    %add3A = arith.constant 5 : i32
    %add3A_0 = arith.addi %add3A, %arg0 : i32
    %c0_i32 = arith.constant 0 : i32
    %c0_i32_1 = arith.constant 0 : i32
    return %add3A_0, %c0_i32 : i32, i32
  }
  func.func @transform_3(%arg0: i32) -> (i32, i32) {
    %c0_i32 = arith.constant 0 : i32
    %c0_i32_0 = arith.constant 0 : i32
    return %arg0, %c0_i32 : i32, i32
  }
  func.func @transform_4(%arg0: i32) -> (i32, i32) {
    %add3A = arith.constant 5 : i32
    %add3A_0 = arith.addi %add3A, %arg0 : i32
    %c0_i32 = arith.constant 0 : i32
    %c0_i32_1 = arith.constant 0 : i32
    return %add3A_0, %c0_i32 : i32, i32
  }
  func.func @transform_5(%arg0: i32) -> (i32, i32) {
    %c0_i32 = arith.constant 0 : i32
    %c0_i32_0 = arith.constant 0 : i32
    %c0_i32_1 = arith.constant 0 : i32
    return %c0_i32, %c0_i32_0 : i32, i32
  }
  func.func @transform_6(%arg0: i32) -> (i32, i32) {
    %c0_i32 = arith.constant 0 : i32
    %c0_i32_0 = arith.constant 0 : i32
    %c0_i32_1 = arith.constant 0 : i32
    return %c0_i32, %c0_i32_0 : i32, i32
  }
  func.func @transform_7(%arg0: i32) -> (i32, i32, i32) {
    %c0_i32 = arith.constant 0 : i32
    %c0_i32_0 = arith.constant 0 : i32
    %c0_i32_1 = arith.constant 0 : i32
    %c0_i32_2 = arith.constant 0 : i32
    return %c0_i32, %c0_i32_0, %c0_i32_1 : i32, i32, i32
  }
  func.func @transform_8(%arg0: i32) -> (i32, i32) {
    %c0_i32 = arith.constant 0 : i32
    %c0_i32_0 = arith.constant 0 : i32
    %c0_i32_1 = arith.constant 0 : i32
    return %c0_i32, %c0_i32_0 : i32, i32
  }
  func.func @transform_9(%arg0: i32) -> (i32, i32) {
    %c0_i32 = arith.constant 0 : i32
    %c0_i32_0 = arith.constant 0 : i32
    %c0_i32_1 = arith.constant 0 : i32
    return %c0_i32, %c0_i32_0 : i32, i32
  }
  func.func @transform_10(%arg0: i32) -> (i32, i32) {
    %c0_i32 = arith.constant 0 : i32
    %c0_i32_0 = arith.constant 0 : i32
    %c0_i32_1 = arith.constant 0 : i32
    return %c0_i32, %c0_i32_0 : i32, i32
  }
  func.func @transform_11(%arg0: i32) -> (i32, i32) {
    %c0_i32 = arith.constant 0 : i32
    %c0_i32_0 = arith.constant 0 : i32
    %c0_i32_1 = arith.constant 0 : i32
    return %c0_i32, %c0_i32_0 : i32, i32
  }
  func.func @transform_12(%arg0: i32) -> (i32, i32, i32) {
    %c0_i32 = arith.constant 0 : i32
    %c0_i32_0 = arith.constant 0 : i32
    %c0_i32_1 = arith.constant 0 : i32
    return %arg0, %c0_i32, %c0_i32_0 : i32, i32, i32
  }
  func.func @transform_13(%arg0: i32) -> (i32, i32) {
    %c0_i32 = arith.constant 0 : i32
    %c0_i32_0 = arith.constant 0 : i32
    return %arg0, %c0_i32 : i32, i32
  }
  func.func @transform_14(%arg0: i32) -> (i32, i32) {
    %c0_i32 = arith.constant 0 : i32
    %c0_i32_0 = arith.constant 0 : i32
    return %arg0, %c0_i32 : i32, i32
  }
}

module attributes {stable_mosaic.version = 14 : i64} {
  func.func @_dec_body(%arg0: i32, %arg1: memref<2560x128xf32, #tpu.memory_space<vmem>>, %arg2: memref<128x64xf32, #tpu.memory_space<vmem>>, %arg3: memref<1x64xf32, #tpu.memory_space<vmem>>, %arg4: memref<64x1xf32, #tpu.memory_space<vmem>>, %arg5: memref<1x1xf32, #tpu.memory_space<vmem>>, %arg6: memref<1x1x2560xf32, #tpu.memory_space<vmem>>) attributes {dimension_semantics = [#tpu.dimension_semantics<arbitrary>], iteration_bounds = array<i64: 31>, scalar_prefetch = 0 : i64, scratch_operands = 0 : i64, tpu.core_type = #tpu.core_type<tc>, window_params = [{transform_indices = @transform_0, window_bounds = array<i64: 2560, 128>}, {pipeline_mode = #tpu.pipeline_mode<synchronous>, transform_indices = @transform_1, window_bounds = array<i64: 128, 64>}, {pipeline_mode = #tpu.pipeline_mode<synchronous>, transform_indices = @transform_2, window_bounds = array<i64: 1, 64>}, {pipeline_mode = #tpu.pipeline_mode<synchronous>, transform_indices = @transform_3, window_bounds = array<i64: 64, 1>}, {pipeline_mode = #tpu.pipeline_mode<synchronous>, transform_indices = @transform_4, window_bounds = array<i64: 1, 1>}, {transform_indices = @transform_5, window_bounds = array<i64: 1, 1, 2560>}]} {
    %get3A = arith.constant 0 : index
    %get3A_0 = arith.constant 0 : index
    %get3A_1 = vector.load %arg1[%get3A, %get3A_0] : memref<2560x128xf32, #tpu.memory_space<vmem>>, vector<2560x128xf32>
    %max3A = arith.constant 0.000000e+00 : f32
    %max3A_2 = vector.broadcast %max3A : f32 to vector<2560x128xf32>
    %max3A_3 = arith.maximumf %get3A_1, %max3A_2 : vector<2560x128xf32>
    %get3A_4 = arith.constant 0 : index
    %get3A_5 = arith.constant 0 : index
    %get3A_6 = vector.load %arg2[%get3A_4, %get3A_5] : memref<128x64xf32, #tpu.memory_space<vmem>>, vector<128x64xf32>
    %dot_general3A = arith.constant dense<0.000000e+00> : vector<2560x64xf32>
    %dot_general3A_7 = tpu.matmul %max3A_3, %get3A_6, %dot_general3A {dimension_numbers = #tpu.dot_dimension_numbers<[1], [0], [0], [1], [0, 0, 1, 1], [], []>, transpose_lhs_hint = false} : vector<2560x128xf32>, vector<128x64xf32>, vector<2560x64xf32> -> vector<2560x64xf32>
    %get3A_8 = arith.constant 0 : index
    %get3A_9 = arith.constant 0 : index
    %get3A_10 = vector.load %arg3[%get3A_8, %get3A_9] : memref<1x64xf32, #tpu.memory_space<vmem>>, vector<1x64xf32>
    %get3A_11 = vector.shape_cast %get3A_10 : vector<1x64xf32> to vector<64xf32>
    %broadcast_in_dim3A = vector.shape_cast %get3A_11 : vector<64xf32> to vector<1x64xf32>
    %add3A = vector.broadcast %broadcast_in_dim3A : vector<1x64xf32> to vector<2560x64xf32>
    %add3A_12 = arith.addf %dot_general3A_7, %add3A : vector<2560x64xf32>
    %max3A_13 = arith.constant 0.000000e+00 : f32
    %max3A_14 = vector.broadcast %max3A_13 : f32 to vector<2560x64xf32>
    %max3A_15 = arith.maximumf %add3A_12, %max3A_14 : vector<2560x64xf32>
    %get3A_16 = arith.constant 0 : index
    %get3A_17 = arith.constant 0 : index
    %get3A_18 = vector.load %arg4[%get3A_16, %get3A_17] : memref<64x1xf32, #tpu.memory_space<vmem>>, vector<64x1xf32>
    %dot_general3A_19 = arith.constant dense<0.000000e+00> : vector<2560x1xf32>
    %dot_general3A_20 = tpu.matmul %max3A_15, %get3A_18, %dot_general3A_19 {dimension_numbers = #tpu.dot_dimension_numbers<[1], [0], [0], [1], [0, 0, 1, 1], [], []>, transpose_lhs_hint = false} : vector<2560x64xf32>, vector<64x1xf32>, vector<2560x1xf32> -> vector<2560x1xf32>
    %reshape3A = vector.shape_cast %dot_general3A_20 : vector<2560x1xf32> to vector<1x2560xf32>
    %get3A_21 = arith.constant 0 : index
    %get3A_22 = arith.constant 0 : index
    %get3A_23 = vector.load %arg5[%get3A_21, %get3A_22] : memref<1x1xf32, #tpu.memory_space<vmem>>, vector<1x1xf32>
    %get3A_24 = vector.extract %get3A_23[0, 0] : f32 from vector<1x1xf32>
    %add3A_25 = vector.broadcast %get3A_24 : f32 to vector<1x2560xf32>
    %add3A_26 = arith.addf %reshape3A, %add3A_25 : vector<1x2560xf32>
    %swap3A = arith.constant 0 : index
    %swap3A_27 = arith.constant 0 : index
    %swap3A_28 = arith.constant 0 : index
    %swap3A_29 = vector.load %arg6[%swap3A, %swap3A_27, %swap3A_28] : memref<1x1x2560xf32, #tpu.memory_space<vmem>>, vector<1x1x2560xf32>
    %swap3A_30 = vector.shape_cast %swap3A_29 : vector<1x1x2560xf32> to vector<1x2560xf32>
    %swap3A_31 = vector.shape_cast %add3A_26 : vector<1x2560xf32> to vector<1x1x2560xf32>
    tpu.vector_store %arg6[%swap3A, %swap3A_27, %swap3A_28], %swap3A_31 {strides = array<i32>} : memref<1x1x2560xf32, #tpu.memory_space<vmem>>, vector<1x1x2560xf32>,
    return
  }
  func.func @transform_0(%arg0: i32) -> (i32, i32) {
    %c0_i32 = arith.constant 0 : i32
    %c0_i32_0 = arith.constant 0 : i32
    return %arg0, %c0_i32 : i32, i32
  }
  func.func @transform_1(%arg0: i32) -> (i32, i32) {
    %c0_i32 = arith.constant 0 : i32
    %c0_i32_0 = arith.constant 0 : i32
    %c0_i32_1 = arith.constant 0 : i32
    return %c0_i32, %c0_i32_0 : i32, i32
  }
  func.func @transform_2(%arg0: i32) -> (i32, i32) {
    %c0_i32 = arith.constant 0 : i32
    %c0_i32_0 = arith.constant 0 : i32
    %c0_i32_1 = arith.constant 0 : i32
    return %c0_i32, %c0_i32_0 : i32, i32
  }
  func.func @transform_3(%arg0: i32) -> (i32, i32) {
    %c0_i32 = arith.constant 0 : i32
    %c0_i32_0 = arith.constant 0 : i32
    %c0_i32_1 = arith.constant 0 : i32
    return %c0_i32, %c0_i32_0 : i32, i32
  }
  func.func @transform_4(%arg0: i32) -> (i32, i32) {
    %c0_i32 = arith.constant 0 : i32
    %c0_i32_0 = arith.constant 0 : i32
    %c0_i32_1 = arith.constant 0 : i32
    return %c0_i32, %c0_i32_0 : i32, i32
  }
  func.func @transform_5(%arg0: i32) -> (i32, i32, i32) {
    %c0_i32 = arith.constant 0 : i32
    %c0_i32_0 = arith.constant 0 : i32
    %c0_i32_1 = arith.constant 0 : i32
    return %arg0, %c0_i32, %c0_i32_0 : i32, i32, i32
  }
}

module attributes {stable_mosaic.version = 14 : i64} {
  func.func @_dec_body(%arg0: i32, %arg1: memref<2560x128xf32, #tpu.memory_space<vmem>>, %arg2: memref<128x64xf32, #tpu.memory_space<vmem>>, %arg3: memref<1x64xf32, #tpu.memory_space<vmem>>, %arg4: memref<64x1xf32, #tpu.memory_space<vmem>>, %arg5: memref<1x1xf32, #tpu.memory_space<vmem>>, %arg6: memref<1x1x2560xf32, #tpu.memory_space<vmem>>) attributes {dimension_semantics = [#tpu.dimension_semantics<arbitrary>], iteration_bounds = array<i64: 32>, scalar_prefetch = 0 : i64, scratch_operands = 0 : i64, tpu.core_type = #tpu.core_type<tc>, window_params = [{transform_indices = @transform_0, window_bounds = array<i64: 2560, 128>}, {pipeline_mode = #tpu.pipeline_mode<synchronous>, transform_indices = @transform_1, window_bounds = array<i64: 128, 64>}, {pipeline_mode = #tpu.pipeline_mode<synchronous>, transform_indices = @transform_2, window_bounds = array<i64: 1, 64>}, {pipeline_mode = #tpu.pipeline_mode<synchronous>, transform_indices = @transform_3, window_bounds = array<i64: 64, 1>}, {pipeline_mode = #tpu.pipeline_mode<synchronous>, transform_indices = @transform_4, window_bounds = array<i64: 1, 1>}, {transform_indices = @transform_5, window_bounds = array<i64: 1, 1, 2560>}]} {
    %get3A = arith.constant 0 : index
    %get3A_0 = arith.constant 0 : index
    %get3A_1 = vector.load %arg1[%get3A, %get3A_0] : memref<2560x128xf32, #tpu.memory_space<vmem>>, vector<2560x128xf32>
    %max3A = arith.constant 0.000000e+00 : f32
    %max3A_2 = vector.broadcast %max3A : f32 to vector<2560x128xf32>
    %max3A_3 = arith.maximumf %get3A_1, %max3A_2 : vector<2560x128xf32>
    %get3A_4 = arith.constant 0 : index
    %get3A_5 = arith.constant 0 : index
    %get3A_6 = vector.load %arg2[%get3A_4, %get3A_5] : memref<128x64xf32, #tpu.memory_space<vmem>>, vector<128x64xf32>
    %dot_general3A = arith.constant dense<0.000000e+00> : vector<2560x64xf32>
    %dot_general3A_7 = tpu.matmul %max3A_3, %get3A_6, %dot_general3A {dimension_numbers = #tpu.dot_dimension_numbers<[1], [0], [0], [1], [0, 0, 1, 1], [], []>, transpose_lhs_hint = false} : vector<2560x128xf32>, vector<128x64xf32>, vector<2560x64xf32> -> vector<2560x64xf32>
    %get3A_8 = arith.constant 0 : index
    %get3A_9 = arith.constant 0 : index
    %get3A_10 = vector.load %arg3[%get3A_8, %get3A_9] : memref<1x64xf32, #tpu.memory_space<vmem>>, vector<1x64xf32>
    %get3A_11 = vector.shape_cast %get3A_10 : vector<1x64xf32> to vector<64xf32>
    %broadcast_in_dim3A = vector.shape_cast %get3A_11 : vector<64xf32> to vector<1x64xf32>
    %add3A = vector.broadcast %broadcast_in_dim3A : vector<1x64xf32> to vector<2560x64xf32>
    %add3A_12 = arith.addf %dot_general3A_7, %add3A : vector<2560x64xf32>
    %max3A_13 = arith.constant 0.000000e+00 : f32
    %max3A_14 = vector.broadcast %max3A_13 : f32 to vector<2560x64xf32>
    %max3A_15 = arith.maximumf %add3A_12, %max3A_14 : vector<2560x64xf32>
    %get3A_16 = arith.constant 0 : index
    %get3A_17 = arith.constant 0 : index
    %get3A_18 = vector.load %arg4[%get3A_16, %get3A_17] : memref<64x1xf32, #tpu.memory_space<vmem>>, vector<64x1xf32>
    %dot_general3A_19 = arith.constant dense<0.000000e+00> : vector<2560x1xf32>
    %dot_general3A_20 = tpu.matmul %max3A_15, %get3A_18, %dot_general3A_19 {dimension_numbers = #tpu.dot_dimension_numbers<[1], [0], [0], [1], [0, 0, 1, 1], [], []>, transpose_lhs_hint = false} : vector<2560x64xf32>, vector<64x1xf32>, vector<2560x1xf32> -> vector<2560x1xf32>
    %reshape3A = vector.shape_cast %dot_general3A_20 : vector<2560x1xf32> to vector<1x2560xf32>
    %get3A_21 = arith.constant 0 : index
    %get3A_22 = arith.constant 0 : index
    %get3A_23 = vector.load %arg5[%get3A_21, %get3A_22] : memref<1x1xf32, #tpu.memory_space<vmem>>, vector<1x1xf32>
    %get3A_24 = vector.extract %get3A_23[0, 0] : f32 from vector<1x1xf32>
    %add3A_25 = vector.broadcast %get3A_24 : f32 to vector<1x2560xf32>
    %add3A_26 = arith.addf %reshape3A, %add3A_25 : vector<1x2560xf32>
    %swap3A = arith.constant 0 : index
    %swap3A_27 = arith.constant 0 : index
    %swap3A_28 = arith.constant 0 : index
    %swap3A_29 = vector.load %arg6[%swap3A, %swap3A_27, %swap3A_28] : memref<1x1x2560xf32, #tpu.memory_space<vmem>>, vector<1x1x2560xf32>
    %swap3A_30 = vector.shape_cast %swap3A_29 : vector<1x1x2560xf32> to vector<1x2560xf32>
    %swap3A_31 = vector.shape_cast %add3A_26 : vector<1x2560xf32> to vector<1x1x2560xf32>
    tpu.vector_store %arg6[%swap3A, %swap3A_27, %swap3A_28], %swap3A_31 {strides = array<i32>} : memref<1x1x2560xf32, #tpu.memory_space<vmem>>, vector<1x1x2560xf32>,
    return
  }
  func.func @transform_0(%arg0: i32) -> (i32, i32) {
    %c0_i32 = arith.constant 0 : i32
    %c0_i32_0 = arith.constant 0 : i32
    return %arg0, %c0_i32 : i32, i32
  }
  func.func @transform_1(%arg0: i32) -> (i32, i32) {
    %c0_i32 = arith.constant 0 : i32
    %c0_i32_0 = arith.constant 0 : i32
    %c0_i32_1 = arith.constant 0 : i32
    return %c0_i32, %c0_i32_0 : i32, i32
  }
  func.func @transform_2(%arg0: i32) -> (i32, i32) {
    %c0_i32 = arith.constant 0 : i32
    %c0_i32_0 = arith.constant 0 : i32
    %c0_i32_1 = arith.constant 0 : i32
    return %c0_i32, %c0_i32_0 : i32, i32
  }
  func.func @transform_3(%arg0: i32) -> (i32, i32) {
    %c0_i32 = arith.constant 0 : i32
    %c0_i32_0 = arith.constant 0 : i32
    %c0_i32_1 = arith.constant 0 : i32
    return %c0_i32, %c0_i32_0 : i32, i32
  }
  func.func @transform_4(%arg0: i32) -> (i32, i32) {
    %c0_i32 = arith.constant 0 : i32
    %c0_i32_0 = arith.constant 0 : i32
    %c0_i32_1 = arith.constant 0 : i32
    return %c0_i32, %c0_i32_0 : i32, i32
  }
  func.func @transform_5(%arg0: i32) -> (i32, i32, i32) {
    %c0_i32 = arith.constant 0 : i32
    %c0_i32_0 = arith.constant 0 : i32
    %c0_i32_1 = arith.constant 0 : i32
    return %arg0, %c0_i32, %c0_i32_0 : i32, i32, i32
  }
}

module attributes {stable_mosaic.version = 14 : i64} {
  func.func @_dec_body(%arg0: i32, %arg1: memref<2560x128xf32, #tpu.memory_space<vmem>>, %arg2: memref<128x64xf32, #tpu.memory_space<vmem>>, %arg3: memref<1x64xf32, #tpu.memory_space<vmem>>, %arg4: memref<64x1xf32, #tpu.memory_space<vmem>>, %arg5: memref<1x1xf32, #tpu.memory_space<vmem>>, %arg6: memref<1x1x2560xf32, #tpu.memory_space<vmem>>) attributes {dimension_semantics = [#tpu.dimension_semantics<arbitrary>], iteration_bounds = array<i64: 30>, scalar_prefetch = 0 : i64, scratch_operands = 0 : i64, tpu.core_type = #tpu.core_type<tc>, window_params = [{transform_indices = @transform_0, window_bounds = array<i64: 2560, 128>}, {pipeline_mode = #tpu.pipeline_mode<synchronous>, transform_indices = @transform_1, window_bounds = array<i64: 128, 64>}, {pipeline_mode = #tpu.pipeline_mode<synchronous>, transform_indices = @transform_2, window_bounds = array<i64: 1, 64>}, {pipeline_mode = #tpu.pipeline_mode<synchronous>, transform_indices = @transform_3, window_bounds = array<i64: 64, 1>}, {pipeline_mode = #tpu.pipeline_mode<synchronous>, transform_indices = @transform_4, window_bounds = array<i64: 1, 1>}, {transform_indices = @transform_5, window_bounds = array<i64: 1, 1, 2560>}]} {
    %get3A = arith.constant 0 : index
    %get3A_0 = arith.constant 0 : index
    %get3A_1 = vector.load %arg1[%get3A, %get3A_0] : memref<2560x128xf32, #tpu.memory_space<vmem>>, vector<2560x128xf32>
    %max3A = arith.constant 0.000000e+00 : f32
    %max3A_2 = vector.broadcast %max3A : f32 to vector<2560x128xf32>
    %max3A_3 = arith.maximumf %get3A_1, %max3A_2 : vector<2560x128xf32>
    %get3A_4 = arith.constant 0 : index
    %get3A_5 = arith.constant 0 : index
    %get3A_6 = vector.load %arg2[%get3A_4, %get3A_5] : memref<128x64xf32, #tpu.memory_space<vmem>>, vector<128x64xf32>
    %dot_general3A = arith.constant dense<0.000000e+00> : vector<2560x64xf32>
    %dot_general3A_7 = tpu.matmul %max3A_3, %get3A_6, %dot_general3A {dimension_numbers = #tpu.dot_dimension_numbers<[1], [0], [0], [1], [0, 0, 1, 1], [], []>, transpose_lhs_hint = false} : vector<2560x128xf32>, vector<128x64xf32>, vector<2560x64xf32> -> vector<2560x64xf32>
    %get3A_8 = arith.constant 0 : index
    %get3A_9 = arith.constant 0 : index
    %get3A_10 = vector.load %arg3[%get3A_8, %get3A_9] : memref<1x64xf32, #tpu.memory_space<vmem>>, vector<1x64xf32>
    %get3A_11 = vector.shape_cast %get3A_10 : vector<1x64xf32> to vector<64xf32>
    %broadcast_in_dim3A = vector.shape_cast %get3A_11 : vector<64xf32> to vector<1x64xf32>
    %add3A = vector.broadcast %broadcast_in_dim3A : vector<1x64xf32> to vector<2560x64xf32>
    %add3A_12 = arith.addf %dot_general3A_7, %add3A : vector<2560x64xf32>
    %max3A_13 = arith.constant 0.000000e+00 : f32
    %max3A_14 = vector.broadcast %max3A_13 : f32 to vector<2560x64xf32>
    %max3A_15 = arith.maximumf %add3A_12, %max3A_14 : vector<2560x64xf32>
    %get3A_16 = arith.constant 0 : index
    %get3A_17 = arith.constant 0 : index
    %get3A_18 = vector.load %arg4[%get3A_16, %get3A_17] : memref<64x1xf32, #tpu.memory_space<vmem>>, vector<64x1xf32>
    %dot_general3A_19 = arith.constant dense<0.000000e+00> : vector<2560x1xf32>
    %dot_general3A_20 = tpu.matmul %max3A_15, %get3A_18, %dot_general3A_19 {dimension_numbers = #tpu.dot_dimension_numbers<[1], [0], [0], [1], [0, 0, 1, 1], [], []>, transpose_lhs_hint = false} : vector<2560x64xf32>, vector<64x1xf32>, vector<2560x1xf32> -> vector<2560x1xf32>
    %reshape3A = vector.shape_cast %dot_general3A_20 : vector<2560x1xf32> to vector<1x2560xf32>
    %get3A_21 = arith.constant 0 : index
    %get3A_22 = arith.constant 0 : index
    %get3A_23 = vector.load %arg5[%get3A_21, %get3A_22] : memref<1x1xf32, #tpu.memory_space<vmem>>, vector<1x1xf32>
    %get3A_24 = vector.extract %get3A_23[0, 0] : f32 from vector<1x1xf32>
    %add3A_25 = vector.broadcast %get3A_24 : f32 to vector<1x2560xf32>
    %add3A_26 = arith.addf %reshape3A, %add3A_25 : vector<1x2560xf32>
    %swap3A = arith.constant 0 : index
    %swap3A_27 = arith.constant 0 : index
    %swap3A_28 = arith.constant 0 : index
    %swap3A_29 = vector.load %arg6[%swap3A, %swap3A_27, %swap3A_28] : memref<1x1x2560xf32, #tpu.memory_space<vmem>>, vector<1x1x2560xf32>
    %swap3A_30 = vector.shape_cast %swap3A_29 : vector<1x1x2560xf32> to vector<1x2560xf32>
    %swap3A_31 = vector.shape_cast %add3A_26 : vector<1x2560xf32> to vector<1x1x2560xf32>
    tpu.vector_store %arg6[%swap3A, %swap3A_27, %swap3A_28], %swap3A_31 {strides = array<i32>} : memref<1x1x2560xf32, #tpu.memory_space<vmem>>, vector<1x1x2560xf32>,
    return
  }
  func.func @transform_0(%arg0: i32) -> (i32, i32) {
    %c0_i32 = arith.constant 0 : i32
    %c0_i32_0 = arith.constant 0 : i32
    return %arg0, %c0_i32 : i32, i32
  }
  func.func @transform_1(%arg0: i32) -> (i32, i32) {
    %c0_i32 = arith.constant 0 : i32
    %c0_i32_0 = arith.constant 0 : i32
    %c0_i32_1 = arith.constant 0 : i32
    return %c0_i32, %c0_i32_0 : i32, i32
  }
  func.func @transform_2(%arg0: i32) -> (i32, i32) {
    %c0_i32 = arith.constant 0 : i32
    %c0_i32_0 = arith.constant 0 : i32
    %c0_i32_1 = arith.constant 0 : i32
    return %c0_i32, %c0_i32_0 : i32, i32
  }
  func.func @transform_3(%arg0: i32) -> (i32, i32) {
    %c0_i32 = arith.constant 0 : i32
    %c0_i32_0 = arith.constant 0 : i32
    %c0_i32_1 = arith.constant 0 : i32
    return %c0_i32, %c0_i32_0 : i32, i32
  }
  func.func @transform_4(%arg0: i32) -> (i32, i32) {
    %c0_i32 = arith.constant 0 : i32
    %c0_i32_0 = arith.constant 0 : i32
    %c0_i32_1 = arith.constant 0 : i32
    return %c0_i32, %c0_i32_0 : i32, i32
  }
  func.func @transform_5(%arg0: i32) -> (i32, i32, i32) {
    %c0_i32 = arith.constant 0 : i32
    %c0_i32_0 = arith.constant 0 : i32
    %c0_i32_1 = arith.constant 0 : i32
    return %arg0, %c0_i32, %c0_i32_0 : i32, i32, i32
  }
}

</mosaic_0001>

<sc_bundles>
// kernel: kernel.14.cloned.1.call-start
scs
__scs_entry_jumppad:
0x0: {  	(pc) =	sbr.rel $0x88, $3  }
0x1: {  	(tag) =	ssettag $0x0;
	lr =	simm.s32 $0x1  }
0x2: {  	[smem:$0x3F8E] =	sst lr;
	_ =	strace $0xD0000000  }
0x3: {  	_ = 	snop  }
0x4: {  	_ = 	snop  }
0x5: {  	_ = 	snop  }
0x6: {  	_ = 	snop  }
0x7: {  	_ = 	snop  }
__scs_overlays_trampoline_lowered:
0x8: {  	[smem:$0x3F9D] =	sst s0  }
0x9: {  	[smem:$0x3F9E] =	sst s1  }
0xa: {  	[smem:$0x3F9F] =	sst s2  }
0xb: {  	[smem:$0x3FA0] =	sst s3  }
0xc: {  	[smem:$0x3FA1] =	sst s4  }
0xd: {  	[smem:$0x3FA2] =	sst s5  }
0xe: {  	[smem:$0x3FA3] =	sst s6  }
0xf: {  	[smem:$0x3FA4] =	sst s7  }
0x10: {  	[smem:$0x3FA5] =	sst s8  }
0x11: {  	[smem:$0x3FA6] =	sst s9;
	s0 =	simm.s32 @!p0 $0x0  }
0x12: {  	s1 =	sld [smem:$0x3F8C];
	s0 =	simm.s32 @p0 $0x1  }
0x13: {  	[smem:$0x3FA7] =	sst s0;
	s0 =	simm.s32 @!p1 $0x0  }
0x14: {  	s2 =	sld [smem:$0x3F8B];
	s0 =	simm.s32 @p1 $0x1  }
0x15: {  	[smem:$0x3FA8] =	sst s0;
	s0 =	simm.s32 @!p2 $0x0  }
0x16: {  	s3 =	sld [smem:$0x3FDB];
	s0 =	simm.s32 @p2 $0x1  }
0x17: {  	s4 =	simm.s32 $0x1BF5;
	[smem:$0x3FAA] =	sst s0  }
0x18: {  	s0 =	sld [smem:$0x3F8D];
	_ =	swait.ge [sflag:s4], $0x0  }
0x19: {  	s7 =	sld [smem:$0x3F8E]  }
0x1a: {  	s8 =	sadd.s32 $0xFFFFE003, lr  }
0x1b: {  	s9 =	sadd.s32 $0xFFFFFEF7, lr;
	s5 =	simm.s32 $0xFFFFFFFF;
	p2 =	slt.u32 s8, $0xFFFFF086  }
0x1c: {  	p1 =	slt.u32 s9, $0xF7A;
	s5 =	simm.s32 @!p2 $0x0  }
0x1d: {  	s5 =	simm.s32 @p1 $0x1;
	p0 =	seq.s32 s7, s2  }
0x1e: {  	s7 =	smul.u32 @!p0 $0xF7A, s2;
	p2 =	seq.s32 @!p0 s5, $0x0  }
0x1f: {  	s9 =	smul.u32 $0xF7A, s1;
	s8 =	simm.s32 @!p0 $0x1BF5;
	p2 =	por !p2, p0  }
0x20: {  	[sflag:s8] =	ssyncset.s32 @!p0 $0xFFFFF086;
	s6 =	sadd.s32 @!p0 s3, s7;
	s7 =	simm.s32 @!p0 $0x108  }
0x21: {  	s3 =	sadd.s32 s3, s9;
	s6 =	sadd.s32 @!p0 $0x88, s6;
	s7 =	simm.s32 @p2 $0x1082  }
0x22: {  	[simem:s7], [sflag:s8] =	dma.local @!p0 [hbm:s6], $0xF7A  }
0x23: {  	s9 =	sor.u32 $0xD0000000, s2;
	s6 =	simm.s32 $0x108;
	_ =	swait.ge @!p0 [sflag:s8], $0x0  }
0x24: {  	s3 =	sadd.s32 $0x88, s3;
	s6 =	simm.s32 @!p1 $0x1082;
	[sflag:s4] =	ssyncset.s32 $0xFFFFF086  }
0x25: {  	[simem:s6], [sflag:s4] =	dma.local [hbm:s3], $0xF7A  }
0x26: {  	[smem:$0x3F8E] =	sst s1;
	(tag) =	ssettag s2;
	_ =	strace s9  }
0x27: {  	s1 =	sld [smem:$0x3F9E]  }
0x28: {  	s2 =	sld [smem:$0x3F9F]  }
0x29: {  	s4 =	sld [smem:$0x3FA1]  }
0x2a: {  	p0 =	seq.s32 s5, $0x0;
	s5 =	sld [smem:$0x3FA2]  }
0x2b: {  	s6 =	sld [smem:$0x3FA3]  }
0x2c: {  	s7 =	sld [smem:$0x3FA4]  }
0x2d: {  	s3 =	simm.s32 $0x108;
	s8 =	sld [smem:$0x3FA5]  }
0x2e: {  	s3 =	simm.s32 @!p0 $0x1082;
	s9 =	sld [smem:$0x3FA6]  }
0x2f: {  	lr =	sadd.s32 s0, s3;
	s0 =	sld [smem:$0x3F9D]  }
0x30: {  	s3 =	sld [smem:$0x3FA0]  }
0x31: {  	[smem:$0x3FA9] =	sst s10  }
0x32: {  	s10 =	sld [smem:$0x3FA7];
	_ =	sdelay $0x3  }
0x33: {  	p0 =	seq.s32 s10, $0x1;
	s10 =	sld [smem:$0x3FA9];
	_ =	sdelay $0x3  }
0x34: {  	[smem:$0x3FA9] =	sst s10  }
0x35: {  	s10 =	sld [smem:$0x3FA8];
	_ =	sdelay $0x3  }
0x36: {  	p1 =	seq.s32 s10, $0x1;
	s10 =	sld [smem:$0x3FA9];
	_ =	sdelay $0x3  }
0x37: {  	[smem:$0x3FA9] =	sst s10  }
0x38: {  	s10 =	sld [smem:$0x3FAA]  }
0x39: {  	_ = 	snop;
	(pc) =	sbr.ind lr, $3  }
0x3a: {  	_ = 	snop  }
0x3b: {  	_ = 	snop  }
0x3c: {  	p2 =	seq.s32 s10, $0x1;
	s10 =	sld [smem:$0x3FA9]  }
0x3d: {  	_ =	shalt  }
0x3e: {  	_ =	shalt  }
0x3f: {  	_ =	shalt  }
0x40: {  	_ =	shalt  }
0x41: {  	_ =	shalt  }
0x42: {  	_ =	shalt  }
0x43: {  	_ =	shalt  }
0x44: {  	_ =	shalt  }
0x45: {  	_ =	shalt  }
0x46: {  	_ =	shalt  }
0x47: {  	_ =	shalt  }
0x48: {  	_ =	shalt  }
0x49: {  	_ =	shalt  }
0x4a: {  	_ =	shalt  }
0x4b: {  	_ =	shalt  }
0x4c: {  	_ =	shalt  }
0x4d: {  	_ =	shalt  }
0x4e: {  	_ =	shalt  }
0x4f: {  	_ =	shalt  }
0x50: {  	_ =	shalt  }
0x51: {  	_ =	shalt  }
0x52: {  	_ =	shalt  }
0x53: {  	_ =	shalt  }
0x54: {  	_ =	shalt  }
0x55: {  	_ =	shalt  }
0x56: {  	_ =	shalt  }
0x57: {  	_ =	shalt  }
0x58: {  	_ =	shalt  }
0x59: {  	_ =	shalt  }
0x5a: {  	_ =	shalt  }
0x5b: {  	_ =	shalt  }
0x5c: {  	_ =	shalt  }
0x5d: {  	_ =	shalt  }
0x5e: {  	_ =	shalt  }
0x5f: {  	_ =	shalt  }
0x60: {  	_ =	shalt  }
0x61: {  	_ =	shalt  }
0x62: {  	_ =	shalt  }
0x63: {  	_ =	shalt  }
0x64: {  	_ =	shalt  }
0x65: {  	_ =	shalt  }
0x66: {  	_ =	shalt  }
0x67: {  	_ =	shalt  }
0x68: {  	_ =	shalt  }
0x69: {  	_ =	shalt  }
0x6a: {  	_ =	shalt  }
0x6b: {  	_ =	shalt  }
0x6c: {  	_ =	shalt  }
0x6d: {  	_ =	shalt  }
0x6e: {  	_ =	shalt  }
0x6f: {  	_ =	shalt  }
0x70: {  	_ =	shalt  }
0x71: {  	_ =	shalt  }
0x72: {  	_ =	shalt  }
0x73: {  	_ =	shalt  }
0x74: {  	_ =	shalt  }
0x75: {  	_ =	shalt  }
0x76: {  	_ =	shalt  }
0x77: {  	_ =	shalt  }
0x78: {  	_ =	shalt  }
0x79: {  	_ =	shalt  }
0x7a: {  	_ =	shalt  }
0x7b: {  	_ =	shalt  }
0x7c: {  	_ =	shalt  }
0x7d: {  	_ =	shalt  }
0x7e: {  	_ =	shalt  }
0x7f: {  	_ =	shalt  }
0x80: {  	_ =	shalt  }
0x81: {  	_ =	shalt  }
0x82: {  	_ =	shalt  }
0x83: {  	_ =	shalt  }
0x84: {  	_ =	shalt  }
0x85: {  	_ =	shalt  }
0x86: {  	_ =	shalt  }
0x87: {  	_ =	shalt  }
.Lfunc_end0:
.L_simem_size_0:
called_computation_lowered:
.L_overlay_start_0:
0x88: {  	s2 =	sld [smem:$0x3FD9]  }
0x89: {  	s3 =	sld [smem:$0x3FFE];
	_ =	sdelay $0x1  }
0x8a: {  	s1 =	srdreg.scid  }
0x8b: {  	s0 =	sand.u32 $0x1, s1  }
0x8c: {  	s17 =	sshll.u32 s0, $0xA;
	s2 =	sadd.s32 s3, s2  }
0x8d: {  	s2 =	sadd.s32 s2, s17  }
0x8e: {  	[smem:$0x3FB5] =	sst s2  }
0x8f: {  	_ = 	snop  }
0x90: {  	s2 =	sld [smem:$0x3FC8]  }
0x91: {  	s18 =	sld [smem:$0x3FC7]  }
0x92: {  	s4 =	sld [smem:$0x3FD0];
	(tm) =	ssettm $0x1  }
0x93: {  	s5 =	sld [smem:$0x3FFB];
	_ =	sdelay $0x3  }
0x94: {  	_ =	strace s5  }
0x95: {  	s5 =	sld [smem:$0x3FFC];
	_ =	sdelay $0x3  }
0x96: {  	_ =	strace s5  }
0x97: {  	s5 =	sld [smem:$0x3FFD];
	_ =	sdelay $0x3  }
0x98: {  	_ =	strace s5  }
0x99: {  	_ =	strace $0x8FFFFFFF  }
0x9a: {  	s19 =	sld [smem:$0x3FDB];
	_ =	sdelay $0x1  }
0x9b: {  	s6 =	simm.s32 $_scs_section_size  }
0x9c: {  	s7 =	simm.s32 $_size__tile_overlayer_lowered;
	s8 =	simm.s32 $_tile_overlayer_lowered  }
0x9d: {  	s22 =	simm.s32 $0x1BFF;
	s21 =	sshll.u32 s8, $0x1;
	s5 =	sadd.s32 s6, s19  }
0x9e: {  	s9 =	simm.s32 $0x0;
	s20 =	sshll.u32 s7, $0x1;
	s7 =	sadd.s32 s21, s5  }
0x9f: {  	[timem:s9], [sflag:s22] =	dma.local [hbm:s7], s20  }
0xa0: {  	_ =	swait.ge [sflag:s22], s20  }
0xa1: {  	s6 =	ssub.s32 $0x0, s20;
	[sflag:s22] =	ssyncset.done $0x0  }
0xa2: {  	[sflag:s22] =	ssyncadd.s32 s6;
	_ =	sdelay $0x1  }
0xa3: {  	s23 =	simm.s32 $0x1B8B  }
0xa4: {  	_ =	swait.ge [sflag:s23], $0x1  }
0xa5: {  	[sflag:s23] =	ssyncset.done $0x0  }
0xa6: {  	s25 =	simm.s32 $0x1B8E;
	s24 =	sld [smem:$0x3FFE];
	[sflag:s23] =	ssyncadd.s32 $0xFFFFFFFF  }
0xa7: {  	s26 =	simm.s32 $execute0_lowered;
	[smem:$0x3FD2] =	sst s25  }
0xa8: {  	s7 =	sshll.u32 s26, $0x1;
	_ =	strace $0x80000046;
	[dreg:$0x1] =	wrdreg $0xFFFFFFFF  }
0xa9: {  	s28 =	simm.s32 $_size_execute0_lowered;
	s5 =	sadd.s32 s5, s7;
	[dreg:$0x0] =	wrdreg $0x0  }
0xaa: {  	s7 =	sshll.u32 s28, $0x1;
	[dreg:$0x2] =	wrdreg s5  }
0xab: {  	[dreg:$0x3] =	wrdreg s7  }
0xac: {  	[dreg:$0x4] =	wrdreg $0xC0  }
0xad: {  	_ =	task [dreg:s9], $0x5FFFF  }
0xae: {  	[dreg:$0x1] =	wrdreg $0xFFFFFFFF  }
0xaf: {  	[dreg:$0x0] =	wrdreg $0x60  }
0xb0: {  	[dreg:$0x2] =	wrdreg s18  }
0xb1: {  	[dreg:$0x3] =	wrdreg s24  }
0xb2: {  	[dreg:$0x4] =	wrdreg s4  }
0xb3: {  	[dreg:$0x5] =	wrdreg s2  }
0xb4: {  	[dreg:$0x6] =	wrdreg $0x5BE00  }
0xb5: {  	[dreg:$0x7] =	wrdreg $0x194600  }
0xb6: {  	[dreg:$0x8] =	wrdreg $0x9  }
0xb7: {  	_ =	task.clear_ibuf [dreg:s9], $0x9FFFF;
	_ =	strace $0x90000046  }
0xb8: {  	s29 =	simm.s32 $0x9;
	_ =	strace $0x80000048  }
0xb9: {  	_ =	swait.ge [sflag:s29], $0x1  }
0xba: {  	[sflag:s29] =	ssyncadd.s32 $0xFFFFFFFF  }
0xbb: {  	_ =	strace $0x90000048  }
0xbc: {  	_ =	sfence  }
0xbd: {  	s30 =	sld [smem:$0x0];
	_ =	sdelay $0x2  }
0xbe: {  	s31 =	sshll.u32 s1, $0xD;
	s1 =	sshrl.u32 s1, $0x2  }
0xbf: {  	s3 =	sand.u32 $0x4000, s31;
	s1 =	sadd.s32 s1, s30  }
0xc0: {  	s0 =	sor.u32 s3, s0;
	s1 =	sshll.u32 s1, $0x11  }
0xc1: {  	s0 =	sor.u32 s1, s0  }
0xc2: {  	s0 =	sadd.s32 $0x8F2B, s0  }
0xc3: {  	[sflag:s0] =	ssyncadd.remote.s32 $0x1  }
0xc4: {  	_ =	sfence.sel $0xFFFF  }
0xc5: {  	[dreg:$0x0] =	wrdreg $0xFFFFFFFF;
	(pc) =	sbr.abs _section_cstart, $3  }
0xc6: {  	[dreg:$0x1] =	wrdreg $0xFFFFFFFF  }
0xc7: {  	_ =	task.clear_ibuf [dreg:s9], $0x2FFFF;
	_ =	strace $0x9FFFFFFF  }
0xc8: {  	(tm) =	ssettm $0x7FFFFFFF  }
0xc9: {  	_ =	shalt  }
tec
execute0_lowered:
.L_overlay_start_1:
0x0: {  	(tag) =	ssettag $0x1  }
0x1: {  	s0 =	rddreg [dreg:$0x0]  }
0x2: {  	s1 =	rddreg [dreg:$0x1]  }
0x3: {  	s3 =	rddreg [dreg:$0x2]  }
0x4: {  	s4 =	rddreg [dreg:$0x3]  }
0x5: {  	s5 =	rddreg [dreg:$0x4]  }
0x6: {  	s17 =	stileid.u32;
	s6 =	rddreg [dreg:$0x5];
	s7 =	simm.s32 $0x0  }
0x7: {  	s11 =	srdreg.scid;
	s28 =	simm.s32 $0x2;
	s2 =	smul.u32 $0x13880, s17  }
0x8: {  	s29 =	simm.s32 $0x1EA0;
	[smem:$0x7FF] =	sst s7;
	s9 =	smul.u32 $0x4E20, s17  }
0x9: {  	s8 =	sadd.s32 $0x3C00, s1;
	s12 =	smul.u32 $0x27100, s17;
	s20 =	sand.u32 $0x1, s11  }
0xa: {  	s19 =	smul.u32 $0x9C40, s17;
	s13 =	sadd.s32 $0x3EA00, s1;
	s24 =	sshll.u32 s17, $0x6  }
0xb: {  	_ =	strace $0x80000047;
	[dreg:$0x7] =	wrdreg s13;
	s21 =	sshll.u32 s20, $0x6  }
0xc: {  	s14 =	sshll.u32 s20, $0x4;
	s22 =	ssub.s32 $0x2, s20;
	s13 =	smul.u32 $0xFA, s17  }
0xd: {  	p0 =	seq.s32 s20, $0x0;
	s18 =	sshrl.u32 s2, $0x3;
	s10 =	sshrl.u32 s9, $0x3  }
0xe: {  	s12 =	sor.u32 s21, s12;
	s11 =	sor.u32 s14, s19;
	s23 =	sshrl.u32 s22, $0x1  }
0xf: {  	s2 =	sadd.s32 s2, s5;
	s25 =	sadd.s32 s9, s6;
	s21 =	simm.s32 $0xFA0  }
0x10: {  	s7 =	sadd.s32 s18, s1;
	s10 =	sadd.s32 s10, s1;
	s12 =	sshrl.u32 s12, $0x3  }
0x11: {  	s11 =	sshrl.u32 s11, $0x3;
	s16 =	ssub.s32 s22, s23;
	s17 =	sshrl.u32 s2, $0x3  }
0x12: {  	s18 =	simm.s32 $0x3;
	s19 =	sshrl.u32 s25, $0x3;
	s22 =	simm.s32 $0x1F40  }
0x13: {  	s23 =	simm.s32 $0x50;
	s25 =	simm.s32 $0x42E0;
	s7 =	sadd.s32 $0xDA00, s7  }
0x14: {  	s15 =	sadd.s32 s12, s1;
	s26 =	sadd.s32 $0x34C00, s10;
	[dreg:$0x8] =	wrdreg s7  }
0x15: {  	s1 =	sadd.s32 s11, s1;
	s31 =	smax.u32 s16, $0x1;
	[dreg:$0x9] =	wrdreg s26  }
0x16: {  	s11 =	sor.u32 $0x1C03, s24;
	s30 =	sadd.s32 $0x52600, s15;
	[dreg:$0xc] =	wrdreg s31  }
0x17: {  	s24 =	simm.s32 $0x2EE0;
	s1 =	sadd.s32 $0x3EC00, s1;
	[dreg:$0xa] =	wrdreg s30  }
0x18: {  	v0 =	vmov s20;
	s26 =	simm.s32 $0x1;
	[dreg:$0xb] =	wrdreg s1;
	s1 =	simm.s32 $0x0  }
.LBB2_1:
0x19: {  	s2 =	rddreg [dreg:$0x8]  }
0x1a: {  	[spmem:s17], [sflag:s11] =	dma.local [hbm:s2], $0x2710  }
0x1b: {  	_ =	swait.ge [sflag:s18], $0x2710  }
0x1c: {  	[sflag:s18] =	ssyncset.done $0x0  }
0x1d: {  	s30 =	rddreg [dreg:$0x9];
	[sflag:s18] =	ssyncadd.s32 $0xFFFFD8F0  }
0x1e: {  	[spmem:s19], [sflag:s11] =	dma.local [hbm:s30], $0x9C4  }
0x1f: {  	_ =	swait.ge [sflag:s18], $0x9C4  }
0x20: {  	s31 =	simm.s32 $0x0;
	[sflag:s18] =	ssyncset.done $0x0  }
0x21: {  	s9 =	simm.s32 $0x56E0;
	s7 =	rddreg [dreg:$0x7];
	[sflag:s18] =	ssyncadd.s32 $0xFFFFF63C  }
0x22: {  	[tilespmem:s9], [sflag:$0x3] =	stream.linear.gather [hbm4b:s7+s31], $0x500, $0x38;
	[tilespmem:$0x1E280] =	vst v63  }
0x23: {  	_ =	swait.ge [sflag:s18], $0x500  }
0x24: {  	[sflag:s18] =	ssyncset.done $0x0  }
0x25: {  	[sflag:s18] =	ssyncadd.s32 $0xFFFFFB00  }
0x26: {  	s20 =	simm.s32 $0x0;
	s2 =	simm.s32 $0x1;
	[bflag:$0x0] =	sbarrier.arrive $0xFFFF  }
.LBB2_2:
0x27: {  	s7 =	smul.u32 $0x32, s20;
	_ =	sdelay $0x1  }
0x28: {  	s7 =	sadd.s32 s13, s7  }
0x29: {  	s7 =	smul.u32 $0xA, s7;
	_ =	sdelay $0x1  }
0x2a: {  	s10 =	simm.s32 $0x0;
	s9 =	sadd.s32 s8, s7  }
0x2b: {  	[tilespmem:s10], [sflag:$0x3] =	stream.linear.gather [hbm4b:s9+s10], $0xFA0, $0x38;
	[tilespmem:$0x1E280] =	vst v63  }
0x2c: {  	_ =	swait.ge [sflag:s18], $0xFA0  }
0x2d: {  	[sflag:s18] =	ssyncset.done $0x0  }
0x2e: {  	s31 =	sadd.s32 s3, s7;
	[sflag:s18] =	ssyncadd.s32 $0xFFFFF060  }
0x2f: {  	[tilespmem:s21], [sflag:$0x3] =	stream.linear.gather [hbm4b:s31+s10], $0xFA0, $0x38;
	[tilespmem:$0x1E280] =	vst v63  }
0x30: {  	_ =	swait.ge [sflag:s18], $0xFA0  }
0x31: {  	[sflag:s18] =	ssyncset.done $0x0  }
0x32: {  	s7 =	sadd.s32 s4, s7;
	[sflag:s18] =	ssyncadd.s32 $0xFFFFF060  }
0x33: {  	[tilespmem:s22], [sflag:$0x3] =	stream.linear.gather [hbm4b:s7+s10], $0xFA0, $0x38;
	[tilespmem:$0x1E280] =	vst v63  }
0x34: {  	_ =	swait.ge [sflag:s18], $0xFA0  }
0x35: {  	[sflag:s18] =	ssyncset.done $0x0  }
0x36: {  	s30 =	simm.s32 $0x0;
	[sflag:s18] =	ssyncadd.s32 $0xFFFFF060  }
0x37: {  	v2 =	vld [tilespmem:s30+$0x1F40]  }
0x38: {  	v3 =	vld [tilespmem:s30+$0x1F50]  }
0x39: {  	v8 =	vld [tilespmem:s30+$0x1F60]  }
0x3a: {  	v11 =	vld [tilespmem:s30+$0x1F70]  }
0x3b: {  	v1 =	vld [tilespmem:s30+$0x1F80]  }
0x3c: {  	v4 =	vld [tilespmem:s30+$0xFA0]  }
0x3d: {  	v10 =	vld [tilespmem:s30+$0xFB0]  }
0x3e: {  	v7 =	vld [tilespmem:s30+$0xFC0]  }
0x3f: {  	v5 =	vld [tilespmem:s30+$0xFD0];
	v9 =	vmul.u32 $0x2710, v2  }
0x40: {  	v6 =	vld [tilespmem:s30+$0x0]  }
0x41: {  	v2 =	vld [tilespmem:s30+$0xFE0];
	v3 =	vmul.u32 $0x2710, v3;
	v9 =	vadd.s32 v4, v9  }
0x42: {  	v4 =	vld [tilespmem:s30+$0x10];
	[tilespmem:s30+$0xFA0] =	vst v9;
	v9 =	vmul.u32 $0x2710, v8  }
0x43: {  	s7 =	simm.s32 $0x140;
	v10 =	vadd.s32 v10, v3;
	v3 =	vld [tilespmem:s30+$0x20];
	v8 =	vmul.u32 $0x2710, v11  }
.LBB2_3:
0x44: {  	p1 =	sne.s32 s7, $0x3D40;
	[tilespmem:s30+$0xFB0] =	vst v10;
	v7 =	vadd.s32 v7, v9;
	v9 =	vld [tilespmem:s30+$0x30];
	v1 =	vmul.u32 $0x2710, v1  }
0x45: {  	s9 =	sshra.s32 s7, $0x2;
	[tilespmem:s30+$0xFC0] =	vst v7;
	v5 =	vadd.s32 v5, v8;
	v7 =	vld [tilespmem:s30+$0x40]  }
0x46: {  	v8 =	vld [tilespmem:s9+$0x1F40];
	v6 =	vshll.u32 v6, $0x1;
	[tilespmem:s30+$0xFD0] =	vst v5;
	v1 =	vadd.s32 v2, v1  }
0x47: {  	v10 =	vld [tilespmem:s9+$0x1F50];
	v2 =	vor.u32 v0, v6;
	v4 =	vshll.u32 v4, $0x1;
	[tilespmem:s30+$0xFE0] =	vst v1  }
0x48: {  	v11 =	vld [tilespmem:s9+$0x1F60];
	[tilespmem:s30+$0x0] =	vst v2;
	v1 =	vor.u32 v0, v4;
	v2 =	vshll.u32 v3, $0x1  }
0x49: {  	v12 =	vld [tilespmem:s9+$0x1F70];
	[tilespmem:s30+$0x10] =	vst v1;
	v2 =	vor.u32 v0, v2;
	v3 =	vshll.u32 v9, $0x1  }
0x4a: {  	v1 =	vld [tilespmem:s9+$0x1F80];
	[tilespmem:s30+$0x20] =	vst v2;
	v2 =	vor.u32 v0, v3;
	v3 =	vshll.u32 v7, $0x1  }
0x4b: {  	v4 =	vld [tilespmem:s9+$0xFA0];
	[tilespmem:s30+$0x30] =	vst v2;
	v2 =	vor.u32 v0, v3  }
0x4c: {  	v3 =	vld [tilespmem:s9+$0xFB0];
	[tilespmem:s30+$0x40] =	vst v2;
	s30 =	smov.u32 s9  }
0x4d: {  	v7 =	vld [tilespmem:s30+$0xFC0]  }
.Ltmp0:
0x4e: {  	v5 =	vld [tilespmem:s30+$0xFD0];
	(pc) =	sbr.rel @p1 .LBB2_3-.Ltmp0, $4  }
0x4f: {  	v8 =	vmul.u32 $0x2710, v8;
	v2 =	vld [tilespmem:s30+$0xFE0]  }
0x50: {  	v10 =	vmul.u32 $0x2710, v10;
	v6 =	vld [tilespmem:s30+$0x0]  }
0x51: {  	v9 =	vmul.u32 $0x2710, v11;
	v8 =	vadd.s32 v4, v8;
	v4 =	vld [tilespmem:s30+$0x10]  }
0x52: {  	s7 =	sadd.s32 $0x140, s7;
	v10 =	vadd.s32 v3, v10;
	[tilespmem:s30+$0xFA0] =	vst v8;
	v3 =	vld [tilespmem:s30+$0x20];
	v8 =	vmul.u32 $0x2710, v12  }
0x53: {  	[tilespmem:s30+$0xFB0] =	vst v10;
	v7 =	vadd.s32 v7, v9;
	v62 =	vld [tilespmem:s30+$0x30];
	v1 =	vmul.u32 $0x2710, v1  }
0x54: {  	v63 =	vld [tilespmem:s30+$0x40];
	[tilespmem:s30+$0xFC0] =	vst v7;
	v5 =	vadd.s32 v5, v8  }
0x55: {  	v6 =	vshll.u32 v6, $0x1;
	[tilespmem:s30+$0xFD0] =	vst v5;
	v1 =	vadd.s32 v2, v1  }
0x56: {  	v2 =	vor.u32 v0, v6;
	v4 =	vshll.u32 v4, $0x1;
	[tilespmem:s30+$0xFE0] =	vst v1  }
0x57: {  	[tilespmem:s30+$0x0] =	vst v2;
	v1 =	vor.u32 v0, v4;
	v2 =	vshll.u32 v3, $0x1  }
0x58: {  	[tilespmem:s30+$0x10] =	vst v1;
	v1 =	vor.u32 v0, v2;
	v2 =	vshll.u32 v62, $0x1  }
0x59: {  	[tilespmem:s30+$0x20] =	vst v1;
	v1 =	vor.u32 v0, v2;
	v2 =	vshll.u32 v63, $0x1  }
0x5a: {  	[tilespmem:s30+$0x30] =	vst v1;
	v1 =	vor.u32 v0, v2  }
0x5b: {  	s7 =	simm.s32 $0x0;
	[tilespmem:s30+$0x40] =	vst v1  }
0x5c: {  	[tilespmem:s24], [sflag:$0x1] =	stream.indirect.gather [hbm4b:s0+s23], $0x40, s7, s23, $0xb8;
	[tilespmem:$0x1E280] =	vst v63  }
0x5d: {  	s9 =	sadd.s32 $0xFFFFFFFF, s2  }
0x5e: {  	[tilespmem:s25], [sflag:$0x2] =	stream.indirect.gather [hbm4b:s0+s23], $0x40, s23, s23, $0xb8;
	[tilespmem:$0x1E280] =	vst v63  }
0x5f: {  	p1 =	sgt.u32 s9, $0x7C;
	s9 =	simm.s32 $0x1;
	_ =	swait.ge [sflag:s26], $0x1400  }
0x60: {  	s9 =	simm.s32 @!p1 $0x0;
	s30 =	simm.s32 $0x1;
	[sflag:s26] =	ssyncset.done $0x0  }
0x61: {  	s7 =	simm.s32 $0xFA0;
	s30 =	simm.s32 @!p0 $0x0;
	[sflag:s26] =	ssyncadd.s32 $0xFFFFEC00  }
0x62: {  	[spmem:s5] =	stream.indirect.scatter.add.f32 [tilespmem:s24], [sflag:$0x3], $0x40, s7, s23, $0xb8;
	[tilespmem:$0x1E280] =	vst v63  }
0x63: {  	p1 =	seq.s32 s30, s9;
	_ =	swait.ge [sflag:s18], $0x1400  }
0x64: {  	s9 =	simm.s32 @!p1 $0x50;
	[sflag:s18] =	ssyncset.done $0x0  }
0x65: {  	s10 =	simm.s32 @!p1 $0x56E0;
	s31 =	simm.s32 @!p1 $0x3;
	[sflag:s18] =	ssyncadd.s32 $0xFFFFEC00  }
0x66: {  	[spmem:s6] =	stream.indirect.scatter.add.f32 @!p1 [tilespmem:s10], [sflag:$0x3], $0x10, s7, s9, $0xb8;
	[tilespmem:$0x1E280] =	vst v63  }
0x67: {  	_ =	swait.ge @!p1 [sflag:s31], $0x500  }
0x68: {  	[sflag:s31] =	ssyncset.done @!p1 $0x0  }
0x69: {  	s16 =	simm.s32 $0xA0;
	[sflag:s31] =	ssyncadd.s32 @!p1 $0xFFFFFB00  }
0x6a: {  	[tilespmem:s24], [sflag:$0x1] =	stream.indirect.gather [hbm4b:s0+s23], $0x40, s16, s23, $0xb8;
	[tilespmem:$0x1E280] =	vst v63  }
0x6b: {  	_ =	swait.ge [sflag:s28], $0x1400  }
0x6c: {  	s7 =	simm.s32 $0xFF0;
	[sflag:s28] =	ssyncset.done $0x0  }
0x6d: {  	s9 =	simm.s32 $0x1;
	p1 =	sgt.u32 s2, $0x7C;
	[sflag:s28] =	ssyncadd.s32 $0xFFFFEC00  }
0x6e: {  	[spmem:s5] =	stream.indirect.scatter.add.f32 [tilespmem:s25], [sflag:$0x3], $0x40, s7, s23, $0xb8;
	[tilespmem:$0x1E280] =	vst v63  }
0x6f: {  	s9 =	simm.s32 @!p1 $0x0;
	_ =	swait.ge [sflag:s18], $0x1400  }
0x70: {  	p2 =	seq.s32 s30, s9;
	[sflag:s18] =	ssyncset.done $0x0  }
0x71: {  	s9 =	simm.s32 @!p2 $0x50;
	s10 =	simm.s32 @!p2 $0x56E0;
	[sflag:s18] =	ssyncadd.s32 $0xFFFFEC00  }
0x72: {  	[spmem:s6] =	stream.indirect.scatter.add.f32 @!p2 [tilespmem:s10], [sflag:$0x3], $0x10, s7, s9, $0xb8;
	[tilespmem:$0x1E280] =	vst v63  }
0x73: {  	s31 =	simm.s32 $0x280;
	s10 =	simm.s32 @!p2 $0x3  }
0x74: {  	s9 =	simm.s32 $0xF0;
	s7 =	smov.u32 s2;
	_ =	swait.ge @!p2 [sflag:s10], $0x500  }
.LBB2_5:
0x75: {  	[sflag:s10] =	ssyncset.done @!p2 $0x0  }
0x76: {  	s7 =	sadd.s32 $0x2, s7;
	s12 =	smov.u32 s31;
	s31 =	sadd.s32 $0x280, s31  }
0x77: {  	p1 =	sne.s32 s31, $0x3C00;
	[sflag:s10] =	ssyncadd.s32 @!p2 $0xFFFFFB00  }
0x78: {  	[tilespmem:s25], [sflag:$0x2] =	stream.indirect.gather [hbm4b:s0+s23], $0x40, s9, s23, $0xb8;
	[tilespmem:$0x1E280] =	vst v63  }
0x79: {  	s14 =	simm.s32 $0x1;
	s10 =	sshra.s32 s12, $0x2;
	_ =	swait.ge [sflag:s26], $0x1400  }
0x7a: {  	s12 =	sadd.s32 $0xFA0, s10;
	s9 =	sadd.s32 $0xFFFFFFFF, s7;
	[sflag:s26] =	ssyncset.done $0x0  }
0x7b: {  	p2 =	sgt.u32 s9, $0x7C;
	s9 =	sadd.s32 $0xF0, s10;
	[sflag:s26] =	ssyncadd.s32 $0xFFFFEC00  }
0x7c: {  	[spmem:s5] =	stream.indirect.scatter.add.f32 [tilespmem:s24], [sflag:$0x3], $0x40, s12, s23, $0xb8;
	[tilespmem:$0x1E280] =	vst v63  }
0x7d: {  	s14 =	simm.s32 @!p2 $0x0;
	_ =	swait.ge [sflag:s18], $0x1400  }
0x7e: {  	p2 =	seq.s32 s30, s14;
	[sflag:s18] =	ssyncset.done $0x0  }
0x7f: {  	s14 =	simm.s32 @!p2 $0x50;
	s15 =	simm.s32 @!p2 $0x56E0;
	s16 =	simm.s32 @!p2 $0x3  }
0x80: {  	[sflag:s18] =	ssyncadd.s32 $0xFFFFEC00  }
0x81: {  	[spmem:s6] =	stream.indirect.scatter.add.f32 @!p2 [tilespmem:s15], [sflag:$0x3], $0x10, s12, s14, $0xb8;
	[tilespmem:$0x1E280] =	vst v63  }
0x82: {  	s12 =	sadd.s32 $0xA0, s10;
	_ =	swait.ge @!p2 [sflag:s16], $0x500  }
0x83: {  	[sflag:s16] =	ssyncset.done @!p2 $0x0  }
0x84: {  	[sflag:s16] =	ssyncadd.s32 @!p2 $0xFFFFFB00  }
0x85: {  	[tilespmem:s24], [sflag:$0x1] =	stream.indirect.gather [hbm4b:s0+s23], $0x40, s12, s23, $0xb8;
	[tilespmem:$0x1E280] =	vst v63  }
0x86: {  	s12 =	sadd.s32 $0xFF0, s10;
	_ =	swait.ge [sflag:s28], $0x1400  }
0x87: {  	p2 =	sgt.u32 s7, $0x7C;
	s10 =	simm.s32 $0x1;
	[sflag:s28] =	ssyncset.done $0x0  }
0x88: {  	s10 =	simm.s32 @!p2 $0x0;
	[sflag:s28] =	ssyncadd.s32 $0xFFFFEC00  }
0x89: {  	[spmem:s5] =	stream.indirect.scatter.add.f32 [tilespmem:s25], [sflag:$0x3], $0x40, s12, s23, $0xb8;
	[tilespmem:$0x1E280] =	vst v63  }
.Ltmp1:
0x8a: {  	p2 =	seq.s32 s30, s10;
	_ =	swait.ge [sflag:s18], $0x1400;
	(pc) =	sbr.rel @p1 .LBB2_5-.Ltmp1, $4  }
0x8b: {  	s14 =	simm.s32 @!p2 $0x50;
	s15 =	simm.s32 @!p2 $0x56E0;
	[sflag:s18] =	ssyncset.done $0x0  }
0x8c: {  	s10 =	simm.s32 @!p2 $0x3;
	[sflag:s18] =	ssyncadd.s32 $0xFFFFEC00  }
0x8d: {  	[spmem:s6] =	stream.indirect.scatter.add.f32 @!p2 [tilespmem:s15], [sflag:$0x3], $0x10, s12, s14, $0xb8;
	[tilespmem:$0x1E280] =	vst v63  }
0x8e: {  	_ =	swait.ge @!p2 [sflag:s10], $0x500  }
0x8f: {  	[sflag:s10] =	ssyncset.done @!p2 $0x0  }
0x90: {  	[sflag:s10] =	ssyncadd.s32 @!p2 $0xFFFFFB00  }
0x91: {  	[tilespmem:s25], [sflag:$0x2] =	stream.indirect.gather [hbm4b:s0+s23], $0x40, s9, s23, $0xb8;
	[tilespmem:$0x1E280] =	vst v63  }
0x92: {  	_ =	swait.ge [sflag:s26], $0x1400  }
0x93: {  	[sflag:s26] =	ssyncset.done $0x0  }
0x94: {  	p1 =	sgt.u32 s20, $0x1;
	s7 =	simm.s32 $0x1;
	[sflag:s26] =	ssyncadd.s32 $0xFFFFEC00  }
0x95: {  	[spmem:s5] =	stream.indirect.scatter.add.f32 [tilespmem:s24], [sflag:$0x3], $0x40, s29, s23, $0xb8;
	[tilespmem:$0x1E280] =	vst v63  }
0x96: {  	s7 =	simm.s32 @!p1 $0x0;
	_ =	swait.ge [sflag:s18], $0x1400  }
0x97: {  	p1 =	seq.s32 s30, s7;
	[sflag:s18] =	ssyncset.done $0x0  }
0x98: {  	s7 =	simm.s32 @p1 $0x2;
	[sflag:s18] =	ssyncadd.s32 $0xFFFFEC00  }
0x99: {  	_ =	swait.ge @p1 [sflag:s7], $0x1400  }
0x9a: {  	s9 =	simm.s32 @p1 $0x1EF0;
	[sflag:s7] =	ssyncset.done @p1 $0x0  }
0x9b: {  	s10 =	simm.s32 @p1 $0x42E0;
	[sflag:s7] =	ssyncadd.s32 @p1 $0xFFFFEC00;
	s7 =	simm.s32 @p1 $0x50  }
0x9c: {  	[spmem:s5] =	stream.indirect.scatter.add.f32 @p1 [tilespmem:s10], [sflag:$0x3], $0x40, s9, s7, $0xb8;
	[tilespmem:$0x1E280] =	vst v63  }
0x9d: {  	s7 =	simm.s32 @p1 $0x3  }
0x9e: {  	_ =	swait.ge @p1 [sflag:s7], $0x1400  }
0x9f: {  	s9 =	simm.s32 @!p1 $0x1EA0;
	[sflag:s7] =	ssyncset.done @p1 $0x0  }
0xa0: {  	s10 =	simm.s32 @!p1 $0x56E0;
	[sflag:s7] =	ssyncadd.s32 @p1 $0xFFFFEC00;
	s7 =	simm.s32 @!p1 $0x50  }
0xa1: {  	[spmem:s6] =	stream.indirect.scatter.add.f32 @!p1 [tilespmem:s10], [sflag:$0x3], $0x10, s9, s7, $0xb8;
	[tilespmem:$0x1E280] =	vst v63  }
0xa2: {  	s9 =	simm.s32 @!p1 $0x3  }
0xa3: {  	_ =	swait.ge @!p1 [sflag:s9], $0x500  }
0xa4: {  	[sflag:s9] =	ssyncset.done @!p1 $0x0  }
0xa5: {  	s12 =	simm.s32 @!p1 $0x2;
	[sflag:s9] =	ssyncadd.s32 @!p1 $0xFFFFFB00  }
0xa6: {  	_ =	swait.ge @!p1 [sflag:s12], $0x1400  }
0xa7: {  	[sflag:s12] =	ssyncset.done @!p1 $0x0  }
0xa8: {  	s14 =	simm.s32 @!p1 $0x42E0;
	[sflag:s12] =	ssyncadd.s32 @!p1 $0xFFFFEC00;
	s12 =	simm.s32 @!p1 $0x1EF0  }
0xa9: {  	[spmem:s5] =	stream.indirect.scatter.add.f32 @!p1 [tilespmem:s14], [sflag:$0x3], $0x40, s12, s7, $0xb8;
	[tilespmem:$0x1E280] =	vst v63  }
0xaa: {  	s20 =	sadd.s32 $0x1, s20;
	_ =	swait.ge @!p1 [sflag:s9], $0x1400  }
0xab: {  	p2 =	sne.s32 s20, $0x5;
	[sflag:s9] =	ssyncset.done @!p1 $0x0  }
.Ltmp2:
0xac: {  	[sflag:s9] =	ssyncadd.s32 @!p1 $0xFFFFEC00;
	(pc) =	sbr.rel @p2 .LBB2_2-.Ltmp2, $4  }
0xad: {  	[spmem:s6] =	stream.indirect.scatter.add.f32 @!p1 [tilespmem:s10], [sflag:$0x3], $0x10, s12, s7, $0xb8;
	[tilespmem:$0x1E280] =	vst v63  }
0xae: {  	_ =	swait.ge @!p1 [sflag:s9], $0x500  }
0xaf: {  	[sflag:s9] =	ssyncset.done @!p1 $0x0  }
0xb0: {  	s2 =	sadd.s32 $0x32, s2;
	[sflag:s9] =	ssyncadd.s32 @!p1 $0xFFFFFB00  }
0xb1: {  	[bflag:$0x0] =	sbarrier.arrive $0xFFFF  }
0xb2: {  	s7 =	simm.s32 $0x10;
	s9 =	simm.s32 $0x8;
	s2 =	rddreg [dreg:$0xa]  }
0xb3: {  	[hbm:s2@s7], [sflag:s11] =	dma.strided [spmem:s17@s9], $0x2710, s26, $0x8   }
0xb4: {  	_ =	swait.ge [sflag:s18], $0x2710  }
0xb5: {  	[sflag:s18] =	ssyncset.done $0x0  }
0xb6: {  	s30 =	simm.s32 $0x4;
	s20 =	rddreg [dreg:$0xb];
	[sflag:s18] =	ssyncadd.s32 $0xFFFFD8F0  }
0xb7: {  	[hbm:s20@s30], [sflag:s11] =	dma.strided [spmem:s19@s28], $0x9C4, s26, $0x2   }
0xb8: {  	_ =	swait.ge [sflag:s18], $0x9C4  }
0xb9: {  	s1 =	sadd.s32 $0x1, s1;
	s31 =	rddreg [dreg:$0xc]  }
0xba: {  	p1 =	sne.s32 s1, s31  }
.Ltmp3:
0xbb: {  	_ = 	snop;
	(pc) =	sbr.rel @p1 .LBB2_1-.Ltmp3, $3  }
0xbc: {  	_ =	sdelay $0x1  }
0xbd: {  	[sflag:s18] =	ssyncset.done $0x0  }
0xbe: {  	[sflag:s18] =	ssyncadd.s32 $0xFFFFF63C  }
0xbf: {  	_ =	sfence.sel $0x180000  }
0xc0: {  	[bflag:$0x0] =	sbarrier.arrive $0xFFFF  }
0xc1: {  	_ =	strace $0x90000047  }
0xc2: {  	s0 =	stileid.u32;
	[bflag:$0x2] =	sbarrier.arrive $0xFFFF  }
0xc3: {  	p0 =	sne.s32 s0, $0x0;
	s0 =	rddreg [dreg:$0x6]  }
0xc4: {  	s0 =	sadd.s32 @!p0 $0x100000, s0  }
0xc5: {  	[sflag:s0] =	ssyncadd.tile.s32 @!p0 $0x1;
	_ =	shalt  }
.Lfunc_end2:
_tile_overlayer_lowered:
.L_overlay_start_2:
0xc6: {  	(tag) =	ssettag $0x2  }
0xc7: {  	s0 =	rddreg [dreg:$0x0];
	s2 =	stileid.u32  }
0xc8: {  	s1 =	rddreg [dreg:$0x1];
	p0 =	sne.s32 s2, $0x0  }
0xc9: {  	s3 =	rddreg [dreg:$0x2];
	[bflag:$0x3] =	sbarrier.arrive $0xFFFF;
	s2 =	simm.s32 @!p0 $0x1C03  }
0xca: {  	[timem:s3], [sflag:s2] =	dma.local @!p0 [hbm:s0], s1  }
0xcb: {  	s0 =	simm.s32 @!p0 $0x3  }
0xcc: {  	_ =	swait.ge @!p0 [sflag:s0], s1  }
0xcd: {  	s1 =	ssub.s32 @!p0 $0x0, s1;
	[sflag:s0] =	ssyncset.done @!p0 $0x0  }
0xce: {  	[sflag:s0] =	ssyncadd.s32 @!p0 s1  }
0xcf: {  	[bflag:$0x3] =	sbarrier.arrive $0xFFFF  }
0xd0: {  	_ =	shalt  }

// kernel: kernel.17.cloned.1.call-start
scs
__scs_entry_jumppad:
0x0: {  	(pc) =	sbr.rel $0x88, $3  }
0x1: {  	(tag) =	ssettag $0x0;
	lr =	simm.s32 $0x1  }
0x2: {  	[smem:$0x3F8E] =	sst lr;
	_ =	strace $0xD0000000  }
0x3: {  	_ = 	snop  }
0x4: {  	_ = 	snop  }
0x5: {  	_ = 	snop  }
0x6: {  	_ = 	snop  }
0x7: {  	_ = 	snop  }
__scs_overlays_trampoline_lowered:
0x8: {  	[smem:$0x3F9D] =	sst s0  }
0x9: {  	[smem:$0x3F9E] =	sst s1  }
0xa: {  	[smem:$0x3F9F] =	sst s2  }
0xb: {  	[smem:$0x3FA0] =	sst s3  }
0xc: {  	[smem:$0x3FA1] =	sst s4  }
0xd: {  	[smem:$0x3FA2] =	sst s5  }
0xe: {  	[smem:$0x3FA3] =	sst s6  }
0xf: {  	[smem:$0x3FA4] =	sst s7  }
0x10: {  	[smem:$0x3FA5] =	sst s8  }
0x11: {  	[smem:$0x3FA6] =	sst s9;
	s0 =	simm.s32 @!p0 $0x0  }
0x12: {  	s1 =	sld [smem:$0x3F8C];
	s0 =	simm.s32 @p0 $0x1  }
0x13: {  	[smem:$0x3FA7] =	sst s0;
	s0 =	simm.s32 @!p1 $0x0  }
0x14: {  	s2 =	sld [smem:$0x3F8B];
	s0 =	simm.s32 @p1 $0x1  }
0x15: {  	[smem:$0x3FA8] =	sst s0;
	s0 =	simm.s32 @!p2 $0x0  }
0x16: {  	s3 =	sld [smem:$0x3FDB];
	s0 =	simm.s32 @p2 $0x1  }
0x17: {  	s4 =	simm.s32 $0x1BF5;
	[smem:$0x3FAA] =	sst s0  }
0x18: {  	s0 =	sld [smem:$0x3F8D];
	_ =	swait.ge [sflag:s4], $0x0  }
0x19: {  	s7 =	sld [smem:$0x3F8E]  }
0x1a: {  	s8 =	sadd.s32 $0xFFFFE003, lr  }
0x1b: {  	s9 =	sadd.s32 $0xFFFFFEF7, lr;
	s5 =	simm.s32 $0xFFFFFFFF;
	p2 =	slt.u32 s8, $0xFFFFF086  }
0x1c: {  	p1 =	slt.u32 s9, $0xF7A;
	s5 =	simm.s32 @!p2 $0x0  }
0x1d: {  	s5 =	simm.s32 @p1 $0x1;
	p0 =	seq.s32 s7, s2  }
0x1e: {  	s7 =	smul.u32 @!p0 $0xF7A, s2;
	p2 =	seq.s32 @!p0 s5, $0x0  }
0x1f: {  	s9 =	smul.u32 $0xF7A, s1;
	s8 =	simm.s32 @!p0 $0x1BF5;
	p2 =	por !p2, p0  }
0x20: {  	[sflag:s8] =	ssyncset.s32 @!p0 $0xFFFFF086;
	s6 =	sadd.s32 @!p0 s3, s7;
	s7 =	simm.s32 @!p0 $0x108  }
0x21: {  	s3 =	sadd.s32 s3, s9;
	s6 =	sadd.s32 @!p0 $0x88, s6;
	s7 =	simm.s32 @p2 $0x1082  }
0x22: {  	[simem:s7], [sflag:s8] =	dma.local @!p0 [hbm:s6], $0xF7A  }
0x23: {  	s9 =	sor.u32 $0xD0000000, s2;
	s6 =	simm.s32 $0x108;
	_ =	swait.ge @!p0 [sflag:s8], $0x0  }
0x24: {  	s3 =	sadd.s32 $0x88, s3;
	s6 =	simm.s32 @!p1 $0x1082;
	[sflag:s4] =	ssyncset.s32 $0xFFFFF086  }
0x25: {  	[simem:s6], [sflag:s4] =	dma.local [hbm:s3], $0xF7A  }
0x26: {  	[smem:$0x3F8E] =	sst s1;
	(tag) =	ssettag s2;
	_ =	strace s9  }
0x27: {  	s1 =	sld [smem:$0x3F9E]  }
0x28: {  	s2 =	sld [smem:$0x3F9F]  }
0x29: {  	s4 =	sld [smem:$0x3FA1]  }
0x2a: {  	p0 =	seq.s32 s5, $0x0;
	s5 =	sld [smem:$0x3FA2]  }
0x2b: {  	s6 =	sld [smem:$0x3FA3]  }
0x2c: {  	s7 =	sld [smem:$0x3FA4]  }
0x2d: {  	s3 =	simm.s32 $0x108;
	s8 =	sld [smem:$0x3FA5]  }
0x2e: {  	s3 =	simm.s32 @!p0 $0x1082;
	s9 =	sld [smem:$0x3FA6]  }
0x2f: {  	lr =	sadd.s32 s0, s3;
	s0 =	sld [smem:$0x3F9D]  }
0x30: {  	s3 =	sld [smem:$0x3FA0]  }
0x31: {  	[smem:$0x3FA9] =	sst s10  }
0x32: {  	s10 =	sld [smem:$0x3FA7];
	_ =	sdelay $0x3  }
0x33: {  	p0 =	seq.s32 s10, $0x1;
	s10 =	sld [smem:$0x3FA9];
	_ =	sdelay $0x3  }
0x34: {  	[smem:$0x3FA9] =	sst s10  }
0x35: {  	s10 =	sld [smem:$0x3FA8];
	_ =	sdelay $0x3  }
0x36: {  	p1 =	seq.s32 s10, $0x1;
	s10 =	sld [smem:$0x3FA9];
	_ =	sdelay $0x3  }
0x37: {  	[smem:$0x3FA9] =	sst s10  }
0x38: {  	s10 =	sld [smem:$0x3FAA]  }
0x39: {  	_ = 	snop;
	(pc) =	sbr.ind lr, $3  }
0x3a: {  	_ = 	snop  }
0x3b: {  	_ = 	snop  }
0x3c: {  	p2 =	seq.s32 s10, $0x1;
	s10 =	sld [smem:$0x3FA9]  }
0x3d: {  	_ =	shalt  }
0x3e: {  	_ =	shalt  }
0x3f: {  	_ =	shalt  }
0x40: {  	_ =	shalt  }
0x41: {  	_ =	shalt  }
0x42: {  	_ =	shalt  }
0x43: {  	_ =	shalt  }
0x44: {  	_ =	shalt  }
0x45: {  	_ =	shalt  }
0x46: {  	_ =	shalt  }
0x47: {  	_ =	shalt  }
0x48: {  	_ =	shalt  }
0x49: {  	_ =	shalt  }
0x4a: {  	_ =	shalt  }
0x4b: {  	_ =	shalt  }
0x4c: {  	_ =	shalt  }
0x4d: {  	_ =	shalt  }
0x4e: {  	_ =	shalt  }
0x4f: {  	_ =	shalt  }
0x50: {  	_ =	shalt  }
0x51: {  	_ =	shalt  }
0x52: {  	_ =	shalt  }
0x53: {  	_ =	shalt  }
0x54: {  	_ =	shalt  }
0x55: {  	_ =	shalt  }
0x56: {  	_ =	shalt  }
0x57: {  	_ =	shalt  }
0x58: {  	_ =	shalt  }
0x59: {  	_ =	shalt  }
0x5a: {  	_ =	shalt  }
0x5b: {  	_ =	shalt  }
0x5c: {  	_ =	shalt  }
0x5d: {  	_ =	shalt  }
0x5e: {  	_ =	shalt  }
0x5f: {  	_ =	shalt  }
0x60: {  	_ =	shalt  }
0x61: {  	_ =	shalt  }
0x62: {  	_ =	shalt  }
0x63: {  	_ =	shalt  }
0x64: {  	_ =	shalt  }
0x65: {  	_ =	shalt  }
0x66: {  	_ =	shalt  }
0x67: {  	_ =	shalt  }
0x68: {  	_ =	shalt  }
0x69: {  	_ =	shalt  }
0x6a: {  	_ =	shalt  }
0x6b: {  	_ =	shalt  }
0x6c: {  	_ =	shalt  }
0x6d: {  	_ =	shalt  }
0x6e: {  	_ =	shalt  }
0x6f: {  	_ =	shalt  }
0x70: {  	_ =	shalt  }
0x71: {  	_ =	shalt  }
0x72: {  	_ =	shalt  }
0x73: {  	_ =	shalt  }
0x74: {  	_ =	shalt  }
0x75: {  	_ =	shalt  }
0x76: {  	_ =	shalt  }
0x77: {  	_ =	shalt  }
0x78: {  	_ =	shalt  }
0x79: {  	_ =	shalt  }
0x7a: {  	_ =	shalt  }
0x7b: {  	_ =	shalt  }
0x7c: {  	_ =	shalt  }
0x7d: {  	_ =	shalt  }
0x7e: {  	_ =	shalt  }
0x7f: {  	_ =	shalt  }
0x80: {  	_ =	shalt  }
0x81: {  	_ =	shalt  }
0x82: {  	_ =	shalt  }
0x83: {  	_ =	shalt  }
0x84: {  	_ =	shalt  }
0x85: {  	_ =	shalt  }
0x86: {  	_ =	shalt  }
0x87: {  	_ =	shalt  }
.Lfunc_end0:
.L_simem_size_0:
called_computation.1_lowered:
.L_overlay_start_0:
0x88: {  	s2 =	sld [smem:$0x3FD9]  }
0x89: {  	s3 =	sld [smem:$0x3FFE];
	_ =	sdelay $0x1  }
0x8a: {  	s1 =	srdreg.scid  }
0x8b: {  	s0 =	sand.u32 $0x1, s1  }
0x8c: {  	s17 =	sshll.u32 s0, $0xA;
	s2 =	sadd.s32 s3, s2  }
0x8d: {  	s2 =	sadd.s32 s2, s17  }
0x8e: {  	[smem:$0x3FB5] =	sst s2  }
0x8f: {  	_ = 	snop  }
0x90: {  	s2 =	sld [smem:$0x3FC8]  }
0x91: {  	s18 =	sld [smem:$0x3FD0];
	(tm) =	ssettm $0x1  }
0x92: {  	s4 =	sld [smem:$0x3FFB];
	_ =	sdelay $0x3  }
0x93: {  	_ =	strace s4  }
0x94: {  	s4 =	sld [smem:$0x3FFC];
	_ =	sdelay $0x3  }
0x95: {  	_ =	strace s4  }
0x96: {  	s4 =	sld [smem:$0x3FFD];
	_ =	sdelay $0x3  }
0x97: {  	_ =	strace s4  }
0x98: {  	_ =	strace $0x8FFFFFFF  }
0x99: {  	s19 =	sld [smem:$0x3FDB];
	_ =	sdelay $0x1  }
0x9a: {  	s5 =	simm.s32 $_scs_section_size  }
0x9b: {  	s6 =	simm.s32 $_size__tile_overlayer_lowered;
	s7 =	simm.s32 $_tile_overlayer_lowered  }
0x9c: {  	s22 =	simm.s32 $0x1BFF;
	s21 =	sshll.u32 s7, $0x1;
	s4 =	sadd.s32 s5, s19  }
0x9d: {  	s8 =	simm.s32 $0x0;
	s20 =	sshll.u32 s6, $0x1;
	s6 =	sadd.s32 s21, s4  }
0x9e: {  	[timem:s8], [sflag:s22] =	dma.local [hbm:s6], s20  }
0x9f: {  	_ =	swait.ge [sflag:s22], s20  }
0xa0: {  	s5 =	ssub.s32 $0x0, s20;
	[sflag:s22] =	ssyncset.done $0x0  }
0xa1: {  	[sflag:s22] =	ssyncadd.s32 s5;
	_ =	sdelay $0x1  }
0xa2: {  	s23 =	simm.s32 $0x1B8B  }
0xa3: {  	_ =	swait.ge [sflag:s23], $0x1  }
0xa4: {  	[sflag:s23] =	ssyncset.done $0x0  }
0xa5: {  	s25 =	simm.s32 $0x1B8E;
	s24 =	sld [smem:$0x3FFE];
	[sflag:s23] =	ssyncadd.s32 $0xFFFFFFFF  }
0xa6: {  	s26 =	simm.s32 $execute0_lowered;
	[smem:$0x3FD2] =	sst s25  }
0xa7: {  	s6 =	sshll.u32 s26, $0x1;
	_ =	strace $0x80000049;
	[dreg:$0x1] =	wrdreg $0xFFFFFFFF  }
0xa8: {  	s28 =	simm.s32 $_size_execute0_lowered;
	s4 =	sadd.s32 s4, s6;
	[dreg:$0x0] =	wrdreg $0x0  }
0xa9: {  	s6 =	sshll.u32 s28, $0x1;
	[dreg:$0x2] =	wrdreg s4  }
0xaa: {  	[dreg:$0x3] =	wrdreg s6  }
0xab: {  	[dreg:$0x4] =	wrdreg $0xC0  }
0xac: {  	_ =	task [dreg:s8], $0x5FFFF  }
0xad: {  	[dreg:$0x1] =	wrdreg $0xFFFFFFFF  }
0xae: {  	[dreg:$0x0] =	wrdreg $0x60  }
0xaf: {  	[dreg:$0x2] =	wrdreg s24  }
0xb0: {  	[dreg:$0x3] =	wrdreg s18  }
0xb1: {  	[dreg:$0x4] =	wrdreg s2  }
0xb2: {  	[dreg:$0x5] =	wrdreg $0x56E00  }
0xb3: {  	[dreg:$0x6] =	wrdreg $0x9  }
0xb4: {  	_ =	task.clear_ibuf [dreg:s8], $0x7FFFF;
	_ =	strace $0x90000049  }
0xb5: {  	s29 =	simm.s32 $0x9;
	_ =	strace $0x8000004B  }
0xb6: {  	_ =	swait.ge [sflag:s29], $0x1  }
0xb7: {  	[sflag:s29] =	ssyncadd.s32 $0xFFFFFFFF  }
0xb8: {  	_ =	strace $0x9000004B  }
0xb9: {  	_ =	sfence  }
0xba: {  	s30 =	sld [smem:$0x0];
	_ =	sdelay $0x2  }
0xbb: {  	s31 =	sshll.u32 s1, $0xD;
	s1 =	sshrl.u32 s1, $0x2  }
0xbc: {  	s3 =	sand.u32 $0x4000, s31;
	s1 =	sadd.s32 s1, s30  }
0xbd: {  	s0 =	sor.u32 s3, s0;
	s1 =	sshll.u32 s1, $0x11  }
0xbe: {  	s0 =	sor.u32 s1, s0  }
0xbf: {  	s0 =	sadd.s32 $0x8F2B, s0  }
0xc0: {  	[sflag:s0] =	ssyncadd.remote.s32 $0x1  }
0xc1: {  	_ =	sfence.sel $0xFFFF  }
0xc2: {  	[dreg:$0x0] =	wrdreg $0xFFFFFFFF;
	(pc) =	sbr.abs _section_cstart, $3  }
0xc3: {  	[dreg:$0x1] =	wrdreg $0xFFFFFFFF  }
0xc4: {  	_ =	task.clear_ibuf [dreg:s8], $0x2FFFF;
	_ =	strace $0x9FFFFFFF  }
0xc5: {  	(tm) =	ssettm $0x7FFFFFFF  }
tec
execute0_lowered:
.L_overlay_start_1:
0x0: {  	(tag) =	ssettag $0x1  }
0x1: {  	s8 =	rddreg [dreg:$0x0]  }
0x2: {  	s1 =	rddreg [dreg:$0x1]  }
0x3: {  	s3 =	rddreg [dreg:$0x2]  }
0x4: {  	s4 =	rddreg [dreg:$0x3]  }
0x5: {  	s0 =	rddreg [dreg:$0x4]  }
0x6: {  	s5 =	simm.s32 $0x0;
	s2 =	stileid.u32;
	s6 =	srdreg.scid  }
0x7: {  	s15 =	simm.s32 $0xFA0;
	s16 =	simm.s32 $0x1F40;
	s17 =	simm.s32 $0x50  }
0x8: {  	s18 =	simm.s32 $0x2EE0;
	s19 =	simm.s32 $0x42E0;
	s20 =	simm.s32 $0x1  }
0x9: {  	s21 =	simm.s32 $0x2;
	s22 =	simm.s32 $0x1EA0;
	s24 =	simm.s32 $0x10  }
0xa: {  	s25 =	simm.s32 $0x8;
	[smem:$0x7FF] =	sst s5;
	s9 =	smul.u32 $0x27100, s2  }
0xb: {  	s23 =	sand.u32 $0x1, s6;
	s10 =	smul.u32 $0x13880, s2;
	s6 =	sadd.s32 $0xEEA00, s8  }
0xc: {  	s7 =	sadd.s32 $0x3C00, s8;
	s31 =	sshll.u32 s2, $0x6;
	_ =	strace $0x8000004A  }
0xd: {  	s11 =	sshll.u32 s23, $0x6;
	s12 =	ssub.s32 $0x2, s23;
	v0 =	vmov s23;
	s23 =	simm.s32 $0x1EF0  }
0xe: {  	s9 =	sor.u32 s11, s9;
	s29 =	sshrl.u32 s10, $0x3;
	s30 =	sshrl.u32 s12, $0x1  }
0xf: {  	s14 =	sadd.s32 s10, s4;
	s10 =	smul.u32 $0xFA, s2;
	s9 =	sshrl.u32 s9, $0x3  }
0x10: {  	s11 =	sadd.s32 s29, s8;
	s12 =	ssub.s32 s12, s30;
	s13 =	sadd.s32 s9, s8  }
0x11: {  	s8 =	sadd.s32 $0xDA00, s11;
	s9 =	sor.u32 $0x1C03, s31;
	s12 =	smax.u32 s12, $0x1  }
0x12: {  	s11 =	sadd.s32 $0x115C00, s13;
	s13 =	sshrl.u32 s14, $0x3;
	s14 =	simm.s32 $0x3  }
.LBB2_1:
0x13: {  	[spmem:s13], [sflag:s9] =	dma.local [hbm:s8], $0x2710  }
0x14: {  	_ =	swait.ge [sflag:s14], $0x2710  }
0x15: {  	[sflag:s14] =	ssyncset.done $0x0  }
0x16: {  	[sflag:s14] =	ssyncadd.s32 $0xFFFFD8F0  }
0x17: {  	s26 =	simm.s32 $0x0;
	[bflag:$0x0] =	sbarrier.arrive $0xFFFF  }
.LBB2_2:
0x18: {  	s28 =	smul.u32 $0x32, s26;
	_ =	sdelay $0x1  }
0x19: {  	s28 =	sadd.s32 s10, s28  }
0x1a: {  	s28 =	smul.u32 $0xA, s28;
	_ =	sdelay $0x1  }
0x1b: {  	s30 =	simm.s32 $0x0;
	s29 =	sadd.s32 s7, s28  }
0x1c: {  	[tilespmem:s30], [sflag:$0x3] =	stream.linear.gather [hbm4b:s29+s30], $0xFA0, $0x38;
	[tilespmem:$0x18F60] =	vst v63  }
0x1d: {  	_ =	swait.ge [sflag:s14], $0xFA0  }
0x1e: {  	[sflag:s14] =	ssyncset.done $0x0  }
0x1f: {  	s29 =	sadd.s32 s1, s28;
	[sflag:s14] =	ssyncadd.s32 $0xFFFFF060  }
0x20: {  	[tilespmem:s15], [sflag:$0x3] =	stream.linear.gather [hbm4b:s29+s30], $0xFA0, $0x38;
	[tilespmem:$0x18F60] =	vst v63  }
0x21: {  	_ =	swait.ge [sflag:s14], $0xFA0  }
0x22: {  	[sflag:s14] =	ssyncset.done $0x0  }
0x23: {  	s28 =	sadd.s32 s3, s28;
	[sflag:s14] =	ssyncadd.s32 $0xFFFFF060  }
0x24: {  	[tilespmem:s16], [sflag:$0x3] =	stream.linear.gather [hbm4b:s28+s30], $0xFA0, $0x38;
	[tilespmem:$0x18F60] =	vst v63  }
0x25: {  	_ =	swait.ge [sflag:s14], $0xFA0  }
0x26: {  	[sflag:s14] =	ssyncset.done $0x0  }
0x27: {  	s28 =	simm.s32 $0x0;
	[sflag:s14] =	ssyncadd.s32 $0xFFFFF060  }
0x28: {  	v2 =	vld [tilespmem:s28+$0x1F40]  }
0x29: {  	v3 =	vld [tilespmem:s28+$0x1F50]  }
0x2a: {  	v8 =	vld [tilespmem:s28+$0x1F60]  }
0x2b: {  	v11 =	vld [tilespmem:s28+$0x1F70]  }
0x2c: {  	v1 =	vld [tilespmem:s28+$0x1F80]  }
0x2d: {  	v4 =	vld [tilespmem:s28+$0xFA0]  }
0x2e: {  	v10 =	vld [tilespmem:s28+$0xFB0]  }
0x2f: {  	v7 =	vld [tilespmem:s28+$0xFC0]  }
0x30: {  	v5 =	vld [tilespmem:s28+$0xFD0];
	v9 =	vmul.u32 $0x2710, v2  }
0x31: {  	v6 =	vld [tilespmem:s28+$0x0]  }
0x32: {  	v2 =	vld [tilespmem:s28+$0xFE0];
	v3 =	vmul.u32 $0x2710, v3;
	v9 =	vadd.s32 v4, v9  }
0x33: {  	v4 =	vld [tilespmem:s28+$0x10];
	[tilespmem:s28+$0xFA0] =	vst v9;
	v9 =	vmul.u32 $0x2710, v8  }
0x34: {  	s29 =	simm.s32 $0x140;
	v10 =	vadd.s32 v10, v3;
	v3 =	vld [tilespmem:s28+$0x20];
	v8 =	vmul.u32 $0x2710, v11  }
.LBB2_3:
0x35: {  	p0 =	sne.s32 s29, $0x3D40;
	[tilespmem:s28+$0xFB0] =	vst v10;
	v7 =	vadd.s32 v7, v9;
	v9 =	vld [tilespmem:s28+$0x30];
	v1 =	vmul.u32 $0x2710, v1  }
0x36: {  	s30 =	sshra.s32 s29, $0x2;
	[tilespmem:s28+$0xFC0] =	vst v7;
	v5 =	vadd.s32 v5, v8;
	v7 =	vld [tilespmem:s28+$0x40]  }
0x37: {  	v8 =	vld [tilespmem:s30+$0x1F40];
	v6 =	vshll.u32 v6, $0x1;
	[tilespmem:s28+$0xFD0] =	vst v5;
	v1 =	vadd.s32 v2, v1  }
0x38: {  	v10 =	vld [tilespmem:s30+$0x1F50];
	v2 =	vor.u32 v0, v6;
	v4 =	vshll.u32 v4, $0x1;
	[tilespmem:s28+$0xFE0] =	vst v1  }
0x39: {  	v11 =	vld [tilespmem:s30+$0x1F60];
	[tilespmem:s28+$0x0] =	vst v2;
	v1 =	vor.u32 v0, v4;
	v2 =	vshll.u32 v3, $0x1  }
0x3a: {  	v12 =	vld [tilespmem:s30+$0x1F70];
	[tilespmem:s28+$0x10] =	vst v1;
	v2 =	vor.u32 v0, v2;
	v3 =	vshll.u32 v9, $0x1  }
0x3b: {  	v1 =	vld [tilespmem:s30+$0x1F80];
	[tilespmem:s28+$0x20] =	vst v2;
	v2 =	vor.u32 v0, v3;
	v3 =	vshll.u32 v7, $0x1  }
0x3c: {  	v4 =	vld [tilespmem:s30+$0xFA0];
	[tilespmem:s28+$0x30] =	vst v2;
	v2 =	vor.u32 v0, v3  }
0x3d: {  	v3 =	vld [tilespmem:s30+$0xFB0];
	[tilespmem:s28+$0x40] =	vst v2;
	s28 =	smov.u32 s30  }
0x3e: {  	v7 =	vld [tilespmem:s28+$0xFC0]  }
.Ltmp0:
0x3f: {  	v5 =	vld [tilespmem:s28+$0xFD0];
	(pc) =	sbr.rel @p0 .LBB2_3-.Ltmp0, $4  }
0x40: {  	v8 =	vmul.u32 $0x2710, v8;
	v2 =	vld [tilespmem:s28+$0xFE0]  }
0x41: {  	v10 =	vmul.u32 $0x2710, v10;
	v6 =	vld [tilespmem:s28+$0x0]  }
0x42: {  	v9 =	vmul.u32 $0x2710, v11;
	v8 =	vadd.s32 v4, v8;
	v4 =	vld [tilespmem:s28+$0x10]  }
0x43: {  	s29 =	sadd.s32 $0x140, s29;
	v10 =	vadd.s32 v3, v10;
	[tilespmem:s28+$0xFA0] =	vst v8;
	v3 =	vld [tilespmem:s28+$0x20];
	v8 =	vmul.u32 $0x2710, v12  }
0x44: {  	[tilespmem:s28+$0xFB0] =	vst v10;
	v7 =	vadd.s32 v7, v9;
	v62 =	vld [tilespmem:s28+$0x30];
	v1 =	vmul.u32 $0x2710, v1  }
0x45: {  	v63 =	vld [tilespmem:s28+$0x40];
	[tilespmem:s28+$0xFC0] =	vst v7;
	v5 =	vadd.s32 v5, v8  }
0x46: {  	v6 =	vshll.u32 v6, $0x1;
	[tilespmem:s28+$0xFD0] =	vst v5;
	v1 =	vadd.s32 v2, v1  }
0x47: {  	v2 =	vor.u32 v0, v6;
	v4 =	vshll.u32 v4, $0x1;
	[tilespmem:s28+$0xFE0] =	vst v1  }
0x48: {  	[tilespmem:s28+$0x0] =	vst v2;
	v1 =	vor.u32 v0, v4;
	v2 =	vshll.u32 v3, $0x1  }
0x49: {  	[tilespmem:s28+$0x10] =	vst v1;
	v1 =	vor.u32 v0, v2;
	v2 =	vshll.u32 v62, $0x1  }
0x4a: {  	[tilespmem:s28+$0x20] =	vst v1;
	v1 =	vor.u32 v0, v2;
	v2 =	vshll.u32 v63, $0x1  }
0x4b: {  	[tilespmem:s28+$0x30] =	vst v1;
	v1 =	vor.u32 v0, v2  }
0x4c: {  	[tilespmem:s28+$0x40] =	vst v1;
	s28 =	simm.s32 $0x0  }
0x4d: {  	[tilespmem:s18], [sflag:$0x1] =	stream.indirect.gather [hbm4b:s6+s17], $0x40, s28, s17, $0xb8;
	[tilespmem:$0x18F60] =	vst v63  }
0x4e: {  	_ = 	snop  }
0x4f: {  	[tilespmem:s19], [sflag:$0x2] =	stream.indirect.gather [hbm4b:s6+s17], $0x40, s17, s17, $0xb8;
	[tilespmem:$0x18F60] =	vst v63  }
0x50: {  	_ =	swait.ge [sflag:s20], $0x1400  }
0x51: {  	[sflag:s20] =	ssyncset.done $0x0  }
0x52: {  	s28 =	simm.s32 $0xFA0;
	[sflag:s20] =	ssyncadd.s32 $0xFFFFEC00  }
0x53: {  	[spmem:s4] =	stream.indirect.scatter.add.f32 [tilespmem:s18], [sflag:$0x3], $0x40, s28, s17, $0xb8;
	[tilespmem:$0x18F60] =	vst v63  }
0x54: {  	_ =	swait.ge [sflag:s14], $0x1400  }
0x55: {  	[sflag:s14] =	ssyncset.done $0x0  }
0x56: {  	s28 =	simm.s32 $0xA0;
	[sflag:s14] =	ssyncadd.s32 $0xFFFFEC00  }
0x57: {  	[tilespmem:s18], [sflag:$0x1] =	stream.indirect.gather [hbm4b:s6+s17], $0x40, s28, s17, $0xb8;
	[tilespmem:$0x18F60] =	vst v63  }
0x58: {  	_ =	swait.ge [sflag:s21], $0x1400  }
0x59: {  	[sflag:s21] =	ssyncset.done $0x0  }
0x5a: {  	s28 =	simm.s32 $0xFF0;
	[sflag:s21] =	ssyncadd.s32 $0xFFFFEC00  }
0x5b: {  	[spmem:s4] =	stream.indirect.scatter.add.f32 [tilespmem:s19], [sflag:$0x3], $0x40, s28, s17, $0xb8;
	[tilespmem:$0x18F60] =	vst v63  }
0x5c: {  	_ =	swait.ge [sflag:s14], $0x1400  }
0x5d: {  	[sflag:s14] =	ssyncset.done $0x0  }
0x5e: {  	s29 =	simm.s32 $0xF0;
	s28 =	simm.s32 $0x280;
	[sflag:s14] =	ssyncadd.s32 $0xFFFFEC00  }
.LBB2_5:
0x5f: {  	[tilespmem:s19], [sflag:$0x2] =	stream.indirect.gather [hbm4b:s6+s17], $0x40, s29, s17, $0xb8;
	[tilespmem:$0x18F60] =	vst v63  }
0x60: {  	s29 =	smov.u32 s28  }
0x61: {  	p0 =	sne.s32 s28, $0x3980;
	s28 =	sadd.s32 $0x280, s28;
	_ =	swait.ge [sflag:s20], $0x1400  }
0x62: {  	s29 =	sshra.s32 s29, $0x2;
	[sflag:s20] =	ssyncset.done $0x0  }
0x63: {  	s30 =	sadd.s32 $0xFA0, s29;
	[sflag:s20] =	ssyncadd.s32 $0xFFFFEC00  }
0x64: {  	[spmem:s4] =	stream.indirect.scatter.add.f32 [tilespmem:s18], [sflag:$0x3], $0x40, s30, s17, $0xb8;
	[tilespmem:$0x18F60] =	vst v63  }
0x65: {  	_ =	swait.ge [sflag:s14], $0x1400  }
0x66: {  	[sflag:s14] =	ssyncset.done $0x0  }
0x67: {  	s30 =	sadd.s32 $0xA0, s29;
	[sflag:s14] =	ssyncadd.s32 $0xFFFFEC00  }
0x68: {  	[tilespmem:s18], [sflag:$0x1] =	stream.indirect.gather [hbm4b:s6+s17], $0x40, s30, s17, $0xb8;
	[tilespmem:$0x18F60] =	vst v63  }
0x69: {  	_ =	swait.ge [sflag:s21], $0x1400  }
0x6a: {  	[sflag:s21] =	ssyncset.done $0x0  }
.Ltmp1:
0x6b: {  	s30 =	sadd.s32 $0xFF0, s29;
	[sflag:s21] =	ssyncadd.s32 $0xFFFFEC00;
	(pc) =	sbr.rel @p0 .LBB2_5-.Ltmp1, $4  }
0x6c: {  	[spmem:s4] =	stream.indirect.scatter.add.f32 [tilespmem:s19], [sflag:$0x3], $0x40, s30, s17, $0xb8;
	[tilespmem:$0x18F60] =	vst v63  }
0x6d: {  	_ =	swait.ge [sflag:s14], $0x1400  }
0x6e: {  	[sflag:s14] =	ssyncset.done $0x0  }
0x6f: {  	s29 =	sadd.s32 $0xF0, s29;
	[sflag:s14] =	ssyncadd.s32 $0xFFFFEC00  }
0x70: {  	[tilespmem:s19], [sflag:$0x2] =	stream.indirect.gather [hbm4b:s6+s17], $0x40, s29, s17, $0xb8;
	[tilespmem:$0x18F60] =	vst v63  }
0x71: {  	_ =	swait.ge [sflag:s20], $0x1400  }
0x72: {  	[sflag:s20] =	ssyncset.done $0x0  }
0x73: {  	[sflag:s20] =	ssyncadd.s32 $0xFFFFEC00  }
0x74: {  	[spmem:s4] =	stream.indirect.scatter.add.f32 [tilespmem:s18], [sflag:$0x3], $0x40, s22, s17, $0xb8;
	[tilespmem:$0x18F60] =	vst v63  }
0x75: {  	_ =	swait.ge [sflag:s14], $0x1400  }
0x76: {  	[sflag:s14] =	ssyncset.done $0x0  }
0x77: {  	[sflag:s14] =	ssyncadd.s32 $0xFFFFEC00  }
0x78: {  	s26 =	sadd.s32 $0x1, s26;
	_ =	swait.ge [sflag:s21], $0x1400  }
0x79: {  	p0 =	sne.s32 s26, $0x5;
	[sflag:s21] =	ssyncset.done $0x0  }
.Ltmp2:
0x7a: {  	[sflag:s21] =	ssyncadd.s32 $0xFFFFEC00;
	(pc) =	sbr.rel @p0 .LBB2_2-.Ltmp2, $4  }
0x7b: {  	[spmem:s4] =	stream.indirect.scatter.add.f32 [tilespmem:s19], [sflag:$0x3], $0x40, s23, s17, $0xb8;
	[tilespmem:$0x18F60] =	vst v63  }
0x7c: {  	_ =	swait.ge [sflag:s14], $0x1400  }
0x7d: {  	[sflag:s14] =	ssyncset.done $0x0  }
0x7e: {  	[sflag:s14] =	ssyncadd.s32 $0xFFFFEC00  }
0x7f: {  	s5 =	sadd.s32 $0x1, s5  }
0x80: {  	p0 =	sne.s32 s5, s12  }
.Ltmp3:
0x81: {  	[bflag:$0x0] =	sbarrier.arrive $0xFFFF;
	(pc) =	sbr.rel @p0 .LBB2_1-.Ltmp3, $4  }
0x82: {  	[hbm:s11@s24], [sflag:s9] =	dma.strided [spmem:s13@s25], $0x2710, s20, $0x8   }
0x83: {  	_ =	swait.ge [sflag:s14], $0x2710  }
0x84: {  	[sflag:s14] =	ssyncset.done $0x0  }
0x85: {  	[sflag:s14] =	ssyncadd.s32 $0xFFFFD8F0  }
0x86: {  	_ =	sfence.sel $0x180000  }
0x87: {  	[bflag:$0x0] =	sbarrier.arrive $0xFFFF  }
0x88: {  	p0 =	sne.s32 s2, $0x0;
	_ =	strace $0x9000004A  }
0x89: {  	s0 =	sadd.s32 @!p0 $0x100000, s0;
	[bflag:$0x2] =	sbarrier.arrive $0xFFFF  }
0x8a: {  	[sflag:s0] =	ssyncadd.tile.s32 @!p0 $0x1;
	_ =	shalt  }
.Lfunc_end2:
_tile_overlayer_lowered:
.L_overlay_start_2:
0x8b: {  	(tag) =	ssettag $0x2  }
0x8c: {  	s0 =	rddreg [dreg:$0x0];
	s2 =	stileid.u32  }
0x8d: {  	s1 =	rddreg [dreg:$0x1];
	p0 =	sne.s32 s2, $0x0  }
0x8e: {  	s3 =	rddreg [dreg:$0x2];
	[bflag:$0x3] =	sbarrier.arrive $0xFFFF;
	s2 =	simm.s32 @!p0 $0x1C03  }
0x8f: {  	[timem:s3], [sflag:s2] =	dma.local @!p0 [hbm:s0], s1  }
0x90: {  	s0 =	simm.s32 @!p0 $0x3  }
0x91: {  	_ =	swait.ge @!p0 [sflag:s0], s1  }
0x92: {  	s1 =	ssub.s32 @!p0 $0x0, s1;
	[sflag:s0] =	ssyncset.done @!p0 $0x0  }
0x93: {  	[sflag:s0] =	ssyncadd.s32 @!p0 s1  }
0x94: {  	[bflag:$0x3] =	sbarrier.arrive $0xFFFF  }
0x95: {  	_ =	shalt  }

// kernel: kernel.20.cloned.1.call-start
scs
__scs_entry_jumppad:
0x0: {  	(pc) =	sbr.rel $0x88, $3  }
0x1: {  	(tag) =	ssettag $0x0;
	lr =	simm.s32 $0x1  }
0x2: {  	[smem:$0x3F8E] =	sst lr;
	_ =	strace $0xD0000000  }
0x3: {  	_ = 	snop  }
0x4: {  	_ = 	snop  }
0x5: {  	_ = 	snop  }
0x6: {  	_ = 	snop  }
0x7: {  	_ = 	snop  }
__scs_overlays_trampoline_lowered:
0x8: {  	[smem:$0x3F9D] =	sst s0  }
0x9: {  	[smem:$0x3F9E] =	sst s1  }
0xa: {  	[smem:$0x3F9F] =	sst s2  }
0xb: {  	[smem:$0x3FA0] =	sst s3  }
0xc: {  	[smem:$0x3FA1] =	sst s4  }
0xd: {  	[smem:$0x3FA2] =	sst s5  }
0xe: {  	[smem:$0x3FA3] =	sst s6  }
0xf: {  	[smem:$0x3FA4] =	sst s7  }
0x10: {  	[smem:$0x3FA5] =	sst s8  }
0x11: {  	[smem:$0x3FA6] =	sst s9;
	s0 =	simm.s32 @!p0 $0x0  }
0x12: {  	s1 =	sld [smem:$0x3F8C];
	s0 =	simm.s32 @p0 $0x1  }
0x13: {  	[smem:$0x3FA7] =	sst s0;
	s0 =	simm.s32 @!p1 $0x0  }
0x14: {  	s2 =	sld [smem:$0x3F8B];
	s0 =	simm.s32 @p1 $0x1  }
0x15: {  	[smem:$0x3FA8] =	sst s0;
	s0 =	simm.s32 @!p2 $0x0  }
0x16: {  	s3 =	sld [smem:$0x3FDB];
	s0 =	simm.s32 @p2 $0x1  }
0x17: {  	s4 =	simm.s32 $0x1BF5;
	[smem:$0x3FAA] =	sst s0  }
0x18: {  	s0 =	sld [smem:$0x3F8D];
	_ =	swait.ge [sflag:s4], $0x0  }
0x19: {  	s7 =	sld [smem:$0x3F8E]  }
0x1a: {  	s8 =	sadd.s32 $0xFFFFE003, lr  }
0x1b: {  	s9 =	sadd.s32 $0xFFFFFEF7, lr;
	s5 =	simm.s32 $0xFFFFFFFF;
	p2 =	slt.u32 s8, $0xFFFFF086  }
0x1c: {  	p1 =	slt.u32 s9, $0xF7A;
	s5 =	simm.s32 @!p2 $0x0  }
0x1d: {  	s5 =	simm.s32 @p1 $0x1;
	p0 =	seq.s32 s7, s2  }
0x1e: {  	s7 =	smul.u32 @!p0 $0xF7A, s2;
	p2 =	seq.s32 @!p0 s5, $0x0  }
0x1f: {  	s9 =	smul.u32 $0xF7A, s1;
	s8 =	simm.s32 @!p0 $0x1BF5;
	p2 =	por !p2, p0  }
0x20: {  	[sflag:s8] =	ssyncset.s32 @!p0 $0xFFFFF086;
	s6 =	sadd.s32 @!p0 s3, s7;
	s7 =	simm.s32 @!p0 $0x108  }
0x21: {  	s3 =	sadd.s32 s3, s9;
	s6 =	sadd.s32 @!p0 $0x88, s6;
	s7 =	simm.s32 @p2 $0x1082  }
0x22: {  	[simem:s7], [sflag:s8] =	dma.local @!p0 [hbm:s6], $0xF7A  }
0x23: {  	s9 =	sor.u32 $0xD0000000, s2;
	s6 =	simm.s32 $0x108;
	_ =	swait.ge @!p0 [sflag:s8], $0x0  }
0x24: {  	s3 =	sadd.s32 $0x88, s3;
	s6 =	simm.s32 @!p1 $0x1082;
	[sflag:s4] =	ssyncset.s32 $0xFFFFF086  }
0x25: {  	[simem:s6], [sflag:s4] =	dma.local [hbm:s3], $0xF7A  }
0x26: {  	[smem:$0x3F8E] =	sst s1;
	(tag) =	ssettag s2;
	_ =	strace s9  }
0x27: {  	s1 =	sld [smem:$0x3F9E]  }
0x28: {  	s2 =	sld [smem:$0x3F9F]  }
0x29: {  	s4 =	sld [smem:$0x3FA1]  }
0x2a: {  	p0 =	seq.s32 s5, $0x0;
	s5 =	sld [smem:$0x3FA2]  }
0x2b: {  	s6 =	sld [smem:$0x3FA3]  }
0x2c: {  	s7 =	sld [smem:$0x3FA4]  }
0x2d: {  	s3 =	simm.s32 $0x108;
	s8 =	sld [smem:$0x3FA5]  }
0x2e: {  	s3 =	simm.s32 @!p0 $0x1082;
	s9 =	sld [smem:$0x3FA6]  }
0x2f: {  	lr =	sadd.s32 s0, s3;
	s0 =	sld [smem:$0x3F9D]  }
0x30: {  	s3 =	sld [smem:$0x3FA0]  }
0x31: {  	[smem:$0x3FA9] =	sst s10  }
0x32: {  	s10 =	sld [smem:$0x3FA7];
	_ =	sdelay $0x3  }
0x33: {  	p0 =	seq.s32 s10, $0x1;
	s10 =	sld [smem:$0x3FA9];
	_ =	sdelay $0x3  }
0x34: {  	[smem:$0x3FA9] =	sst s10  }
0x35: {  	s10 =	sld [smem:$0x3FA8];
	_ =	sdelay $0x3  }
0x36: {  	p1 =	seq.s32 s10, $0x1;
	s10 =	sld [smem:$0x3FA9];
	_ =	sdelay $0x3  }
0x37: {  	[smem:$0x3FA9] =	sst s10  }
0x38: {  	s10 =	sld [smem:$0x3FAA]  }
0x39: {  	_ = 	snop;
	(pc) =	sbr.ind lr, $3  }
0x3a: {  	_ = 	snop  }
0x3b: {  	_ = 	snop  }
0x3c: {  	p2 =	seq.s32 s10, $0x1;
	s10 =	sld [smem:$0x3FA9]  }
0x3d: {  	_ =	shalt  }
0x3e: {  	_ =	shalt  }
0x3f: {  	_ =	shalt  }
0x40: {  	_ =	shalt  }
0x41: {  	_ =	shalt  }
0x42: {  	_ =	shalt  }
0x43: {  	_ =	shalt  }
0x44: {  	_ =	shalt  }
0x45: {  	_ =	shalt  }
0x46: {  	_ =	shalt  }
0x47: {  	_ =	shalt  }
0x48: {  	_ =	shalt  }
0x49: {  	_ =	shalt  }
0x4a: {  	_ =	shalt  }
0x4b: {  	_ =	shalt  }
0x4c: {  	_ =	shalt  }
0x4d: {  	_ =	shalt  }
0x4e: {  	_ =	shalt  }
0x4f: {  	_ =	shalt  }
0x50: {  	_ =	shalt  }
0x51: {  	_ =	shalt  }
0x52: {  	_ =	shalt  }
0x53: {  	_ =	shalt  }
0x54: {  	_ =	shalt  }
0x55: {  	_ =	shalt  }
0x56: {  	_ =	shalt  }
0x57: {  	_ =	shalt  }
0x58: {  	_ =	shalt  }
0x59: {  	_ =	shalt  }
0x5a: {  	_ =	shalt  }
0x5b: {  	_ =	shalt  }
0x5c: {  	_ =	shalt  }
0x5d: {  	_ =	shalt  }
0x5e: {  	_ =	shalt  }
0x5f: {  	_ =	shalt  }
0x60: {  	_ =	shalt  }
0x61: {  	_ =	shalt  }
0x62: {  	_ =	shalt  }
0x63: {  	_ =	shalt  }
0x64: {  	_ =	shalt  }
0x65: {  	_ =	shalt  }
0x66: {  	_ =	shalt  }
0x67: {  	_ =	shalt  }
0x68: {  	_ =	shalt  }
0x69: {  	_ =	shalt  }
0x6a: {  	_ =	shalt  }
0x6b: {  	_ =	shalt  }
0x6c: {  	_ =	shalt  }
0x6d: {  	_ =	shalt  }
0x6e: {  	_ =	shalt  }
0x6f: {  	_ =	shalt  }
0x70: {  	_ =	shalt  }
0x71: {  	_ =	shalt  }
0x72: {  	_ =	shalt  }
0x73: {  	_ =	shalt  }
0x74: {  	_ =	shalt  }
0x75: {  	_ =	shalt  }
0x76: {  	_ =	shalt  }
0x77: {  	_ =	shalt  }
0x78: {  	_ =	shalt  }
0x79: {  	_ =	shalt  }
0x7a: {  	_ =	shalt  }
0x7b: {  	_ =	shalt  }
0x7c: {  	_ =	shalt  }
0x7d: {  	_ =	shalt  }
0x7e: {  	_ =	shalt  }
0x7f: {  	_ =	shalt  }
0x80: {  	_ =	shalt  }
0x81: {  	_ =	shalt  }
0x82: {  	_ =	shalt  }
0x83: {  	_ =	shalt  }
0x84: {  	_ =	shalt  }
0x85: {  	_ =	shalt  }
0x86: {  	_ =	shalt  }
0x87: {  	_ =	shalt  }
.Lfunc_end0:
.L_simem_size_0:
called_computation.2_lowered:
.L_overlay_start_0:
0x88: {  	s2 =	sld [smem:$0x3FD9]  }
0x89: {  	s3 =	sld [smem:$0x3FFE];
	_ =	sdelay $0x1  }
0x8a: {  	s1 =	srdreg.scid  }
0x8b: {  	s0 =	sand.u32 $0x1, s1  }
0x8c: {  	s17 =	sshll.u32 s0, $0xA;
	s2 =	sadd.s32 s3, s2  }
0x8d: {  	s2 =	sadd.s32 s2, s17  }
0x8e: {  	[smem:$0x3FB5] =	sst s2  }
0x8f: {  	_ = 	snop  }
0x90: {  	s18 =	sld [smem:$0x3FD0];
	(tm) =	ssettm $0x1  }
0x91: {  	s19 =	sld [smem:$0x3FFB];
	_ =	sdelay $0x3  }
0x92: {  	_ =	strace s19  }
0x93: {  	s2 =	sld [smem:$0x3FFC];
	_ =	sdelay $0x3  }
0x94: {  	_ =	strace s2  }
0x95: {  	s2 =	sld [smem:$0x3FFD];
	_ =	sdelay $0x3  }
0x96: {  	_ =	strace s2  }
0x97: {  	_ =	strace $0x8FFFFFFF  }
0x98: {  	s20 =	sld [smem:$0x3FDB];
	_ =	sdelay $0x1  }
0x99: {  	s4 =	simm.s32 $_scs_section_size  }
0x9a: {  	s5 =	simm.s32 $_size__tile_overlayer_lowered;
	s6 =	simm.s32 $_tile_overlayer_lowered  }
0x9b: {  	s7 =	simm.s32 $0x1BFF;
	s21 =	sshll.u32 s6, $0x1;
	s4 =	sadd.s32 s4, s20  }
0x9c: {  	s22 =	simm.s32 $0x0;
	s5 =	sshll.u32 s5, $0x1;
	s6 =	sadd.s32 s21, s4  }
0x9d: {  	[timem:s22], [sflag:s7] =	dma.local [hbm:s6], s5  }
0x9e: {  	_ =	swait.ge [sflag:s7], s5  }
0x9f: {  	s5 =	ssub.s32 $0x0, s5;
	[sflag:s7] =	ssyncset.done $0x0  }
0xa0: {  	[sflag:s7] =	ssyncadd.s32 s5;
	_ =	sdelay $0x1  }
0xa1: {  	s23 =	simm.s32 $0x1B8B  }
0xa2: {  	_ =	swait.ge [sflag:s23], $0x1  }
0xa3: {  	[sflag:s23] =	ssyncset.done $0x0  }
0xa4: {  	[sflag:s23] =	ssyncadd.s32 $0xFFFFFFFF  }
0xa5: {  	s5 =	sld [smem:$0x0]  }
0xa6: {  	s6 =	sand.u32 $0xFFFFFFFE, s1  }
0xa7: {  	p0 =	sne.s32 s1, s6  }
0xa8: {  	s6 =	sshll.u32 @p0 s6, $0xE  }
0xa9: {  	s6 =	sadd.s32 @p0 $0x11B8D, s6;
	s7 =	sshll.u32 @p0 s5, $0x11  }
0xaa: {  	s6 =	sor.u32 @p0 s7, s6  }
0xab: {  	[sflag:s6] =	ssyncadd.remote.s32 @p0 $0x1;
	_ =	sdelay $0x1  }
0xac: {  	s6 =	simm.s32 @p0 $0x1B8D  }
0xad: {  	_ =	swait.eq @p0 [sflag:s6], $0x1  }
0xae: {  	[sflag:s6] =	ssyncadd.s32 @p0 $0xFFFFFFFF  }
0xaf: {  	s7 =	sshll.u32 @!p0 s1, $0xE  }
0xb0: {  	s7 =	sor.u32 @!p0 $0x4000, s7;
	s6 =	simm.s32 @!p0 $0x1B8D  }
0xb1: {  	s5 =	sshll.u32 @!p0 s5, $0x11;
	s7 =	sadd.s32 @!p0 $0x11B8D, s7;
	_ =	swait.eq @!p0 [sflag:s6], $0x1  }
0xb2: {  	s5 =	sor.u32 @!p0 s5, s7;
	[sflag:s6] =	ssyncadd.s32 @!p0 $0xFFFFFFFF  }
0xb3: {  	s25 =	simm.s32 $0x1B8E;
	s24 =	sld [smem:$0x3FFE];
	[sflag:s5] =	ssyncadd.remote.s32 @!p0 $0x1  }
0xb4: {  	s26 =	simm.s32 $execute0_lowered;
	[smem:$0x3FD2] =	sst s25  }
0xb5: {  	s6 =	sshll.u32 s26, $0x1;
	_ =	strace $0x8000004F;
	[dreg:$0x1] =	wrdreg $0xFFFFFFFF  }
0xb6: {  	s28 =	simm.s32 $_size_execute0_lowered;
	s4 =	sadd.s32 s4, s6;
	[dreg:$0x0] =	wrdreg $0x0  }
0xb7: {  	s6 =	sshll.u32 s28, $0x1;
	[dreg:$0x2] =	wrdreg s4  }
0xb8: {  	[dreg:$0x3] =	wrdreg s6  }
0xb9: {  	[dreg:$0x4] =	wrdreg $0xC0  }
0xba: {  	_ =	task [dreg:s22], $0x5FFFF  }
0xbb: {  	[dreg:$0x1] =	wrdreg $0xFFFFFFFF  }
0xbc: {  	[dreg:$0x0] =	wrdreg $0x60  }
0xbd: {  	[dreg:$0x2] =	wrdreg s24  }
0xbe: {  	[dreg:$0x3] =	wrdreg s18  }
0xbf: {  	[dreg:$0x4] =	wrdreg $0x9  }
0xc0: {  	_ =	task.clear_ibuf [dreg:s22], $0x5FFFF;
	_ =	strace $0x9000004F  }
0xc1: {  	s29 =	simm.s32 $0x9;
	_ =	strace $0x80000051  }
0xc2: {  	_ =	swait.ge [sflag:s29], $0x1  }
0xc3: {  	[sflag:s29] =	ssyncadd.s32 $0xFFFFFFFF  }
0xc4: {  	_ =	strace $0x90000051  }
0xc5: {  	_ =	sfence  }
0xc6: {  	s30 =	sld [smem:$0x0];
	_ =	sdelay $0x2  }
0xc7: {  	s31 =	sshll.u32 s1, $0xD;
	s1 =	sshrl.u32 s1, $0x2  }
0xc8: {  	s4 =	sand.u32 $0x4000, s31;
	s1 =	sadd.s32 s1, s30  }
0xc9: {  	s0 =	sor.u32 s4, s0;
	s1 =	sshll.u32 s1, $0x11  }
0xca: {  	s0 =	sor.u32 s1, s0  }
0xcb: {  	s0 =	sadd.s32 $0x8F2B, s0  }
0xcc: {  	[sflag:s0] =	ssyncadd.remote.s32 $0x1  }
0xcd: {  	_ =	sfence.sel $0xFFFF  }
0xce: {  	[dreg:$0x0] =	wrdreg $0xFFFFFFFF;
	(pc) =	sbr.abs _section_cstart, $3  }
0xcf: {  	[dreg:$0x1] =	wrdreg $0xFFFFFFFF  }
0xd0: {  	_ =	task.clear_ibuf [dreg:s22], $0x2FFFF;
	_ =	strace $0x9FFFFFFF  }
0xd1: {  	(tm) =	ssettm $0x7FFFFFFF  }
tec
execute0_lowered:
.L_overlay_start_1:
0x0: {  	(tag) =	ssettag $0x1  }
0x1: {  	s5 =	rddreg [dreg:$0x0];
	s1 =	srdreg.scid  }
0x2: {  	s0 =	stileid.u32;
	s8 =	rddreg [dreg:$0x1];
	s2 =	simm.s32 $0x0  }
0x3: {  	s13 =	simm.s32 $0x50;
	s14 =	simm.s32 $0x1400;
	s15 =	simm.s32 $0x6400  }
0x4: {  	s16 =	simm.s32 $0x3C00;
	s17 =	simm.s32 $0xA50;
	s18 =	simm.s32 $0x8C00  }
0x5: {  	s19 =	simm.s32 $0x1;
	s20 =	simm.s32 $0x3;
	s21 =	simm.s32 $0x2  }
0x6: {  	s22 =	simm.s32 $0x4;
	s6 =	sand.u32 $0x1, s1;
	s3 =	sshll.u32 s0, $0x1  }
0x7: {  	s23 =	simm.s32 $0x0;
	s1 =	rddreg [dreg:$0x2];
	s7 =	sor.u32 s6, s3  }
0x8: {  	[smem:$0x7FF] =	sst s2;
	s4 =	sadd.s32 $0x34C00, s5;
	s9 =	smul.u32 $0x140, s7  }
.Ltmp0:
0x9: {  	_ =	strace $0x80000050;
	s11 =	ssub.s32 $0x2, s6;
	(pc) =	sbr.rel .LBB2_1-.Ltmp0, $4  }
0xa: {  	s3 =	sadd.s32 $0xDA00, s5;
	s12 =	sshrl.u32 s11, $0x1;
	s6 =	smul.u32 $0xA00, s7  }
0xb: {  	s11 =	ssub.s32 s11, s12;
	s12 =	simm.s32 $0xA00;
	s10 =	sadd.s32 s9, s5  }
0xc: {  	s5 =	sadd.s32 $0x191E00, s5;
	s8 =	sadd.s32 s8, s9;
	s9 =	sor.u32 $0x50, s6  }
0xd: {  	s7 =	sadd.s32 $0x3C00, s10;
	s10 =	smax.u32 s11, $0x1;
	s11 =	simm.s32 $0x5  }
.LBB2_8:
0xe: {  	s23 =	sadd.s32 $0x1, s23  }
0xf: {  	p0 =	sne.s32 s23, s10  }
.Ltmp1:
0x10: {  	_ = 	snop;
	(pc) =	sbr.rel @!p0 .LBB2_9-.Ltmp1, $1  }
0x11: {  	_ =	sdelay $0x3  }
.LBB2_1:
0x12: {  	[tilespmem:s2], [sflag:$0x5] =	stream.linear.gather [hbm4b:s7+s2], $0xA00, $0x38;
	[tilespmem:$0xB400] =	vst v63  }
0x13: {  	_ =	swait.ge [sflag:s11], $0xA00  }
0x14: {  	[sflag:s11] =	ssyncset.done $0x0  }
0x15: {  	[sflag:s11] =	ssyncadd.s32 $0xFFFFF600  }
0x16: {  	[tilespmem:s12], [sflag:$0x5] =	stream.linear.gather [hbm4b:s8+s2], $0xA00, $0x38;
	[tilespmem:$0xB400] =	vst v63  }
0x17: {  	_ =	swait.ge [sflag:s11], $0xA00  }
0x18: {  	[sflag:s11] =	ssyncset.done $0x0  }
0x19: {  	[sflag:s11] =	ssyncadd.s32 $0xFFFFF600  }
0x1a: {  	[tilespmem:s14], [sflag:$0x1] =	stream.indirect.gather [hbm4b:s3+s13], $0x80, s2, s13, $0xb8;
	[tilespmem:$0xB400] =	vst v63  }
0x1b: {  	_ = 	snop  }
0x1c: {  	[tilespmem:s15], [sflag:$0x3] =	stream.indirect.gather [hbm4b:s4+s13], $0x80, s12, s13, $0xb8;
	[tilespmem:$0xB400] =	vst v63  }
0x1d: {  	_ = 	snop  }
0x1e: {  	[tilespmem:s16], [sflag:$0x2] =	stream.indirect.gather [hbm4b:s3+s13], $0x80, s13, s13, $0xb8;
	[tilespmem:$0xB400] =	vst v63  }
0x1f: {  	s24 =	simm.s32 $0x0  }
0x20: {  	[tilespmem:s18], [sflag:$0x4] =	stream.indirect.gather [hbm4b:s4+s13], $0x80, s17, s13, $0xb8;
	[tilespmem:$0xB400] =	vst v63  }
.LBB2_2:
0x21: {  	_ =	swait.ge [sflag:s19], $0x2800  }
0x22: {  	[sflag:s19] =	ssyncset.done $0x0  }
0x23: {  	[sflag:s19] =	ssyncadd.s32 $0xFFFFD800  }
0x24: {  	_ =	swait.ge [sflag:s20], $0x2800  }
0x25: {  	[sflag:s20] =	ssyncset.done $0x0  }
0x26: {  	s26 =	simm.s32 $0x0;
	[sflag:s20] =	ssyncadd.s32 $0xFFFFD800  }
0x27: {  	v6 =	vld [tilespmem:s26+$0x6400]  }
0x28: {  	v11 =	vld [tilespmem:s26+$0x6410]  }
0x29: {  	v5 =	vld [tilespmem:s26+$0x6420]  }
0x2a: {  	v4 =	vld [tilespmem:s26+$0x6430]  }
0x2b: {  	v3 =	vld [tilespmem:s26+$0x6440]  }
0x2c: {  	v2 =	vld [tilespmem:s26+$0x6450]  }
0x2d: {  	v1 =	vld [tilespmem:s26+$0x6460]  }
0x2e: {  	v0 =	vld [tilespmem:s26+$0x6470]  }
0x2f: {  	v12 =	vld [tilespmem:s26+$0x1400]  }
0x30: {  	v13 =	vld [tilespmem:s26+$0x1410]  }
0x31: {  	v10 =	vld [tilespmem:s26+$0x1420]  }
0x32: {  	v9 =	vld [tilespmem:s26+$0x1430]  }
0x33: {  	v8 =	vld [tilespmem:s26+$0x1440]  }
0x34: {  	v7 =	vld [tilespmem:s26+$0x1450];
	v12 =	vadd.f32 v6, v12  }
0x35: {  	s25 =	simm.s32 $0x200;
	v11 =	vadd.f32 v11, v13;
	v6 =	vld [tilespmem:s26+$0x1460]  }
.LBB2_3:
0x36: {  	s28 =	sshra.s32 s25, $0x2;
	p0 =	sne.s32 s25, $0x9E00;
	[tilespmem:s26+$0x1400] =	vst v12;
	v5 =	vadd.f32 v5, v10;
	v10 =	vld [tilespmem:s26+$0x1470]  }
0x37: {  	v12 =	vld [tilespmem:s28+$0x6400];
	[tilespmem:s26+$0x1410] =	vst v11;
	v4 =	vadd.f32 v4, v9  }
0x38: {  	v11 =	vld [tilespmem:s28+$0x6410];
	[tilespmem:s26+$0x1420] =	vst v5;
	v3 =	vadd.f32 v3, v8  }
0x39: {  	v5 =	vld [tilespmem:s28+$0x6420];
	[tilespmem:s26+$0x1430] =	vst v4;
	v2 =	vadd.f32 v2, v7  }
0x3a: {  	v4 =	vld [tilespmem:s28+$0x6430];
	[tilespmem:s26+$0x1440] =	vst v3;
	v1 =	vadd.f32 v1, v6  }
0x3b: {  	v3 =	vld [tilespmem:s28+$0x6440];
	[tilespmem:s26+$0x1450] =	vst v2;
	v0 =	vadd.f32 v0, v10  }
0x3c: {  	v2 =	vld [tilespmem:s28+$0x6450];
	[tilespmem:s26+$0x1460] =	vst v1  }
0x3d: {  	v1 =	vld [tilespmem:s28+$0x6460];
	[tilespmem:s26+$0x1470] =	vst v0;
	s26 =	smov.u32 s28  }
0x3e: {  	v0 =	vld [tilespmem:s26+$0x6470]  }
0x3f: {  	v6 =	vld [tilespmem:s26+$0x1400]  }
0x40: {  	v13 =	vld [tilespmem:s26+$0x1410]  }
.Ltmp2:
0x41: {  	v10 =	vld [tilespmem:s26+$0x1420];
	(pc) =	sbr.rel @p0 .LBB2_3-.Ltmp2, $4  }
0x42: {  	v9 =	vld [tilespmem:s26+$0x1430]  }
0x43: {  	v8 =	vld [tilespmem:s26+$0x1440]  }
0x44: {  	v12 =	vadd.f32 v12, v6;
	v7 =	vld [tilespmem:s26+$0x1450]  }
0x45: {  	s25 =	sadd.s32 $0x200, s25;
	v11 =	vadd.f32 v11, v13;
	v6 =	vld [tilespmem:s26+$0x1460]  }
0x46: {  	[tilespmem:s26+$0x1400] =	vst v12;
	v5 =	vadd.f32 v5, v10;
	v10 =	vld [tilespmem:s26+$0x1470]  }
0x47: {  	[tilespmem:s26+$0x1410] =	vst v11;
	v4 =	vadd.f32 v4, v9  }
0x48: {  	[tilespmem:s26+$0x1420] =	vst v5;
	v3 =	vadd.f32 v3, v8  }
0x49: {  	s25 =	smul.u32 $0xA0, s24;
	[tilespmem:s26+$0x1430] =	vst v4;
	v2 =	vadd.f32 v2, v7  }
0x4a: {  	[tilespmem:s26+$0x1440] =	vst v3;
	v1 =	vadd.f32 v1, v6  }
0x4b: {  	s28 =	sadd.s32 s6, s25;
	[tilespmem:s26+$0x1450] =	vst v2;
	v0 =	vadd.f32 v0, v10  }
0x4c: {  	s28 =	sshll.u32 s28, $0x4;
	[tilespmem:s26+$0x1460] =	vst v1  }
0x4d: {  	s31 =	sadd.s32 s5, s28;
	[tilespmem:s26+$0x1470] =	vst v0  }
0x4e: {  	[hbm4b:s31+s2] =	stream.linear.scatter [tilespmem:s14], [sflag:$0x1], $0x2800, $0x38;
	[tilespmem:$0xB400] =	vst v63  }
0x4f: {  	p0 =	seq.s32 s24, $0xF;
	_ =	swait.ge [sflag:s19], $0x2800  }
0x50: {  	s29 =	simm.s32 @!p0 $0x1400;
	[sflag:s19] =	ssyncset.done $0x0  }
0x51: {  	s28 =	simm.s32 @!p0 $0x50;
	s26 =	sadd.s32 @!p0 $0xA0, s25;
	[sflag:s19] =	ssyncadd.s32 $0xFFFFD800  }
0x52: {  	[tilespmem:s29], [sflag:$0x1] =	stream.indirect.gather @!p0 [hbm4b:s3+s28], $0x80, s26, s28, $0xb8;
	[tilespmem:$0xB400] =	vst v63  }
0x53: {  	s26 =	sadd.s32 @!p0 $0xAA0, s25;
	s29 =	simm.s32 @!p0 $0x6400  }
0x54: {  	[tilespmem:s29], [sflag:$0x3] =	stream.indirect.gather @!p0 [hbm4b:s4+s28], $0x80, s26, s28, $0xb8;
	[tilespmem:$0xB400] =	vst v63  }
0x55: {  	_ =	swait.ge [sflag:s21], $0x2800  }
0x56: {  	[sflag:s21] =	ssyncset.done $0x0  }
0x57: {  	[sflag:s21] =	ssyncadd.s32 $0xFFFFD800  }
0x58: {  	_ =	swait.ge [sflag:s22], $0x2800  }
0x59: {  	[sflag:s22] =	ssyncset.done $0x0  }
0x5a: {  	s26 =	simm.s32 $0x0;
	[sflag:s22] =	ssyncadd.s32 $0xFFFFD800  }
0x5b: {  	v7 =	vld [tilespmem:s26+$0x8C00]  }
0x5c: {  	v11 =	vld [tilespmem:s26+$0x8C10]  }
0x5d: {  	v5 =	vld [tilespmem:s26+$0x8C20]  }
0x5e: {  	v4 =	vld [tilespmem:s26+$0x8C30]  }
0x5f: {  	v3 =	vld [tilespmem:s26+$0x8C40]  }
0x60: {  	v2 =	vld [tilespmem:s26+$0x8C50]  }
0x61: {  	v1 =	vld [tilespmem:s26+$0x8C60]  }
0x62: {  	v0 =	vld [tilespmem:s26+$0x8C70]  }
0x63: {  	v12 =	vld [tilespmem:s26+$0x3C00]  }
0x64: {  	v13 =	vld [tilespmem:s26+$0x3C10]  }
0x65: {  	v10 =	vld [tilespmem:s26+$0x3C20]  }
0x66: {  	v9 =	vld [tilespmem:s26+$0x3C30]  }
0x67: {  	v8 =	vld [tilespmem:s26+$0x3C40]  }
0x68: {  	v6 =	vld [tilespmem:s26+$0x3C50];
	v12 =	vadd.f32 v7, v12  }
0x69: {  	s28 =	simm.s32 $0x200;
	v11 =	vadd.f32 v11, v13;
	v7 =	vld [tilespmem:s26+$0x3C60]  }
.LBB2_5:
0x6a: {  	s29 =	sshra.s32 s28, $0x2;
	p1 =	sne.s32 s28, $0x9E00;
	[tilespmem:s26+$0x3C00] =	vst v12;
	v5 =	vadd.f32 v5, v10;
	v10 =	vld [tilespmem:s26+$0x3C70]  }
0x6b: {  	v12 =	vld [tilespmem:s29+$0x8C00];
	[tilespmem:s26+$0x3C10] =	vst v11;
	v4 =	vadd.f32 v4, v9  }
0x6c: {  	v11 =	vld [tilespmem:s29+$0x8C10];
	[tilespmem:s26+$0x3C20] =	vst v5;
	v3 =	vadd.f32 v3, v8  }
0x6d: {  	v5 =	vld [tilespmem:s29+$0x8C20];
	[tilespmem:s26+$0x3C30] =	vst v4;
	v2 =	vadd.f32 v2, v6  }
0x6e: {  	v4 =	vld [tilespmem:s29+$0x8C30];
	[tilespmem:s26+$0x3C40] =	vst v3;
	v1 =	vadd.f32 v1, v7  }
0x6f: {  	v3 =	vld [tilespmem:s29+$0x8C40];
	[tilespmem:s26+$0x3C50] =	vst v2;
	v0 =	vadd.f32 v0, v10  }
0x70: {  	v2 =	vld [tilespmem:s29+$0x8C50];
	[tilespmem:s26+$0x3C60] =	vst v1  }
0x71: {  	v1 =	vld [tilespmem:s29+$0x8C60];
	[tilespmem:s26+$0x3C70] =	vst v0;
	s26 =	smov.u32 s29  }
0x72: {  	v0 =	vld [tilespmem:s26+$0x8C70]  }
0x73: {  	v6 =	vld [tilespmem:s26+$0x3C00]  }
0x74: {  	v7 =	vld [tilespmem:s26+$0x3C10]  }
.Ltmp3:
0x75: {  	v10 =	vld [tilespmem:s26+$0x3C20];
	(pc) =	sbr.rel @p1 .LBB2_5-.Ltmp3, $4  }
0x76: {  	v9 =	vld [tilespmem:s26+$0x3C30]  }
0x77: {  	v8 =	vld [tilespmem:s26+$0x3C40]  }
0x78: {  	v12 =	vadd.f32 v12, v6;
	v6 =	vld [tilespmem:s26+$0x3C50]  }
0x79: {  	s28 =	sadd.s32 $0x200, s28;
	v11 =	vadd.f32 v11, v7;
	v7 =	vld [tilespmem:s26+$0x3C60]  }
0x7a: {  	[tilespmem:s26+$0x3C00] =	vst v12;
	v5 =	vadd.f32 v5, v10;
	v63 =	vld [tilespmem:s26+$0x3C70]  }
0x7b: {  	[tilespmem:s26+$0x3C10] =	vst v11;
	v4 =	vadd.f32 v4, v9  }
0x7c: {  	[tilespmem:s26+$0x3C20] =	vst v5;
	v3 =	vadd.f32 v3, v8  }
0x7d: {  	[tilespmem:s26+$0x3C30] =	vst v4;
	v2 =	vadd.f32 v2, v6  }
0x7e: {  	s28 =	sadd.s32 s25, s9;
	[tilespmem:s26+$0x3C40] =	vst v3;
	v1 =	vadd.f32 v1, v7  }
0x7f: {  	s28 =	sshll.u32 s28, $0x4;
	[tilespmem:s26+$0x3C50] =	vst v2;
	v0 =	vadd.f32 v0, v63  }
0x80: {  	s28 =	sand.u32 $0x1FFFFF00, s28;
	[tilespmem:s26+$0x3C60] =	vst v1  }
.Ltmp4:
0x81: {  	s31 =	sadd.s32 s5, s28;
	[tilespmem:s26+$0x3C70] =	vst v0;
	(pc) =	sbr.rel @p0 .LBB2_8-.Ltmp4, $4  }
0x82: {  	[hbm4b:s31+s2] =	stream.linear.scatter [tilespmem:s16], [sflag:$0x2], $0x2800, $0x38;
	[tilespmem:$0xB400] =	vst v63  }
0x83: {  	_ =	swait.ge [sflag:s21], $0x2800  }
0x84: {  	[sflag:s21] =	ssyncset.done $0x0  }
0x85: {  	[sflag:s21] =	ssyncadd.s32 $0xFFFFD800  }
.Ltmp5:
0x86: {  	(pc) =	sbr.rel .LBB2_2-.Ltmp5, $4  }
0x87: {  	s26 =	sadd.s32 $0xF0, s25  }
0x88: {  	[tilespmem:s16], [sflag:$0x2] =	stream.indirect.gather [hbm4b:s3+s13], $0x80, s26, s13, $0xb8;
	[tilespmem:$0xB400] =	vst v63  }
0x89: {  	s31 =	sadd.s32 $0xAF0, s25;
	s24 =	sadd.s32 $0x1, s24  }
0x8a: {  	[tilespmem:s18], [sflag:$0x4] =	stream.indirect.gather [hbm4b:s4+s13], $0x80, s31, s13, $0xb8;
	[tilespmem:$0xB400] =	vst v63  }
.LBB2_9:
0x8b: {  	_ =	sfence.sel $0x180000  }
0x8c: {  	[bflag:$0x0] =	sbarrier.arrive $0xFFFF  }
0x8d: {  	p0 =	sne.s32 s0, $0x0;
	_ =	strace $0x90000050  }
0x8e: {  	s0 =	sadd.s32 @!p0 $0x100000, s1;
	[bflag:$0x2] =	sbarrier.arrive $0xFFFF  }
0x8f: {  	[sflag:s0] =	ssyncadd.tile.s32 @!p0 $0x1;
	_ =	shalt  }
.Lfunc_end2:
_tile_overlayer_lowered:
.L_overlay_start_2:
0x90: {  	(tag) =	ssettag $0x2  }
0x91: {  	s0 =	rddreg [dreg:$0x0];
	s2 =	stileid.u32  }
0x92: {  	s1 =	rddreg [dreg:$0x1];
	p0 =	sne.s32 s2, $0x0  }
0x93: {  	s3 =	rddreg [dreg:$0x2];
	[bflag:$0x3] =	sbarrier.arrive $0xFFFF;
	s2 =	simm.s32 @!p0 $0x1C05  }
0x94: {  	[timem:s3], [sflag:s2] =	dma.local @!p0 [hbm:s0], s1  }
0x95: {  	s0 =	simm.s32 @!p0 $0x5  }
0x96: {  	_ =	swait.ge @!p0 [sflag:s0], s1  }
0x97: {  	s1 =	ssub.s32 @!p0 $0x0, s1;
	[sflag:s0] =	ssyncset.done @!p0 $0x0  }
0x98: {  	[sflag:s0] =	ssyncadd.s32 @!p0 s1  }
0x99: {  	[bflag:$0x3] =	sbarrier.arrive $0xFFFF  }
0x9a: {  	_ =	shalt  }

// kernel: kernel.23.cloned.1.call-start
scs
__scs_entry_jumppad:
0x0: {  	(pc) =	sbr.rel $0x88, $3  }
0x1: {  	(tag) =	ssettag $0x0;
	lr =	simm.s32 $0x1  }
0x2: {  	[smem:$0x3F8E] =	sst lr;
	_ =	strace $0xD0000000  }
0x3: {  	_ = 	snop  }
0x4: {  	_ = 	snop  }
0x5: {  	_ = 	snop  }
0x6: {  	_ = 	snop  }
0x7: {  	_ = 	snop  }
__scs_overlays_trampoline_lowered:
0x8: {  	[smem:$0x3F9D] =	sst s0  }
0x9: {  	[smem:$0x3F9E] =	sst s1  }
0xa: {  	[smem:$0x3F9F] =	sst s2  }
0xb: {  	[smem:$0x3FA0] =	sst s3  }
0xc: {  	[smem:$0x3FA1] =	sst s4  }
0xd: {  	[smem:$0x3FA2] =	sst s5  }
0xe: {  	[smem:$0x3FA3] =	sst s6  }
0xf: {  	[smem:$0x3FA4] =	sst s7  }
0x10: {  	[smem:$0x3FA5] =	sst s8  }
0x11: {  	[smem:$0x3FA6] =	sst s9;
	s0 =	simm.s32 @!p0 $0x0  }
0x12: {  	s1 =	sld [smem:$0x3F8C];
	s0 =	simm.s32 @p0 $0x1  }
0x13: {  	[smem:$0x3FA7] =	sst s0;
	s0 =	simm.s32 @!p1 $0x0  }
0x14: {  	s2 =	sld [smem:$0x3F8B];
	s0 =	simm.s32 @p1 $0x1  }
0x15: {  	[smem:$0x3FA8] =	sst s0;
	s0 =	simm.s32 @!p2 $0x0  }
0x16: {  	s3 =	sld [smem:$0x3FDB];
	s0 =	simm.s32 @p2 $0x1  }
0x17: {  	s4 =	simm.s32 $0x1BF5;
	[smem:$0x3FAA] =	sst s0  }
0x18: {  	s0 =	sld [smem:$0x3F8D];
	_ =	swait.ge [sflag:s4], $0x0  }
0x19: {  	s7 =	sld [smem:$0x3F8E]  }
0x1a: {  	s8 =	sadd.s32 $0xFFFFE003, lr  }
0x1b: {  	s9 =	sadd.s32 $0xFFFFFEF7, lr;
	s5 =	simm.s32 $0xFFFFFFFF;
	p2 =	slt.u32 s8, $0xFFFFF086  }
0x1c: {  	p1 =	slt.u32 s9, $0xF7A;
	s5 =	simm.s32 @!p2 $0x0  }
0x1d: {  	s5 =	simm.s32 @p1 $0x1;
	p0 =	seq.s32 s7, s2  }
0x1e: {  	s7 =	smul.u32 @!p0 $0xF7A, s2;
	p2 =	seq.s32 @!p0 s5, $0x0  }
0x1f: {  	s9 =	smul.u32 $0xF7A, s1;
	s8 =	simm.s32 @!p0 $0x1BF5;
	p2 =	por !p2, p0  }
0x20: {  	[sflag:s8] =	ssyncset.s32 @!p0 $0xFFFFF086;
	s6 =	sadd.s32 @!p0 s3, s7;
	s7 =	simm.s32 @!p0 $0x108  }
0x21: {  	s3 =	sadd.s32 s3, s9;
	s6 =	sadd.s32 @!p0 $0x88, s6;
	s7 =	simm.s32 @p2 $0x1082  }
0x22: {  	[simem:s7], [sflag:s8] =	dma.local @!p0 [hbm:s6], $0xF7A  }
0x23: {  	s9 =	sor.u32 $0xD0000000, s2;
	s6 =	simm.s32 $0x108;
	_ =	swait.ge @!p0 [sflag:s8], $0x0  }
0x24: {  	s3 =	sadd.s32 $0x88, s3;
	s6 =	simm.s32 @!p1 $0x1082;
	[sflag:s4] =	ssyncset.s32 $0xFFFFF086  }
0x25: {  	[simem:s6], [sflag:s4] =	dma.local [hbm:s3], $0xF7A  }
0x26: {  	[smem:$0x3F8E] =	sst s1;
	(tag) =	ssettag s2;
	_ =	strace s9  }
0x27: {  	s1 =	sld [smem:$0x3F9E]  }
0x28: {  	s2 =	sld [smem:$0x3F9F]  }
0x29: {  	s4 =	sld [smem:$0x3FA1]  }
0x2a: {  	p0 =	seq.s32 s5, $0x0;
	s5 =	sld [smem:$0x3FA2]  }
0x2b: {  	s6 =	sld [smem:$0x3FA3]  }
0x2c: {  	s7 =	sld [smem:$0x3FA4]  }
0x2d: {  	s3 =	simm.s32 $0x108;
	s8 =	sld [smem:$0x3FA5]  }
0x2e: {  	s3 =	simm.s32 @!p0 $0x1082;
	s9 =	sld [smem:$0x3FA6]  }
0x2f: {  	lr =	sadd.s32 s0, s3;
	s0 =	sld [smem:$0x3F9D]  }
0x30: {  	s3 =	sld [smem:$0x3FA0]  }
0x31: {  	[smem:$0x3FA9] =	sst s10  }
0x32: {  	s10 =	sld [smem:$0x3FA7];
	_ =	sdelay $0x3  }
0x33: {  	p0 =	seq.s32 s10, $0x1;
	s10 =	sld [smem:$0x3FA9];
	_ =	sdelay $0x3  }
0x34: {  	[smem:$0x3FA9] =	sst s10  }
0x35: {  	s10 =	sld [smem:$0x3FA8];
	_ =	sdelay $0x3  }
0x36: {  	p1 =	seq.s32 s10, $0x1;
	s10 =	sld [smem:$0x3FA9];
	_ =	sdelay $0x3  }
0x37: {  	[smem:$0x3FA9] =	sst s10  }
0x38: {  	s10 =	sld [smem:$0x3FAA]  }
0x39: {  	_ = 	snop;
	(pc) =	sbr.ind lr, $3  }
0x3a: {  	_ = 	snop  }
0x3b: {  	_ = 	snop  }
0x3c: {  	p2 =	seq.s32 s10, $0x1;
	s10 =	sld [smem:$0x3FA9]  }
0x3d: {  	_ =	shalt  }
0x3e: {  	_ =	shalt  }
0x3f: {  	_ =	shalt  }
0x40: {  	_ =	shalt  }
0x41: {  	_ =	shalt  }
0x42: {  	_ =	shalt  }
0x43: {  	_ =	shalt  }
0x44: {  	_ =	shalt  }
0x45: {  	_ =	shalt  }
0x46: {  	_ =	shalt  }
0x47: {  	_ =	shalt  }
0x48: {  	_ =	shalt  }
0x49: {  	_ =	shalt  }
0x4a: {  	_ =	shalt  }
0x4b: {  	_ =	shalt  }
0x4c: {  	_ =	shalt  }
0x4d: {  	_ =	shalt  }
0x4e: {  	_ =	shalt  }
0x4f: {  	_ =	shalt  }
0x50: {  	_ =	shalt  }
0x51: {  	_ =	shalt  }
0x52: {  	_ =	shalt  }
0x53: {  	_ =	shalt  }
0x54: {  	_ =	shalt  }
0x55: {  	_ =	shalt  }
0x56: {  	_ =	shalt  }
0x57: {  	_ =	shalt  }
0x58: {  	_ =	shalt  }
0x59: {  	_ =	shalt  }
0x5a: {  	_ =	shalt  }
0x5b: {  	_ =	shalt  }
0x5c: {  	_ =	shalt  }
0x5d: {  	_ =	shalt  }
0x5e: {  	_ =	shalt  }
0x5f: {  	_ =	shalt  }
0x60: {  	_ =	shalt  }
0x61: {  	_ =	shalt  }
0x62: {  	_ =	shalt  }
0x63: {  	_ =	shalt  }
0x64: {  	_ =	shalt  }
0x65: {  	_ =	shalt  }
0x66: {  	_ =	shalt  }
0x67: {  	_ =	shalt  }
0x68: {  	_ =	shalt  }
0x69: {  	_ =	shalt  }
0x6a: {  	_ =	shalt  }
0x6b: {  	_ =	shalt  }
0x6c: {  	_ =	shalt  }
0x6d: {  	_ =	shalt  }
0x6e: {  	_ =	shalt  }
0x6f: {  	_ =	shalt  }
0x70: {  	_ =	shalt  }
0x71: {  	_ =	shalt  }
0x72: {  	_ =	shalt  }
0x73: {  	_ =	shalt  }
0x74: {  	_ =	shalt  }
0x75: {  	_ =	shalt  }
0x76: {  	_ =	shalt  }
0x77: {  	_ =	shalt  }
0x78: {  	_ =	shalt  }
0x79: {  	_ =	shalt  }
0x7a: {  	_ =	shalt  }
0x7b: {  	_ =	shalt  }
0x7c: {  	_ =	shalt  }
0x7d: {  	_ =	shalt  }
0x7e: {  	_ =	shalt  }
0x7f: {  	_ =	shalt  }
0x80: {  	_ =	shalt  }
0x81: {  	_ =	shalt  }
0x82: {  	_ =	shalt  }
0x83: {  	_ =	shalt  }
0x84: {  	_ =	shalt  }
0x85: {  	_ =	shalt  }
0x86: {  	_ =	shalt  }
0x87: {  	_ =	shalt  }
.Lfunc_end0:
.L_simem_size_0:
called_computation.3_lowered:
.L_overlay_start_0:
0x88: {  	s2 =	sld [smem:$0x3FD9]  }
0x89: {  	s3 =	sld [smem:$0x3FFE];
	_ =	sdelay $0x1  }
0x8a: {  	s1 =	srdreg.scid  }
0x8b: {  	s0 =	sand.u32 $0x1, s1  }
0x8c: {  	s17 =	sshll.u32 s0, $0xA;
	s2 =	sadd.s32 s3, s2  }
0x8d: {  	s2 =	sadd.s32 s2, s17  }
0x8e: {  	[smem:$0x3FB5] =	sst s2  }
0x8f: {  	_ = 	snop  }
0x90: {  	s18 =	sld [smem:$0x3FD0];
	(tm) =	ssettm $0x1  }
0x91: {  	s19 =	sld [smem:$0x3FFB];
	_ =	sdelay $0x3  }
0x92: {  	_ =	strace s19  }
0x93: {  	s2 =	sld [smem:$0x3FFC];
	_ =	sdelay $0x3  }
0x94: {  	_ =	strace s2  }
0x95: {  	s2 =	sld [smem:$0x3FFD];
	_ =	sdelay $0x3  }
0x96: {  	_ =	strace s2  }
0x97: {  	_ =	strace $0x8FFFFFFF  }
0x98: {  	s20 =	sld [smem:$0x3FDB];
	_ =	sdelay $0x1  }
0x99: {  	s4 =	simm.s32 $_scs_section_size  }
0x9a: {  	s5 =	simm.s32 $_size__tile_overlayer_lowered;
	s6 =	simm.s32 $_tile_overlayer_lowered  }
0x9b: {  	s7 =	simm.s32 $0x1BFF;
	s21 =	sshll.u32 s6, $0x1;
	s4 =	sadd.s32 s4, s20  }
0x9c: {  	s22 =	simm.s32 $0x0;
	s5 =	sshll.u32 s5, $0x1;
	s6 =	sadd.s32 s21, s4  }
0x9d: {  	[timem:s22], [sflag:s7] =	dma.local [hbm:s6], s5  }
0x9e: {  	_ =	swait.ge [sflag:s7], s5  }
0x9f: {  	s5 =	ssub.s32 $0x0, s5;
	[sflag:s7] =	ssyncset.done $0x0  }
0xa0: {  	[sflag:s7] =	ssyncadd.s32 s5;
	_ =	sdelay $0x1  }
0xa1: {  	s23 =	simm.s32 $0x1B8B  }
0xa2: {  	_ =	swait.ge [sflag:s23], $0x1  }
0xa3: {  	[sflag:s23] =	ssyncset.done $0x0  }
0xa4: {  	[sflag:s23] =	ssyncadd.s32 $0xFFFFFFFF  }
0xa5: {  	s5 =	sld [smem:$0x0]  }
0xa6: {  	s6 =	sand.u32 $0xFFFFFFFE, s1  }
0xa7: {  	p0 =	sne.s32 s1, s6  }
0xa8: {  	s6 =	sshll.u32 @p0 s6, $0xE  }
0xa9: {  	s6 =	sadd.s32 @p0 $0x11B8D, s6;
	s7 =	sshll.u32 @p0 s5, $0x11  }
0xaa: {  	s6 =	sor.u32 @p0 s7, s6  }
0xab: {  	[sflag:s6] =	ssyncadd.remote.s32 @p0 $0x1;
	_ =	sdelay $0x1  }
0xac: {  	s6 =	simm.s32 @p0 $0x1B8D  }
0xad: {  	_ =	swait.eq @p0 [sflag:s6], $0x1  }
0xae: {  	[sflag:s6] =	ssyncadd.s32 @p0 $0xFFFFFFFF  }
0xaf: {  	s7 =	sshll.u32 @!p0 s1, $0xE  }
0xb0: {  	s7 =	sor.u32 @!p0 $0x4000, s7;
	s6 =	simm.s32 @!p0 $0x1B8D  }
0xb1: {  	s5 =	sshll.u32 @!p0 s5, $0x11;
	s7 =	sadd.s32 @!p0 $0x11B8D, s7;
	_ =	swait.eq @!p0 [sflag:s6], $0x1  }
0xb2: {  	s5 =	sor.u32 @!p0 s5, s7;
	[sflag:s6] =	ssyncadd.s32 @!p0 $0xFFFFFFFF  }
0xb3: {  	s25 =	simm.s32 $0x1B8E;
	s24 =	sld [smem:$0x3FFE];
	[sflag:s5] =	ssyncadd.remote.s32 @!p0 $0x1  }
0xb4: {  	s26 =	simm.s32 $execute0_lowered;
	[smem:$0x3FD2] =	sst s25  }
0xb5: {  	s6 =	sshll.u32 s26, $0x1;
	_ =	strace $0x80000052;
	[dreg:$0x1] =	wrdreg $0xFFFFFFFF  }
0xb6: {  	s28 =	simm.s32 $_size_execute0_lowered;
	s4 =	sadd.s32 s4, s6;
	[dreg:$0x0] =	wrdreg $0x0  }
0xb7: {  	s6 =	sshll.u32 s28, $0x1;
	[dreg:$0x2] =	wrdreg s4  }
0xb8: {  	[dreg:$0x3] =	wrdreg s6  }
0xb9: {  	[dreg:$0x4] =	wrdreg $0xC0  }
0xba: {  	_ =	task [dreg:s22], $0x5FFFF  }
0xbb: {  	[dreg:$0x1] =	wrdreg $0xFFFFFFFF  }
0xbc: {  	[dreg:$0x0] =	wrdreg $0x60  }
0xbd: {  	[dreg:$0x2] =	wrdreg s24  }
0xbe: {  	[dreg:$0x3] =	wrdreg s18  }
0xbf: {  	[dreg:$0x4] =	wrdreg $0xA  }
0xc0: {  	_ =	task.clear_ibuf [dreg:s22], $0x5FFFF;
	_ =	strace $0x90000052  }
0xc1: {  	s29 =	simm.s32 $0xA;
	_ =	strace $0x80000054  }
0xc2: {  	_ =	swait.ge [sflag:s29], $0x1  }
0xc3: {  	[sflag:s29] =	ssyncadd.s32 $0xFFFFFFFF  }
0xc4: {  	_ =	strace $0x90000054  }
0xc5: {  	_ =	sfence  }
0xc6: {  	s30 =	sld [smem:$0x0];
	_ =	sdelay $0x2  }
0xc7: {  	s31 =	sshll.u32 s1, $0xD;
	s1 =	sshrl.u32 s1, $0x2  }
0xc8: {  	s4 =	sand.u32 $0x4000, s31;
	s1 =	sadd.s32 s1, s30  }
0xc9: {  	s0 =	sor.u32 s4, s0;
	s1 =	sshll.u32 s1, $0x11  }
0xca: {  	s0 =	sor.u32 s1, s0  }
0xcb: {  	s0 =	sadd.s32 $0x8F2B, s0  }
0xcc: {  	[sflag:s0] =	ssyncadd.remote.s32 $0x1  }
0xcd: {  	_ =	sfence.sel $0xFFFF  }
0xce: {  	[dreg:$0x0] =	wrdreg $0xFFFFFFFF;
	(pc) =	sbr.abs _section_cstart, $3  }
0xcf: {  	[dreg:$0x1] =	wrdreg $0xFFFFFFFF  }
0xd0: {  	_ =	task.clear_ibuf [dreg:s22], $0x2FFFF;
	_ =	strace $0x9FFFFFFF  }
0xd1: {  	(tm) =	ssettm $0x7FFFFFFF  }
tec
execute0_lowered:
.L_overlay_start_1:
0x0: {  	(tag) =	ssettag $0x1  }
0x1: {  	s1 =	srdreg.scid  }
0x2: {  	s0 =	stileid.u32;
	s6 =	rddreg [dreg:$0x0]  }
0x3: {  	s8 =	rddreg [dreg:$0x1];
	s2 =	simm.s32 $0x0;
	s12 =	simm.s32 $0xA00  }
0x4: {  	s13 =	simm.s32 $0x50;
	s14 =	simm.s32 $0x1400;
	s15 =	simm.s32 $0x6400  }
0x5: {  	s16 =	simm.s32 $0x3C00;
	s17 =	simm.s32 $0xA50;
	s18 =	simm.s32 $0x8C00  }
0x6: {  	s19 =	simm.s32 $0x1;
	s7 =	sand.u32 $0x1, s1;
	s31 =	sshll.u32 s0, $0x1  }
0x7: {  	s20 =	simm.s32 $0x3;
	s21 =	simm.s32 $0x2;
	s3 =	sor.u32 s7, s31  }
0x8: {  	s22 =	simm.s32 $0x4;
	s1 =	rddreg [dreg:$0x2];
	s3 =	smul.u32 $0xA00, s3  }
0x9: {  	s23 =	simm.s32 $0x0;
	[smem:$0x7FF] =	sst s2;
	s4 =	sadd.s32 $0xDA00, s6  }
.Ltmp0:
0xa: {  	s7 =	ssub.s32 $0x2, s7;
	s9 =	sshrl.u32 s3, $0x3;
	(pc) =	sbr.rel .LBB2_1-.Ltmp0, $4  }
0xb: {  	s5 =	sadd.s32 $0x34C00, s6;
	s11 =	sshrl.u32 s7, $0x1;
	s9 =	sadd.s32 $0x2800, s9  }
0xc: {  	_ =	strace $0x80000053;
	s11 =	ssub.s32 s7, s11;
	s10 =	sadd.s32 s9, s6  }
0xd: {  	s6 =	sadd.s32 $0x2D1E00, s6;
	s8 =	sadd.s32 s8, s9;
	s9 =	sor.u32 $0x50, s3  }
0xe: {  	s7 =	sadd.s32 $0x3C00, s10;
	s10 =	smax.u32 s11, $0x1;
	s11 =	simm.s32 $0x5  }
.LBB2_8:
0xf: {  	s23 =	sadd.s32 $0x1, s23  }
0x10: {  	p0 =	sne.s32 s23, s10  }
.Ltmp1:
0x11: {  	_ = 	snop;
	(pc) =	sbr.rel @!p0 .LBB2_9-.Ltmp1, $1  }
0x12: {  	_ =	sdelay $0x3  }
.LBB2_1:
0x13: {  	[tilespmem:s2], [sflag:$0x5] =	stream.linear.gather [hbm4b:s7+s2], $0xA00, $0x38;
	[tilespmem:$0xB400] =	vst v63  }
0x14: {  	_ =	swait.ge [sflag:s11], $0xA00  }
0x15: {  	[sflag:s11] =	ssyncset.done $0x0  }
0x16: {  	[sflag:s11] =	ssyncadd.s32 $0xFFFFF600  }
0x17: {  	[tilespmem:s12], [sflag:$0x5] =	stream.linear.gather [hbm4b:s8+s2], $0xA00, $0x38;
	[tilespmem:$0xB400] =	vst v63  }
0x18: {  	_ =	swait.ge [sflag:s11], $0xA00  }
0x19: {  	[sflag:s11] =	ssyncset.done $0x0  }
0x1a: {  	[sflag:s11] =	ssyncadd.s32 $0xFFFFF600  }
0x1b: {  	[tilespmem:s14], [sflag:$0x1] =	stream.indirect.gather [hbm4b:s4+s13], $0x80, s2, s13, $0xb8;
	[tilespmem:$0xB400] =	vst v63  }
0x1c: {  	_ = 	snop  }
0x1d: {  	[tilespmem:s15], [sflag:$0x3] =	stream.indirect.gather [hbm4b:s5+s13], $0x80, s12, s13, $0xb8;
	[tilespmem:$0xB400] =	vst v63  }
0x1e: {  	_ = 	snop  }
0x1f: {  	[tilespmem:s16], [sflag:$0x2] =	stream.indirect.gather [hbm4b:s4+s13], $0x80, s13, s13, $0xb8;
	[tilespmem:$0xB400] =	vst v63  }
0x20: {  	s24 =	simm.s32 $0x0  }
0x21: {  	[tilespmem:s18], [sflag:$0x4] =	stream.indirect.gather [hbm4b:s5+s13], $0x80, s17, s13, $0xb8;
	[tilespmem:$0xB400] =	vst v63  }
.LBB2_2:
0x22: {  	_ =	swait.ge [sflag:s19], $0x2800  }
0x23: {  	[sflag:s19] =	ssyncset.done $0x0  }
0x24: {  	[sflag:s19] =	ssyncadd.s32 $0xFFFFD800  }
0x25: {  	_ =	swait.ge [sflag:s20], $0x2800  }
0x26: {  	[sflag:s20] =	ssyncset.done $0x0  }
0x27: {  	s26 =	simm.s32 $0x0;
	[sflag:s20] =	ssyncadd.s32 $0xFFFFD800  }
0x28: {  	v6 =	vld [tilespmem:s26+$0x6400]  }
0x29: {  	v11 =	vld [tilespmem:s26+$0x6410]  }
0x2a: {  	v5 =	vld [tilespmem:s26+$0x6420]  }
0x2b: {  	v4 =	vld [tilespmem:s26+$0x6430]  }
0x2c: {  	v3 =	vld [tilespmem:s26+$0x6440]  }
0x2d: {  	v2 =	vld [tilespmem:s26+$0x6450]  }
0x2e: {  	v1 =	vld [tilespmem:s26+$0x6460]  }
0x2f: {  	v0 =	vld [tilespmem:s26+$0x6470]  }
0x30: {  	v12 =	vld [tilespmem:s26+$0x1400]  }
0x31: {  	v13 =	vld [tilespmem:s26+$0x1410]  }
0x32: {  	v10 =	vld [tilespmem:s26+$0x1420]  }
0x33: {  	v9 =	vld [tilespmem:s26+$0x1430]  }
0x34: {  	v8 =	vld [tilespmem:s26+$0x1440]  }
0x35: {  	v7 =	vld [tilespmem:s26+$0x1450];
	v12 =	vadd.f32 v6, v12  }
0x36: {  	s25 =	simm.s32 $0x200;
	v11 =	vadd.f32 v11, v13;
	v6 =	vld [tilespmem:s26+$0x1460]  }
.LBB2_3:
0x37: {  	s28 =	sshra.s32 s25, $0x2;
	p0 =	sne.s32 s25, $0x9E00;
	[tilespmem:s26+$0x1400] =	vst v12;
	v5 =	vadd.f32 v5, v10;
	v10 =	vld [tilespmem:s26+$0x1470]  }
0x38: {  	v12 =	vld [tilespmem:s28+$0x6400];
	[tilespmem:s26+$0x1410] =	vst v11;
	v4 =	vadd.f32 v4, v9  }
0x39: {  	v11 =	vld [tilespmem:s28+$0x6410];
	[tilespmem:s26+$0x1420] =	vst v5;
	v3 =	vadd.f32 v3, v8  }
0x3a: {  	v5 =	vld [tilespmem:s28+$0x6420];
	[tilespmem:s26+$0x1430] =	vst v4;
	v2 =	vadd.f32 v2, v7  }
0x3b: {  	v4 =	vld [tilespmem:s28+$0x6430];
	[tilespmem:s26+$0x1440] =	vst v3;
	v1 =	vadd.f32 v1, v6  }
0x3c: {  	v3 =	vld [tilespmem:s28+$0x6440];
	[tilespmem:s26+$0x1450] =	vst v2;
	v0 =	vadd.f32 v0, v10  }
0x3d: {  	v2 =	vld [tilespmem:s28+$0x6450];
	[tilespmem:s26+$0x1460] =	vst v1  }
0x3e: {  	v1 =	vld [tilespmem:s28+$0x6460];
	[tilespmem:s26+$0x1470] =	vst v0;
	s26 =	smov.u32 s28  }
0x3f: {  	v0 =	vld [tilespmem:s26+$0x6470]  }
0x40: {  	v6 =	vld [tilespmem:s26+$0x1400]  }
0x41: {  	v13 =	vld [tilespmem:s26+$0x1410]  }
.Ltmp2:
0x42: {  	v10 =	vld [tilespmem:s26+$0x1420];
	(pc) =	sbr.rel @p0 .LBB2_3-.Ltmp2, $4  }
0x43: {  	v9 =	vld [tilespmem:s26+$0x1430]  }
0x44: {  	v8 =	vld [tilespmem:s26+$0x1440]  }
0x45: {  	v12 =	vadd.f32 v12, v6;
	v7 =	vld [tilespmem:s26+$0x1450]  }
0x46: {  	s25 =	sadd.s32 $0x200, s25;
	v11 =	vadd.f32 v11, v13;
	v6 =	vld [tilespmem:s26+$0x1460]  }
0x47: {  	[tilespmem:s26+$0x1400] =	vst v12;
	v5 =	vadd.f32 v5, v10;
	v10 =	vld [tilespmem:s26+$0x1470]  }
0x48: {  	[tilespmem:s26+$0x1410] =	vst v11;
	v4 =	vadd.f32 v4, v9  }
0x49: {  	[tilespmem:s26+$0x1420] =	vst v5;
	v3 =	vadd.f32 v3, v8  }
0x4a: {  	s25 =	smul.u32 $0xA0, s24;
	[tilespmem:s26+$0x1430] =	vst v4;
	v2 =	vadd.f32 v2, v7  }
0x4b: {  	[tilespmem:s26+$0x1440] =	vst v3;
	v1 =	vadd.f32 v1, v6  }
0x4c: {  	s28 =	sadd.s32 s3, s25;
	[tilespmem:s26+$0x1450] =	vst v2;
	v0 =	vadd.f32 v0, v10  }
0x4d: {  	s28 =	sshll.u32 s28, $0x4;
	[tilespmem:s26+$0x1460] =	vst v1  }
0x4e: {  	s31 =	sadd.s32 s6, s28;
	[tilespmem:s26+$0x1470] =	vst v0  }
0x4f: {  	[hbm4b:s31+s2] =	stream.linear.scatter [tilespmem:s14], [sflag:$0x1], $0x2800, $0x38;
	[tilespmem:$0xB400] =	vst v63  }
0x50: {  	p0 =	seq.s32 s24, $0xF;
	_ =	swait.ge [sflag:s19], $0x2800  }
0x51: {  	s29 =	simm.s32 @!p0 $0x1400;
	[sflag:s19] =	ssyncset.done $0x0  }
0x52: {  	s28 =	simm.s32 @!p0 $0x50;
	s26 =	sadd.s32 @!p0 $0xA0, s25;
	[sflag:s19] =	ssyncadd.s32 $0xFFFFD800  }
0x53: {  	[tilespmem:s29], [sflag:$0x1] =	stream.indirect.gather @!p0 [hbm4b:s4+s28], $0x80, s26, s28, $0xb8;
	[tilespmem:$0xB400] =	vst v63  }
0x54: {  	s26 =	sadd.s32 @!p0 $0xAA0, s25;
	s29 =	simm.s32 @!p0 $0x6400  }
0x55: {  	[tilespmem:s29], [sflag:$0x3] =	stream.indirect.gather @!p0 [hbm4b:s5+s28], $0x80, s26, s28, $0xb8;
	[tilespmem:$0xB400] =	vst v63  }
0x56: {  	_ =	swait.ge [sflag:s21], $0x2800  }
0x57: {  	[sflag:s21] =	ssyncset.done $0x0  }
0x58: {  	[sflag:s21] =	ssyncadd.s32 $0xFFFFD800  }
0x59: {  	_ =	swait.ge [sflag:s22], $0x2800  }
0x5a: {  	[sflag:s22] =	ssyncset.done $0x0  }
0x5b: {  	s26 =	simm.s32 $0x0;
	[sflag:s22] =	ssyncadd.s32 $0xFFFFD800  }
0x5c: {  	v7 =	vld [tilespmem:s26+$0x8C00]  }
0x5d: {  	v11 =	vld [tilespmem:s26+$0x8C10]  }
0x5e: {  	v5 =	vld [tilespmem:s26+$0x8C20]  }
0x5f: {  	v4 =	vld [tilespmem:s26+$0x8C30]  }
0x60: {  	v3 =	vld [tilespmem:s26+$0x8C40]  }
0x61: {  	v2 =	vld [tilespmem:s26+$0x8C50]  }
0x62: {  	v1 =	vld [tilespmem:s26+$0x8C60]  }
0x63: {  	v0 =	vld [tilespmem:s26+$0x8C70]  }
0x64: {  	v12 =	vld [tilespmem:s26+$0x3C00]  }
0x65: {  	v13 =	vld [tilespmem:s26+$0x3C10]  }
0x66: {  	v10 =	vld [tilespmem:s26+$0x3C20]  }
0x67: {  	v9 =	vld [tilespmem:s26+$0x3C30]  }
0x68: {  	v8 =	vld [tilespmem:s26+$0x3C40]  }
0x69: {  	v6 =	vld [tilespmem:s26+$0x3C50];
	v12 =	vadd.f32 v7, v12  }
0x6a: {  	s28 =	simm.s32 $0x200;
	v11 =	vadd.f32 v11, v13;
	v7 =	vld [tilespmem:s26+$0x3C60]  }
.LBB2_5:
0x6b: {  	s29 =	sshra.s32 s28, $0x2;
	p1 =	sne.s32 s28, $0x9E00;
	[tilespmem:s26+$0x3C00] =	vst v12;
	v5 =	vadd.f32 v5, v10;
	v10 =	vld [tilespmem:s26+$0x3C70]  }
0x6c: {  	v12 =	vld [tilespmem:s29+$0x8C00];
	[tilespmem:s26+$0x3C10] =	vst v11;
	v4 =	vadd.f32 v4, v9  }
0x6d: {  	v11 =	vld [tilespmem:s29+$0x8C10];
	[tilespmem:s26+$0x3C20] =	vst v5;
	v3 =	vadd.f32 v3, v8  }
0x6e: {  	v5 =	vld [tilespmem:s29+$0x8C20];
	[tilespmem:s26+$0x3C30] =	vst v4;
	v2 =	vadd.f32 v2, v6  }
0x6f: {  	v4 =	vld [tilespmem:s29+$0x8C30];
	[tilespmem:s26+$0x3C40] =	vst v3;
	v1 =	vadd.f32 v1, v7  }
0x70: {  	v3 =	vld [tilespmem:s29+$0x8C40];
	[tilespmem:s26+$0x3C50] =	vst v2;
	v0 =	vadd.f32 v0, v10  }
0x71: {  	v2 =	vld [tilespmem:s29+$0x8C50];
	[tilespmem:s26+$0x3C60] =	vst v1  }
0x72: {  	v1 =	vld [tilespmem:s29+$0x8C60];
	[tilespmem:s26+$0x3C70] =	vst v0;
	s26 =	smov.u32 s29  }
0x73: {  	v0 =	vld [tilespmem:s26+$0x8C70]  }
0x74: {  	v6 =	vld [tilespmem:s26+$0x3C00]  }
0x75: {  	v7 =	vld [tilespmem:s26+$0x3C10]  }
.Ltmp3:
0x76: {  	v10 =	vld [tilespmem:s26+$0x3C20];
	(pc) =	sbr.rel @p1 .LBB2_5-.Ltmp3, $4  }
0x77: {  	v9 =	vld [tilespmem:s26+$0x3C30]  }
0x78: {  	v8 =	vld [tilespmem:s26+$0x3C40]  }
0x79: {  	v12 =	vadd.f32 v12, v6;
	v6 =	vld [tilespmem:s26+$0x3C50]  }
0x7a: {  	s28 =	sadd.s32 $0x200, s28;
	v11 =	vadd.f32 v11, v7;
	v7 =	vld [tilespmem:s26+$0x3C60]  }
0x7b: {  	[tilespmem:s26+$0x3C00] =	vst v12;
	v5 =	vadd.f32 v5, v10;
	v63 =	vld [tilespmem:s26+$0x3C70]  }
0x7c: {  	[tilespmem:s26+$0x3C10] =	vst v11;
	v4 =	vadd.f32 v4, v9  }
0x7d: {  	[tilespmem:s26+$0x3C20] =	vst v5;
	v3 =	vadd.f32 v3, v8  }
0x7e: {  	[tilespmem:s26+$0x3C30] =	vst v4;
	v2 =	vadd.f32 v2, v6  }
0x7f: {  	s28 =	sadd.s32 s25, s9;
	[tilespmem:s26+$0x3C40] =	vst v3;
	v1 =	vadd.f32 v1, v7  }
0x80: {  	s28 =	sshll.u32 s28, $0x4;
	[tilespmem:s26+$0x3C50] =	vst v2;
	v0 =	vadd.f32 v0, v63  }
0x81: {  	s28 =	sand.u32 $0x1FFFFF00, s28;
	[tilespmem:s26+$0x3C60] =	vst v1  }
.Ltmp4:
0x82: {  	s31 =	sadd.s32 s6, s28;
	[tilespmem:s26+$0x3C70] =	vst v0;
	(pc) =	sbr.rel @p0 .LBB2_8-.Ltmp4, $4  }
0x83: {  	[hbm4b:s31+s2] =	stream.linear.scatter [tilespmem:s16], [sflag:$0x2], $0x2800, $0x38;
	[tilespmem:$0xB400] =	vst v63  }
0x84: {  	_ =	swait.ge [sflag:s21], $0x2800  }
0x85: {  	[sflag:s21] =	ssyncset.done $0x0  }
0x86: {  	[sflag:s21] =	ssyncadd.s32 $0xFFFFD800  }
.Ltmp5:
0x87: {  	(pc) =	sbr.rel .LBB2_2-.Ltmp5, $4  }
0x88: {  	s26 =	sadd.s32 $0xF0, s25  }
0x89: {  	[tilespmem:s16], [sflag:$0x2] =	stream.indirect.gather [hbm4b:s4+s13], $0x80, s26, s13, $0xb8;
	[tilespmem:$0xB400] =	vst v63  }
0x8a: {  	s31 =	sadd.s32 $0xAF0, s25;
	s24 =	sadd.s32 $0x1, s24  }
0x8b: {  	[tilespmem:s18], [sflag:$0x4] =	stream.indirect.gather [hbm4b:s5+s13], $0x80, s31, s13, $0xb8;
	[tilespmem:$0xB400] =	vst v63  }
.LBB2_9:
0x8c: {  	_ =	sfence.sel $0x180000  }
0x8d: {  	[bflag:$0x0] =	sbarrier.arrive $0xFFFF  }
0x8e: {  	p0 =	sne.s32 s0, $0x0;
	_ =	strace $0x90000053  }
0x8f: {  	s0 =	sadd.s32 @!p0 $0x100000, s1;
	[bflag:$0x2] =	sbarrier.arrive $0xFFFF  }
0x90: {  	[sflag:s0] =	ssyncadd.tile.s32 @!p0 $0x1;
	_ =	shalt  }
.Lfunc_end2:
_tile_overlayer_lowered:
.L_overlay_start_2:
0x91: {  	(tag) =	ssettag $0x2  }
0x92: {  	s0 =	rddreg [dreg:$0x0];
	s2 =	stileid.u32  }
0x93: {  	s1 =	rddreg [dreg:$0x1];
	p0 =	sne.s32 s2, $0x0  }
0x94: {  	s3 =	rddreg [dreg:$0x2];
	[bflag:$0x3] =	sbarrier.arrive $0xFFFF;
	s2 =	simm.s32 @!p0 $0x1C05  }
0x95: {  	[timem:s3], [sflag:s2] =	dma.local @!p0 [hbm:s0], s1  }
0x96: {  	s0 =	simm.s32 @!p0 $0x5  }
0x97: {  	_ =	swait.ge @!p0 [sflag:s0], s1  }
0x98: {  	s1 =	ssub.s32 @!p0 $0x0, s1;
	[sflag:s0] =	ssyncset.done @!p0 $0x0  }
0x99: {  	[sflag:s0] =	ssyncadd.s32 @!p0 s1  }
0x9a: {  	[bflag:$0x3] =	sbarrier.arrive $0xFFFF  }
0x9b: {  	_ =	shalt  }

// kernel: kernel.26.cloned.1.call-start
scs
__scs_entry_jumppad:
0x0: {  	(pc) =	sbr.rel $0x88, $3  }
0x1: {  	(tag) =	ssettag $0x0;
	lr =	simm.s32 $0x1  }
0x2: {  	[smem:$0x3F8E] =	sst lr;
	_ =	strace $0xD0000000  }
0x3: {  	_ = 	snop  }
0x4: {  	_ = 	snop  }
0x5: {  	_ = 	snop  }
0x6: {  	_ = 	snop  }
0x7: {  	_ = 	snop  }
__scs_overlays_trampoline_lowered:
0x8: {  	[smem:$0x3F9D] =	sst s0  }
0x9: {  	[smem:$0x3F9E] =	sst s1  }
0xa: {  	[smem:$0x3F9F] =	sst s2  }
0xb: {  	[smem:$0x3FA0] =	sst s3  }
0xc: {  	[smem:$0x3FA1] =	sst s4  }
0xd: {  	[smem:$0x3FA2] =	sst s5  }
0xe: {  	[smem:$0x3FA3] =	sst s6  }
0xf: {  	[smem:$0x3FA4] =	sst s7  }
0x10: {  	[smem:$0x3FA5] =	sst s8  }
0x11: {  	[smem:$0x3FA6] =	sst s9;
	s0 =	simm.s32 @!p0 $0x0  }
0x12: {  	s1 =	sld [smem:$0x3F8C];
	s0 =	simm.s32 @p0 $0x1  }
0x13: {  	[smem:$0x3FA7] =	sst s0;
	s0 =	simm.s32 @!p1 $0x0  }
0x14: {  	s2 =	sld [smem:$0x3F8B];
	s0 =	simm.s32 @p1 $0x1  }
0x15: {  	[smem:$0x3FA8] =	sst s0;
	s0 =	simm.s32 @!p2 $0x0  }
0x16: {  	s3 =	sld [smem:$0x3FDB];
	s0 =	simm.s32 @p2 $0x1  }
0x17: {  	s4 =	simm.s32 $0x1BF5;
	[smem:$0x3FAA] =	sst s0  }
0x18: {  	s0 =	sld [smem:$0x3F8D];
	_ =	swait.ge [sflag:s4], $0x0  }
0x19: {  	s7 =	sld [smem:$0x3F8E]  }
0x1a: {  	s8 =	sadd.s32 $0xFFFFE003, lr  }
0x1b: {  	s9 =	sadd.s32 $0xFFFFFEF7, lr;
	s5 =	simm.s32 $0xFFFFFFFF;
	p2 =	slt.u32 s8, $0xFFFFF086  }
0x1c: {  	p1 =	slt.u32 s9, $0xF7A;
	s5 =	simm.s32 @!p2 $0x0  }
0x1d: {  	s5 =	simm.s32 @p1 $0x1;
	p0 =	seq.s32 s7, s2  }
0x1e: {  	s7 =	smul.u32 @!p0 $0xF7A, s2;
	p2 =	seq.s32 @!p0 s5, $0x0  }
0x1f: {  	s9 =	smul.u32 $0xF7A, s1;
	s8 =	simm.s32 @!p0 $0x1BF5;
	p2 =	por !p2, p0  }
0x20: {  	[sflag:s8] =	ssyncset.s32 @!p0 $0xFFFFF086;
	s6 =	sadd.s32 @!p0 s3, s7;
	s7 =	simm.s32 @!p0 $0x108  }
0x21: {  	s3 =	sadd.s32 s3, s9;
	s6 =	sadd.s32 @!p0 $0x88, s6;
	s7 =	simm.s32 @p2 $0x1082  }
0x22: {  	[simem:s7], [sflag:s8] =	dma.local @!p0 [hbm:s6], $0xF7A  }
0x23: {  	s9 =	sor.u32 $0xD0000000, s2;
	s6 =	simm.s32 $0x108;
	_ =	swait.ge @!p0 [sflag:s8], $0x0  }
0x24: {  	s3 =	sadd.s32 $0x88, s3;
	s6 =	simm.s32 @!p1 $0x1082;
	[sflag:s4] =	ssyncset.s32 $0xFFFFF086  }
0x25: {  	[simem:s6], [sflag:s4] =	dma.local [hbm:s3], $0xF7A  }
0x26: {  	[smem:$0x3F8E] =	sst s1;
	(tag) =	ssettag s2;
	_ =	strace s9  }
0x27: {  	s1 =	sld [smem:$0x3F9E]  }
0x28: {  	s2 =	sld [smem:$0x3F9F]  }
0x29: {  	s4 =	sld [smem:$0x3FA1]  }
0x2a: {  	p0 =	seq.s32 s5, $0x0;
	s5 =	sld [smem:$0x3FA2]  }
0x2b: {  	s6 =	sld [smem:$0x3FA3]  }
0x2c: {  	s7 =	sld [smem:$0x3FA4]  }
0x2d: {  	s3 =	simm.s32 $0x108;
	s8 =	sld [smem:$0x3FA5]  }
0x2e: {  	s3 =	simm.s32 @!p0 $0x1082;
	s9 =	sld [smem:$0x3FA6]  }
0x2f: {  	lr =	sadd.s32 s0, s3;
	s0 =	sld [smem:$0x3F9D]  }
0x30: {  	s3 =	sld [smem:$0x3FA0]  }
0x31: {  	[smem:$0x3FA9] =	sst s10  }
0x32: {  	s10 =	sld [smem:$0x3FA7];
	_ =	sdelay $0x3  }
0x33: {  	p0 =	seq.s32 s10, $0x1;
	s10 =	sld [smem:$0x3FA9];
	_ =	sdelay $0x3  }
0x34: {  	[smem:$0x3FA9] =	sst s10  }
0x35: {  	s10 =	sld [smem:$0x3FA8];
	_ =	sdelay $0x3  }
0x36: {  	p1 =	seq.s32 s10, $0x1;
	s10 =	sld [smem:$0x3FA9];
	_ =	sdelay $0x3  }
0x37: {  	[smem:$0x3FA9] =	sst s10  }
0x38: {  	s10 =	sld [smem:$0x3FAA]  }
0x39: {  	_ = 	snop;
	(pc) =	sbr.ind lr, $3  }
0x3a: {  	_ = 	snop  }
0x3b: {  	_ = 	snop  }
0x3c: {  	p2 =	seq.s32 s10, $0x1;
	s10 =	sld [smem:$0x3FA9]  }
0x3d: {  	_ =	shalt  }
0x3e: {  	_ =	shalt  }
0x3f: {  	_ =	shalt  }
0x40: {  	_ =	shalt  }
0x41: {  	_ =	shalt  }
0x42: {  	_ =	shalt  }
0x43: {  	_ =	shalt  }
0x44: {  	_ =	shalt  }
0x45: {  	_ =	shalt  }
0x46: {  	_ =	shalt  }
0x47: {  	_ =	shalt  }
0x48: {  	_ =	shalt  }
0x49: {  	_ =	shalt  }
0x4a: {  	_ =	shalt  }
0x4b: {  	_ =	shalt  }
0x4c: {  	_ =	shalt  }
0x4d: {  	_ =	shalt  }
0x4e: {  	_ =	shalt  }
0x4f: {  	_ =	shalt  }
0x50: {  	_ =	shalt  }
0x51: {  	_ =	shalt  }
0x52: {  	_ =	shalt  }
0x53: {  	_ =	shalt  }
0x54: {  	_ =	shalt  }
0x55: {  	_ =	shalt  }
0x56: {  	_ =	shalt  }
0x57: {  	_ =	shalt  }
0x58: {  	_ =	shalt  }
0x59: {  	_ =	shalt  }
0x5a: {  	_ =	shalt  }
0x5b: {  	_ =	shalt  }
0x5c: {  	_ =	shalt  }
0x5d: {  	_ =	shalt  }
0x5e: {  	_ =	shalt  }
0x5f: {  	_ =	shalt  }
0x60: {  	_ =	shalt  }
0x61: {  	_ =	shalt  }
0x62: {  	_ =	shalt  }
0x63: {  	_ =	shalt  }
0x64: {  	_ =	shalt  }
0x65: {  	_ =	shalt  }
0x66: {  	_ =	shalt  }
0x67: {  	_ =	shalt  }
0x68: {  	_ =	shalt  }
0x69: {  	_ =	shalt  }
0x6a: {  	_ =	shalt  }
0x6b: {  	_ =	shalt  }
0x6c: {  	_ =	shalt  }
0x6d: {  	_ =	shalt  }
0x6e: {  	_ =	shalt  }
0x6f: {  	_ =	shalt  }
0x70: {  	_ =	shalt  }
0x71: {  	_ =	shalt  }
0x72: {  	_ =	shalt  }
0x73: {  	_ =	shalt  }
0x74: {  	_ =	shalt  }
0x75: {  	_ =	shalt  }
0x76: {  	_ =	shalt  }
0x77: {  	_ =	shalt  }
0x78: {  	_ =	shalt  }
0x79: {  	_ =	shalt  }
0x7a: {  	_ =	shalt  }
0x7b: {  	_ =	shalt  }
0x7c: {  	_ =	shalt  }
0x7d: {  	_ =	shalt  }
0x7e: {  	_ =	shalt  }
0x7f: {  	_ =	shalt  }
0x80: {  	_ =	shalt  }
0x81: {  	_ =	shalt  }
0x82: {  	_ =	shalt  }
0x83: {  	_ =	shalt  }
0x84: {  	_ =	shalt  }
0x85: {  	_ =	shalt  }
0x86: {  	_ =	shalt  }
0x87: {  	_ =	shalt  }
.Lfunc_end0:
.L_simem_size_0:
called_computation.4_lowered:
.L_overlay_start_0:
0x88: {  	s2 =	sld [smem:$0x3FD9]  }
0x89: {  	s3 =	sld [smem:$0x3FFE];
	_ =	sdelay $0x1  }
0x8a: {  	s1 =	srdreg.scid  }
0x8b: {  	s0 =	sand.u32 $0x1, s1  }
0x8c: {  	s17 =	sshll.u32 s0, $0xA;
	s2 =	sadd.s32 s3, s2  }
0x8d: {  	s2 =	sadd.s32 s2, s17  }
0x8e: {  	[smem:$0x3FB5] =	sst s2  }
0x8f: {  	_ = 	snop  }
0x90: {  	s2 =	sld [smem:$0x3FD0];
	(tm) =	ssettm $0x1  }
0x91: {  	s18 =	sld [smem:$0x3FFB];
	_ =	sdelay $0x3  }
0x92: {  	_ =	strace s18  }
0x93: {  	s3 =	sld [smem:$0x3FFC];
	_ =	sdelay $0x3  }
0x94: {  	_ =	strace s3  }
0x95: {  	s3 =	sld [smem:$0x3FFD];
	_ =	sdelay $0x3  }
0x96: {  	_ =	strace s3  }
0x97: {  	_ =	strace $0x8FFFFFFF  }
0x98: {  	s19 =	sld [smem:$0x3FDB];
	_ =	sdelay $0x1  }
0x99: {  	s4 =	simm.s32 $_scs_section_size  }
0x9a: {  	s5 =	simm.s32 $_size__tile_overlayer_lowered;
	s6 =	simm.s32 $_tile_overlayer_lowered  }
0x9b: {  	s22 =	simm.s32 $0x1BFF;
	s21 =	sshll.u32 s6, $0x1;
	s3 =	sadd.s32 s4, s19  }
0x9c: {  	s7 =	simm.s32 $0x0;
	s20 =	sshll.u32 s5, $0x1;
	s5 =	sadd.s32 s21, s3  }
0x9d: {  	[timem:s7], [sflag:s22] =	dma.local [hbm:s5], s20  }
0x9e: {  	_ =	swait.ge [sflag:s22], s20  }
0x9f: {  	s4 =	ssub.s32 $0x0, s20;
	[sflag:s22] =	ssyncset.done $0x0  }
0xa0: {  	[sflag:s22] =	ssyncadd.s32 s4;
	_ =	sdelay $0x1  }
0xa1: {  	s23 =	simm.s32 $0x1B8B  }
0xa2: {  	_ =	swait.ge [sflag:s23], $0x1  }
0xa3: {  	[sflag:s23] =	ssyncset.done $0x0  }
0xa4: {  	s25 =	simm.s32 $0x1B8E;
	s24 =	sld [smem:$0x3FFE];
	[sflag:s23] =	ssyncadd.s32 $0xFFFFFFFF  }
0xa5: {  	s26 =	simm.s32 $execute0_lowered;
	[smem:$0x3FD2] =	sst s25  }
0xa6: {  	s5 =	sshll.u32 s26, $0x1;
	_ =	strace $0x8000004C;
	[dreg:$0x1] =	wrdreg $0xFFFFFFFF  }
0xa7: {  	s28 =	simm.s32 $_size_execute0_lowered;
	s3 =	sadd.s32 s3, s5;
	[dreg:$0x0] =	wrdreg $0x0  }
0xa8: {  	s5 =	sshll.u32 s28, $0x1;
	[dreg:$0x2] =	wrdreg s3  }
0xa9: {  	[dreg:$0x3] =	wrdreg s5  }
0xaa: {  	[dreg:$0x4] =	wrdreg $0xC0  }
0xab: {  	_ =	task [dreg:s7], $0x5FFFF  }
0xac: {  	[dreg:$0x1] =	wrdreg $0xFFFFFFFF  }
0xad: {  	[dreg:$0x0] =	wrdreg $0x60  }
0xae: {  	[dreg:$0x2] =	wrdreg s24  }
0xaf: {  	[dreg:$0x3] =	wrdreg s2  }
0xb0: {  	[dreg:$0x4] =	wrdreg $0xB  }
0xb1: {  	_ =	task.clear_ibuf [dreg:s7], $0x5FFFF;
	_ =	strace $0x9000004C  }
0xb2: {  	s29 =	simm.s32 $0xB;
	_ =	strace $0x8000004E  }
0xb3: {  	_ =	swait.ge [sflag:s29], $0x1  }
0xb4: {  	[sflag:s29] =	ssyncadd.s32 $0xFFFFFFFF  }
0xb5: {  	_ =	strace $0x9000004E  }
0xb6: {  	_ =	sfence  }
0xb7: {  	s30 =	sld [smem:$0x0];
	_ =	sdelay $0x2  }
0xb8: {  	s31 =	sshll.u32 s1, $0xD;
	s1 =	sshrl.u32 s1, $0x2  }
0xb9: {  	s3 =	sand.u32 $0x4000, s31;
	s1 =	sadd.s32 s1, s30  }
0xba: {  	s0 =	sor.u32 s3, s0;
	s1 =	sshll.u32 s1, $0x11  }
0xbb: {  	s0 =	sor.u32 s1, s0  }
0xbc: {  	s0 =	sadd.s32 $0x8F2B, s0  }
0xbd: {  	[sflag:s0] =	ssyncadd.remote.s32 $0x1  }
0xbe: {  	_ =	sfence.sel $0xFFFF  }
0xbf: {  	[dreg:$0x0] =	wrdreg $0xFFFFFFFF;
	(pc) =	sbr.abs _section_cstart, $3  }
0xc0: {  	[dreg:$0x1] =	wrdreg $0xFFFFFFFF  }
0xc1: {  	_ =	task.clear_ibuf [dreg:s7], $0x2FFFF;
	_ =	strace $0x9FFFFFFF  }
0xc2: {  	(tm) =	ssettm $0x7FFFFFFF  }
0xc3: {  	_ =	shalt  }
tec
execute0_lowered:
.L_overlay_start_1:
0x0: {  	(tag) =	ssettag $0x1  }
0x1: {  	s1 =	srdreg.scid;
	s6 =	rddreg [dreg:$0x0]  }
0x2: {  	s0 =	stileid.u32;
	s8 =	rddreg [dreg:$0x1];
	s2 =	simm.s32 $0x0  }
0x3: {  	s12 =	simm.s32 $0x50;
	s13 =	simm.s32 $0x1360;
	s14 =	simm.s32 $0x6360  }
0x4: {  	s15 =	simm.s32 $0x3B60;
	s16 =	simm.s32 $0xA00;
	s17 =	simm.s32 $0x8B60  }
0x5: {  	s18 =	simm.s32 $0x1;
	s5 =	sand.u32 $0x1, s1;
	s30 =	sshll.u32 s0, $0x1  }
0x6: {  	s19 =	simm.s32 $0x3;
	s20 =	simm.s32 $0x2;
	s3 =	sor.u32 s5, s30  }
0x7: {  	s21 =	simm.s32 $0x4;
	s1 =	rddreg [dreg:$0x2];
	s3 =	smul.u32 $0x9B0, s3  }
0x8: {  	s22 =	simm.s32 $0x0;
	[smem:$0x7FF] =	sst s2;
	s4 =	sadd.s32 $0xDA00, s6  }
.Ltmp0:
0x9: {  	s31 =	ssub.s32 $0x2, s5;
	s7 =	sshrl.u32 s3, $0x3;
	(pc) =	sbr.rel .LBB2_1-.Ltmp0, $4  }
0xa: {  	_ =	strace $0x8000004D;
	s11 =	sshrl.u32 s31, $0x1;
	s9 =	sadd.s32 $0x5000, s7  }
0xb: {  	s5 =	sadd.s32 $0x34C00, s6;
	s11 =	ssub.s32 s31, s11;
	s10 =	sadd.s32 s9, s6  }
0xc: {  	s6 =	sadd.s32 $0x5BE00, s6;
	s8 =	sadd.s32 s8, s9;
	s9 =	smax.u32 s11, $0x1  }
0xd: {  	s11 =	simm.s32 $0x9B0;
	s7 =	sadd.s32 $0x3C00, s10;
	s10 =	simm.s32 $0x5  }
.LBB2_10:
0xe: {  	s22 =	sadd.s32 $0x1, s22  }
0xf: {  	p0 =	sne.s32 s22, s9  }
.Ltmp1:
0x10: {  	_ = 	snop;
	(pc) =	sbr.rel @!p0 .LBB2_11-.Ltmp1, $1  }
0x11: {  	_ =	sdelay $0x3  }
.LBB2_1:
0x12: {  	[tilespmem:s2], [sflag:$0x5] =	stream.linear.gather [hbm4b:s7+s2], $0x9B0, $0x38;
	[tilespmem:$0xB360] =	vst v63  }
0x13: {  	_ =	swait.ge [sflag:s10], $0x9B0  }
0x14: {  	[sflag:s10] =	ssyncset.done $0x0  }
0x15: {  	[sflag:s10] =	ssyncadd.s32 $0xFFFFF650  }
0x16: {  	[tilespmem:s11], [sflag:$0x5] =	stream.linear.gather [hbm4b:s8+s2], $0x9B0, $0x38;
	[tilespmem:$0xB360] =	vst v63  }
0x17: {  	_ =	swait.ge [sflag:s10], $0x9B0  }
0x18: {  	[sflag:s10] =	ssyncset.done $0x0  }
0x19: {  	[sflag:s10] =	ssyncadd.s32 $0xFFFFF650  }
0x1a: {  	[tilespmem:s13], [sflag:$0x1] =	stream.indirect.gather [hbm4b:s4+s12], $0x80, s2, s12, $0xb8;
	[tilespmem:$0xB360] =	vst v63  }
0x1b: {  	_ = 	snop  }
0x1c: {  	[tilespmem:s14], [sflag:$0x3] =	stream.indirect.gather [hbm4b:s5+s12], $0x80, s11, s12, $0xb8;
	[tilespmem:$0xB360] =	vst v63  }
.Ltmp2:
0x1d: {  	_ = 	snop;
	(pc) =	sbr.rel .LBB2_2-.Ltmp2, $4  }
0x1e: {  	_ = 	snop  }
0x1f: {  	[tilespmem:s15], [sflag:$0x2] =	stream.indirect.gather [hbm4b:s4+s12], $0x80, s12, s12, $0xb8;
	[tilespmem:$0xB360] =	vst v63  }
0x20: {  	s23 =	simm.s32 $0x0  }
0x21: {  	[tilespmem:s17], [sflag:$0x4] =	stream.indirect.gather [hbm4b:s5+s12], $0x80, s16, s12, $0xb8;
	[tilespmem:$0xB360] =	vst v63  }
.LBB2_9:
0x22: {  	s23 =	sadd.s32 $0x1, s23  }
0x23: {  	p0 =	sne.s32 s23, $0x10  }
.Ltmp3:
0x24: {  	_ = 	snop;
	(pc) =	sbr.rel @!p0 .LBB2_10-.Ltmp3, $1  }
0x25: {  	_ =	sdelay $0x3  }
.LBB2_2:
0x26: {  	_ =	swait.ge [sflag:s18], $0x2800  }
0x27: {  	[sflag:s18] =	ssyncset.done $0x0  }
0x28: {  	[sflag:s18] =	ssyncadd.s32 $0xFFFFD800  }
0x29: {  	_ =	swait.ge [sflag:s19], $0x2800  }
0x2a: {  	[sflag:s19] =	ssyncset.done $0x0  }
0x2b: {  	s25 =	simm.s32 $0x0;
	[sflag:s19] =	ssyncadd.s32 $0xFFFFD800  }
0x2c: {  	v6 =	vld [tilespmem:s25+$0x6360]  }
0x2d: {  	v11 =	vld [tilespmem:s25+$0x6370]  }
0x2e: {  	v5 =	vld [tilespmem:s25+$0x6380]  }
0x2f: {  	v4 =	vld [tilespmem:s25+$0x6390]  }
0x30: {  	v3 =	vld [tilespmem:s25+$0x63A0]  }
0x31: {  	v2 =	vld [tilespmem:s25+$0x63B0]  }
0x32: {  	v1 =	vld [tilespmem:s25+$0x63C0]  }
0x33: {  	v0 =	vld [tilespmem:s25+$0x63D0]  }
0x34: {  	v12 =	vld [tilespmem:s25+$0x1360]  }
0x35: {  	v13 =	vld [tilespmem:s25+$0x1370]  }
0x36: {  	v10 =	vld [tilespmem:s25+$0x1380]  }
0x37: {  	v9 =	vld [tilespmem:s25+$0x1390]  }
0x38: {  	v8 =	vld [tilespmem:s25+$0x13A0]  }
0x39: {  	v7 =	vld [tilespmem:s25+$0x13B0];
	v12 =	vadd.f32 v6, v12  }
0x3a: {  	s24 =	simm.s32 $0x200;
	v11 =	vadd.f32 v11, v13;
	v6 =	vld [tilespmem:s25+$0x13C0]  }
.LBB2_3:
0x3b: {  	s26 =	sshra.s32 s24, $0x2;
	p0 =	sne.s32 s24, $0x9E00;
	[tilespmem:s25+$0x1360] =	vst v12;
	v5 =	vadd.f32 v5, v10;
	v10 =	vld [tilespmem:s25+$0x13D0]  }
0x3c: {  	v12 =	vld [tilespmem:s26+$0x6360];
	[tilespmem:s25+$0x1370] =	vst v11;
	v4 =	vadd.f32 v4, v9  }
0x3d: {  	v11 =	vld [tilespmem:s26+$0x6370];
	[tilespmem:s25+$0x1380] =	vst v5;
	v3 =	vadd.f32 v3, v8  }
0x3e: {  	v5 =	vld [tilespmem:s26+$0x6380];
	[tilespmem:s25+$0x1390] =	vst v4;
	v2 =	vadd.f32 v2, v7  }
0x3f: {  	v4 =	vld [tilespmem:s26+$0x6390];
	[tilespmem:s25+$0x13A0] =	vst v3;
	v1 =	vadd.f32 v1, v6  }
0x40: {  	v3 =	vld [tilespmem:s26+$0x63A0];
	[tilespmem:s25+$0x13B0] =	vst v2;
	v0 =	vadd.f32 v0, v10  }
0x41: {  	v2 =	vld [tilespmem:s26+$0x63B0];
	[tilespmem:s25+$0x13C0] =	vst v1  }
0x42: {  	v1 =	vld [tilespmem:s26+$0x63C0];
	[tilespmem:s25+$0x13D0] =	vst v0;
	s25 =	smov.u32 s26  }
0x43: {  	v0 =	vld [tilespmem:s25+$0x63D0]  }
0x44: {  	v6 =	vld [tilespmem:s25+$0x1360]  }
0x45: {  	v13 =	vld [tilespmem:s25+$0x1370]  }
.Ltmp4:
0x46: {  	v10 =	vld [tilespmem:s25+$0x1380];
	(pc) =	sbr.rel @p0 .LBB2_3-.Ltmp4, $4  }
0x47: {  	v9 =	vld [tilespmem:s25+$0x1390]  }
0x48: {  	v8 =	vld [tilespmem:s25+$0x13A0]  }
0x49: {  	v12 =	vadd.f32 v12, v6;
	v7 =	vld [tilespmem:s25+$0x13B0]  }
0x4a: {  	s24 =	sadd.s32 $0x200, s24;
	v11 =	vadd.f32 v11, v13;
	v6 =	vld [tilespmem:s25+$0x13C0]  }
0x4b: {  	[tilespmem:s25+$0x1360] =	vst v12;
	v5 =	vadd.f32 v5, v10;
	v63 =	vld [tilespmem:s25+$0x13D0]  }
0x4c: {  	[tilespmem:s25+$0x1370] =	vst v11;
	v4 =	vadd.f32 v4, v9  }
0x4d: {  	[tilespmem:s25+$0x1380] =	vst v5;
	v3 =	vadd.f32 v3, v8  }
0x4e: {  	s24 =	smul.u32 $0xA0, s23;
	[tilespmem:s25+$0x1390] =	vst v4;
	v2 =	vadd.f32 v2, v7  }
0x4f: {  	[tilespmem:s25+$0x13A0] =	vst v3;
	v1 =	vadd.f32 v1, v6  }
0x50: {  	s26 =	sadd.s32 s3, s24;
	[tilespmem:s25+$0x13B0] =	vst v2;
	v0 =	vadd.f32 v0, v63  }
0x51: {  	p0 =	seq.s32 s23, $0xF;
	s26 =	sshll.u32 s26, $0x4;
	[tilespmem:s25+$0x13C0] =	vst v1  }
.Ltmp5:
0x52: {  	s31 =	sadd.s32 s6, s26;
	[tilespmem:s25+$0x13D0] =	vst v0;
	(pc) =	sbr.rel @p0 .LBB2_10-.Ltmp5, $4  }
0x53: {  	[hbm4b:s31+s2] =	stream.linear.scatter [tilespmem:s13], [sflag:$0x1], $0x2800, $0x38;
	[tilespmem:$0xB360] =	vst v63  }
0x54: {  	_ =	swait.ge [sflag:s18], $0x2800  }
0x55: {  	[sflag:s18] =	ssyncset.done $0x0  }
0x56: {  	[sflag:s18] =	ssyncadd.s32 $0xFFFFD800  }
0x57: {  	s25 =	sadd.s32 $0xA0, s24  }
0x58: {  	[tilespmem:s13], [sflag:$0x1] =	stream.indirect.gather [hbm4b:s4+s12], $0x80, s25, s12, $0xb8;
	[tilespmem:$0xB360] =	vst v63  }
0x59: {  	s25 =	sshllo.u32 s23, $0x1  }
0x5a: {  	p0 =	sgt.u32 s25, $0x1E  }
.Ltmp6:
0x5b: {  	_ = 	snop;
	(pc) =	sbr.rel @p0 .LBB2_9-.Ltmp6, $3  }
0x5c: {  	_ =	sdelay $0x1  }
0x5d: {  	s31 =	sadd.s32 $0xA50, s24  }
0x5e: {  	[tilespmem:s14], [sflag:$0x3] =	stream.indirect.gather [hbm4b:s5+s12], $0x80, s31, s12, $0xb8;
	[tilespmem:$0xB360] =	vst v63  }
0x5f: {  	_ =	swait.ge [sflag:s20], $0x2800  }
0x60: {  	[sflag:s20] =	ssyncset.done $0x0  }
0x61: {  	[sflag:s20] =	ssyncadd.s32 $0xFFFFD800  }
0x62: {  	_ =	swait.ge [sflag:s21], $0x2800  }
0x63: {  	[sflag:s21] =	ssyncset.done $0x0  }
0x64: {  	s26 =	simm.s32 $0x0;
	[sflag:s21] =	ssyncadd.s32 $0xFFFFD800  }
0x65: {  	v7 =	vld [tilespmem:s26+$0x8B60]  }
0x66: {  	v11 =	vld [tilespmem:s26+$0x8B70]  }
0x67: {  	v5 =	vld [tilespmem:s26+$0x8B80]  }
0x68: {  	v4 =	vld [tilespmem:s26+$0x8B90]  }
0x69: {  	v3 =	vld [tilespmem:s26+$0x8BA0]  }
0x6a: {  	v2 =	vld [tilespmem:s26+$0x8BB0]  }
0x6b: {  	v1 =	vld [tilespmem:s26+$0x8BC0]  }
0x6c: {  	v0 =	vld [tilespmem:s26+$0x8BD0]  }
0x6d: {  	v12 =	vld [tilespmem:s26+$0x3B60]  }
0x6e: {  	v13 =	vld [tilespmem:s26+$0x3B70]  }
0x6f: {  	v10 =	vld [tilespmem:s26+$0x3B80]  }
0x70: {  	v9 =	vld [tilespmem:s26+$0x3B90]  }
0x71: {  	v8 =	vld [tilespmem:s26+$0x3BA0]  }
0x72: {  	v6 =	vld [tilespmem:s26+$0x3BB0];
	v12 =	vadd.f32 v7, v12  }
0x73: {  	s28 =	simm.s32 $0x200;
	v11 =	vadd.f32 v11, v13;
	v7 =	vld [tilespmem:s26+$0x3BC0]  }
.LBB2_7:
0x74: {  	s29 =	sshra.s32 s28, $0x2;
	p0 =	sne.s32 s28, $0x9E00;
	[tilespmem:s26+$0x3B60] =	vst v12;
	v5 =	vadd.f32 v5, v10;
	v10 =	vld [tilespmem:s26+$0x3BD0]  }
0x75: {  	v12 =	vld [tilespmem:s29+$0x8B60];
	[tilespmem:s26+$0x3B70] =	vst v11;
	v4 =	vadd.f32 v4, v9  }
0x76: {  	v11 =	vld [tilespmem:s29+$0x8B70];
	[tilespmem:s26+$0x3B80] =	vst v5;
	v3 =	vadd.f32 v3, v8  }
0x77: {  	v5 =	vld [tilespmem:s29+$0x8B80];
	[tilespmem:s26+$0x3B90] =	vst v4;
	v2 =	vadd.f32 v2, v6  }
0x78: {  	v4 =	vld [tilespmem:s29+$0x8B90];
	[tilespmem:s26+$0x3BA0] =	vst v3;
	v1 =	vadd.f32 v1, v7  }
0x79: {  	v3 =	vld [tilespmem:s29+$0x8BA0];
	[tilespmem:s26+$0x3BB0] =	vst v2;
	v0 =	vadd.f32 v0, v10  }
0x7a: {  	v2 =	vld [tilespmem:s29+$0x8BB0];
	[tilespmem:s26+$0x3BC0] =	vst v1  }
0x7b: {  	v1 =	vld [tilespmem:s29+$0x8BC0];
	[tilespmem:s26+$0x3BD0] =	vst v0;
	s26 =	smov.u32 s29  }
0x7c: {  	v0 =	vld [tilespmem:s26+$0x8BD0]  }
0x7d: {  	v6 =	vld [tilespmem:s26+$0x3B60]  }
0x7e: {  	v7 =	vld [tilespmem:s26+$0x3B70]  }
.Ltmp7:
0x7f: {  	v10 =	vld [tilespmem:s26+$0x3B80];
	(pc) =	sbr.rel @p0 .LBB2_7-.Ltmp7, $4  }
0x80: {  	v9 =	vld [tilespmem:s26+$0x3B90]  }
0x81: {  	v8 =	vld [tilespmem:s26+$0x3BA0]  }
0x82: {  	v12 =	vadd.f32 v12, v6;
	v6 =	vld [tilespmem:s26+$0x3BB0]  }
0x83: {  	s28 =	sadd.s32 $0x200, s28;
	v11 =	vadd.f32 v11, v7;
	v7 =	vld [tilespmem:s26+$0x3BC0]  }
0x84: {  	[tilespmem:s26+$0x3B60] =	vst v12;
	v5 =	vadd.f32 v5, v10;
	v63 =	vld [tilespmem:s26+$0x3BD0]  }
0x85: {  	[tilespmem:s26+$0x3B70] =	vst v11;
	v4 =	vadd.f32 v4, v9  }
0x86: {  	s25 =	smul.u32 $0x50, s25;
	[tilespmem:s26+$0x3B80] =	vst v5;
	v3 =	vadd.f32 v3, v8  }
0x87: {  	[tilespmem:s26+$0x3B90] =	vst v4;
	v2 =	vadd.f32 v2, v6  }
0x88: {  	s25 =	sadd.s32 s3, s25;
	[tilespmem:s26+$0x3BA0] =	vst v3;
	v1 =	vadd.f32 v1, v7  }
0x89: {  	s25 =	sshll.u32 s25, $0x4;
	[tilespmem:s26+$0x3BB0] =	vst v2;
	v0 =	vadd.f32 v0, v63  }
0x8a: {  	s25 =	sand.u32 $0x1FFFFF00, s25;
	[tilespmem:s26+$0x3BC0] =	vst v1  }
0x8b: {  	s25 =	sadd.s32 s6, s25;
	[tilespmem:s26+$0x3BD0] =	vst v0  }
0x8c: {  	[hbm4b:s25+s2] =	stream.linear.scatter [tilespmem:s15], [sflag:$0x2], $0x2800, $0x38;
	[tilespmem:$0xB360] =	vst v63  }
0x8d: {  	p0 =	sgt.u32 s23, $0xD;
	_ =	swait.ge [sflag:s20], $0x2800  }
.Ltmp8:
0x8e: {  	s28 =	simm.s32 @!p0 $0x3B60;
	[sflag:s20] =	ssyncset.done $0x0;
	(pc) =	sbr.rel .LBB2_9-.Ltmp8, $4  }
0x8f: {  	s26 =	simm.s32 @!p0 $0x50;
	s25 =	sadd.s32 @!p0 $0xF0, s24;
	[sflag:s20] =	ssyncadd.s32 $0xFFFFD800  }
0x90: {  	[tilespmem:s28], [sflag:$0x2] =	stream.indirect.gather @!p0 [hbm4b:s4+s26], $0x80, s25, s26, $0xb8;
	[tilespmem:$0xB360] =	vst v63  }
0x91: {  	s24 =	sadd.s32 @!p0 $0xAA0, s24;
	s25 =	simm.s32 @!p0 $0x8B60  }
0x92: {  	[tilespmem:s25], [sflag:$0x4] =	stream.indirect.gather @!p0 [hbm4b:s5+s26], $0x80, s24, s26, $0xb8;
	[tilespmem:$0xB360] =	vst v63  }
.LBB2_11:
0x93: {  	_ =	sfence.sel $0x180000  }
0x94: {  	[bflag:$0x0] =	sbarrier.arrive $0xFFFF  }
0x95: {  	p0 =	sne.s32 s0, $0x0;
	_ =	strace $0x9000004D  }
0x96: {  	s0 =	sadd.s32 @!p0 $0x100000, s1;
	[bflag:$0x2] =	sbarrier.arrive $0xFFFF  }
0x97: {  	[sflag:s0] =	ssyncadd.tile.s32 @!p0 $0x1;
	_ =	shalt  }
.Lfunc_end2:
_tile_overlayer_lowered:
.L_overlay_start_2:
0x98: {  	(tag) =	ssettag $0x2  }
0x99: {  	s0 =	rddreg [dreg:$0x0];
	s2 =	stileid.u32  }
0x9a: {  	s1 =	rddreg [dreg:$0x1];
	p0 =	sne.s32 s2, $0x0  }
0x9b: {  	s3 =	rddreg [dreg:$0x2];
	[bflag:$0x3] =	sbarrier.arrive $0xFFFF;
	s2 =	simm.s32 @!p0 $0x1C05  }
0x9c: {  	[timem:s3], [sflag:s2] =	dma.local @!p0 [hbm:s0], s1  }
0x9d: {  	s0 =	simm.s32 @!p0 $0x5  }
0x9e: {  	_ =	swait.ge @!p0 [sflag:s0], s1  }
0x9f: {  	s1 =	ssub.s32 @!p0 $0x0, s1;
	[sflag:s0] =	ssyncset.done @!p0 $0x0  }
0xa0: {  	[sflag:s0] =	ssyncadd.s32 @!p0 s1  }
0xa1: {  	[bflag:$0x3] =	sbarrier.arrive $0xFFFF  }
0xa2: {  	_ =	shalt  }

// kernel: kernel.29.cloned.1.call-start
scs
__scs_entry_jumppad:
0x0: {  	(pc) =	sbr.rel $0x88, $3  }
0x1: {  	(tag) =	ssettag $0x0;
	lr =	simm.s32 $0x1  }
0x2: {  	[smem:$0x3F8E] =	sst lr;
	_ =	strace $0xD0000000  }
0x3: {  	_ = 	snop  }
0x4: {  	_ = 	snop  }
0x5: {  	_ = 	snop  }
0x6: {  	_ = 	snop  }
0x7: {  	_ = 	snop  }
__scs_overlays_trampoline_lowered:
0x8: {  	[smem:$0x3F9D] =	sst s0  }
0x9: {  	[smem:$0x3F9E] =	sst s1  }
0xa: {  	[smem:$0x3F9F] =	sst s2  }
0xb: {  	[smem:$0x3FA0] =	sst s3  }
0xc: {  	[smem:$0x3FA1] =	sst s4  }
0xd: {  	[smem:$0x3FA2] =	sst s5  }
0xe: {  	[smem:$0x3FA3] =	sst s6  }
0xf: {  	[smem:$0x3FA4] =	sst s7  }
0x10: {  	[smem:$0x3FA5] =	sst s8  }
0x11: {  	[smem:$0x3FA6] =	sst s9;
	s0 =	simm.s32 @!p0 $0x0  }
0x12: {  	s1 =	sld [smem:$0x3F8C];
	s0 =	simm.s32 @p0 $0x1  }
0x13: {  	[smem:$0x3FA7] =	sst s0;
	s0 =	simm.s32 @!p1 $0x0  }
0x14: {  	s2 =	sld [smem:$0x3F8B];
	s0 =	simm.s32 @p1 $0x1  }
0x15: {  	[smem:$0x3FA8] =	sst s0;
	s0 =	simm.s32 @!p2 $0x0  }
0x16: {  	s3 =	sld [smem:$0x3FDB];
	s0 =	simm.s32 @p2 $0x1  }
0x17: {  	s4 =	simm.s32 $0x1BF5;
	[smem:$0x3FAA] =	sst s0  }
0x18: {  	s0 =	sld [smem:$0x3F8D];
	_ =	swait.ge [sflag:s4], $0x0  }
0x19: {  	s7 =	sld [smem:$0x3F8E]  }
0x1a: {  	s8 =	sadd.s32 $0xFFFFE003, lr  }
0x1b: {  	s9 =	sadd.s32 $0xFFFFFEF7, lr;
	s5 =	simm.s32 $0xFFFFFFFF;
	p2 =	slt.u32 s8, $0xFFFFF086  }
0x1c: {  	p1 =	slt.u32 s9, $0xF7A;
	s5 =	simm.s32 @!p2 $0x0  }
0x1d: {  	s5 =	simm.s32 @p1 $0x1;
	p0 =	seq.s32 s7, s2  }
0x1e: {  	s7 =	smul.u32 @!p0 $0xF7A, s2;
	p2 =	seq.s32 @!p0 s5, $0x0  }
0x1f: {  	s9 =	smul.u32 $0xF7A, s1;
	s8 =	simm.s32 @!p0 $0x1BF5;
	p2 =	por !p2, p0  }
0x20: {  	[sflag:s8] =	ssyncset.s32 @!p0 $0xFFFFF086;
	s6 =	sadd.s32 @!p0 s3, s7;
	s7 =	simm.s32 @!p0 $0x108  }
0x21: {  	s3 =	sadd.s32 s3, s9;
	s6 =	sadd.s32 @!p0 $0x88, s6;
	s7 =	simm.s32 @p2 $0x1082  }
0x22: {  	[simem:s7], [sflag:s8] =	dma.local @!p0 [hbm:s6], $0xF7A  }
0x23: {  	s9 =	sor.u32 $0xD0000000, s2;
	s6 =	simm.s32 $0x108;
	_ =	swait.ge @!p0 [sflag:s8], $0x0  }
0x24: {  	s3 =	sadd.s32 $0x88, s3;
	s6 =	simm.s32 @!p1 $0x1082;
	[sflag:s4] =	ssyncset.s32 $0xFFFFF086  }
0x25: {  	[simem:s6], [sflag:s4] =	dma.local [hbm:s3], $0xF7A  }
0x26: {  	[smem:$0x3F8E] =	sst s1;
	(tag) =	ssettag s2;
	_ =	strace s9  }
0x27: {  	s1 =	sld [smem:$0x3F9E]  }
0x28: {  	s2 =	sld [smem:$0x3F9F]  }
0x29: {  	s4 =	sld [smem:$0x3FA1]  }
0x2a: {  	p0 =	seq.s32 s5, $0x0;
	s5 =	sld [smem:$0x3FA2]  }
0x2b: {  	s6 =	sld [smem:$0x3FA3]  }
0x2c: {  	s7 =	sld [smem:$0x3FA4]  }
0x2d: {  	s3 =	simm.s32 $0x108;
	s8 =	sld [smem:$0x3FA5]  }
0x2e: {  	s3 =	simm.s32 @!p0 $0x1082;
	s9 =	sld [smem:$0x3FA6]  }
0x2f: {  	lr =	sadd.s32 s0, s3;
	s0 =	sld [smem:$0x3F9D]  }
0x30: {  	s3 =	sld [smem:$0x3FA0]  }
0x31: {  	[smem:$0x3FA9] =	sst s10  }
0x32: {  	s10 =	sld [smem:$0x3FA7];
	_ =	sdelay $0x3  }
0x33: {  	p0 =	seq.s32 s10, $0x1;
	s10 =	sld [smem:$0x3FA9];
	_ =	sdelay $0x3  }
0x34: {  	[smem:$0x3FA9] =	sst s10  }
0x35: {  	s10 =	sld [smem:$0x3FA8];
	_ =	sdelay $0x3  }
0x36: {  	p1 =	seq.s32 s10, $0x1;
	s10 =	sld [smem:$0x3FA9];
	_ =	sdelay $0x3  }
0x37: {  	[smem:$0x3FA9] =	sst s10  }
0x38: {  	s10 =	sld [smem:$0x3FAA]  }
0x39: {  	_ = 	snop;
	(pc) =	sbr.ind lr, $3  }
0x3a: {  	_ = 	snop  }
0x3b: {  	_ = 	snop  }
0x3c: {  	p2 =	seq.s32 s10, $0x1;
	s10 =	sld [smem:$0x3FA9]  }
0x3d: {  	_ =	shalt  }
0x3e: {  	_ =	shalt  }
0x3f: {  	_ =	shalt  }
0x40: {  	_ =	shalt  }
0x41: {  	_ =	shalt  }
0x42: {  	_ =	shalt  }
0x43: {  	_ =	shalt  }
0x44: {  	_ =	shalt  }
0x45: {  	_ =	shalt  }
0x46: {  	_ =	shalt  }
0x47: {  	_ =	shalt  }
0x48: {  	_ =	shalt  }
0x49: {  	_ =	shalt  }
0x4a: {  	_ =	shalt  }
0x4b: {  	_ =	shalt  }
0x4c: {  	_ =	shalt  }
0x4d: {  	_ =	shalt  }
0x4e: {  	_ =	shalt  }
0x4f: {  	_ =	shalt  }
0x50: {  	_ =	shalt  }
0x51: {  	_ =	shalt  }
0x52: {  	_ =	shalt  }
0x53: {  	_ =	shalt  }
0x54: {  	_ =	shalt  }
0x55: {  	_ =	shalt  }
0x56: {  	_ =	shalt  }
0x57: {  	_ =	shalt  }
0x58: {  	_ =	shalt  }
0x59: {  	_ =	shalt  }
0x5a: {  	_ =	shalt  }
0x5b: {  	_ =	shalt  }
0x5c: {  	_ =	shalt  }
0x5d: {  	_ =	shalt  }
0x5e: {  	_ =	shalt  }
0x5f: {  	_ =	shalt  }
0x60: {  	_ =	shalt  }
0x61: {  	_ =	shalt  }
0x62: {  	_ =	shalt  }
0x63: {  	_ =	shalt  }
0x64: {  	_ =	shalt  }
0x65: {  	_ =	shalt  }
0x66: {  	_ =	shalt  }
0x67: {  	_ =	shalt  }
0x68: {  	_ =	shalt  }
0x69: {  	_ =	shalt  }
0x6a: {  	_ =	shalt  }
0x6b: {  	_ =	shalt  }
0x6c: {  	_ =	shalt  }
0x6d: {  	_ =	shalt  }
0x6e: {  	_ =	shalt  }
0x6f: {  	_ =	shalt  }
0x70: {  	_ =	shalt  }
0x71: {  	_ =	shalt  }
0x72: {  	_ =	shalt  }
0x73: {  	_ =	shalt  }
0x74: {  	_ =	shalt  }
0x75: {  	_ =	shalt  }
0x76: {  	_ =	shalt  }
0x77: {  	_ =	shalt  }
0x78: {  	_ =	shalt  }
0x79: {  	_ =	shalt  }
0x7a: {  	_ =	shalt  }
0x7b: {  	_ =	shalt  }
0x7c: {  	_ =	shalt  }
0x7d: {  	_ =	shalt  }
0x7e: {  	_ =	shalt  }
0x7f: {  	_ =	shalt  }
0x80: {  	_ =	shalt  }
0x81: {  	_ =	shalt  }
0x82: {  	_ =	shalt  }
0x83: {  	_ =	shalt  }
0x84: {  	_ =	shalt  }
0x85: {  	_ =	shalt  }
0x86: {  	_ =	shalt  }
0x87: {  	_ =	shalt  }
.Lfunc_end0:
.L_simem_size_0:
called_computation.5_lowered:
.L_overlay_start_0:
0x88: {  	s2 =	sld [smem:$0x3FD9]  }
0x89: {  	s3 =	sld [smem:$0x3FFE];
	_ =	sdelay $0x1  }
0x8a: {  	s1 =	srdreg.scid  }
0x8b: {  	s0 =	sand.u32 $0x1, s1  }
0x8c: {  	s17 =	sshll.u32 s0, $0xA;
	s2 =	sadd.s32 s3, s2  }
0x8d: {  	s2 =	sadd.s32 s2, s17  }
0x8e: {  	[smem:$0x3FB5] =	sst s2  }
0x8f: {  	_ = 	snop  }
0x90: {  	s18 =	sld [smem:$0x3FD0];
	(tm) =	ssettm $0x1  }
0x91: {  	s19 =	sld [smem:$0x3FFB];
	_ =	sdelay $0x3  }
0x92: {  	_ =	strace s19  }
0x93: {  	s2 =	sld [smem:$0x3FFC];
	_ =	sdelay $0x3  }
0x94: {  	_ =	strace s2  }
0x95: {  	s2 =	sld [smem:$0x3FFD];
	_ =	sdelay $0x3  }
0x96: {  	_ =	strace s2  }
0x97: {  	_ =	strace $0x8FFFFFFF  }
0x98: {  	s20 =	sld [smem:$0x3FDB];
	_ =	sdelay $0x1  }
0x99: {  	s4 =	simm.s32 $_scs_section_size  }
0x9a: {  	s5 =	simm.s32 $_size__tile_overlayer_lowered;
	s6 =	simm.s32 $_tile_overlayer_lowered  }
0x9b: {  	s7 =	simm.s32 $0x1BFF;
	s21 =	sshll.u32 s6, $0x1;
	s4 =	sadd.s32 s4, s20  }
0x9c: {  	s22 =	simm.s32 $0x0;
	s5 =	sshll.u32 s5, $0x1;
	s6 =	sadd.s32 s21, s4  }
0x9d: {  	[timem:s22], [sflag:s7] =	dma.local [hbm:s6], s5  }
0x9e: {  	_ =	swait.ge [sflag:s7], s5  }
0x9f: {  	s5 =	ssub.s32 $0x0, s5;
	[sflag:s7] =	ssyncset.done $0x0  }
0xa0: {  	[sflag:s7] =	ssyncadd.s32 s5;
	_ =	sdelay $0x1  }
0xa1: {  	s23 =	simm.s32 $0x1B8B  }
0xa2: {  	_ =	swait.ge [sflag:s23], $0x1  }
0xa3: {  	[sflag:s23] =	ssyncset.done $0x0  }
0xa4: {  	[sflag:s23] =	ssyncadd.s32 $0xFFFFFFFF  }
0xa5: {  	s5 =	sld [smem:$0x0]  }
0xa6: {  	s6 =	sand.u32 $0xFFFFFFFE, s1  }
0xa7: {  	p0 =	sne.s32 s1, s6  }
0xa8: {  	s6 =	sshll.u32 @p0 s6, $0xE  }
0xa9: {  	s6 =	sadd.s32 @p0 $0x11B8D, s6;
	s7 =	sshll.u32 @p0 s5, $0x11  }
0xaa: {  	s6 =	sor.u32 @p0 s7, s6  }
0xab: {  	[sflag:s6] =	ssyncadd.remote.s32 @p0 $0x1;
	_ =	sdelay $0x1  }
0xac: {  	s6 =	simm.s32 @p0 $0x1B8D  }
0xad: {  	_ =	swait.eq @p0 [sflag:s6], $0x1  }
0xae: {  	[sflag:s6] =	ssyncadd.s32 @p0 $0xFFFFFFFF  }
0xaf: {  	s7 =	sshll.u32 @!p0 s1, $0xE  }
0xb0: {  	s7 =	sor.u32 @!p0 $0x4000, s7;
	s6 =	simm.s32 @!p0 $0x1B8D  }
0xb1: {  	s5 =	sshll.u32 @!p0 s5, $0x11;
	s7 =	sadd.s32 @!p0 $0x11B8D, s7;
	_ =	swait.eq @!p0 [sflag:s6], $0x1  }
0xb2: {  	s5 =	sor.u32 @!p0 s5, s7;
	[sflag:s6] =	ssyncadd.s32 @!p0 $0xFFFFFFFF  }
0xb3: {  	s25 =	simm.s32 $0x1B8E;
	s24 =	sld [smem:$0x3FFE];
	[sflag:s5] =	ssyncadd.remote.s32 @!p0 $0x1  }
0xb4: {  	s26 =	simm.s32 $execute0_lowered;
	[smem:$0x3FD2] =	sst s25  }
0xb5: {  	s6 =	sshll.u32 s26, $0x1;
	_ =	strace $0x80000055;
	[dreg:$0x1] =	wrdreg $0xFFFFFFFF  }
0xb6: {  	s28 =	simm.s32 $_size_execute0_lowered;
	s4 =	sadd.s32 s4, s6;
	[dreg:$0x0] =	wrdreg $0x0  }
0xb7: {  	s6 =	sshll.u32 s28, $0x1;
	[dreg:$0x2] =	wrdreg s4  }
0xb8: {  	[dreg:$0x3] =	wrdreg s6  }
0xb9: {  	[dreg:$0x4] =	wrdreg $0xC0  }
0xba: {  	_ =	task [dreg:s22], $0x5FFFF  }
0xbb: {  	[dreg:$0x1] =	wrdreg $0xFFFFFFFF  }
0xbc: {  	[dreg:$0x0] =	wrdreg $0x60  }
0xbd: {  	[dreg:$0x2] =	wrdreg s24  }
0xbe: {  	[dreg:$0x3] =	wrdreg s18  }
0xbf: {  	[dreg:$0x4] =	wrdreg $0xC  }
0xc0: {  	_ =	task.clear_ibuf [dreg:s22], $0x5FFFF;
	_ =	strace $0x90000055  }
0xc1: {  	s29 =	simm.s32 $0xC;
	_ =	strace $0x80000057  }
0xc2: {  	_ =	swait.ge [sflag:s29], $0x1  }
0xc3: {  	[sflag:s29] =	ssyncadd.s32 $0xFFFFFFFF  }
0xc4: {  	_ =	strace $0x90000057  }
0xc5: {  	_ =	sfence  }
0xc6: {  	s30 =	sld [smem:$0x0];
	_ =	sdelay $0x2  }
0xc7: {  	s31 =	sshll.u32 s1, $0xD;
	s1 =	sshrl.u32 s1, $0x2  }
0xc8: {  	s4 =	sand.u32 $0x4000, s31;
	s1 =	sadd.s32 s1, s30  }
0xc9: {  	s0 =	sor.u32 s4, s0;
	s1 =	sshll.u32 s1, $0x11  }
0xca: {  	s0 =	sor.u32 s1, s0  }
0xcb: {  	s0 =	sadd.s32 $0x8F2B, s0  }
0xcc: {  	[sflag:s0] =	ssyncadd.remote.s32 $0x1  }
0xcd: {  	_ =	sfence.sel $0xFFFF  }
0xce: {  	[dreg:$0x0] =	wrdreg $0xFFFFFFFF;
	(pc) =	sbr.abs _section_cstart, $3  }
0xcf: {  	[dreg:$0x1] =	wrdreg $0xFFFFFFFF  }
0xd0: {  	_ =	task.clear_ibuf [dreg:s22], $0x2FFFF;
	_ =	strace $0x9FFFFFFF  }
0xd1: {  	(tm) =	ssettm $0x7FFFFFFF  }
tec
execute0_lowered:
.L_overlay_start_1:
0x0: {  	(tag) =	ssettag $0x1  }
0x1: {  	s1 =	srdreg.scid  }
0x2: {  	s0 =	stileid.u32;
	s6 =	rddreg [dreg:$0x0]  }
0x3: {  	s8 =	rddreg [dreg:$0x1];
	s2 =	simm.s32 $0x0;
	s12 =	simm.s32 $0x960  }
0x4: {  	s13 =	simm.s32 $0x50;
	s14 =	simm.s32 $0x12C0;
	s15 =	simm.s32 $0x62C0  }
0x5: {  	s16 =	simm.s32 $0x3AC0;
	s17 =	simm.s32 $0x9B0;
	s18 =	simm.s32 $0x8AC0  }
0x6: {  	s19 =	simm.s32 $0x1;
	s7 =	sand.u32 $0x1, s1;
	s31 =	sshll.u32 s0, $0x1  }
0x7: {  	s20 =	simm.s32 $0x3;
	s21 =	simm.s32 $0x2;
	s3 =	sor.u32 s7, s31  }
0x8: {  	s22 =	simm.s32 $0x4;
	s1 =	rddreg [dreg:$0x2];
	s3 =	smul.u32 $0x960, s3  }
0x9: {  	s23 =	simm.s32 $0x0;
	[smem:$0x7FF] =	sst s2;
	s4 =	sadd.s32 $0xDA00, s6  }
.Ltmp0:
0xa: {  	s7 =	ssub.s32 $0x2, s7;
	s9 =	sshrl.u32 s3, $0x3;
	(pc) =	sbr.rel .LBB2_1-.Ltmp0, $4  }
0xb: {  	s5 =	sadd.s32 $0x34C00, s6;
	s11 =	sshrl.u32 s7, $0x1;
	s9 =	sadd.s32 $0x76C0, s9  }
0xc: {  	_ =	strace $0x80000056;
	s11 =	ssub.s32 s7, s11;
	s10 =	sadd.s32 s9, s6  }
0xd: {  	s6 =	sadd.s32 $0x411E00, s6;
	s8 =	sadd.s32 s8, s9;
	s9 =	sadd.s32 $0x50, s3  }
0xe: {  	s7 =	sadd.s32 $0x3C00, s10;
	s10 =	smax.u32 s11, $0x1;
	s11 =	simm.s32 $0x5  }
.LBB2_8:
0xf: {  	s23 =	sadd.s32 $0x1, s23  }
0x10: {  	p0 =	sne.s32 s23, s10  }
.Ltmp1:
0x11: {  	_ = 	snop;
	(pc) =	sbr.rel @!p0 .LBB2_9-.Ltmp1, $1  }
0x12: {  	_ =	sdelay $0x3  }
.LBB2_1:
0x13: {  	[tilespmem:s2], [sflag:$0x5] =	stream.linear.gather [hbm4b:s7+s2], $0x960, $0x38;
	[tilespmem:$0xB2C0] =	vst v63  }
0x14: {  	_ =	swait.ge [sflag:s11], $0x960  }
0x15: {  	[sflag:s11] =	ssyncset.done $0x0  }
0x16: {  	[sflag:s11] =	ssyncadd.s32 $0xFFFFF6A0  }
0x17: {  	[tilespmem:s12], [sflag:$0x5] =	stream.linear.gather [hbm4b:s8+s2], $0x960, $0x38;
	[tilespmem:$0xB2C0] =	vst v63  }
0x18: {  	_ =	swait.ge [sflag:s11], $0x960  }
0x19: {  	[sflag:s11] =	ssyncset.done $0x0  }
0x1a: {  	[sflag:s11] =	ssyncadd.s32 $0xFFFFF6A0  }
0x1b: {  	[tilespmem:s14], [sflag:$0x1] =	stream.indirect.gather [hbm4b:s4+s13], $0x80, s2, s13, $0xb8;
	[tilespmem:$0xB2C0] =	vst v63  }
0x1c: {  	_ = 	snop  }
0x1d: {  	[tilespmem:s15], [sflag:$0x3] =	stream.indirect.gather [hbm4b:s5+s13], $0x80, s12, s13, $0xb8;
	[tilespmem:$0xB2C0] =	vst v63  }
0x1e: {  	_ = 	snop  }
0x1f: {  	[tilespmem:s16], [sflag:$0x2] =	stream.indirect.gather [hbm4b:s4+s13], $0x80, s13, s13, $0xb8;
	[tilespmem:$0xB2C0] =	vst v63  }
0x20: {  	s24 =	simm.s32 $0x0  }
0x21: {  	[tilespmem:s18], [sflag:$0x4] =	stream.indirect.gather [hbm4b:s5+s13], $0x80, s17, s13, $0xb8;
	[tilespmem:$0xB2C0] =	vst v63  }
.LBB2_2:
0x22: {  	_ =	swait.ge [sflag:s19], $0x2800  }
0x23: {  	[sflag:s19] =	ssyncset.done $0x0  }
0x24: {  	[sflag:s19] =	ssyncadd.s32 $0xFFFFD800  }
0x25: {  	_ =	swait.ge [sflag:s20], $0x2800  }
0x26: {  	[sflag:s20] =	ssyncset.done $0x0  }
0x27: {  	s26 =	simm.s32 $0x0;
	[sflag:s20] =	ssyncadd.s32 $0xFFFFD800  }
0x28: {  	v6 =	vld [tilespmem:s26+$0x62C0]  }
0x29: {  	v11 =	vld [tilespmem:s26+$0x62D0]  }
0x2a: {  	v5 =	vld [tilespmem:s26+$0x62E0]  }
0x2b: {  	v4 =	vld [tilespmem:s26+$0x62F0]  }
0x2c: {  	v3 =	vld [tilespmem:s26+$0x6300]  }
0x2d: {  	v2 =	vld [tilespmem:s26+$0x6310]  }
0x2e: {  	v1 =	vld [tilespmem:s26+$0x6320]  }
0x2f: {  	v0 =	vld [tilespmem:s26+$0x6330]  }
0x30: {  	v12 =	vld [tilespmem:s26+$0x12C0]  }
0x31: {  	v13 =	vld [tilespmem:s26+$0x12D0]  }
0x32: {  	v10 =	vld [tilespmem:s26+$0x12E0]  }
0x33: {  	v9 =	vld [tilespmem:s26+$0x12F0]  }
0x34: {  	v8 =	vld [tilespmem:s26+$0x1300]  }
0x35: {  	v7 =	vld [tilespmem:s26+$0x1310];
	v12 =	vadd.f32 v6, v12  }
0x36: {  	s25 =	simm.s32 $0x200;
	v11 =	vadd.f32 v11, v13;
	v6 =	vld [tilespmem:s26+$0x1320]  }
.LBB2_3:
0x37: {  	s28 =	sshra.s32 s25, $0x2;
	p0 =	sne.s32 s25, $0x9E00;
	[tilespmem:s26+$0x12C0] =	vst v12;
	v5 =	vadd.f32 v5, v10;
	v10 =	vld [tilespmem:s26+$0x1330]  }
0x38: {  	v12 =	vld [tilespmem:s28+$0x62C0];
	[tilespmem:s26+$0x12D0] =	vst v11;
	v4 =	vadd.f32 v4, v9  }
0x39: {  	v11 =	vld [tilespmem:s28+$0x62D0];
	[tilespmem:s26+$0x12E0] =	vst v5;
	v3 =	vadd.f32 v3, v8  }
0x3a: {  	v5 =	vld [tilespmem:s28+$0x62E0];
	[tilespmem:s26+$0x12F0] =	vst v4;
	v2 =	vadd.f32 v2, v7  }
0x3b: {  	v4 =	vld [tilespmem:s28+$0x62F0];
	[tilespmem:s26+$0x1300] =	vst v3;
	v1 =	vadd.f32 v1, v6  }
0x3c: {  	v3 =	vld [tilespmem:s28+$0x6300];
	[tilespmem:s26+$0x1310] =	vst v2;
	v0 =	vadd.f32 v0, v10  }
0x3d: {  	v2 =	vld [tilespmem:s28+$0x6310];
	[tilespmem:s26+$0x1320] =	vst v1  }
0x3e: {  	v1 =	vld [tilespmem:s28+$0x6320];
	[tilespmem:s26+$0x1330] =	vst v0;
	s26 =	smov.u32 s28  }
0x3f: {  	v0 =	vld [tilespmem:s26+$0x6330]  }
0x40: {  	v6 =	vld [tilespmem:s26+$0x12C0]  }
0x41: {  	v13 =	vld [tilespmem:s26+$0x12D0]  }
.Ltmp2:
0x42: {  	v10 =	vld [tilespmem:s26+$0x12E0];
	(pc) =	sbr.rel @p0 .LBB2_3-.Ltmp2, $4  }
0x43: {  	v9 =	vld [tilespmem:s26+$0x12F0]  }
0x44: {  	v8 =	vld [tilespmem:s26+$0x1300]  }
0x45: {  	v12 =	vadd.f32 v12, v6;
	v7 =	vld [tilespmem:s26+$0x1310]  }
0x46: {  	s25 =	sadd.s32 $0x200, s25;
	v11 =	vadd.f32 v11, v13;
	v6 =	vld [tilespmem:s26+$0x1320]  }
0x47: {  	[tilespmem:s26+$0x12C0] =	vst v12;
	v5 =	vadd.f32 v5, v10;
	v10 =	vld [tilespmem:s26+$0x1330]  }
0x48: {  	[tilespmem:s26+$0x12D0] =	vst v11;
	v4 =	vadd.f32 v4, v9  }
0x49: {  	[tilespmem:s26+$0x12E0] =	vst v5;
	v3 =	vadd.f32 v3, v8  }
0x4a: {  	s25 =	smul.u32 $0xA0, s24;
	[tilespmem:s26+$0x12F0] =	vst v4;
	v2 =	vadd.f32 v2, v7  }
0x4b: {  	[tilespmem:s26+$0x1300] =	vst v3;
	v1 =	vadd.f32 v1, v6  }
0x4c: {  	s28 =	sadd.s32 s3, s25;
	[tilespmem:s26+$0x1310] =	vst v2;
	v0 =	vadd.f32 v0, v10  }
0x4d: {  	s28 =	sshll.u32 s28, $0x4;
	[tilespmem:s26+$0x1320] =	vst v1  }
0x4e: {  	s31 =	sadd.s32 s6, s28;
	[tilespmem:s26+$0x1330] =	vst v0  }
0x4f: {  	[hbm4b:s31+s2] =	stream.linear.scatter [tilespmem:s14], [sflag:$0x1], $0x2800, $0x38;
	[tilespmem:$0xB2C0] =	vst v63  }
0x50: {  	p0 =	seq.s32 s24, $0xE;
	_ =	swait.ge [sflag:s19], $0x2800  }
0x51: {  	s29 =	simm.s32 @!p0 $0x12C0;
	[sflag:s19] =	ssyncset.done $0x0  }
0x52: {  	s28 =	simm.s32 @!p0 $0x50;
	s26 =	sadd.s32 @!p0 $0xA0, s25;
	[sflag:s19] =	ssyncadd.s32 $0xFFFFD800  }
0x53: {  	[tilespmem:s29], [sflag:$0x1] =	stream.indirect.gather @!p0 [hbm4b:s4+s28], $0x80, s26, s28, $0xb8;
	[tilespmem:$0xB2C0] =	vst v63  }
0x54: {  	s26 =	sadd.s32 @!p0 $0xA00, s25;
	s29 =	simm.s32 @!p0 $0x62C0  }
0x55: {  	[tilespmem:s29], [sflag:$0x3] =	stream.indirect.gather @!p0 [hbm4b:s5+s28], $0x80, s26, s28, $0xb8;
	[tilespmem:$0xB2C0] =	vst v63  }
0x56: {  	_ =	swait.ge [sflag:s21], $0x2800  }
0x57: {  	[sflag:s21] =	ssyncset.done $0x0  }
0x58: {  	[sflag:s21] =	ssyncadd.s32 $0xFFFFD800  }
0x59: {  	_ =	swait.ge [sflag:s22], $0x2800  }
0x5a: {  	[sflag:s22] =	ssyncset.done $0x0  }
0x5b: {  	s26 =	simm.s32 $0x0;
	[sflag:s22] =	ssyncadd.s32 $0xFFFFD800  }
0x5c: {  	v7 =	vld [tilespmem:s26+$0x8AC0]  }
0x5d: {  	v11 =	vld [tilespmem:s26+$0x8AD0]  }
0x5e: {  	v5 =	vld [tilespmem:s26+$0x8AE0]  }
0x5f: {  	v4 =	vld [tilespmem:s26+$0x8AF0]  }
0x60: {  	v3 =	vld [tilespmem:s26+$0x8B00]  }
0x61: {  	v2 =	vld [tilespmem:s26+$0x8B10]  }
0x62: {  	v1 =	vld [tilespmem:s26+$0x8B20]  }
0x63: {  	v0 =	vld [tilespmem:s26+$0x8B30]  }
0x64: {  	v12 =	vld [tilespmem:s26+$0x3AC0]  }
0x65: {  	v13 =	vld [tilespmem:s26+$0x3AD0]  }
0x66: {  	v10 =	vld [tilespmem:s26+$0x3AE0]  }
0x67: {  	v9 =	vld [tilespmem:s26+$0x3AF0]  }
0x68: {  	v8 =	vld [tilespmem:s26+$0x3B00]  }
0x69: {  	v6 =	vld [tilespmem:s26+$0x3B10];
	v12 =	vadd.f32 v7, v12  }
0x6a: {  	s28 =	simm.s32 $0x200;
	v11 =	vadd.f32 v11, v13;
	v7 =	vld [tilespmem:s26+$0x3B20]  }
.LBB2_5:
0x6b: {  	s29 =	sshra.s32 s28, $0x2;
	p1 =	sne.s32 s28, $0x9E00;
	[tilespmem:s26+$0x3AC0] =	vst v12;
	v5 =	vadd.f32 v5, v10;
	v10 =	vld [tilespmem:s26+$0x3B30]  }
0x6c: {  	v12 =	vld [tilespmem:s29+$0x8AC0];
	[tilespmem:s26+$0x3AD0] =	vst v11;
	v4 =	vadd.f32 v4, v9  }
0x6d: {  	v11 =	vld [tilespmem:s29+$0x8AD0];
	[tilespmem:s26+$0x3AE0] =	vst v5;
	v3 =	vadd.f32 v3, v8  }
0x6e: {  	v5 =	vld [tilespmem:s29+$0x8AE0];
	[tilespmem:s26+$0x3AF0] =	vst v4;
	v2 =	vadd.f32 v2, v6  }
0x6f: {  	v4 =	vld [tilespmem:s29+$0x8AF0];
	[tilespmem:s26+$0x3B00] =	vst v3;
	v1 =	vadd.f32 v1, v7  }
0x70: {  	v3 =	vld [tilespmem:s29+$0x8B00];
	[tilespmem:s26+$0x3B10] =	vst v2;
	v0 =	vadd.f32 v0, v10  }
0x71: {  	v2 =	vld [tilespmem:s29+$0x8B10];
	[tilespmem:s26+$0x3B20] =	vst v1  }
0x72: {  	v1 =	vld [tilespmem:s29+$0x8B20];
	[tilespmem:s26+$0x3B30] =	vst v0;
	s26 =	smov.u32 s29  }
0x73: {  	v0 =	vld [tilespmem:s26+$0x8B30]  }
0x74: {  	v6 =	vld [tilespmem:s26+$0x3AC0]  }
0x75: {  	v7 =	vld [tilespmem:s26+$0x3AD0]  }
.Ltmp3:
0x76: {  	v10 =	vld [tilespmem:s26+$0x3AE0];
	(pc) =	sbr.rel @p1 .LBB2_5-.Ltmp3, $4  }
0x77: {  	v9 =	vld [tilespmem:s26+$0x3AF0]  }
0x78: {  	v8 =	vld [tilespmem:s26+$0x3B00]  }
0x79: {  	v12 =	vadd.f32 v12, v6;
	v6 =	vld [tilespmem:s26+$0x3B10]  }
0x7a: {  	s28 =	sadd.s32 $0x200, s28;
	v11 =	vadd.f32 v11, v7;
	v7 =	vld [tilespmem:s26+$0x3B20]  }
0x7b: {  	[tilespmem:s26+$0x3AC0] =	vst v12;
	v5 =	vadd.f32 v5, v10;
	v63 =	vld [tilespmem:s26+$0x3B30]  }
0x7c: {  	[tilespmem:s26+$0x3AD0] =	vst v11;
	v4 =	vadd.f32 v4, v9  }
0x7d: {  	[tilespmem:s26+$0x3AE0] =	vst v5;
	v3 =	vadd.f32 v3, v8  }
0x7e: {  	[tilespmem:s26+$0x3AF0] =	vst v4;
	v2 =	vadd.f32 v2, v6  }
0x7f: {  	s28 =	sadd.s32 s25, s9;
	[tilespmem:s26+$0x3B00] =	vst v3;
	v1 =	vadd.f32 v1, v7  }
0x80: {  	s28 =	sshll.u32 s28, $0x4;
	[tilespmem:s26+$0x3B10] =	vst v2;
	v0 =	vadd.f32 v0, v63  }
0x81: {  	s28 =	sand.u32 $0x1FFFFF00, s28;
	[tilespmem:s26+$0x3B20] =	vst v1  }
.Ltmp4:
0x82: {  	s31 =	sadd.s32 s6, s28;
	[tilespmem:s26+$0x3B30] =	vst v0;
	(pc) =	sbr.rel @p0 .LBB2_8-.Ltmp4, $4  }
0x83: {  	[hbm4b:s31+s2] =	stream.linear.scatter [tilespmem:s16], [sflag:$0x2], $0x2800, $0x38;
	[tilespmem:$0xB2C0] =	vst v63  }
0x84: {  	_ =	swait.ge [sflag:s21], $0x2800  }
0x85: {  	[sflag:s21] =	ssyncset.done $0x0  }
0x86: {  	[sflag:s21] =	ssyncadd.s32 $0xFFFFD800  }
.Ltmp5:
0x87: {  	(pc) =	sbr.rel .LBB2_2-.Ltmp5, $4  }
0x88: {  	s26 =	sadd.s32 $0xF0, s25  }
0x89: {  	[tilespmem:s16], [sflag:$0x2] =	stream.indirect.gather [hbm4b:s4+s13], $0x80, s26, s13, $0xb8;
	[tilespmem:$0xB2C0] =	vst v63  }
0x8a: {  	s31 =	sadd.s32 $0xA50, s25;
	s24 =	sadd.s32 $0x1, s24  }
0x8b: {  	[tilespmem:s18], [sflag:$0x4] =	stream.indirect.gather [hbm4b:s5+s13], $0x80, s31, s13, $0xb8;
	[tilespmem:$0xB2C0] =	vst v63  }
.LBB2_9:
0x8c: {  	_ =	sfence.sel $0x180000  }
0x8d: {  	[bflag:$0x0] =	sbarrier.arrive $0xFFFF  }
0x8e: {  	p0 =	sne.s32 s0, $0x0;
	_ =	strace $0x90000056  }
0x8f: {  	s0 =	sadd.s32 @!p0 $0x100000, s1;
	[bflag:$0x2] =	sbarrier.arrive $0xFFFF  }
0x90: {  	[sflag:s0] =	ssyncadd.tile.s32 @!p0 $0x1;
	_ =	shalt  }
.Lfunc_end2:
_tile_overlayer_lowered:
.L_overlay_start_2:
0x91: {  	(tag) =	ssettag $0x2  }
0x92: {  	s0 =	rddreg [dreg:$0x0];
	s2 =	stileid.u32  }
0x93: {  	s1 =	rddreg [dreg:$0x1];
	p0 =	sne.s32 s2, $0x0  }
0x94: {  	s3 =	rddreg [dreg:$0x2];
	[bflag:$0x3] =	sbarrier.arrive $0xFFFF;
	s2 =	simm.s32 @!p0 $0x1C05  }
0x95: {  	[timem:s3], [sflag:s2] =	dma.local @!p0 [hbm:s0], s1  }
0x96: {  	s0 =	simm.s32 @!p0 $0x5  }
0x97: {  	_ =	swait.ge @!p0 [sflag:s0], s1  }
0x98: {  	s1 =	ssub.s32 @!p0 $0x0, s1;
	[sflag:s0] =	ssyncset.done @!p0 $0x0  }
0x99: {  	[sflag:s0] =	ssyncadd.s32 @!p0 s1  }
0x9a: {  	[bflag:$0x3] =	sbarrier.arrive $0xFFFF  }
0x9b: {  	_ =	shalt  }

</sc_bundles>
